<compile_context>
chip_gen: v7x
topology: tpu7x:2x2x1
jax: 0.10.2.dev20260603
libtpu: 0.0.44.dev20260713+nightly
codegen_flags: <defaults>
</compile_context>

<pallas_src>
import functools

import jax
import jax.numpy as jnp
from jax import lax
from jax.experimental import pallas as pl
from jax.experimental.pallas import tpu as pltpu
from jax.experimental.pallas import tpu_sc as plsc

B, N, T, S = 1024, 148, 64, 32
DIM = 64

BB = 32
BP = 128
NW = 32
BPW = B // NW
_CHUNKS = tuple(range(0, 144, 16)) + (132,)


def _elu(x):
    return jnp.where(x > 0, x, jnp.exp(x) - 1.0)



def _sc_pool_body(y_hbm, mn_hbm, mx_hbm, y_v, mn_row, mx_row):
    wid = lax.axis_index("s") * 2 + lax.axis_index("c")
    base = wid * BPW
    pinf = jnp.full((16,), jnp.inf, jnp.float32)
    ninf = jnp.full((16,), -jnp.inf, jnp.float32)

    def batch_body(b, carry):
        bidx = base + b
        pltpu.sync_copy(y_hbm.at[bidx], y_v)
        for n0 in _CHUNKS:
            mnc, mxc = pinf, ninf
            for s in range(S):
                v = y_v[s, pl.ds(n0, 16)]
                mnc = jnp.minimum(mnc, jnp.where(v == 0.0, 100.0, v))
                mxc = jnp.maximum(mxc, v)
            mn_row[pl.ds(n0, 16)] = mnc
            mx_row[pl.ds(n0, 16)] = mxc
        pltpu.sync_copy(mn_row, mn_hbm.at[bidx])
        pltpu.sync_copy(mx_row, mx_hbm.at[bidx])
        return carry

    lax.fori_loop(0, BPW, batch_body, 0)


_sc_pool = functools.partial(
    pl.kernel,
    mesh=plsc.VectorSubcoreMesh(core_axis_name="c", subcore_axis_name="s"),
    out_type=[jax.ShapeDtypeStruct((B, N), jnp.float32),
              jax.ShapeDtypeStruct((B, N), jnp.float32)],
    scratch_types=[pltpu.VMEM((S, N), jnp.float32),
                   pltpu.VMEM((N,), jnp.float32),
                   pltpu.VMEM((N,), jnp.float32)],
)(_sc_pool_body)



def _pool_kernel(phi_ref, mn_ref, mx_ref):
    phi = phi_ref[...]
    mn_ref[...] = jnp.min(jnp.where(phi == 0.0, 100.0, phi), axis=2)
    mx_ref[...] = jnp.max(phi, axis=2)


def _pool_call(phi):
    return pl.pallas_call(
        _pool_kernel,
        grid=(B // BP,),
        in_specs=[pl.BlockSpec((BP, N, T), lambda i: (i, 0, 0))],
        out_specs=[pl.BlockSpec((BP, N), lambda i: (i, 0)),
                   pl.BlockSpec((BP, N), lambda i: (i, 0))],
        out_shape=[jax.ShapeDtypeStruct((B, N), jnp.float32),
                   jax.ShapeDtypeStruct((B, N), jnp.float32)],
        compiler_params=pltpu.CompilerParams(
            dimension_semantics=("parallel",)),
    )(phi)



def _tc_kernel(mnp_ref, mxp_ref, mn_ref, mx_ref, g_ref, W1_ref, b1_ref,
               W2_ref, b2_ref, C1_ref, cb1_ref, C2_ref, cb2_ref, C3_ref,
               cb3_ref, out_ref):
    g = g_ref[...]

    mn3 = jnp.minimum(mnp_ref[...], mn_ref[...])[:, :, None]
    mx3 = jnp.maximum(mxp_ref[...], mx_ref[...])[:, :, None]

    deg3 = jnp.sum(g, axis=2, keepdims=True) + 1.0
    dinv3 = lax.rsqrt(deg3)

    r2 = jnp.concatenate([mn3, mx3], axis=2) * dinv3
    u1 = lax.dot_general(g, r2, (((2,), (1,)), ((0,), (0,))),
                         preferred_element_type=jnp.float32) + r2
    p_mn = u1[:, :, 0:1] * dinv3
    p_mx = u1[:, :, 1:2] * dinv3
    W1r0 = W1_ref[0:1, :]
    W1r1 = W1_ref[1:2, :]
    h1 = _elu(p_mn * W1r0[None] + p_mx * W1r1[None]
              + b1_ref[...][None])

    hs = h1 * dinv3
    u = lax.dot_general(g, hs, (((2,), (1,)), ((0,), (0,))),
                        preferred_element_type=jnp.float32) + hs
    x2 = u * dinv3
    t2 = lax.dot_general(x2, W2_ref[...], (((2,), (0,)), ((), ())),
                         preferred_element_type=jnp.float32)
    h2 = _elu(t2 + b2_ref[...][None])
    pooled = jnp.sum(h2, axis=1) * (1.0 / N)

    z = _elu(jnp.dot(pooled, C1_ref[...], preferred_element_type=jnp.float32)
             + cb1_ref[...])
    z = _elu(jnp.dot(z, C2_ref[...], preferred_element_type=jnp.float32)
             + cb2_ref[...])
    out_ref[...] = (jnp.dot(z, C3_ref[...], preferred_element_type=jnp.float32)
                    + cb3_ref[...])


def _tc_call(mnp, mxp, mn, mx, g, W1, b1r, W2, b2r, C1, cb1r, C2, cb2r, C3,
             cb3r):
    wspec = lambda shape: pl.BlockSpec(shape, lambda i: (0,) * len(shape))
    return pl.pallas_call(
        _tc_kernel,
        grid=(B // BB,),
        in_specs=[
            pl.BlockSpec((BB, N), lambda i: (i, 0)),
            pl.BlockSpec((BB, N), lambda i: (i, 0)),
            pl.BlockSpec((BB, N), lambda i: (i, 0)),
            pl.BlockSpec((BB, N), lambda i: (i, 0)),
            pl.BlockSpec((BB, N, N), lambda i: (i, 0, 0)),
            wspec(W1.shape),
            wspec(b1r.shape),
            wspec(W2.shape),
            wspec(b2r.shape),
            wspec(C1.shape),
            wspec(cb1r.shape),
            wspec(C2.shape),
            wspec(cb2r.shape),
            wspec(C3.shape),
            wspec(cb3r.shape),
        ],
        out_specs=pl.BlockSpec((BB, 2), lambda i: (i, 0)),
        out_shape=jax.ShapeDtypeStruct((B, 2), jnp.float32),
        compiler_params=pltpu.CompilerParams(
            dimension_semantics=("parallel",)),
    )(mnp, mxp, mn, mx, g, W1, b1r, W2, b2r, C1, cb1r, C2, cb2r, C3, cb3r)


@jax.jit
def kernel(phi, y, g, W1, b1, W2, b2, C1, cb1, C2, cb2, C3, cb3):
    mn, mx = _sc_pool(y)
    mnp, mxp = _pool_call(phi)
    return _tc_call(mnp, mxp, mn, mx, g, W1, b1.reshape(1, -1), W2,
                    b2.reshape(1, -1), C1, cb1.reshape(1, -1), C2,
                    cb2.reshape(1, -1), C3, cb3.reshape(1, -1))

# --- scband reference (transcript-rebuilt; emitter-appended) ---
"""Pipeline reference for scband-joint-classifier-85452669321468 (READ-ONLY COPY).

The authoritative reference and input builder live on the scoring server;
editing this copy changes nothing except your own understanding.
"""

import jax, jax.numpy as jnp
import numpy as np

B, N, T, S = 1024, 148, 64, 32
IN_FEAT, DIM, CLS_HDN, N_CLASS = 2, 64, 256, 2


def setup_inputs(seed: int = 0) -> dict:
    key = jax.random.key(seed)
    ks = jax.random.split(key, 12)
    phi = jax.random.normal(ks[0], (B, N, T), dtype=jnp.float32)
    y = jax.random.normal(ks[1], (B, S, N), dtype=jnp.float32)
    g = jax.random.uniform(ks[2], (B, N, N), dtype=jnp.float32)
    s1 = 1.0 / np.sqrt(IN_FEAT)
    s2 = 1.0 / np.sqrt(DIM)
    s3 = 1.0 / np.sqrt(CLS_HDN)
    W1 = jax.random.uniform(ks[3], (IN_FEAT, DIM), jnp.float32, -s1, s1)
    b1 = jnp.zeros((DIM,), jnp.float32)
    W2 = jax.random.uniform(ks[4], (DIM, DIM), jnp.float32, -s2, s2)
    b2 = jnp.zeros((DIM,), jnp.float32)
    C1 = jax.random.uniform(ks[5], (DIM, CLS_HDN), jnp.float32, -s2, s2)
    cb1 = jnp.zeros((CLS_HDN,), jnp.float32)
    C2 = jax.random.uniform(ks[6], (CLS_HDN, CLS_HDN), jnp.float32, -s3, s3)
    cb2 = jnp.zeros((CLS_HDN,), jnp.float32)
    C3 = jax.random.uniform(ks[7], (CLS_HDN, N_CLASS), jnp.float32, -s3, s3)
    cb3 = jnp.zeros((N_CLASS,), jnp.float32)
    return {"phi": phi, "y": y, "g": g, "W1": W1, "b1": b1, "W2": W2, "b2": b2,
            "C1": C1, "cb1": cb1, "C2": C2, "cb2": cb2, "C3": C3, "cb3": cb3}


def reference(phi, y, g, W1, b1, W2, b2, C1, cb1, C2, cb2, C3, cb3):
    # phi: [B, N, T] -> transpose(1,2) -> [B, T, N]; cat with y [B, S, N] along dim 1
    cat = jnp.concatenate([jnp.transpose(phi, (0, 2, 1)), y], axis=1)  # [B, T+S, N]
    phi_min = jnp.where(cat == 0, 100.0, cat)
    mn = jnp.min(phi_min, axis=1)  # [B, N]
    mx = jnp.max(cat, axis=1)      # [B, N]
    inp = jnp.stack([mn, mx], axis=-1)  # [B, N, 2]
    # GCNClassifier: normalized adjacency A_hat = D^-1/2 (A + I) D^-1/2
    A = g + jnp.eye(N, dtype=g.dtype)[None, :, :]
    deg = jnp.sum(A, axis=-1)
    dinv = 1.0 / jnp.sqrt(deg)
    A_norm = dinv[:, :, None] * A * dinv[:, None, :]
    # k=2 GCN layers with ELU
    h = jax.nn.elu(jnp.einsum('bij,bjf->bif', A_norm, inp) @ W1 + b1)
    h = jax.nn.elu(jnp.einsum('bij,bjf->bif', A_norm, h) @ W2 + b2)
    # readout: mean pool over nodes
    pooled = jnp.mean(h, axis=1)  # [B, DIM]
    # classifier MLP (cls_layer_count=3); dropout inactive at inference
    z = jax.nn.elu(pooled @ C1 + cb1)
    z = jax.nn.elu(z @ C2 + cb2)
    logits = z @ C3 + cb3
    return logits

if __name__ == "__main__":
    import jax
    _d = setup_inputs()
    print(jax.jit(kernel)(*tuple(_d.values())))

</pallas_src>

<mosaic_0001>
#map = affine_map<(d0, d1) -> (0, 0, 0)>
#map1 = affine_map<(d0, d1) -> (0, 0)>
module attributes {stable_mosaic.version = 14 : i64} {
  func.func @_sc_pool_body(%arg0: i32, %arg1: i32, %arg2: memref<1024x32x148xf32, #tpu.memory_space<hbm>>, %arg3: memref<1024x148xf32, #tpu.memory_space<hbm>>, %arg4: memref<1024x148xf32, #tpu.memory_space<hbm>>, %arg5: memref<32x148xf32, #tpu.memory_space<vmem>>, %arg6: memref<148xf32, #tpu.memory_space<vmem>>, %arg7: memref<148xf32, #tpu.memory_space<vmem>>) attributes {dimension_semantics = [#tpu.dimension_semantics<core_parallel>, #tpu.dimension_semantics<subcore_parallel>], iteration_bounds = array<i64: 2, 16>, scalar_prefetch = 0 : i64, scratch_operands = 3 : i64, tpu.core_type = #tpu.core_type<sc_vector_subcore>, window_params = [{transform_indices = #map}, {transform_indices = #map1}, {transform_indices = #map1}]} {
    %mul3A = arith.constant 2 : i32
    %mul3A_0 = arith.muli %arg1, %mul3A : i32
    %add3A = arith.addi %mul3A_0, %arg0 : i32
    %mul3A_1 = arith.constant 32 : i32
    %mul3A_2 = arith.muli %add3A, %mul3A_1 : i32
    %broadcast_in_dim3A = arith.constant 0x7F800000 : f32
    %broadcast_in_dim3A_3 = vector.broadcast %broadcast_in_dim3A : f32 to vector<16xf32>
    %broadcast_in_dim3A_4 = arith.constant 0xFF800000 : f32
    %broadcast_in_dim3A_5 = vector.broadcast %broadcast_in_dim3A_4 : f32 to vector<16xf32>
    %scan3A = arith.constant 0 : i32
    %scan3A_6 = arith.constant 0 : i32
    %scan3A_7 = arith.constant 32 : i32
    %scan3A_8 = arith.addi %scan3A_6, %scan3A_7 : i32
    %scan3A_9 = arith.constant 1 : i32
    scf.for %scan3A_11 = %scan3A_6 to %scan3A_8 step %scan3A_9  : i32 {
      %add3A_12 = arith.addi %mul3A_2, %scan3A_11 : i32
      "tpu.region"() ({
        %run_scoped3A = tpu.sem_alloc : memref<!tpu.dma_semaphore, #tpu.memory_space<semaphore_mem>>
        %dma_start3A = arith.constant 0 : i32
        %dma_start3A_4246 = arith.constant 0 : i32
        %dma_start3A_4247 = tpu.memref_slice %arg2[%add3A_12, %dma_start3A, %dma_start3A_4246] : memref<1024x32x148xf32, #tpu.memory_space<hbm>> -> memref<1x32x148xf32, #tpu.memory_space<hbm>>
        %dma_start3A_4248 = tpu.memref_squeeze %dma_start3A_4247 : memref<1x32x148xf32, #tpu.memory_space<hbm>> -> memref<32x148xf32, #tpu.memory_space<hbm>>
        %dma_start3A_4249 = arith.constant 0 : i32
        %dma_start3A_4250 = arith.constant 0 : i32
        %dma_start3A_4251 = tpu.memref_slice %arg2[%add3A_12, %dma_start3A_4249, %dma_start3A_4250] : memref<1024x32x148xf32, #tpu.memory_space<hbm>> -> memref<1x32x148xf32, #tpu.memory_space<hbm>>
        %dma_start3A_4252 = tpu.memref_squeeze %dma_start3A_4251 : memref<1x32x148xf32, #tpu.memory_space<hbm>> -> memref<32x148xf32, #tpu.memory_space<hbm>>
        tpu.enqueue_dma source(%dma_start3A_4252 : memref<32x148xf32, #tpu.memory_space<hbm>>) target(%arg5 : memref<32x148xf32, #tpu.memory_space<vmem>>) target_semaphore(%run_scoped3A : memref<!tpu.dma_semaphore, #tpu.memory_space<semaphore_mem>>)
        %dma_wait3A = arith.constant 0 : i32
        %dma_wait3A_4253 = arith.constant 0 : i32
        %dma_wait3A_4254 = tpu.memref_slice %arg2[%add3A_12, %dma_wait3A, %dma_wait3A_4253] : memref<1024x32x148xf32, #tpu.memory_space<hbm>> -> memref<1x32x148xf32, #tpu.memory_space<hbm>>
        %dma_wait3A_4255 = tpu.memref_squeeze %dma_wait3A_4254 : memref<1x32x148xf32, #tpu.memory_space<hbm>> -> memref<32x148xf32, #tpu.memory_space<hbm>>
        %dma_wait3A_4256 = arith.constant 0 : i32
        %dma_wait3A_4257 = arith.constant 0 : i32
        %dma_wait3A_4258 = tpu.memref_slice %arg2[%add3A_12, %dma_wait3A_4256, %dma_wait3A_4257] : memref<1024x32x148xf32, #tpu.memory_space<hbm>> -> memref<1x32x148xf32, #tpu.memory_space<hbm>>
        %dma_wait3A_4259 = tpu.memref_squeeze %dma_wait3A_4258 : memref<1x32x148xf32, #tpu.memory_space<hbm>> -> memref<32x148xf32, #tpu.memory_space<hbm>>
        tpu.wait_dma2 semaphore(%run_scoped3A : memref<!tpu.dma_semaphore, #tpu.memory_space<semaphore_mem>>) src(%dma_wait3A_4259 : memref<32x148xf32, #tpu.memory_space<hbm>>) dst(%arg5 : memref<32x148xf32, #tpu.memory_space<vmem>>)
        tpu.yield
      }) : () -> ()
      %get3A = arith.constant 0 : i32
      %get3A_13 = arith.index_cast %get3A : i32 to index
      %get3A_14 = arith.constant 0 : index
      %get3A_15 = tpu.vector_load %arg5[%get3A_13, %get3A_14] {strides = array<i32>} : memref<32x148xf32, #tpu.memory_space<vmem>>, vector<1x16xf32>,
      %get3A_16 = vector.shape_cast %get3A_15 : vector<1x16xf32> to vector<16xf32>
      %eq3A = arith.constant 0.000000e+00 : f32
      %eq3A_17 = vector.broadcast %eq3A : f32 to vector<16xf32>
      %eq3A_18 = arith.cmpf oeq, %get3A_16, %eq3A_17 : vector<16xf32>
      %jit3A = arith.constant 1.000000e+02 : f32
      %broadcast_in_dim3A_19 = vector.broadcast %jit3A : f32 to vector<16xf32>
      %select_n3A = arith.select %eq3A_18, %broadcast_in_dim3A_19, %get3A_16 : vector<16xi1>, vector<16xf32>
      %min3A = arith.minimumf %broadcast_in_dim3A_3, %select_n3A : vector<16xf32>
      %max3A = arith.maximumf %broadcast_in_dim3A_5, %get3A_16 : vector<16xf32>
      %get3A_20 = arith.constant 1 : i32
      %get3A_21 = arith.index_cast %get3A_20 : i32 to index
      %get3A_22 = arith.constant 0 : index
      %get3A_23 = tpu.vector_load %arg5[%get3A_21, %get3A_22] {strides = array<i32>} : memref<32x148xf32, #tpu.memory_space<vmem>>, vector<1x16xf32>,
      %get3A_24 = vector.shape_cast %get3A_23 : vector<1x16xf32> to vector<16xf32>
      %eq3A_25 = arith.constant 0.000000e+00 : f32
      %eq3A_26 = vector.broadcast %eq3A_25 : f32 to vector<16xf32>
      %eq3A_27 = arith.cmpf oeq, %get3A_24, %eq3A_26 : vector<16xf32>
      %jit3A_28 = arith.constant 1.000000e+02 : f32
      %broadcast_in_dim3A_29 = vector.broadcast %jit3A_28 : f32 to vector<16xf32>
      %select_n3A_30 = arith.select %eq3A_27, %broadcast_in_dim3A_29, %get3A_24 : vector<16xi1>, vector<16xf32>
      %min3A_31 = arith.minimumf %min3A, %select_n3A_30 : vector<16xf32>
      %max3A_32 = arith.maximumf %max3A, %get3A_24 : vector<16xf32>
      %get3A_33 = arith.constant 2 : i32
      %get3A_34 = arith.index_cast %get3A_33 : i32 to index
      %get3A_35 = arith.constant 0 : index
      %get3A_36 = tpu.vector_load %arg5[%get3A_34, %get3A_35] {strides = array<i32>} : memref<32x148xf32, #tpu.memory_space<vmem>>, vector<1x16xf32>,
      %get3A_37 = vector.shape_cast %get3A_36 : vector<1x16xf32> to vector<16xf32>
      %eq3A_38 = arith.constant 0.000000e+00 : f32
      %eq3A_39 = vector.broadcast %eq3A_38 : f32 to vector<16xf32>
      %eq3A_40 = arith.cmpf oeq, %get3A_37, %eq3A_39 : vector<16xf32>
      %jit3A_41 = arith.constant 1.000000e+02 : f32
      %broadcast_in_dim3A_42 = vector.broadcast %jit3A_41 : f32 to vector<16xf32>
      %select_n3A_43 = arith.select %eq3A_40, %broadcast_in_dim3A_42, %get3A_37 : vector<16xi1>, vector<16xf32>
      %min3A_44 = arith.minimumf %min3A_31, %select_n3A_43 : vector<16xf32>
      %max3A_45 = arith.maximumf %max3A_32, %get3A_37 : vector<16xf32>
      %get3A_46 = arith.constant 3 : i32
      %get3A_47 = arith.index_cast %get3A_46 : i32 to index
      %get3A_48 = arith.constant 0 : index
      %get3A_49 = tpu.vector_load %arg5[%get3A_47, %get3A_48] {strides = array<i32>} : memref<32x148xf32, #tpu.memory_space<vmem>>, vector<1x16xf32>,
      %get3A_50 = vector.shape_cast %get3A_49 : vector<1x16xf32> to vector<16xf32>
      %eq3A_51 = arith.constant 0.000000e+00 : f32
      %eq3A_52 = vector.broadcast %eq3A_51 : f32 to vector<16xf32>
      %eq3A_53 = arith.cmpf oeq, %get3A_50, %eq3A_52 : vector<16xf32>
      %jit3A_54 = arith.constant 1.000000e+02 : f32
      %broadcast_in_dim3A_55 = vector.broadcast %jit3A_54 : f32 to vector<16xf32>
      %select_n3A_56 = arith.select %eq3A_53, %broadcast_in_dim3A_55, %get3A_50 : vector<16xi1>, vector<16xf32>
      %min3A_57 = arith.minimumf %min3A_44, %select_n3A_56 : vector<16xf32>
      %max3A_58 = arith.maximumf %max3A_45, %get3A_50 : vector<16xf32>
      %get3A_59 = arith.constant 4 : i32
      %get3A_60 = arith.index_cast %get3A_59 : i32 to index
      %get3A_61 = arith.constant 0 : index
      %get3A_62 = tpu.vector_load %arg5[%get3A_60, %get3A_61] {strides = array<i32>} : memref<32x148xf32, #tpu.memory_space<vmem>>, vector<1x16xf32>,
      %get3A_63 = vector.shape_cast %get3A_62 : vector<1x16xf32> to vector<16xf32>
      %eq3A_64 = arith.constant 0.000000e+00 : f32
      %eq3A_65 = vector.broadcast %eq3A_64 : f32 to vector<16xf32>
      %eq3A_66 = arith.cmpf oeq, %get3A_63, %eq3A_65 : vector<16xf32>
      %jit3A_67 = arith.constant 1.000000e+02 : f32
      %broadcast_in_dim3A_68 = vector.broadcast %jit3A_67 : f32 to vector<16xf32>
      %select_n3A_69 = arith.select %eq3A_66, %broadcast_in_dim3A_68, %get3A_63 : vector<16xi1>, vector<16xf32>
      %min3A_70 = arith.minimumf %min3A_57, %select_n3A_69 : vector<16xf32>
      %max3A_71 = arith.maximumf %max3A_58, %get3A_63 : vector<16xf32>
      %get3A_72 = arith.constant 5 : i32
      %get3A_73 = arith.index_cast %get3A_72 : i32 to index
      %get3A_74 = arith.constant 0 : index
      %get3A_75 = tpu.vector_load %arg5[%get3A_73, %get3A_74] {strides = array<i32>} : memref<32x148xf32, #tpu.memory_space<vmem>>, vector<1x16xf32>,
      %get3A_76 = vector.shape_cast %get3A_75 : vector<1x16xf32> to vector<16xf32>
      %eq3A_77 = arith.constant 0.000000e+00 : f32
      %eq3A_78 = vector.broadcast %eq3A_77 : f32 to vector<16xf32>
      %eq3A_79 = arith.cmpf oeq, %get3A_76, %eq3A_78 : vector<16xf32>
      %jit3A_80 = arith.constant 1.000000e+02 : f32
      %broadcast_in_dim3A_81 = vector.broadcast %jit3A_80 : f32 to vector<16xf32>
      %select_n3A_82 = arith.select %eq3A_79, %broadcast_in_dim3A_81, %get3A_76 : vector<16xi1>, vector<16xf32>
      %min3A_83 = arith.minimumf %min3A_70, %select_n3A_82 : vector<16xf32>
      %max3A_84 = arith.maximumf %max3A_71, %get3A_76 : vector<16xf32>
      %get3A_85 = arith.constant 6 : i32
      %get3A_86 = arith.index_cast %get3A_85 : i32 to index
      %get3A_87 = arith.constant 0 : index
      %get3A_88 = tpu.vector_load %arg5[%get3A_86, %get3A_87] {strides = array<i32>} : memref<32x148xf32, #tpu.memory_space<vmem>>, vector<1x16xf32>,
      %get3A_89 = vector.shape_cast %get3A_88 : vector<1x16xf32> to vector<16xf32>
      %eq3A_90 = arith.constant 0.000000e+00 : f32
      %eq3A_91 = vector.broadcast %eq3A_90 : f32 to vector<16xf32>
      %eq3A_92 = arith.cmpf oeq, %get3A_89, %eq3A_91 : vector<16xf32>
      %jit3A_93 = arith.constant 1.000000e+02 : f32
      %broadcast_in_dim3A_94 = vector.broadcast %jit3A_93 : f32 to vector<16xf32>
      %select_n3A_95 = arith.select %eq3A_92, %broadcast_in_dim3A_94, %get3A_89 : vector<16xi1>, vector<16xf32>
      %min3A_96 = arith.minimumf %min3A_83, %select_n3A_95 : vector<16xf32>
      %max3A_97 = arith.maximumf %max3A_84, %get3A_89 : vector<16xf32>
      %get3A_98 = arith.constant 7 : i32
      %get3A_99 = arith.index_cast %get3A_98 : i32 to index
      %get3A_100 = arith.constant 0 : index
      %get3A_101 = tpu.vector_load %arg5[%get3A_99, %get3A_100] {strides = array<i32>} : memref<32x148xf32, #tpu.memory_space<vmem>>, vector<1x16xf32>,
      %get3A_102 = vector.shape_cast %get3A_101 : vector<1x16xf32> to vector<16xf32>
      %eq3A_103 = arith.constant 0.000000e+00 : f32
      %eq3A_104 = vector.broadcast %eq3A_103 : f32 to vector<16xf32>
      %eq3A_105 = arith.cmpf oeq, %get3A_102, %eq3A_104 : vector<16xf32>
      %jit3A_106 = arith.constant 1.000000e+02 : f32
      %broadcast_in_dim3A_107 = vector.broadcast %jit3A_106 : f32 to vector<16xf32>
      %select_n3A_108 = arith.select %eq3A_105, %broadcast_in_dim3A_107, %get3A_102 : vector<16xi1>, vector<16xf32>
      %min3A_109 = arith.minimumf %min3A_96, %select_n3A_108 : vector<16xf32>
      %max3A_110 = arith.maximumf %max3A_97, %get3A_102 : vector<16xf32>
      %get3A_111 = arith.constant 8 : i32
      %get3A_112 = arith.index_cast %get3A_111 : i32 to index
      %get3A_113 = arith.constant 0 : index
      %get3A_114 = tpu.vector_load %arg5[%get3A_112, %get3A_113] {strides = array<i32>} : memref<32x148xf32, #tpu.memory_space<vmem>>, vector<1x16xf32>,
      %get3A_115 = vector.shape_cast %get3A_114 : vector<1x16xf32> to vector<16xf32>
      %eq3A_116 = arith.constant 0.000000e+00 : f32
      %eq3A_117 = vector.broadcast %eq3A_116 : f32 to vector<16xf32>
      %eq3A_118 = arith.cmpf oeq, %get3A_115, %eq3A_117 : vector<16xf32>
      %jit3A_119 = arith.constant 1.000000e+02 : f32
      %broadcast_in_dim3A_120 = vector.broadcast %jit3A_119 : f32 to vector<16xf32>
      %select_n3A_121 = arith.select %eq3A_118, %broadcast_in_dim3A_120, %get3A_115 : vector<16xi1>, vector<16xf32>
      %min3A_122 = arith.minimumf %min3A_109, %select_n3A_121 : vector<16xf32>
      %max3A_123 = arith.maximumf %max3A_110, %get3A_115 : vector<16xf32>
      %get3A_124 = arith.constant 9 : i32
      %get3A_125 = arith.index_cast %get3A_124 : i32 to index
      %get3A_126 = arith.constant 0 : index
      %get3A_127 = tpu.vector_load %arg5[%get3A_125, %get3A_126] {strides = array<i32>} : memref<32x148xf32, #tpu.memory_space<vmem>>, vector<1x16xf32>,
      %get3A_128 = vector.shape_cast %get3A_127 : vector<1x16xf32> to vector<16xf32>
      %eq3A_129 = arith.constant 0.000000e+00 : f32
      %eq3A_130 = vector.broadcast %eq3A_129 : f32 to vector<16xf32>
      %eq3A_131 = arith.cmpf oeq, %get3A_128, %eq3A_130 : vector<16xf32>
      %jit3A_132 = arith.constant 1.000000e+02 : f32
      %broadcast_in_dim3A_133 = vector.broadcast %jit3A_132 : f32 to vector<16xf32>
      %select_n3A_134 = arith.select %eq3A_131, %broadcast_in_dim3A_133, %get3A_128 : vector<16xi1>, vector<16xf32>
      %min3A_135 = arith.minimumf %min3A_122, %select_n3A_134 : vector<16xf32>
      %max3A_136 = arith.maximumf %max3A_123, %get3A_128 : vector<16xf32>
      %get3A_137 = arith.constant 10 : i32
      %get3A_138 = arith.index_cast %get3A_137 : i32 to index
      %get3A_139 = arith.constant 0 : index
      %get3A_140 = tpu.vector_load %arg5[%get3A_138, %get3A_139] {strides = array<i32>} : memref<32x148xf32, #tpu.memory_space<vmem>>, vector<1x16xf32>,
      %get3A_141 = vector.shape_cast %get3A_140 : vector<1x16xf32> to vector<16xf32>
      %eq3A_142 = arith.constant 0.000000e+00 : f32
      %eq3A_143 = vector.broadcast %eq3A_142 : f32 to vector<16xf32>
      %eq3A_144 = arith.cmpf oeq, %get3A_141, %eq3A_143 : vector<16xf32>
      %jit3A_145 = arith.constant 1.000000e+02 : f32
      %broadcast_in_dim3A_146 = vector.broadcast %jit3A_145 : f32 to vector<16xf32>
      %select_n3A_147 = arith.select %eq3A_144, %broadcast_in_dim3A_146, %get3A_141 : vector<16xi1>, vector<16xf32>
      %min3A_148 = arith.minimumf %min3A_135, %select_n3A_147 : vector<16xf32>
      %max3A_149 = arith.maximumf %max3A_136, %get3A_141 : vector<16xf32>
      %get3A_150 = arith.constant 11 : i32
      %get3A_151 = arith.index_cast %get3A_150 : i32 to index
      %get3A_152 = arith.constant 0 : index
      %get3A_153 = tpu.vector_load %arg5[%get3A_151, %get3A_152] {strides = array<i32>} : memref<32x148xf32, #tpu.memory_space<vmem>>, vector<1x16xf32>,
      %get3A_154 = vector.shape_cast %get3A_153 : vector<1x16xf32> to vector<16xf32>
      %eq3A_155 = arith.constant 0.000000e+00 : f32
      %eq3A_156 = vector.broadcast %eq3A_155 : f32 to vector<16xf32>
      %eq3A_157 = arith.cmpf oeq, %get3A_154, %eq3A_156 : vector<16xf32>
      %jit3A_158 = arith.constant 1.000000e+02 : f32
      %broadcast_in_dim3A_159 = vector.broadcast %jit3A_158 : f32 to vector<16xf32>
      %select_n3A_160 = arith.select %eq3A_157, %broadcast_in_dim3A_159, %get3A_154 : vector<16xi1>, vector<16xf32>
      %min3A_161 = arith.minimumf %min3A_148, %select_n3A_160 : vector<16xf32>
      %max3A_162 = arith.maximumf %max3A_149, %get3A_154 : vector<16xf32>
      %get3A_163 = arith.constant 12 : i32
      %get3A_164 = arith.index_cast %get3A_163 : i32 to index
      %get3A_165 = arith.constant 0 : index
      %get3A_166 = tpu.vector_load %arg5[%get3A_164, %get3A_165] {strides = array<i32>} : memref<32x148xf32, #tpu.memory_space<vmem>>, vector<1x16xf32>,
      %get3A_167 = vector.shape_cast %get3A_166 : vector<1x16xf32> to vector<16xf32>
      %eq3A_168 = arith.constant 0.000000e+00 : f32
      %eq3A_169 = vector.broadcast %eq3A_168 : f32 to vector<16xf32>
      %eq3A_170 = arith.cmpf oeq, %get3A_167, %eq3A_169 : vector<16xf32>
      %jit3A_171 = arith.constant 1.000000e+02 : f32
      %broadcast_in_dim3A_172 = vector.broadcast %jit3A_171 : f32 to vector<16xf32>
      %select_n3A_173 = arith.select %eq3A_170, %broadcast_in_dim3A_172, %get3A_167 : vector<16xi1>, vector<16xf32>
      %min3A_174 = arith.minimumf %min3A_161, %select_n3A_173 : vector<16xf32>
      %max3A_175 = arith.maximumf %max3A_162, %get3A_167 : vector<16xf32>
      %get3A_176 = arith.constant 13 : i32
      %get3A_177 = arith.index_cast %get3A_176 : i32 to index
      %get3A_178 = arith.constant 0 : index
      %get3A_179 = tpu.vector_load %arg5[%get3A_177, %get3A_178] {strides = array<i32>} : memref<32x148xf32, #tpu.memory_space<vmem>>, vector<1x16xf32>,
      %get3A_180 = vector.shape_cast %get3A_179 : vector<1x16xf32> to vector<16xf32>
      %eq3A_181 = arith.constant 0.000000e+00 : f32
      %eq3A_182 = vector.broadcast %eq3A_181 : f32 to vector<16xf32>
      %eq3A_183 = arith.cmpf oeq, %get3A_180, %eq3A_182 : vector<16xf32>
      %jit3A_184 = arith.constant 1.000000e+02 : f32
      %broadcast_in_dim3A_185 = vector.broadcast %jit3A_184 : f32 to vector<16xf32>
      %select_n3A_186 = arith.select %eq3A_183, %broadcast_in_dim3A_185, %get3A_180 : vector<16xi1>, vector<16xf32>
      %min3A_187 = arith.minimumf %min3A_174, %select_n3A_186 : vector<16xf32>
      %max3A_188 = arith.maximumf %max3A_175, %get3A_180 : vector<16xf32>
      %get3A_189 = arith.constant 14 : i32
      %get3A_190 = arith.index_cast %get3A_189 : i32 to index
      %get3A_191 = arith.constant 0 : index
      %get3A_192 = tpu.vector_load %arg5[%get3A_190, %get3A_191] {strides = array<i32>} : memref<32x148xf32, #tpu.memory_space<vmem>>, vector<1x16xf32>,
      %get3A_193 = vector.shape_cast %get3A_192 : vector<1x16xf32> to vector<16xf32>
      %eq3A_194 = arith.constant 0.000000e+00 : f32
      %eq3A_195 = vector.broadcast %eq3A_194 : f32 to vector<16xf32>
      %eq3A_196 = arith.cmpf oeq, %get3A_193, %eq3A_195 : vector<16xf32>
      %jit3A_197 = arith.constant 1.000000e+02 : f32
      %broadcast_in_dim3A_198 = vector.broadcast %jit3A_197 : f32 to vector<16xf32>
      %select_n3A_199 = arith.select %eq3A_196, %broadcast_in_dim3A_198, %get3A_193 : vector<16xi1>, vector<16xf32>
      %min3A_200 = arith.minimumf %min3A_187, %select_n3A_199 : vector<16xf32>
      %max3A_201 = arith.maximumf %max3A_188, %get3A_193 : vector<16xf32>
      %get3A_202 = arith.constant 15 : i32
      %get3A_203 = arith.index_cast %get3A_202 : i32 to index
      %get3A_204 = arith.constant 0 : index
      %get3A_205 = tpu.vector_load %arg5[%get3A_203, %get3A_204] {strides = array<i32>} : memref<32x148xf32, #tpu.memory_space<vmem>>, vector<1x16xf32>,
      %get3A_206 = vector.shape_cast %get3A_205 : vector<1x16xf32> to vector<16xf32>
      %eq3A_207 = arith.constant 0.000000e+00 : f32
      %eq3A_208 = vector.broadcast %eq3A_207 : f32 to vector<16xf32>
      %eq3A_209 = arith.cmpf oeq, %get3A_206, %eq3A_208 : vector<16xf32>
      %jit3A_210 = arith.constant 1.000000e+02 : f32
      %broadcast_in_dim3A_211 = vector.broadcast %jit3A_210 : f32 to vector<16xf32>
      %select_n3A_212 = arith.select %eq3A_209, %broadcast_in_dim3A_211, %get3A_206 : vector<16xi1>, vector<16xf32>
      %min3A_213 = arith.minimumf %min3A_200, %select_n3A_212 : vector<16xf32>
      %max3A_214 = arith.maximumf %max3A_201, %get3A_206 : vector<16xf32>
      %get3A_215 = arith.constant 16 : i32
      %get3A_216 = arith.index_cast %get3A_215 : i32 to index
      %get3A_217 = arith.constant 0 : index
      %get3A_218 = tpu.vector_load %arg5[%get3A_216, %get3A_217] {strides = array<i32>} : memref<32x148xf32, #tpu.memory_space<vmem>>, vector<1x16xf32>,
      %get3A_219 = vector.shape_cast %get3A_218 : vector<1x16xf32> to vector<16xf32>
      %eq3A_220 = arith.constant 0.000000e+00 : f32
      %eq3A_221 = vector.broadcast %eq3A_220 : f32 to vector<16xf32>
      %eq3A_222 = arith.cmpf oeq, %get3A_219, %eq3A_221 : vector<16xf32>
      %jit3A_223 = arith.constant 1.000000e+02 : f32
      %broadcast_in_dim3A_224 = vector.broadcast %jit3A_223 : f32 to vector<16xf32>
      %select_n3A_225 = arith.select %eq3A_222, %broadcast_in_dim3A_224, %get3A_219 : vector<16xi1>, vector<16xf32>
      %min3A_226 = arith.minimumf %min3A_213, %select_n3A_225 : vector<16xf32>
      %max3A_227 = arith.maximumf %max3A_214, %get3A_219 : vector<16xf32>
      %get3A_228 = arith.constant 17 : i32
      %get3A_229 = arith.index_cast %get3A_228 : i32 to index
      %get3A_230 = arith.constant 0 : index
      %get3A_231 = tpu.vector_load %arg5[%get3A_229, %get3A_230] {strides = array<i32>} : memref<32x148xf32, #tpu.memory_space<vmem>>, vector<1x16xf32>,
      %get3A_232 = vector.shape_cast %get3A_231 : vector<1x16xf32> to vector<16xf32>
      %eq3A_233 = arith.constant 0.000000e+00 : f32
      %eq3A_234 = vector.broadcast %eq3A_233 : f32 to vector<16xf32>
      %eq3A_235 = arith.cmpf oeq, %get3A_232, %eq3A_234 : vector<16xf32>
      %jit3A_236 = arith.constant 1.000000e+02 : f32
      %broadcast_in_dim3A_237 = vector.broadcast %jit3A_236 : f32 to vector<16xf32>
      %select_n3A_238 = arith.select %eq3A_235, %broadcast_in_dim3A_237, %get3A_232 : vector<16xi1>, vector<16xf32>
      %min3A_239 = arith.minimumf %min3A_226, %select_n3A_238 : vector<16xf32>
      %max3A_240 = arith.maximumf %max3A_227, %get3A_232 : vector<16xf32>
      %get3A_241 = arith.constant 18 : i32
      %get3A_242 = arith.index_cast %get3A_241 : i32 to index
      %get3A_243 = arith.constant 0 : index
      %get3A_244 = tpu.vector_load %arg5[%get3A_242, %get3A_243] {strides = array<i32>} : memref<32x148xf32, #tpu.memory_space<vmem>>, vector<1x16xf32>,
      %get3A_245 = vector.shape_cast %get3A_244 : vector<1x16xf32> to vector<16xf32>
      %eq3A_246 = arith.constant 0.000000e+00 : f32
      %eq3A_247 = vector.broadcast %eq3A_246 : f32 to vector<16xf32>
      %eq3A_248 = arith.cmpf oeq, %get3A_245, %eq3A_247 : vector<16xf32>
      %jit3A_249 = arith.constant 1.000000e+02 : f32
      %broadcast_in_dim3A_250 = vector.broadcast %jit3A_249 : f32 to vector<16xf32>
      %select_n3A_251 = arith.select %eq3A_248, %broadcast_in_dim3A_250, %get3A_245 : vector<16xi1>, vector<16xf32>
      %min3A_252 = arith.minimumf %min3A_239, %select_n3A_251 : vector<16xf32>
      %max3A_253 = arith.maximumf %max3A_240, %get3A_245 : vector<16xf32>
      %get3A_254 = arith.constant 19 : i32
      %get3A_255 = arith.index_cast %get3A_254 : i32 to index
      %get3A_256 = arith.constant 0 : index
      %get3A_257 = tpu.vector_load %arg5[%get3A_255, %get3A_256] {strides = array<i32>} : memref<32x148xf32, #tpu.memory_space<vmem>>, vector<1x16xf32>,
      %get3A_258 = vector.shape_cast %get3A_257 : vector<1x16xf32> to vector<16xf32>
      %eq3A_259 = arith.constant 0.000000e+00 : f32
      %eq3A_260 = vector.broadcast %eq3A_259 : f32 to vector<16xf32>
      %eq3A_261 = arith.cmpf oeq, %get3A_258, %eq3A_260 : vector<16xf32>
      %jit3A_262 = arith.constant 1.000000e+02 : f32
      %broadcast_in_dim3A_263 = vector.broadcast %jit3A_262 : f32 to vector<16xf32>
      %select_n3A_264 = arith.select %eq3A_261, %broadcast_in_dim3A_263, %get3A_258 : vector<16xi1>, vector<16xf32>
      %min3A_265 = arith.minimumf %min3A_252, %select_n3A_264 : vector<16xf32>
      %max3A_266 = arith.maximumf %max3A_253, %get3A_258 : vector<16xf32>
      %get3A_267 = arith.constant 20 : i32
      %get3A_268 = arith.index_cast %get3A_267 : i32 to index
      %get3A_269 = arith.constant 0 : index
      %get3A_270 = tpu.vector_load %arg5[%get3A_268, %get3A_269] {strides = array<i32>} : memref<32x148xf32, #tpu.memory_space<vmem>>, vector<1x16xf32>,
      %get3A_271 = vector.shape_cast %get3A_270 : vector<1x16xf32> to vector<16xf32>
      %eq3A_272 = arith.constant 0.000000e+00 : f32
      %eq3A_273 = vector.broadcast %eq3A_272 : f32 to vector<16xf32>
      %eq3A_274 = arith.cmpf oeq, %get3A_271, %eq3A_273 : vector<16xf32>
      %jit3A_275 = arith.constant 1.000000e+02 : f32
      %broadcast_in_dim3A_276 = vector.broadcast %jit3A_275 : f32 to vector<16xf32>
      %select_n3A_277 = arith.select %eq3A_274, %broadcast_in_dim3A_276, %get3A_271 : vector<16xi1>, vector<16xf32>
      %min3A_278 = arith.minimumf %min3A_265, %select_n3A_277 : vector<16xf32>
      %max3A_279 = arith.maximumf %max3A_266, %get3A_271 : vector<16xf32>
      %get3A_280 = arith.constant 21 : i32
      %get3A_281 = arith.index_cast %get3A_280 : i32 to index
      %get3A_282 = arith.constant 0 : index
      %get3A_283 = tpu.vector_load %arg5[%get3A_281, %get3A_282] {strides = array<i32>} : memref<32x148xf32, #tpu.memory_space<vmem>>, vector<1x16xf32>,
      %get3A_284 = vector.shape_cast %get3A_283 : vector<1x16xf32> to vector<16xf32>
      %eq3A_285 = arith.constant 0.000000e+00 : f32
      %eq3A_286 = vector.broadcast %eq3A_285 : f32 to vector<16xf32>
      %eq3A_287 = arith.cmpf oeq, %get3A_284, %eq3A_286 : vector<16xf32>
      %jit3A_288 = arith.constant 1.000000e+02 : f32
      %broadcast_in_dim3A_289 = vector.broadcast %jit3A_288 : f32 to vector<16xf32>
      %select_n3A_290 = arith.select %eq3A_287, %broadcast_in_dim3A_289, %get3A_284 : vector<16xi1>, vector<16xf32>
      %min3A_291 = arith.minimumf %min3A_278, %select_n3A_290 : vector<16xf32>
      %max3A_292 = arith.maximumf %max3A_279, %get3A_284 : vector<16xf32>
      %get3A_293 = arith.constant 22 : i32
      %get3A_294 = arith.index_cast %get3A_293 : i32 to index
      %get3A_295 = arith.constant 0 : index
      %get3A_296 = tpu.vector_load %arg5[%get3A_294, %get3A_295] {strides = array<i32>} : memref<32x148xf32, #tpu.memory_space<vmem>>, vector<1x16xf32>,
      %get3A_297 = vector.shape_cast %get3A_296 : vector<1x16xf32> to vector<16xf32>
      %eq3A_298 = arith.constant 0.000000e+00 : f32
      %eq3A_299 = vector.broadcast %eq3A_298 : f32 to vector<16xf32>
      %eq3A_300 = arith.cmpf oeq, %get3A_297, %eq3A_299 : vector<16xf32>
      %jit3A_301 = arith.constant 1.000000e+02 : f32
      %broadcast_in_dim3A_302 = vector.broadcast %jit3A_301 : f32 to vector<16xf32>
      %select_n3A_303 = arith.select %eq3A_300, %broadcast_in_dim3A_302, %get3A_297 : vector<16xi1>, vector<16xf32>
      %min3A_304 = arith.minimumf %min3A_291, %select_n3A_303 : vector<16xf32>
      %max3A_305 = arith.maximumf %max3A_292, %get3A_297 : vector<16xf32>
      %get3A_306 = arith.constant 23 : i32
      %get3A_307 = arith.index_cast %get3A_306 : i32 to index
      %get3A_308 = arith.constant 0 : index
      %get3A_309 = tpu.vector_load %arg5[%get3A_307, %get3A_308] {strides = array<i32>} : memref<32x148xf32, #tpu.memory_space<vmem>>, vector<1x16xf32>,
      %get3A_310 = vector.shape_cast %get3A_309 : vector<1x16xf32> to vector<16xf32>
      %eq3A_311 = arith.constant 0.000000e+00 : f32
      %eq3A_312 = vector.broadcast %eq3A_311 : f32 to vector<16xf32>
      %eq3A_313 = arith.cmpf oeq, %get3A_310, %eq3A_312 : vector<16xf32>
      %jit3A_314 = arith.constant 1.000000e+02 : f32
      %broadcast_in_dim3A_315 = vector.broadcast %jit3A_314 : f32 to vector<16xf32>
      %select_n3A_316 = arith.select %eq3A_313, %broadcast_in_dim3A_315, %get3A_310 : vector<16xi1>, vector<16xf32>
      %min3A_317 = arith.minimumf %min3A_304, %select_n3A_316 : vector<16xf32>
      %max3A_318 = arith.maximumf %max3A_305, %get3A_310 : vector<16xf32>
      %get3A_319 = arith.constant 24 : i32
      %get3A_320 = arith.index_cast %get3A_319 : i32 to index
      %get3A_321 = arith.constant 0 : index
      %get3A_322 = tpu.vector_load %arg5[%get3A_320, %get3A_321] {strides = array<i32>} : memref<32x148xf32, #tpu.memory_space<vmem>>, vector<1x16xf32>,
      %get3A_323 = vector.shape_cast %get3A_322 : vector<1x16xf32> to vector<16xf32>
      %eq3A_324 = arith.constant 0.000000e+00 : f32
      %eq3A_325 = vector.broadcast %eq3A_324 : f32 to vector<16xf32>
      %eq3A_326 = arith.cmpf oeq, %get3A_323, %eq3A_325 : vector<16xf32>
      %jit3A_327 = arith.constant 1.000000e+02 : f32
      %broadcast_in_dim3A_328 = vector.broadcast %jit3A_327 : f32 to vector<16xf32>
      %select_n3A_329 = arith.select %eq3A_326, %broadcast_in_dim3A_328, %get3A_323 : vector<16xi1>, vector<16xf32>
      %min3A_330 = arith.minimumf %min3A_317, %select_n3A_329 : vector<16xf32>
      %max3A_331 = arith.maximumf %max3A_318, %get3A_323 : vector<16xf32>
      %get3A_332 = arith.constant 25 : i32
      %get3A_333 = arith.index_cast %get3A_332 : i32 to index
      %get3A_334 = arith.constant 0 : index
      %get3A_335 = tpu.vector_load %arg5[%get3A_333, %get3A_334] {strides = array<i32>} : memref<32x148xf32, #tpu.memory_space<vmem>>, vector<1x16xf32>,
      %get3A_336 = vector.shape_cast %get3A_335 : vector<1x16xf32> to vector<16xf32>
      %eq3A_337 = arith.constant 0.000000e+00 : f32
      %eq3A_338 = vector.broadcast %eq3A_337 : f32 to vector<16xf32>
      %eq3A_339 = arith.cmpf oeq, %get3A_336, %eq3A_338 : vector<16xf32>
      %jit3A_340 = arith.constant 1.000000e+02 : f32
      %broadcast_in_dim3A_341 = vector.broadcast %jit3A_340 : f32 to vector<16xf32>
      %select_n3A_342 = arith.select %eq3A_339, %broadcast_in_dim3A_341, %get3A_336 : vector<16xi1>, vector<16xf32>
      %min3A_343 = arith.minimumf %min3A_330, %select_n3A_342 : vector<16xf32>
      %max3A_344 = arith.maximumf %max3A_331, %get3A_336 : vector<16xf32>
      %get3A_345 = arith.constant 26 : i32
      %get3A_346 = arith.index_cast %get3A_345 : i32 to index
      %get3A_347 = arith.constant 0 : index
      %get3A_348 = tpu.vector_load %arg5[%get3A_346, %get3A_347] {strides = array<i32>} : memref<32x148xf32, #tpu.memory_space<vmem>>, vector<1x16xf32>,
      %get3A_349 = vector.shape_cast %get3A_348 : vector<1x16xf32> to vector<16xf32>
      %eq3A_350 = arith.constant 0.000000e+00 : f32
      %eq3A_351 = vector.broadcast %eq3A_350 : f32 to vector<16xf32>
      %eq3A_352 = arith.cmpf oeq, %get3A_349, %eq3A_351 : vector<16xf32>
      %jit3A_353 = arith.constant 1.000000e+02 : f32
      %broadcast_in_dim3A_354 = vector.broadcast %jit3A_353 : f32 to vector<16xf32>
      %select_n3A_355 = arith.select %eq3A_352, %broadcast_in_dim3A_354, %get3A_349 : vector<16xi1>, vector<16xf32>
      %min3A_356 = arith.minimumf %min3A_343, %select_n3A_355 : vector<16xf32>
      %max3A_357 = arith.maximumf %max3A_344, %get3A_349 : vector<16xf32>
      %get3A_358 = arith.constant 27 : i32
      %get3A_359 = arith.index_cast %get3A_358 : i32 to index
      %get3A_360 = arith.constant 0 : index
      %get3A_361 = tpu.vector_load %arg5[%get3A_359, %get3A_360] {strides = array<i32>} : memref<32x148xf32, #tpu.memory_space<vmem>>, vector<1x16xf32>,
      %get3A_362 = vector.shape_cast %get3A_361 : vector<1x16xf32> to vector<16xf32>
      %eq3A_363 = arith.constant 0.000000e+00 : f32
      %eq3A_364 = vector.broadcast %eq3A_363 : f32 to vector<16xf32>
      %eq3A_365 = arith.cmpf oeq, %get3A_362, %eq3A_364 : vector<16xf32>
      %jit3A_366 = arith.constant 1.000000e+02 : f32
      %broadcast_in_dim3A_367 = vector.broadcast %jit3A_366 : f32 to vector<16xf32>
      %select_n3A_368 = arith.select %eq3A_365, %broadcast_in_dim3A_367, %get3A_362 : vector<16xi1>, vector<16xf32>
      %min3A_369 = arith.minimumf %min3A_356, %select_n3A_368 : vector<16xf32>
      %max3A_370 = arith.maximumf %max3A_357, %get3A_362 : vector<16xf32>
      %get3A_371 = arith.constant 28 : i32
      %get3A_372 = arith.index_cast %get3A_371 : i32 to index
      %get3A_373 = arith.constant 0 : index
      %get3A_374 = tpu.vector_load %arg5[%get3A_372, %get3A_373] {strides = array<i32>} : memref<32x148xf32, #tpu.memory_space<vmem>>, vector<1x16xf32>,
      %get3A_375 = vector.shape_cast %get3A_374 : vector<1x16xf32> to vector<16xf32>
      %eq3A_376 = arith.constant 0.000000e+00 : f32
      %eq3A_377 = vector.broadcast %eq3A_376 : f32 to vector<16xf32>
      %eq3A_378 = arith.cmpf oeq, %get3A_375, %eq3A_377 : vector<16xf32>
      %jit3A_379 = arith.constant 1.000000e+02 : f32
      %broadcast_in_dim3A_380 = vector.broadcast %jit3A_379 : f32 to vector<16xf32>
      %select_n3A_381 = arith.select %eq3A_378, %broadcast_in_dim3A_380, %get3A_375 : vector<16xi1>, vector<16xf32>
      %min3A_382 = arith.minimumf %min3A_369, %select_n3A_381 : vector<16xf32>
      %max3A_383 = arith.maximumf %max3A_370, %get3A_375 : vector<16xf32>
      %get3A_384 = arith.constant 29 : i32
      %get3A_385 = arith.index_cast %get3A_384 : i32 to index
      %get3A_386 = arith.constant 0 : index
      %get3A_387 = tpu.vector_load %arg5[%get3A_385, %get3A_386] {strides = array<i32>} : memref<32x148xf32, #tpu.memory_space<vmem>>, vector<1x16xf32>,
      %get3A_388 = vector.shape_cast %get3A_387 : vector<1x16xf32> to vector<16xf32>
      %eq3A_389 = arith.constant 0.000000e+00 : f32
      %eq3A_390 = vector.broadcast %eq3A_389 : f32 to vector<16xf32>
      %eq3A_391 = arith.cmpf oeq, %get3A_388, %eq3A_390 : vector<16xf32>
      %jit3A_392 = arith.constant 1.000000e+02 : f32
      %broadcast_in_dim3A_393 = vector.broadcast %jit3A_392 : f32 to vector<16xf32>
      %select_n3A_394 = arith.select %eq3A_391, %broadcast_in_dim3A_393, %get3A_388 : vector<16xi1>, vector<16xf32>
      %min3A_395 = arith.minimumf %min3A_382, %select_n3A_394 : vector<16xf32>
      %max3A_396 = arith.maximumf %max3A_383, %get3A_388 : vector<16xf32>
      %get3A_397 = arith.constant 30 : i32
      %get3A_398 = arith.index_cast %get3A_397 : i32 to index
      %get3A_399 = arith.constant 0 : index
      %get3A_400 = tpu.vector_load %arg5[%get3A_398, %get3A_399] {strides = array<i32>} : memref<32x148xf32, #tpu.memory_space<vmem>>, vector<1x16xf32>,
      %get3A_401 = vector.shape_cast %get3A_400 : vector<1x16xf32> to vector<16xf32>
      %eq3A_402 = arith.constant 0.000000e+00 : f32
      %eq3A_403 = vector.broadcast %eq3A_402 : f32 to vector<16xf32>
      %eq3A_404 = arith.cmpf oeq, %get3A_401, %eq3A_403 : vector<16xf32>
      %jit3A_405 = arith.constant 1.000000e+02 : f32
      %broadcast_in_dim3A_406 = vector.broadcast %jit3A_405 : f32 to vector<16xf32>
      %select_n3A_407 = arith.select %eq3A_404, %broadcast_in_dim3A_406, %get3A_401 : vector<16xi1>, vector<16xf32>
      %min3A_408 = arith.minimumf %min3A_395, %select_n3A_407 : vector<16xf32>
      %max3A_409 = arith.maximumf %max3A_396, %get3A_401 : vector<16xf32>
      %get3A_410 = arith.constant 31 : i32
      %get3A_411 = arith.index_cast %get3A_410 : i32 to index
      %get3A_412 = arith.constant 0 : index
      %get3A_413 = tpu.vector_load %arg5[%get3A_411, %get3A_412] {strides = array<i32>} : memref<32x148xf32, #tpu.memory_space<vmem>>, vector<1x16xf32>,
      %get3A_414 = vector.shape_cast %get3A_413 : vector<1x16xf32> to vector<16xf32>
      %eq3A_415 = arith.constant 0.000000e+00 : f32
      %eq3A_416 = vector.broadcast %eq3A_415 : f32 to vector<16xf32>
      %eq3A_417 = arith.cmpf oeq, %get3A_414, %eq3A_416 : vector<16xf32>
      %jit3A_418 = arith.constant 1.000000e+02 : f32
      %broadcast_in_dim3A_419 = vector.broadcast %jit3A_418 : f32 to vector<16xf32>
      %select_n3A_420 = arith.select %eq3A_417, %broadcast_in_dim3A_419, %get3A_414 : vector<16xi1>, vector<16xf32>
      %min3A_421 = arith.minimumf %min3A_408, %select_n3A_420 : vector<16xf32>
      %max3A_422 = arith.maximumf %max3A_409, %get3A_414 : vector<16xf32>
      %swap3A = arith.constant 0 : index
      %swap3A_423 = tpu.vector_load %arg6[%swap3A] {strides = array<i32>} : memref<148xf32, #tpu.memory_space<vmem>>, vector<16xf32>,
      %swap3A_424 = vector.shape_cast %swap3A_423 : vector<16xf32> to vector<16xf32>
      %swap3A_425 = vector.shape_cast %min3A_421 : vector<16xf32> to vector<16xf32>
      tpu.vector_store %arg6[%swap3A], %swap3A_425 {strides = array<i32>} : memref<148xf32, #tpu.memory_space<vmem>>, vector<16xf32>,
      %swap3A_426 = arith.constant 0 : index
      %swap3A_427 = tpu.vector_load %arg7[%swap3A_426] {strides = array<i32>} : memref<148xf32, #tpu.memory_space<vmem>>, vector<16xf32>,
      %swap3A_428 = vector.shape_cast %swap3A_427 : vector<16xf32> to vector<16xf32>
      %swap3A_429 = vector.shape_cast %max3A_422 : vector<16xf32> to vector<16xf32>
      tpu.vector_store %arg7[%swap3A_426], %swap3A_429 {strides = array<i32>} : memref<148xf32, #tpu.memory_space<vmem>>, vector<16xf32>,
      %get3A_430 = arith.constant 0 : i32
      %get3A_431 = arith.index_cast %get3A_430 : i32 to index
      %get3A_432 = arith.constant 16 : index
      %get3A_433 = tpu.vector_load %arg5[%get3A_431, %get3A_432] {strides = array<i32>} : memref<32x148xf32, #tpu.memory_space<vmem>>, vector<1x16xf32>,
      %get3A_434 = vector.shape_cast %get3A_433 : vector<1x16xf32> to vector<16xf32>
      %eq3A_435 = arith.constant 0.000000e+00 : f32
      %eq3A_436 = vector.broadcast %eq3A_435 : f32 to vector<16xf32>
      %eq3A_437 = arith.cmpf oeq, %get3A_434, %eq3A_436 : vector<16xf32>
      %jit3A_438 = arith.constant 1.000000e+02 : f32
      %broadcast_in_dim3A_439 = vector.broadcast %jit3A_438 : f32 to vector<16xf32>
      %select_n3A_440 = arith.select %eq3A_437, %broadcast_in_dim3A_439, %get3A_434 : vector<16xi1>, vector<16xf32>
      %min3A_441 = arith.minimumf %broadcast_in_dim3A_3, %select_n3A_440 : vector<16xf32>
      %max3A_442 = arith.maximumf %broadcast_in_dim3A_5, %get3A_434 : vector<16xf32>
      %get3A_443 = arith.constant 1 : i32
      %get3A_444 = arith.index_cast %get3A_443 : i32 to index
      %get3A_445 = arith.constant 16 : index
      %get3A_446 = tpu.vector_load %arg5[%get3A_444, %get3A_445] {strides = array<i32>} : memref<32x148xf32, #tpu.memory_space<vmem>>, vector<1x16xf32>,
      %get3A_447 = vector.shape_cast %get3A_446 : vector<1x16xf32> to vector<16xf32>
      %eq3A_448 = arith.constant 0.000000e+00 : f32
      %eq3A_449 = vector.broadcast %eq3A_448 : f32 to vector<16xf32>
      %eq3A_450 = arith.cmpf oeq, %get3A_447, %eq3A_449 : vector<16xf32>
      %jit3A_451 = arith.constant 1.000000e+02 : f32
      %broadcast_in_dim3A_452 = vector.broadcast %jit3A_451 : f32 to vector<16xf32>
      %select_n3A_453 = arith.select %eq3A_450, %broadcast_in_dim3A_452, %get3A_447 : vector<16xi1>, vector<16xf32>
      %min3A_454 = arith.minimumf %min3A_441, %select_n3A_453 : vector<16xf32>
      %max3A_455 = arith.maximumf %max3A_442, %get3A_447 : vector<16xf32>
      %get3A_456 = arith.constant 2 : i32
      %get3A_457 = arith.index_cast %get3A_456 : i32 to index
      %get3A_458 = arith.constant 16 : index
      %get3A_459 = tpu.vector_load %arg5[%get3A_457, %get3A_458] {strides = array<i32>} : memref<32x148xf32, #tpu.memory_space<vmem>>, vector<1x16xf32>,
      %get3A_460 = vector.shape_cast %get3A_459 : vector<1x16xf32> to vector<16xf32>
      %eq3A_461 = arith.constant 0.000000e+00 : f32
      %eq3A_462 = vector.broadcast %eq3A_461 : f32 to vector<16xf32>
      %eq3A_463 = arith.cmpf oeq, %get3A_460, %eq3A_462 : vector<16xf32>
      %jit3A_464 = arith.constant 1.000000e+02 : f32
      %broadcast_in_dim3A_465 = vector.broadcast %jit3A_464 : f32 to vector<16xf32>
      %select_n3A_466 = arith.select %eq3A_463, %broadcast_in_dim3A_465, %get3A_460 : vector<16xi1>, vector<16xf32>
      %min3A_467 = arith.minimumf %min3A_454, %select_n3A_466 : vector<16xf32>
      %max3A_468 = arith.maximumf %max3A_455, %get3A_460 : vector<16xf32>
      %get3A_469 = arith.constant 3 : i32
      %get3A_470 = arith.index_cast %get3A_469 : i32 to index
      %get3A_471 = arith.constant 16 : index
      %get3A_472 = tpu.vector_load %arg5[%get3A_470, %get3A_471] {strides = array<i32>} : memref<32x148xf32, #tpu.memory_space<vmem>>, vector<1x16xf32>,
      %get3A_473 = vector.shape_cast %get3A_472 : vector<1x16xf32> to vector<16xf32>
      %eq3A_474 = arith.constant 0.000000e+00 : f32
      %eq3A_475 = vector.broadcast %eq3A_474 : f32 to vector<16xf32>
      %eq3A_476 = arith.cmpf oeq, %get3A_473, %eq3A_475 : vector<16xf32>
      %jit3A_477 = arith.constant 1.000000e+02 : f32
      %broadcast_in_dim3A_478 = vector.broadcast %jit3A_477 : f32 to vector<16xf32>
      %select_n3A_479 = arith.select %eq3A_476, %broadcast_in_dim3A_478, %get3A_473 : vector<16xi1>, vector<16xf32>
      %min3A_480 = arith.minimumf %min3A_467, %select_n3A_479 : vector<16xf32>
      %max3A_481 = arith.maximumf %max3A_468, %get3A_473 : vector<16xf32>
      %get3A_482 = arith.constant 4 : i32
      %get3A_483 = arith.index_cast %get3A_482 : i32 to index
      %get3A_484 = arith.constant 16 : index
      %get3A_485 = tpu.vector_load %arg5[%get3A_483, %get3A_484] {strides = array<i32>} : memref<32x148xf32, #tpu.memory_space<vmem>>, vector<1x16xf32>,
      %get3A_486 = vector.shape_cast %get3A_485 : vector<1x16xf32> to vector<16xf32>
      %eq3A_487 = arith.constant 0.000000e+00 : f32
      %eq3A_488 = vector.broadcast %eq3A_487 : f32 to vector<16xf32>
      %eq3A_489 = arith.cmpf oeq, %get3A_486, %eq3A_488 : vector<16xf32>
      %jit3A_490 = arith.constant 1.000000e+02 : f32
      %broadcast_in_dim3A_491 = vector.broadcast %jit3A_490 : f32 to vector<16xf32>
      %select_n3A_492 = arith.select %eq3A_489, %broadcast_in_dim3A_491, %get3A_486 : vector<16xi1>, vector<16xf32>
      %min3A_493 = arith.minimumf %min3A_480, %select_n3A_492 : vector<16xf32>
      %max3A_494 = arith.maximumf %max3A_481, %get3A_486 : vector<16xf32>
      %get3A_495 = arith.constant 5 : i32
      %get3A_496 = arith.index_cast %get3A_495 : i32 to index
      %get3A_497 = arith.constant 16 : index
      %get3A_498 = tpu.vector_load %arg5[%get3A_496, %get3A_497] {strides = array<i32>} : memref<32x148xf32, #tpu.memory_space<vmem>>, vector<1x16xf32>,
      %get3A_499 = vector.shape_cast %get3A_498 : vector<1x16xf32> to vector<16xf32>
      %eq3A_500 = arith.constant 0.000000e+00 : f32
      %eq3A_501 = vector.broadcast %eq3A_500 : f32 to vector<16xf32>
      %eq3A_502 = arith.cmpf oeq, %get3A_499, %eq3A_501 : vector<16xf32>
      %jit3A_503 = arith.constant 1.000000e+02 : f32
      %broadcast_in_dim3A_504 = vector.broadcast %jit3A_503 : f32 to vector<16xf32>
      %select_n3A_505 = arith.select %eq3A_502, %broadcast_in_dim3A_504, %get3A_499 : vector<16xi1>, vector<16xf32>
      %min3A_506 = arith.minimumf %min3A_493, %select_n3A_505 : vector<16xf32>
      %max3A_507 = arith.maximumf %max3A_494, %get3A_499 : vector<16xf32>
      %get3A_508 = arith.constant 6 : i32
      %get3A_509 = arith.index_cast %get3A_508 : i32 to index
      %get3A_510 = arith.constant 16 : index
      %get3A_511 = tpu.vector_load %arg5[%get3A_509, %get3A_510] {strides = array<i32>} : memref<32x148xf32, #tpu.memory_space<vmem>>, vector<1x16xf32>,
      %get3A_512 = vector.shape_cast %get3A_511 : vector<1x16xf32> to vector<16xf32>
      %eq3A_513 = arith.constant 0.000000e+00 : f32
      %eq3A_514 = vector.broadcast %eq3A_513 : f32 to vector<16xf32>
      %eq3A_515 = arith.cmpf oeq, %get3A_512, %eq3A_514 : vector<16xf32>
      %jit3A_516 = arith.constant 1.000000e+02 : f32
      %broadcast_in_dim3A_517 = vector.broadcast %jit3A_516 : f32 to vector<16xf32>
      %select_n3A_518 = arith.select %eq3A_515, %broadcast_in_dim3A_517, %get3A_512 : vector<16xi1>, vector<16xf32>
      %min3A_519 = arith.minimumf %min3A_506, %select_n3A_518 : vector<16xf32>
      %max3A_520 = arith.maximumf %max3A_507, %get3A_512 : vector<16xf32>
      %get3A_521 = arith.constant 7 : i32
      %get3A_522 = arith.index_cast %get3A_521 : i32 to index
      %get3A_523 = arith.constant 16 : index
      %get3A_524 = tpu.vector_load %arg5[%get3A_522, %get3A_523] {strides = array<i32>} : memref<32x148xf32, #tpu.memory_space<vmem>>, vector<1x16xf32>,
      %get3A_525 = vector.shape_cast %get3A_524 : vector<1x16xf32> to vector<16xf32>
      %eq3A_526 = arith.constant 0.000000e+00 : f32
      %eq3A_527 = vector.broadcast %eq3A_526 : f32 to vector<16xf32>
      %eq3A_528 = arith.cmpf oeq, %get3A_525, %eq3A_527 : vector<16xf32>
      %jit3A_529 = arith.constant 1.000000e+02 : f32
      %broadcast_in_dim3A_530 = vector.broadcast %jit3A_529 : f32 to vector<16xf32>
      %select_n3A_531 = arith.select %eq3A_528, %broadcast_in_dim3A_530, %get3A_525 : vector<16xi1>, vector<16xf32>
      %min3A_532 = arith.minimumf %min3A_519, %select_n3A_531 : vector<16xf32>
      %max3A_533 = arith.maximumf %max3A_520, %get3A_525 : vector<16xf32>
      %get3A_534 = arith.constant 8 : i32
      %get3A_535 = arith.index_cast %get3A_534 : i32 to index
      %get3A_536 = arith.constant 16 : index
      %get3A_537 = tpu.vector_load %arg5[%get3A_535, %get3A_536] {strides = array<i32>} : memref<32x148xf32, #tpu.memory_space<vmem>>, vector<1x16xf32>,
      %get3A_538 = vector.shape_cast %get3A_537 : vector<1x16xf32> to vector<16xf32>
      %eq3A_539 = arith.constant 0.000000e+00 : f32
      %eq3A_540 = vector.broadcast %eq3A_539 : f32 to vector<16xf32>
      %eq3A_541 = arith.cmpf oeq, %get3A_538, %eq3A_540 : vector<16xf32>
      %jit3A_542 = arith.constant 1.000000e+02 : f32
      %broadcast_in_dim3A_543 = vector.broadcast %jit3A_542 : f32 to vector<16xf32>
      %select_n3A_544 = arith.select %eq3A_541, %broadcast_in_dim3A_543, %get3A_538 : vector<16xi1>, vector<16xf32>
      %min3A_545 = arith.minimumf %min3A_532, %select_n3A_544 : vector<16xf32>
      %max3A_546 = arith.maximumf %max3A_533, %get3A_538 : vector<16xf32>
      %get3A_547 = arith.constant 9 : i32
      %get3A_548 = arith.index_cast %get3A_547 : i32 to index
      %get3A_549 = arith.constant 16 : index
      %get3A_550 = tpu.vector_load %arg5[%get3A_548, %get3A_549] {strides = array<i32>} : memref<32x148xf32, #tpu.memory_space<vmem>>, vector<1x16xf32>,
      %get3A_551 = vector.shape_cast %get3A_550 : vector<1x16xf32> to vector<16xf32>
      %eq3A_552 = arith.constant 0.000000e+00 : f32
      %eq3A_553 = vector.broadcast %eq3A_552 : f32 to vector<16xf32>
      %eq3A_554 = arith.cmpf oeq, %get3A_551, %eq3A_553 : vector<16xf32>
      %jit3A_555 = arith.constant 1.000000e+02 : f32
      %broadcast_in_dim3A_556 = vector.broadcast %jit3A_555 : f32 to vector<16xf32>
      %select_n3A_557 = arith.select %eq3A_554, %broadcast_in_dim3A_556, %get3A_551 : vector<16xi1>, vector<16xf32>
      %min3A_558 = arith.minimumf %min3A_545, %select_n3A_557 : vector<16xf32>
      %max3A_559 = arith.maximumf %max3A_546, %get3A_551 : vector<16xf32>
      %get3A_560 = arith.constant 10 : i32
      %get3A_561 = arith.index_cast %get3A_560 : i32 to index
      %get3A_562 = arith.constant 16 : index
      %get3A_563 = tpu.vector_load %arg5[%get3A_561, %get3A_562] {strides = array<i32>} : memref<32x148xf32, #tpu.memory_space<vmem>>, vector<1x16xf32>,
      %get3A_564 = vector.shape_cast %get3A_563 : vector<1x16xf32> to vector<16xf32>
      %eq3A_565 = arith.constant 0.000000e+00 : f32
      %eq3A_566 = vector.broadcast %eq3A_565 : f32 to vector<16xf32>
      %eq3A_567 = arith.cmpf oeq, %get3A_564, %eq3A_566 : vector<16xf32>
      %jit3A_568 = arith.constant 1.000000e+02 : f32
      %broadcast_in_dim3A_569 = vector.broadcast %jit3A_568 : f32 to vector<16xf32>
      %select_n3A_570 = arith.select %eq3A_567, %broadcast_in_dim3A_569, %get3A_564 : vector<16xi1>, vector<16xf32>
      %min3A_571 = arith.minimumf %min3A_558, %select_n3A_570 : vector<16xf32>
      %max3A_572 = arith.maximumf %max3A_559, %get3A_564 : vector<16xf32>
      %get3A_573 = arith.constant 11 : i32
      %get3A_574 = arith.index_cast %get3A_573 : i32 to index
      %get3A_575 = arith.constant 16 : index
      %get3A_576 = tpu.vector_load %arg5[%get3A_574, %get3A_575] {strides = array<i32>} : memref<32x148xf32, #tpu.memory_space<vmem>>, vector<1x16xf32>,
      %get3A_577 = vector.shape_cast %get3A_576 : vector<1x16xf32> to vector<16xf32>
      %eq3A_578 = arith.constant 0.000000e+00 : f32
      %eq3A_579 = vector.broadcast %eq3A_578 : f32 to vector<16xf32>
      %eq3A_580 = arith.cmpf oeq, %get3A_577, %eq3A_579 : vector<16xf32>
      %jit3A_581 = arith.constant 1.000000e+02 : f32
      %broadcast_in_dim3A_582 = vector.broadcast %jit3A_581 : f32 to vector<16xf32>
      %select_n3A_583 = arith.select %eq3A_580, %broadcast_in_dim3A_582, %get3A_577 : vector<16xi1>, vector<16xf32>
      %min3A_584 = arith.minimumf %min3A_571, %select_n3A_583 : vector<16xf32>
      %max3A_585 = arith.maximumf %max3A_572, %get3A_577 : vector<16xf32>
      %get3A_586 = arith.constant 12 : i32
      %get3A_587 = arith.index_cast %get3A_586 : i32 to index
      %get3A_588 = arith.constant 16 : index
      %get3A_589 = tpu.vector_load %arg5[%get3A_587, %get3A_588] {strides = array<i32>} : memref<32x148xf32, #tpu.memory_space<vmem>>, vector<1x16xf32>,
      %get3A_590 = vector.shape_cast %get3A_589 : vector<1x16xf32> to vector<16xf32>
      %eq3A_591 = arith.constant 0.000000e+00 : f32
      %eq3A_592 = vector.broadcast %eq3A_591 : f32 to vector<16xf32>
      %eq3A_593 = arith.cmpf oeq, %get3A_590, %eq3A_592 : vector<16xf32>
      %jit3A_594 = arith.constant 1.000000e+02 : f32
      %broadcast_in_dim3A_595 = vector.broadcast %jit3A_594 : f32 to vector<16xf32>
      %select_n3A_596 = arith.select %eq3A_593, %broadcast_in_dim3A_595, %get3A_590 : vector<16xi1>, vector<16xf32>
      %min3A_597 = arith.minimumf %min3A_584, %select_n3A_596 : vector<16xf32>
      %max3A_598 = arith.maximumf %max3A_585, %get3A_590 : vector<16xf32>
      %get3A_599 = arith.constant 13 : i32
      %get3A_600 = arith.index_cast %get3A_599 : i32 to index
      %get3A_601 = arith.constant 16 : index
      %get3A_602 = tpu.vector_load %arg5[%get3A_600, %get3A_601] {strides = array<i32>} : memref<32x148xf32, #tpu.memory_space<vmem>>, vector<1x16xf32>,
      %get3A_603 = vector.shape_cast %get3A_602 : vector<1x16xf32> to vector<16xf32>
      %eq3A_604 = arith.constant 0.000000e+00 : f32
      %eq3A_605 = vector.broadcast %eq3A_604 : f32 to vector<16xf32>
      %eq3A_606 = arith.cmpf oeq, %get3A_603, %eq3A_605 : vector<16xf32>
      %jit3A_607 = arith.constant 1.000000e+02 : f32
      %broadcast_in_dim3A_608 = vector.broadcast %jit3A_607 : f32 to vector<16xf32>
      %select_n3A_609 = arith.select %eq3A_606, %broadcast_in_dim3A_608, %get3A_603 : vector<16xi1>, vector<16xf32>
      %min3A_610 = arith.minimumf %min3A_597, %select_n3A_609 : vector<16xf32>
      %max3A_611 = arith.maximumf %max3A_598, %get3A_603 : vector<16xf32>
      %get3A_612 = arith.constant 14 : i32
      %get3A_613 = arith.index_cast %get3A_612 : i32 to index
      %get3A_614 = arith.constant 16 : index
      %get3A_615 = tpu.vector_load %arg5[%get3A_613, %get3A_614] {strides = array<i32>} : memref<32x148xf32, #tpu.memory_space<vmem>>, vector<1x16xf32>,
      %get3A_616 = vector.shape_cast %get3A_615 : vector<1x16xf32> to vector<16xf32>
      %eq3A_617 = arith.constant 0.000000e+00 : f32
      %eq3A_618 = vector.broadcast %eq3A_617 : f32 to vector<16xf32>
      %eq3A_619 = arith.cmpf oeq, %get3A_616, %eq3A_618 : vector<16xf32>
      %jit3A_620 = arith.constant 1.000000e+02 : f32
      %broadcast_in_dim3A_621 = vector.broadcast %jit3A_620 : f32 to vector<16xf32>
      %select_n3A_622 = arith.select %eq3A_619, %broadcast_in_dim3A_621, %get3A_616 : vector<16xi1>, vector<16xf32>
      %min3A_623 = arith.minimumf %min3A_610, %select_n3A_622 : vector<16xf32>
      %max3A_624 = arith.maximumf %max3A_611, %get3A_616 : vector<16xf32>
      %get3A_625 = arith.constant 15 : i32
      %get3A_626 = arith.index_cast %get3A_625 : i32 to index
      %get3A_627 = arith.constant 16 : index
      %get3A_628 = tpu.vector_load %arg5[%get3A_626, %get3A_627] {strides = array<i32>} : memref<32x148xf32, #tpu.memory_space<vmem>>, vector<1x16xf32>,
      %get3A_629 = vector.shape_cast %get3A_628 : vector<1x16xf32> to vector<16xf32>
      %eq3A_630 = arith.constant 0.000000e+00 : f32
      %eq3A_631 = vector.broadcast %eq3A_630 : f32 to vector<16xf32>
      %eq3A_632 = arith.cmpf oeq, %get3A_629, %eq3A_631 : vector<16xf32>
      %jit3A_633 = arith.constant 1.000000e+02 : f32
      %broadcast_in_dim3A_634 = vector.broadcast %jit3A_633 : f32 to vector<16xf32>
      %select_n3A_635 = arith.select %eq3A_632, %broadcast_in_dim3A_634, %get3A_629 : vector<16xi1>, vector<16xf32>
      %min3A_636 = arith.minimumf %min3A_623, %select_n3A_635 : vector<16xf32>
      %max3A_637 = arith.maximumf %max3A_624, %get3A_629 : vector<16xf32>
      %get3A_638 = arith.constant 16 : i32
      %get3A_639 = arith.index_cast %get3A_638 : i32 to index
      %get3A_640 = arith.constant 16 : index
      %get3A_641 = tpu.vector_load %arg5[%get3A_639, %get3A_640] {strides = array<i32>} : memref<32x148xf32, #tpu.memory_space<vmem>>, vector<1x16xf32>,
      %get3A_642 = vector.shape_cast %get3A_641 : vector<1x16xf32> to vector<16xf32>
      %eq3A_643 = arith.constant 0.000000e+00 : f32
      %eq3A_644 = vector.broadcast %eq3A_643 : f32 to vector<16xf32>
      %eq3A_645 = arith.cmpf oeq, %get3A_642, %eq3A_644 : vector<16xf32>
      %jit3A_646 = arith.constant 1.000000e+02 : f32
      %broadcast_in_dim3A_647 = vector.broadcast %jit3A_646 : f32 to vector<16xf32>
      %select_n3A_648 = arith.select %eq3A_645, %broadcast_in_dim3A_647, %get3A_642 : vector<16xi1>, vector<16xf32>
      %min3A_649 = arith.minimumf %min3A_636, %select_n3A_648 : vector<16xf32>
      %max3A_650 = arith.maximumf %max3A_637, %get3A_642 : vector<16xf32>
      %get3A_651 = arith.constant 17 : i32
      %get3A_652 = arith.index_cast %get3A_651 : i32 to index
      %get3A_653 = arith.constant 16 : index
      %get3A_654 = tpu.vector_load %arg5[%get3A_652, %get3A_653] {strides = array<i32>} : memref<32x148xf32, #tpu.memory_space<vmem>>, vector<1x16xf32>,
      %get3A_655 = vector.shape_cast %get3A_654 : vector<1x16xf32> to vector<16xf32>
      %eq3A_656 = arith.constant 0.000000e+00 : f32
      %eq3A_657 = vector.broadcast %eq3A_656 : f32 to vector<16xf32>
      %eq3A_658 = arith.cmpf oeq, %get3A_655, %eq3A_657 : vector<16xf32>
      %jit3A_659 = arith.constant 1.000000e+02 : f32
      %broadcast_in_dim3A_660 = vector.broadcast %jit3A_659 : f32 to vector<16xf32>
      %select_n3A_661 = arith.select %eq3A_658, %broadcast_in_dim3A_660, %get3A_655 : vector<16xi1>, vector<16xf32>
      %min3A_662 = arith.minimumf %min3A_649, %select_n3A_661 : vector<16xf32>
      %max3A_663 = arith.maximumf %max3A_650, %get3A_655 : vector<16xf32>
      %get3A_664 = arith.constant 18 : i32
      %get3A_665 = arith.index_cast %get3A_664 : i32 to index
      %get3A_666 = arith.constant 16 : index
      %get3A_667 = tpu.vector_load %arg5[%get3A_665, %get3A_666] {strides = array<i32>} : memref<32x148xf32, #tpu.memory_space<vmem>>, vector<1x16xf32>,
      %get3A_668 = vector.shape_cast %get3A_667 : vector<1x16xf32> to vector<16xf32>
      %eq3A_669 = arith.constant 0.000000e+00 : f32
      %eq3A_670 = vector.broadcast %eq3A_669 : f32 to vector<16xf32>
      %eq3A_671 = arith.cmpf oeq, %get3A_668, %eq3A_670 : vector<16xf32>
      %jit3A_672 = arith.constant 1.000000e+02 : f32
      %broadcast_in_dim3A_673 = vector.broadcast %jit3A_672 : f32 to vector<16xf32>
      %select_n3A_674 = arith.select %eq3A_671, %broadcast_in_dim3A_673, %get3A_668 : vector<16xi1>, vector<16xf32>
      %min3A_675 = arith.minimumf %min3A_662, %select_n3A_674 : vector<16xf32>
      %max3A_676 = arith.maximumf %max3A_663, %get3A_668 : vector<16xf32>
      %get3A_677 = arith.constant 19 : i32
      %get3A_678 = arith.index_cast %get3A_677 : i32 to index
      %get3A_679 = arith.constant 16 : index
      %get3A_680 = tpu.vector_load %arg5[%get3A_678, %get3A_679] {strides = array<i32>} : memref<32x148xf32, #tpu.memory_space<vmem>>, vector<1x16xf32>,
      %get3A_681 = vector.shape_cast %get3A_680 : vector<1x16xf32> to vector<16xf32>
      %eq3A_682 = arith.constant 0.000000e+00 : f32
      %eq3A_683 = vector.broadcast %eq3A_682 : f32 to vector<16xf32>
      %eq3A_684 = arith.cmpf oeq, %get3A_681, %eq3A_683 : vector<16xf32>
      %jit3A_685 = arith.constant 1.000000e+02 : f32
      %broadcast_in_dim3A_686 = vector.broadcast %jit3A_685 : f32 to vector<16xf32>
      %select_n3A_687 = arith.select %eq3A_684, %broadcast_in_dim3A_686, %get3A_681 : vector<16xi1>, vector<16xf32>
      %min3A_688 = arith.minimumf %min3A_675, %select_n3A_687 : vector<16xf32>
      %max3A_689 = arith.maximumf %max3A_676, %get3A_681 : vector<16xf32>
      %get3A_690 = arith.constant 20 : i32
      %get3A_691 = arith.index_cast %get3A_690 : i32 to index
      %get3A_692 = arith.constant 16 : index
      %get3A_693 = tpu.vector_load %arg5[%get3A_691, %get3A_692] {strides = array<i32>} : memref<32x148xf32, #tpu.memory_space<vmem>>, vector<1x16xf32>,
      %get3A_694 = vector.shape_cast %get3A_693 : vector<1x16xf32> to vector<16xf32>
      %eq3A_695 = arith.constant 0.000000e+00 : f32
      %eq3A_696 = vector.broadcast %eq3A_695 : f32 to vector<16xf32>
      %eq3A_697 = arith.cmpf oeq, %get3A_694, %eq3A_696 : vector<16xf32>
      %jit3A_698 = arith.constant 1.000000e+02 : f32
      %broadcast_in_dim3A_699 = vector.broadcast %jit3A_698 : f32 to vector<16xf32>
      %select_n3A_700 = arith.select %eq3A_697, %broadcast_in_dim3A_699, %get3A_694 : vector<16xi1>, vector<16xf32>
      %min3A_701 = arith.minimumf %min3A_688, %select_n3A_700 : vector<16xf32>
      %max3A_702 = arith.maximumf %max3A_689, %get3A_694 : vector<16xf32>
      %get3A_703 = arith.constant 21 : i32
      %get3A_704 = arith.index_cast %get3A_703 : i32 to index
      %get3A_705 = arith.constant 16 : index
      %get3A_706 = tpu.vector_load %arg5[%get3A_704, %get3A_705] {strides = array<i32>} : memref<32x148xf32, #tpu.memory_space<vmem>>, vector<1x16xf32>,
      %get3A_707 = vector.shape_cast %get3A_706 : vector<1x16xf32> to vector<16xf32>
      %eq3A_708 = arith.constant 0.000000e+00 : f32
      %eq3A_709 = vector.broadcast %eq3A_708 : f32 to vector<16xf32>
      %eq3A_710 = arith.cmpf oeq, %get3A_707, %eq3A_709 : vector<16xf32>
      %jit3A_711 = arith.constant 1.000000e+02 : f32
      %broadcast_in_dim3A_712 = vector.broadcast %jit3A_711 : f32 to vector<16xf32>
      %select_n3A_713 = arith.select %eq3A_710, %broadcast_in_dim3A_712, %get3A_707 : vector<16xi1>, vector<16xf32>
      %min3A_714 = arith.minimumf %min3A_701, %select_n3A_713 : vector<16xf32>
      %max3A_715 = arith.maximumf %max3A_702, %get3A_707 : vector<16xf32>
      %get3A_716 = arith.constant 22 : i32
      %get3A_717 = arith.index_cast %get3A_716 : i32 to index
      %get3A_718 = arith.constant 16 : index
      %get3A_719 = tpu.vector_load %arg5[%get3A_717, %get3A_718] {strides = array<i32>} : memref<32x148xf32, #tpu.memory_space<vmem>>, vector<1x16xf32>,
      %get3A_720 = vector.shape_cast %get3A_719 : vector<1x16xf32> to vector<16xf32>
      %eq3A_721 = arith.constant 0.000000e+00 : f32
      %eq3A_722 = vector.broadcast %eq3A_721 : f32 to vector<16xf32>
      %eq3A_723 = arith.cmpf oeq, %get3A_720, %eq3A_722 : vector<16xf32>
      %jit3A_724 = arith.constant 1.000000e+02 : f32
      %broadcast_in_dim3A_725 = vector.broadcast %jit3A_724 : f32 to vector<16xf32>
      %select_n3A_726 = arith.select %eq3A_723, %broadcast_in_dim3A_725, %get3A_720 : vector<16xi1>, vector<16xf32>
      %min3A_727 = arith.minimumf %min3A_714, %select_n3A_726 : vector<16xf32>
      %max3A_728 = arith.maximumf %max3A_715, %get3A_720 : vector<16xf32>
      %get3A_729 = arith.constant 23 : i32
      %get3A_730 = arith.index_cast %get3A_729 : i32 to index
      %get3A_731 = arith.constant 16 : index
      %get3A_732 = tpu.vector_load %arg5[%get3A_730, %get3A_731] {strides = array<i32>} : memref<32x148xf32, #tpu.memory_space<vmem>>, vector<1x16xf32>,
      %get3A_733 = vector.shape_cast %get3A_732 : vector<1x16xf32> to vector<16xf32>
      %eq3A_734 = arith.constant 0.000000e+00 : f32
      %eq3A_735 = vector.broadcast %eq3A_734 : f32 to vector<16xf32>
      %eq3A_736 = arith.cmpf oeq, %get3A_733, %eq3A_735 : vector<16xf32>
      %jit3A_737 = arith.constant 1.000000e+02 : f32
      %broadcast_in_dim3A_738 = vector.broadcast %jit3A_737 : f32 to vector<16xf32>
      %select_n3A_739 = arith.select %eq3A_736, %broadcast_in_dim3A_738, %get3A_733 : vector<16xi1>, vector<16xf32>
      %min3A_740 = arith.minimumf %min3A_727, %select_n3A_739 : vector<16xf32>
      %max3A_741 = arith.maximumf %max3A_728, %get3A_733 : vector<16xf32>
      %get3A_742 = arith.constant 24 : i32
      %get3A_743 = arith.index_cast %get3A_742 : i32 to index
      %get3A_744 = arith.constant 16 : index
      %get3A_745 = tpu.vector_load %arg5[%get3A_743, %get3A_744] {strides = array<i32>} : memref<32x148xf32, #tpu.memory_space<vmem>>, vector<1x16xf32>,
      %get3A_746 = vector.shape_cast %get3A_745 : vector<1x16xf32> to vector<16xf32>
      %eq3A_747 = arith.constant 0.000000e+00 : f32
      %eq3A_748 = vector.broadcast %eq3A_747 : f32 to vector<16xf32>
      %eq3A_749 = arith.cmpf oeq, %get3A_746, %eq3A_748 : vector<16xf32>
      %jit3A_750 = arith.constant 1.000000e+02 : f32
      %broadcast_in_dim3A_751 = vector.broadcast %jit3A_750 : f32 to vector<16xf32>
      %select_n3A_752 = arith.select %eq3A_749, %broadcast_in_dim3A_751, %get3A_746 : vector<16xi1>, vector<16xf32>
      %min3A_753 = arith.minimumf %min3A_740, %select_n3A_752 : vector<16xf32>
      %max3A_754 = arith.maximumf %max3A_741, %get3A_746 : vector<16xf32>
      %get3A_755 = arith.constant 25 : i32
      %get3A_756 = arith.index_cast %get3A_755 : i32 to index
      %get3A_757 = arith.constant 16 : index
      %get3A_758 = tpu.vector_load %arg5[%get3A_756, %get3A_757] {strides = array<i32>} : memref<32x148xf32, #tpu.memory_space<vmem>>, vector<1x16xf32>,
      %get3A_759 = vector.shape_cast %get3A_758 : vector<1x16xf32> to vector<16xf32>
      %eq3A_760 = arith.constant 0.000000e+00 : f32
      %eq3A_761 = vector.broadcast %eq3A_760 : f32 to vector<16xf32>
      %eq3A_762 = arith.cmpf oeq, %get3A_759, %eq3A_761 : vector<16xf32>
      %jit3A_763 = arith.constant 1.000000e+02 : f32
      %broadcast_in_dim3A_764 = vector.broadcast %jit3A_763 : f32 to vector<16xf32>
      %select_n3A_765 = arith.select %eq3A_762, %broadcast_in_dim3A_764, %get3A_759 : vector<16xi1>, vector<16xf32>
      %min3A_766 = arith.minimumf %min3A_753, %select_n3A_765 : vector<16xf32>
      %max3A_767 = arith.maximumf %max3A_754, %get3A_759 : vector<16xf32>
      %get3A_768 = arith.constant 26 : i32
      %get3A_769 = arith.index_cast %get3A_768 : i32 to index
      %get3A_770 = arith.constant 16 : index
      %get3A_771 = tpu.vector_load %arg5[%get3A_769, %get3A_770] {strides = array<i32>} : memref<32x148xf32, #tpu.memory_space<vmem>>, vector<1x16xf32>,
      %get3A_772 = vector.shape_cast %get3A_771 : vector<1x16xf32> to vector<16xf32>
      %eq3A_773 = arith.constant 0.000000e+00 : f32
      %eq3A_774 = vector.broadcast %eq3A_773 : f32 to vector<16xf32>
      %eq3A_775 = arith.cmpf oeq, %get3A_772, %eq3A_774 : vector<16xf32>
      %jit3A_776 = arith.constant 1.000000e+02 : f32
      %broadcast_in_dim3A_777 = vector.broadcast %jit3A_776 : f32 to vector<16xf32>
      %select_n3A_778 = arith.select %eq3A_775, %broadcast_in_dim3A_777, %get3A_772 : vector<16xi1>, vector<16xf32>
      %min3A_779 = arith.minimumf %min3A_766, %select_n3A_778 : vector<16xf32>
      %max3A_780 = arith.maximumf %max3A_767, %get3A_772 : vector<16xf32>
      %get3A_781 = arith.constant 27 : i32
      %get3A_782 = arith.index_cast %get3A_781 : i32 to index
      %get3A_783 = arith.constant 16 : index
      %get3A_784 = tpu.vector_load %arg5[%get3A_782, %get3A_783] {strides = array<i32>} : memref<32x148xf32, #tpu.memory_space<vmem>>, vector<1x16xf32>,
      %get3A_785 = vector.shape_cast %get3A_784 : vector<1x16xf32> to vector<16xf32>
      %eq3A_786 = arith.constant 0.000000e+00 : f32
      %eq3A_787 = vector.broadcast %eq3A_786 : f32 to vector<16xf32>
      %eq3A_788 = arith.cmpf oeq, %get3A_785, %eq3A_787 : vector<16xf32>
      %jit3A_789 = arith.constant 1.000000e+02 : f32
      %broadcast_in_dim3A_790 = vector.broadcast %jit3A_789 : f32 to vector<16xf32>
      %select_n3A_791 = arith.select %eq3A_788, %broadcast_in_dim3A_790, %get3A_785 : vector<16xi1>, vector<16xf32>
      %min3A_792 = arith.minimumf %min3A_779, %select_n3A_791 : vector<16xf32>
      %max3A_793 = arith.maximumf %max3A_780, %get3A_785 : vector<16xf32>
      %get3A_794 = arith.constant 28 : i32
      %get3A_795 = arith.index_cast %get3A_794 : i32 to index
      %get3A_796 = arith.constant 16 : index
      %get3A_797 = tpu.vector_load %arg5[%get3A_795, %get3A_796] {strides = array<i32>} : memref<32x148xf32, #tpu.memory_space<vmem>>, vector<1x16xf32>,
      %get3A_798 = vector.shape_cast %get3A_797 : vector<1x16xf32> to vector<16xf32>
      %eq3A_799 = arith.constant 0.000000e+00 : f32
      %eq3A_800 = vector.broadcast %eq3A_799 : f32 to vector<16xf32>
      %eq3A_801 = arith.cmpf oeq, %get3A_798, %eq3A_800 : vector<16xf32>
      %jit3A_802 = arith.constant 1.000000e+02 : f32
      %broadcast_in_dim3A_803 = vector.broadcast %jit3A_802 : f32 to vector<16xf32>
      %select_n3A_804 = arith.select %eq3A_801, %broadcast_in_dim3A_803, %get3A_798 : vector<16xi1>, vector<16xf32>
      %min3A_805 = arith.minimumf %min3A_792, %select_n3A_804 : vector<16xf32>
      %max3A_806 = arith.maximumf %max3A_793, %get3A_798 : vector<16xf32>
      %get3A_807 = arith.constant 29 : i32
      %get3A_808 = arith.index_cast %get3A_807 : i32 to index
      %get3A_809 = arith.constant 16 : index
      %get3A_810 = tpu.vector_load %arg5[%get3A_808, %get3A_809] {strides = array<i32>} : memref<32x148xf32, #tpu.memory_space<vmem>>, vector<1x16xf32>,
      %get3A_811 = vector.shape_cast %get3A_810 : vector<1x16xf32> to vector<16xf32>
      %eq3A_812 = arith.constant 0.000000e+00 : f32
      %eq3A_813 = vector.broadcast %eq3A_812 : f32 to vector<16xf32>
      %eq3A_814 = arith.cmpf oeq, %get3A_811, %eq3A_813 : vector<16xf32>
      %jit3A_815 = arith.constant 1.000000e+02 : f32
      %broadcast_in_dim3A_816 = vector.broadcast %jit3A_815 : f32 to vector<16xf32>
      %select_n3A_817 = arith.select %eq3A_814, %broadcast_in_dim3A_816, %get3A_811 : vector<16xi1>, vector<16xf32>
      %min3A_818 = arith.minimumf %min3A_805, %select_n3A_817 : vector<16xf32>
      %max3A_819 = arith.maximumf %max3A_806, %get3A_811 : vector<16xf32>
      %get3A_820 = arith.constant 30 : i32
      %get3A_821 = arith.index_cast %get3A_820 : i32 to index
      %get3A_822 = arith.constant 16 : index
      %get3A_823 = tpu.vector_load %arg5[%get3A_821, %get3A_822] {strides = array<i32>} : memref<32x148xf32, #tpu.memory_space<vmem>>, vector<1x16xf32>,
      %get3A_824 = vector.shape_cast %get3A_823 : vector<1x16xf32> to vector<16xf32>
      %eq3A_825 = arith.constant 0.000000e+00 : f32
      %eq3A_826 = vector.broadcast %eq3A_825 : f32 to vector<16xf32>
      %eq3A_827 = arith.cmpf oeq, %get3A_824, %eq3A_826 : vector<16xf32>
      %jit3A_828 = arith.constant 1.000000e+02 : f32
      %broadcast_in_dim3A_829 = vector.broadcast %jit3A_828 : f32 to vector<16xf32>
      %select_n3A_830 = arith.select %eq3A_827, %broadcast_in_dim3A_829, %get3A_824 : vector<16xi1>, vector<16xf32>
      %min3A_831 = arith.minimumf %min3A_818, %select_n3A_830 : vector<16xf32>
      %max3A_832 = arith.maximumf %max3A_819, %get3A_824 : vector<16xf32>
      %get3A_833 = arith.constant 31 : i32
      %get3A_834 = arith.index_cast %get3A_833 : i32 to index
      %get3A_835 = arith.constant 16 : index
      %get3A_836 = tpu.vector_load %arg5[%get3A_834, %get3A_835] {strides = array<i32>} : memref<32x148xf32, #tpu.memory_space<vmem>>, vector<1x16xf32>,
      %get3A_837 = vector.shape_cast %get3A_836 : vector<1x16xf32> to vector<16xf32>
      %eq3A_838 = arith.constant 0.000000e+00 : f32
      %eq3A_839 = vector.broadcast %eq3A_838 : f32 to vector<16xf32>
      %eq3A_840 = arith.cmpf oeq, %get3A_837, %eq3A_839 : vector<16xf32>
      %jit3A_841 = arith.constant 1.000000e+02 : f32
      %broadcast_in_dim3A_842 = vector.broadcast %jit3A_841 : f32 to vector<16xf32>
      %select_n3A_843 = arith.select %eq3A_840, %broadcast_in_dim3A_842, %get3A_837 : vector<16xi1>, vector<16xf32>
      %min3A_844 = arith.minimumf %min3A_831, %select_n3A_843 : vector<16xf32>
      %max3A_845 = arith.maximumf %max3A_832, %get3A_837 : vector<16xf32>
      %swap3A_846 = arith.constant 16 : index
      %swap3A_847 = tpu.vector_load %arg6[%swap3A_846] {strides = array<i32>} : memref<148xf32, #tpu.memory_space<vmem>>, vector<16xf32>,
      %swap3A_848 = vector.shape_cast %swap3A_847 : vector<16xf32> to vector<16xf32>
      %swap3A_849 = vector.shape_cast %min3A_844 : vector<16xf32> to vector<16xf32>
      tpu.vector_store %arg6[%swap3A_846], %swap3A_849 {strides = array<i32>} : memref<148xf32, #tpu.memory_space<vmem>>, vector<16xf32>,
      %swap3A_850 = arith.constant 16 : index
      %swap3A_851 = tpu.vector_load %arg7[%swap3A_850] {strides = array<i32>} : memref<148xf32, #tpu.memory_space<vmem>>, vector<16xf32>,
      %swap3A_852 = vector.shape_cast %swap3A_851 : vector<16xf32> to vector<16xf32>
      %swap3A_853 = vector.shape_cast %max3A_845 : vector<16xf32> to vector<16xf32>
      tpu.vector_store %arg7[%swap3A_850], %swap3A_853 {strides = array<i32>} : memref<148xf32, #tpu.memory_space<vmem>>, vector<16xf32>,
      %get3A_854 = arith.constant 0 : i32
      %get3A_855 = arith.index_cast %get3A_854 : i32 to index
      %get3A_856 = arith.constant 32 : index
      %get3A_857 = tpu.vector_load %arg5[%get3A_855, %get3A_856] {strides = array<i32>} : memref<32x148xf32, #tpu.memory_space<vmem>>, vector<1x16xf32>,
      %get3A_858 = vector.shape_cast %get3A_857 : vector<1x16xf32> to vector<16xf32>
      %eq3A_859 = arith.constant 0.000000e+00 : f32
      %eq3A_860 = vector.broadcast %eq3A_859 : f32 to vector<16xf32>
      %eq3A_861 = arith.cmpf oeq, %get3A_858, %eq3A_860 : vector<16xf32>
      %jit3A_862 = arith.constant 1.000000e+02 : f32
      %broadcast_in_dim3A_863 = vector.broadcast %jit3A_862 : f32 to vector<16xf32>
      %select_n3A_864 = arith.select %eq3A_861, %broadcast_in_dim3A_863, %get3A_858 : vector<16xi1>, vector<16xf32>
      %min3A_865 = arith.minimumf %broadcast_in_dim3A_3, %select_n3A_864 : vector<16xf32>
      %max3A_866 = arith.maximumf %broadcast_in_dim3A_5, %get3A_858 : vector<16xf32>
      %get3A_867 = arith.constant 1 : i32
      %get3A_868 = arith.index_cast %get3A_867 : i32 to index
      %get3A_869 = arith.constant 32 : index
      %get3A_870 = tpu.vector_load %arg5[%get3A_868, %get3A_869] {strides = array<i32>} : memref<32x148xf32, #tpu.memory_space<vmem>>, vector<1x16xf32>,
      %get3A_871 = vector.shape_cast %get3A_870 : vector<1x16xf32> to vector<16xf32>
      %eq3A_872 = arith.constant 0.000000e+00 : f32
      %eq3A_873 = vector.broadcast %eq3A_872 : f32 to vector<16xf32>
      %eq3A_874 = arith.cmpf oeq, %get3A_871, %eq3A_873 : vector<16xf32>
      %jit3A_875 = arith.constant 1.000000e+02 : f32
      %broadcast_in_dim3A_876 = vector.broadcast %jit3A_875 : f32 to vector<16xf32>
      %select_n3A_877 = arith.select %eq3A_874, %broadcast_in_dim3A_876, %get3A_871 : vector<16xi1>, vector<16xf32>
      %min3A_878 = arith.minimumf %min3A_865, %select_n3A_877 : vector<16xf32>
      %max3A_879 = arith.maximumf %max3A_866, %get3A_871 : vector<16xf32>
      %get3A_880 = arith.constant 2 : i32
      %get3A_881 = arith.index_cast %get3A_880 : i32 to index
      %get3A_882 = arith.constant 32 : index
      %get3A_883 = tpu.vector_load %arg5[%get3A_881, %get3A_882] {strides = array<i32>} : memref<32x148xf32, #tpu.memory_space<vmem>>, vector<1x16xf32>,
      %get3A_884 = vector.shape_cast %get3A_883 : vector<1x16xf32> to vector<16xf32>
      %eq3A_885 = arith.constant 0.000000e+00 : f32
      %eq3A_886 = vector.broadcast %eq3A_885 : f32 to vector<16xf32>
      %eq3A_887 = arith.cmpf oeq, %get3A_884, %eq3A_886 : vector<16xf32>
      %jit3A_888 = arith.constant 1.000000e+02 : f32
      %broadcast_in_dim3A_889 = vector.broadcast %jit3A_888 : f32 to vector<16xf32>
      %select_n3A_890 = arith.select %eq3A_887, %broadcast_in_dim3A_889, %get3A_884 : vector<16xi1>, vector<16xf32>
      %min3A_891 = arith.minimumf %min3A_878, %select_n3A_890 : vector<16xf32>
      %max3A_892 = arith.maximumf %max3A_879, %get3A_884 : vector<16xf32>
      %get3A_893 = arith.constant 3 : i32
      %get3A_894 = arith.index_cast %get3A_893 : i32 to index
      %get3A_895 = arith.constant 32 : index
      %get3A_896 = tpu.vector_load %arg5[%get3A_894, %get3A_895] {strides = array<i32>} : memref<32x148xf32, #tpu.memory_space<vmem>>, vector<1x16xf32>,
      %get3A_897 = vector.shape_cast %get3A_896 : vector<1x16xf32> to vector<16xf32>
      %eq3A_898 = arith.constant 0.000000e+00 : f32
      %eq3A_899 = vector.broadcast %eq3A_898 : f32 to vector<16xf32>
      %eq3A_900 = arith.cmpf oeq, %get3A_897, %eq3A_899 : vector<16xf32>
      %jit3A_901 = arith.constant 1.000000e+02 : f32
      %broadcast_in_dim3A_902 = vector.broadcast %jit3A_901 : f32 to vector<16xf32>
      %select_n3A_903 = arith.select %eq3A_900, %broadcast_in_dim3A_902, %get3A_897 : vector<16xi1>, vector<16xf32>
      %min3A_904 = arith.minimumf %min3A_891, %select_n3A_903 : vector<16xf32>
      %max3A_905 = arith.maximumf %max3A_892, %get3A_897 : vector<16xf32>
      %get3A_906 = arith.constant 4 : i32
      %get3A_907 = arith.index_cast %get3A_906 : i32 to index
      %get3A_908 = arith.constant 32 : index
      %get3A_909 = tpu.vector_load %arg5[%get3A_907, %get3A_908] {strides = array<i32>} : memref<32x148xf32, #tpu.memory_space<vmem>>, vector<1x16xf32>,
      %get3A_910 = vector.shape_cast %get3A_909 : vector<1x16xf32> to vector<16xf32>
      %eq3A_911 = arith.constant 0.000000e+00 : f32
      %eq3A_912 = vector.broadcast %eq3A_911 : f32 to vector<16xf32>
      %eq3A_913 = arith.cmpf oeq, %get3A_910, %eq3A_912 : vector<16xf32>
      %jit3A_914 = arith.constant 1.000000e+02 : f32
      %broadcast_in_dim3A_915 = vector.broadcast %jit3A_914 : f32 to vector<16xf32>
      %select_n3A_916 = arith.select %eq3A_913, %broadcast_in_dim3A_915, %get3A_910 : vector<16xi1>, vector<16xf32>
      %min3A_917 = arith.minimumf %min3A_904, %select_n3A_916 : vector<16xf32>
      %max3A_918 = arith.maximumf %max3A_905, %get3A_910 : vector<16xf32>
      %get3A_919 = arith.constant 5 : i32
      %get3A_920 = arith.index_cast %get3A_919 : i32 to index
      %get3A_921 = arith.constant 32 : index
      %get3A_922 = tpu.vector_load %arg5[%get3A_920, %get3A_921] {strides = array<i32>} : memref<32x148xf32, #tpu.memory_space<vmem>>, vector<1x16xf32>,
      %get3A_923 = vector.shape_cast %get3A_922 : vector<1x16xf32> to vector<16xf32>
      %eq3A_924 = arith.constant 0.000000e+00 : f32
      %eq3A_925 = vector.broadcast %eq3A_924 : f32 to vector<16xf32>
      %eq3A_926 = arith.cmpf oeq, %get3A_923, %eq3A_925 : vector<16xf32>
      %jit3A_927 = arith.constant 1.000000e+02 : f32
      %broadcast_in_dim3A_928 = vector.broadcast %jit3A_927 : f32 to vector<16xf32>
      %select_n3A_929 = arith.select %eq3A_926, %broadcast_in_dim3A_928, %get3A_923 : vector<16xi1>, vector<16xf32>
      %min3A_930 = arith.minimumf %min3A_917, %select_n3A_929 : vector<16xf32>
      %max3A_931 = arith.maximumf %max3A_918, %get3A_923 : vector<16xf32>
      %get3A_932 = arith.constant 6 : i32
      %get3A_933 = arith.index_cast %get3A_932 : i32 to index
      %get3A_934 = arith.constant 32 : index
      %get3A_935 = tpu.vector_load %arg5[%get3A_933, %get3A_934] {strides = array<i32>} : memref<32x148xf32, #tpu.memory_space<vmem>>, vector<1x16xf32>,
      %get3A_936 = vector.shape_cast %get3A_935 : vector<1x16xf32> to vector<16xf32>
      %eq3A_937 = arith.constant 0.000000e+00 : f32
      %eq3A_938 = vector.broadcast %eq3A_937 : f32 to vector<16xf32>
      %eq3A_939 = arith.cmpf oeq, %get3A_936, %eq3A_938 : vector<16xf32>
      %jit3A_940 = arith.constant 1.000000e+02 : f32
      %broadcast_in_dim3A_941 = vector.broadcast %jit3A_940 : f32 to vector<16xf32>
      %select_n3A_942 = arith.select %eq3A_939, %broadcast_in_dim3A_941, %get3A_936 : vector<16xi1>, vector<16xf32>
      %min3A_943 = arith.minimumf %min3A_930, %select_n3A_942 : vector<16xf32>
      %max3A_944 = arith.maximumf %max3A_931, %get3A_936 : vector<16xf32>
      %get3A_945 = arith.constant 7 : i32
      %get3A_946 = arith.index_cast %get3A_945 : i32 to index
      %get3A_947 = arith.constant 32 : index
      %get3A_948 = tpu.vector_load %arg5[%get3A_946, %get3A_947] {strides = array<i32>} : memref<32x148xf32, #tpu.memory_space<vmem>>, vector<1x16xf32>,
      %get3A_949 = vector.shape_cast %get3A_948 : vector<1x16xf32> to vector<16xf32>
      %eq3A_950 = arith.constant 0.000000e+00 : f32
      %eq3A_951 = vector.broadcast %eq3A_950 : f32 to vector<16xf32>
      %eq3A_952 = arith.cmpf oeq, %get3A_949, %eq3A_951 : vector<16xf32>
      %jit3A_953 = arith.constant 1.000000e+02 : f32
      %broadcast_in_dim3A_954 = vector.broadcast %jit3A_953 : f32 to vector<16xf32>
      %select_n3A_955 = arith.select %eq3A_952, %broadcast_in_dim3A_954, %get3A_949 : vector<16xi1>, vector<16xf32>
      %min3A_956 = arith.minimumf %min3A_943, %select_n3A_955 : vector<16xf32>
      %max3A_957 = arith.maximumf %max3A_944, %get3A_949 : vector<16xf32>
      %get3A_958 = arith.constant 8 : i32
      %get3A_959 = arith.index_cast %get3A_958 : i32 to index
      %get3A_960 = arith.constant 32 : index
      %get3A_961 = tpu.vector_load %arg5[%get3A_959, %get3A_960] {strides = array<i32>} : memref<32x148xf32, #tpu.memory_space<vmem>>, vector<1x16xf32>,
      %get3A_962 = vector.shape_cast %get3A_961 : vector<1x16xf32> to vector<16xf32>
      %eq3A_963 = arith.constant 0.000000e+00 : f32
      %eq3A_964 = vector.broadcast %eq3A_963 : f32 to vector<16xf32>
      %eq3A_965 = arith.cmpf oeq, %get3A_962, %eq3A_964 : vector<16xf32>
      %jit3A_966 = arith.constant 1.000000e+02 : f32
      %broadcast_in_dim3A_967 = vector.broadcast %jit3A_966 : f32 to vector<16xf32>
      %select_n3A_968 = arith.select %eq3A_965, %broadcast_in_dim3A_967, %get3A_962 : vector<16xi1>, vector<16xf32>
      %min3A_969 = arith.minimumf %min3A_956, %select_n3A_968 : vector<16xf32>
      %max3A_970 = arith.maximumf %max3A_957, %get3A_962 : vector<16xf32>
      %get3A_971 = arith.constant 9 : i32
      %get3A_972 = arith.index_cast %get3A_971 : i32 to index
      %get3A_973 = arith.constant 32 : index
      %get3A_974 = tpu.vector_load %arg5[%get3A_972, %get3A_973] {strides = array<i32>} : memref<32x148xf32, #tpu.memory_space<vmem>>, vector<1x16xf32>,
      %get3A_975 = vector.shape_cast %get3A_974 : vector<1x16xf32> to vector<16xf32>
      %eq3A_976 = arith.constant 0.000000e+00 : f32
      %eq3A_977 = vector.broadcast %eq3A_976 : f32 to vector<16xf32>
      %eq3A_978 = arith.cmpf oeq, %get3A_975, %eq3A_977 : vector<16xf32>
      %jit3A_979 = arith.constant 1.000000e+02 : f32
      %broadcast_in_dim3A_980 = vector.broadcast %jit3A_979 : f32 to vector<16xf32>
      %select_n3A_981 = arith.select %eq3A_978, %broadcast_in_dim3A_980, %get3A_975 : vector<16xi1>, vector<16xf32>
      %min3A_982 = arith.minimumf %min3A_969, %select_n3A_981 : vector<16xf32>
      %max3A_983 = arith.maximumf %max3A_970, %get3A_975 : vector<16xf32>
      %get3A_984 = arith.constant 10 : i32
      %get3A_985 = arith.index_cast %get3A_984 : i32 to index
      %get3A_986 = arith.constant 32 : index
      %get3A_987 = tpu.vector_load %arg5[%get3A_985, %get3A_986] {strides = array<i32>} : memref<32x148xf32, #tpu.memory_space<vmem>>, vector<1x16xf32>,
      %get3A_988 = vector.shape_cast %get3A_987 : vector<1x16xf32> to vector<16xf32>
      %eq3A_989 = arith.constant 0.000000e+00 : f32
      %eq3A_990 = vector.broadcast %eq3A_989 : f32 to vector<16xf32>
      %eq3A_991 = arith.cmpf oeq, %get3A_988, %eq3A_990 : vector<16xf32>
      %jit3A_992 = arith.constant 1.000000e+02 : f32
      %broadcast_in_dim3A_993 = vector.broadcast %jit3A_992 : f32 to vector<16xf32>
      %select_n3A_994 = arith.select %eq3A_991, %broadcast_in_dim3A_993, %get3A_988 : vector<16xi1>, vector<16xf32>
      %min3A_995 = arith.minimumf %min3A_982, %select_n3A_994 : vector<16xf32>
      %max3A_996 = arith.maximumf %max3A_983, %get3A_988 : vector<16xf32>
      %get3A_997 = arith.constant 11 : i32
      %get3A_998 = arith.index_cast %get3A_997 : i32 to index
      %get3A_999 = arith.constant 32 : index
      %get3A_1000 = tpu.vector_load %arg5[%get3A_998, %get3A_999] {strides = array<i32>} : memref<32x148xf32, #tpu.memory_space<vmem>>, vector<1x16xf32>,
      %get3A_1001 = vector.shape_cast %get3A_1000 : vector<1x16xf32> to vector<16xf32>
      %eq3A_1002 = arith.constant 0.000000e+00 : f32
      %eq3A_1003 = vector.broadcast %eq3A_1002 : f32 to vector<16xf32>
      %eq3A_1004 = arith.cmpf oeq, %get3A_1001, %eq3A_1003 : vector<16xf32>
      %jit3A_1005 = arith.constant 1.000000e+02 : f32
      %broadcast_in_dim3A_1006 = vector.broadcast %jit3A_1005 : f32 to vector<16xf32>
      %select_n3A_1007 = arith.select %eq3A_1004, %broadcast_in_dim3A_1006, %get3A_1001 : vector<16xi1>, vector<16xf32>
      %min3A_1008 = arith.minimumf %min3A_995, %select_n3A_1007 : vector<16xf32>
      %max3A_1009 = arith.maximumf %max3A_996, %get3A_1001 : vector<16xf32>
      %get3A_1010 = arith.constant 12 : i32
      %get3A_1011 = arith.index_cast %get3A_1010 : i32 to index
      %get3A_1012 = arith.constant 32 : index
      %get3A_1013 = tpu.vector_load %arg5[%get3A_1011, %get3A_1012] {strides = array<i32>} : memref<32x148xf32, #tpu.memory_space<vmem>>, vector<1x16xf32>,
      %get3A_1014 = vector.shape_cast %get3A_1013 : vector<1x16xf32> to vector<16xf32>
      %eq3A_1015 = arith.constant 0.000000e+00 : f32
      %eq3A_1016 = vector.broadcast %eq3A_1015 : f32 to vector<16xf32>
      %eq3A_1017 = arith.cmpf oeq, %get3A_1014, %eq3A_1016 : vector<16xf32>
      %jit3A_1018 = arith.constant 1.000000e+02 : f32
      %broadcast_in_dim3A_1019 = vector.broadcast %jit3A_1018 : f32 to vector<16xf32>
      %select_n3A_1020 = arith.select %eq3A_1017, %broadcast_in_dim3A_1019, %get3A_1014 : vector<16xi1>, vector<16xf32>
      %min3A_1021 = arith.minimumf %min3A_1008, %select_n3A_1020 : vector<16xf32>
      %max3A_1022 = arith.maximumf %max3A_1009, %get3A_1014 : vector<16xf32>
      %get3A_1023 = arith.constant 13 : i32
      %get3A_1024 = arith.index_cast %get3A_1023 : i32 to index
      %get3A_1025 = arith.constant 32 : index
      %get3A_1026 = tpu.vector_load %arg5[%get3A_1024, %get3A_1025] {strides = array<i32>} : memref<32x148xf32, #tpu.memory_space<vmem>>, vector<1x16xf32>,
      %get3A_1027 = vector.shape_cast %get3A_1026 : vector<1x16xf32> to vector<16xf32>
      %eq3A_1028 = arith.constant 0.000000e+00 : f32
      %eq3A_1029 = vector.broadcast %eq3A_1028 : f32 to vector<16xf32>
      %eq3A_1030 = arith.cmpf oeq, %get3A_1027, %eq3A_1029 : vector<16xf32>
      %jit3A_1031 = arith.constant 1.000000e+02 : f32
      %broadcast_in_dim3A_1032 = vector.broadcast %jit3A_1031 : f32 to vector<16xf32>
      %select_n3A_1033 = arith.select %eq3A_1030, %broadcast_in_dim3A_1032, %get3A_1027 : vector<16xi1>, vector<16xf32>
      %min3A_1034 = arith.minimumf %min3A_1021, %select_n3A_1033 : vector<16xf32>
      %max3A_1035 = arith.maximumf %max3A_1022, %get3A_1027 : vector<16xf32>
      %get3A_1036 = arith.constant 14 : i32
      %get3A_1037 = arith.index_cast %get3A_1036 : i32 to index
      %get3A_1038 = arith.constant 32 : index
      %get3A_1039 = tpu.vector_load %arg5[%get3A_1037, %get3A_1038] {strides = array<i32>} : memref<32x148xf32, #tpu.memory_space<vmem>>, vector<1x16xf32>,
      %get3A_1040 = vector.shape_cast %get3A_1039 : vector<1x16xf32> to vector<16xf32>
      %eq3A_1041 = arith.constant 0.000000e+00 : f32
      %eq3A_1042 = vector.broadcast %eq3A_1041 : f32 to vector<16xf32>
      %eq3A_1043 = arith.cmpf oeq, %get3A_1040, %eq3A_1042 : vector<16xf32>
      %jit3A_1044 = arith.constant 1.000000e+02 : f32
      %broadcast_in_dim3A_1045 = vector.broadcast %jit3A_1044 : f32 to vector<16xf32>
      %select_n3A_1046 = arith.select %eq3A_1043, %broadcast_in_dim3A_1045, %get3A_1040 : vector<16xi1>, vector<16xf32>
      %min3A_1047 = arith.minimumf %min3A_1034, %select_n3A_1046 : vector<16xf32>
      %max3A_1048 = arith.maximumf %max3A_1035, %get3A_1040 : vector<16xf32>
      %get3A_1049 = arith.constant 15 : i32
      %get3A_1050 = arith.index_cast %get3A_1049 : i32 to index
      %get3A_1051 = arith.constant 32 : index
      %get3A_1052 = tpu.vector_load %arg5[%get3A_1050, %get3A_1051] {strides = array<i32>} : memref<32x148xf32, #tpu.memory_space<vmem>>, vector<1x16xf32>,
      %get3A_1053 = vector.shape_cast %get3A_1052 : vector<1x16xf32> to vector<16xf32>
      %eq3A_1054 = arith.constant 0.000000e+00 : f32
      %eq3A_1055 = vector.broadcast %eq3A_1054 : f32 to vector<16xf32>
      %eq3A_1056 = arith.cmpf oeq, %get3A_1053, %eq3A_1055 : vector<16xf32>
      %jit3A_1057 = arith.constant 1.000000e+02 : f32
      %broadcast_in_dim3A_1058 = vector.broadcast %jit3A_1057 : f32 to vector<16xf32>
      %select_n3A_1059 = arith.select %eq3A_1056, %broadcast_in_dim3A_1058, %get3A_1053 : vector<16xi1>, vector<16xf32>
      %min3A_1060 = arith.minimumf %min3A_1047, %select_n3A_1059 : vector<16xf32>
      %max3A_1061 = arith.maximumf %max3A_1048, %get3A_1053 : vector<16xf32>
      %get3A_1062 = arith.constant 16 : i32
      %get3A_1063 = arith.index_cast %get3A_1062 : i32 to index
      %get3A_1064 = arith.constant 32 : index
      %get3A_1065 = tpu.vector_load %arg5[%get3A_1063, %get3A_1064] {strides = array<i32>} : memref<32x148xf32, #tpu.memory_space<vmem>>, vector<1x16xf32>,
      %get3A_1066 = vector.shape_cast %get3A_1065 : vector<1x16xf32> to vector<16xf32>
      %eq3A_1067 = arith.constant 0.000000e+00 : f32
      %eq3A_1068 = vector.broadcast %eq3A_1067 : f32 to vector<16xf32>
      %eq3A_1069 = arith.cmpf oeq, %get3A_1066, %eq3A_1068 : vector<16xf32>
      %jit3A_1070 = arith.constant 1.000000e+02 : f32
      %broadcast_in_dim3A_1071 = vector.broadcast %jit3A_1070 : f32 to vector<16xf32>
      %select_n3A_1072 = arith.select %eq3A_1069, %broadcast_in_dim3A_1071, %get3A_1066 : vector<16xi1>, vector<16xf32>
      %min3A_1073 = arith.minimumf %min3A_1060, %select_n3A_1072 : vector<16xf32>
      %max3A_1074 = arith.maximumf %max3A_1061, %get3A_1066 : vector<16xf32>
      %get3A_1075 = arith.constant 17 : i32
      %get3A_1076 = arith.index_cast %get3A_1075 : i32 to index
      %get3A_1077 = arith.constant 32 : index
      %get3A_1078 = tpu.vector_load %arg5[%get3A_1076, %get3A_1077] {strides = array<i32>} : memref<32x148xf32, #tpu.memory_space<vmem>>, vector<1x16xf32>,
      %get3A_1079 = vector.shape_cast %get3A_1078 : vector<1x16xf32> to vector<16xf32>
      %eq3A_1080 = arith.constant 0.000000e+00 : f32
      %eq3A_1081 = vector.broadcast %eq3A_1080 : f32 to vector<16xf32>
      %eq3A_1082 = arith.cmpf oeq, %get3A_1079, %eq3A_1081 : vector<16xf32>
      %jit3A_1083 = arith.constant 1.000000e+02 : f32
      %broadcast_in_dim3A_1084 = vector.broadcast %jit3A_1083 : f32 to vector<16xf32>
      %select_n3A_1085 = arith.select %eq3A_1082, %broadcast_in_dim3A_1084, %get3A_1079 : vector<16xi1>, vector<16xf32>
      %min3A_1086 = arith.minimumf %min3A_1073, %select_n3A_1085 : vector<16xf32>
      %max3A_1087 = arith.maximumf %max3A_1074, %get3A_1079 : vector<16xf32>
      %get3A_1088 = arith.constant 18 : i32
      %get3A_1089 = arith.index_cast %get3A_1088 : i32 to index
      %get3A_1090 = arith.constant 32 : index
      %get3A_1091 = tpu.vector_load %arg5[%get3A_1089, %get3A_1090] {strides = array<i32>} : memref<32x148xf32, #tpu.memory_space<vmem>>, vector<1x16xf32>,
      %get3A_1092 = vector.shape_cast %get3A_1091 : vector<1x16xf32> to vector<16xf32>
      %eq3A_1093 = arith.constant 0.000000e+00 : f32
      %eq3A_1094 = vector.broadcast %eq3A_1093 : f32 to vector<16xf32>
      %eq3A_1095 = arith.cmpf oeq, %get3A_1092, %eq3A_1094 : vector<16xf32>
      %jit3A_1096 = arith.constant 1.000000e+02 : f32
      %broadcast_in_dim3A_1097 = vector.broadcast %jit3A_1096 : f32 to vector<16xf32>
      %select_n3A_1098 = arith.select %eq3A_1095, %broadcast_in_dim3A_1097, %get3A_1092 : vector<16xi1>, vector<16xf32>
      %min3A_1099 = arith.minimumf %min3A_1086, %select_n3A_1098 : vector<16xf32>
      %max3A_1100 = arith.maximumf %max3A_1087, %get3A_1092 : vector<16xf32>
      %get3A_1101 = arith.constant 19 : i32
      %get3A_1102 = arith.index_cast %get3A_1101 : i32 to index
      %get3A_1103 = arith.constant 32 : index
      %get3A_1104 = tpu.vector_load %arg5[%get3A_1102, %get3A_1103] {strides = array<i32>} : memref<32x148xf32, #tpu.memory_space<vmem>>, vector<1x16xf32>,
      %get3A_1105 = vector.shape_cast %get3A_1104 : vector<1x16xf32> to vector<16xf32>
      %eq3A_1106 = arith.constant 0.000000e+00 : f32
      %eq3A_1107 = vector.broadcast %eq3A_1106 : f32 to vector<16xf32>
      %eq3A_1108 = arith.cmpf oeq, %get3A_1105, %eq3A_1107 : vector<16xf32>
      %jit3A_1109 = arith.constant 1.000000e+02 : f32
      %broadcast_in_dim3A_1110 = vector.broadcast %jit3A_1109 : f32 to vector<16xf32>
      %select_n3A_1111 = arith.select %eq3A_1108, %broadcast_in_dim3A_1110, %get3A_1105 : vector<16xi1>, vector<16xf32>
      %min3A_1112 = arith.minimumf %min3A_1099, %select_n3A_1111 : vector<16xf32>
      %max3A_1113 = arith.maximumf %max3A_1100, %get3A_1105 : vector<16xf32>
      %get3A_1114 = arith.constant 20 : i32
      %get3A_1115 = arith.index_cast %get3A_1114 : i32 to index
      %get3A_1116 = arith.constant 32 : index
      %get3A_1117 = tpu.vector_load %arg5[%get3A_1115, %get3A_1116] {strides = array<i32>} : memref<32x148xf32, #tpu.memory_space<vmem>>, vector<1x16xf32>,
      %get3A_1118 = vector.shape_cast %get3A_1117 : vector<1x16xf32> to vector<16xf32>
      %eq3A_1119 = arith.constant 0.000000e+00 : f32
      %eq3A_1120 = vector.broadcast %eq3A_1119 : f32 to vector<16xf32>
      %eq3A_1121 = arith.cmpf oeq, %get3A_1118, %eq3A_1120 : vector<16xf32>
      %jit3A_1122 = arith.constant 1.000000e+02 : f32
      %broadcast_in_dim3A_1123 = vector.broadcast %jit3A_1122 : f32 to vector<16xf32>
      %select_n3A_1124 = arith.select %eq3A_1121, %broadcast_in_dim3A_1123, %get3A_1118 : vector<16xi1>, vector<16xf32>
      %min3A_1125 = arith.minimumf %min3A_1112, %select_n3A_1124 : vector<16xf32>
      %max3A_1126 = arith.maximumf %max3A_1113, %get3A_1118 : vector<16xf32>
      %get3A_1127 = arith.constant 21 : i32
      %get3A_1128 = arith.index_cast %get3A_1127 : i32 to index
      %get3A_1129 = arith.constant 32 : index
      %get3A_1130 = tpu.vector_load %arg5[%get3A_1128, %get3A_1129] {strides = array<i32>} : memref<32x148xf32, #tpu.memory_space<vmem>>, vector<1x16xf32>,
      %get3A_1131 = vector.shape_cast %get3A_1130 : vector<1x16xf32> to vector<16xf32>
      %eq3A_1132 = arith.constant 0.000000e+00 : f32
      %eq3A_1133 = vector.broadcast %eq3A_1132 : f32 to vector<16xf32>
      %eq3A_1134 = arith.cmpf oeq, %get3A_1131, %eq3A_1133 : vector<16xf32>
      %jit3A_1135 = arith.constant 1.000000e+02 : f32
      %broadcast_in_dim3A_1136 = vector.broadcast %jit3A_1135 : f32 to vector<16xf32>
      %select_n3A_1137 = arith.select %eq3A_1134, %broadcast_in_dim3A_1136, %get3A_1131 : vector<16xi1>, vector<16xf32>
      %min3A_1138 = arith.minimumf %min3A_1125, %select_n3A_1137 : vector<16xf32>
      %max3A_1139 = arith.maximumf %max3A_1126, %get3A_1131 : vector<16xf32>
      %get3A_1140 = arith.constant 22 : i32
      %get3A_1141 = arith.index_cast %get3A_1140 : i32 to index
      %get3A_1142 = arith.constant 32 : index
      %get3A_1143 = tpu.vector_load %arg5[%get3A_1141, %get3A_1142] {strides = array<i32>} : memref<32x148xf32, #tpu.memory_space<vmem>>, vector<1x16xf32>,
      %get3A_1144 = vector.shape_cast %get3A_1143 : vector<1x16xf32> to vector<16xf32>
      %eq3A_1145 = arith.constant 0.000000e+00 : f32
      %eq3A_1146 = vector.broadcast %eq3A_1145 : f32 to vector<16xf32>
      %eq3A_1147 = arith.cmpf oeq, %get3A_1144, %eq3A_1146 : vector<16xf32>
      %jit3A_1148 = arith.constant 1.000000e+02 : f32
      %broadcast_in_dim3A_1149 = vector.broadcast %jit3A_1148 : f32 to vector<16xf32>
      %select_n3A_1150 = arith.select %eq3A_1147, %broadcast_in_dim3A_1149, %get3A_1144 : vector<16xi1>, vector<16xf32>
      %min3A_1151 = arith.minimumf %min3A_1138, %select_n3A_1150 : vector<16xf32>
      %max3A_1152 = arith.maximumf %max3A_1139, %get3A_1144 : vector<16xf32>
      %get3A_1153 = arith.constant 23 : i32
      %get3A_1154 = arith.index_cast %get3A_1153 : i32 to index
      %get3A_1155 = arith.constant 32 : index
      %get3A_1156 = tpu.vector_load %arg5[%get3A_1154, %get3A_1155] {strides = array<i32>} : memref<32x148xf32, #tpu.memory_space<vmem>>, vector<1x16xf32>,
      %get3A_1157 = vector.shape_cast %get3A_1156 : vector<1x16xf32> to vector<16xf32>
      %eq3A_1158 = arith.constant 0.000000e+00 : f32
      %eq3A_1159 = vector.broadcast %eq3A_1158 : f32 to vector<16xf32>
      %eq3A_1160 = arith.cmpf oeq, %get3A_1157, %eq3A_1159 : vector<16xf32>
      %jit3A_1161 = arith.constant 1.000000e+02 : f32
      %broadcast_in_dim3A_1162 = vector.broadcast %jit3A_1161 : f32 to vector<16xf32>
      %select_n3A_1163 = arith.select %eq3A_1160, %broadcast_in_dim3A_1162, %get3A_1157 : vector<16xi1>, vector<16xf32>
      %min3A_1164 = arith.minimumf %min3A_1151, %select_n3A_1163 : vector<16xf32>
      %max3A_1165 = arith.maximumf %max3A_1152, %get3A_1157 : vector<16xf32>
      %get3A_1166 = arith.constant 24 : i32
      %get3A_1167 = arith.index_cast %get3A_1166 : i32 to index
      %get3A_1168 = arith.constant 32 : index
      %get3A_1169 = tpu.vector_load %arg5[%get3A_1167, %get3A_1168] {strides = array<i32>} : memref<32x148xf32, #tpu.memory_space<vmem>>, vector<1x16xf32>,
      %get3A_1170 = vector.shape_cast %get3A_1169 : vector<1x16xf32> to vector<16xf32>
      %eq3A_1171 = arith.constant 0.000000e+00 : f32
      %eq3A_1172 = vector.broadcast %eq3A_1171 : f32 to vector<16xf32>
      %eq3A_1173 = arith.cmpf oeq, %get3A_1170, %eq3A_1172 : vector<16xf32>
      %jit3A_1174 = arith.constant 1.000000e+02 : f32
      %broadcast_in_dim3A_1175 = vector.broadcast %jit3A_1174 : f32 to vector<16xf32>
      %select_n3A_1176 = arith.select %eq3A_1173, %broadcast_in_dim3A_1175, %get3A_1170 : vector<16xi1>, vector<16xf32>
      %min3A_1177 = arith.minimumf %min3A_1164, %select_n3A_1176 : vector<16xf32>
      %max3A_1178 = arith.maximumf %max3A_1165, %get3A_1170 : vector<16xf32>
      %get3A_1179 = arith.constant 25 : i32
      %get3A_1180 = arith.index_cast %get3A_1179 : i32 to index
      %get3A_1181 = arith.constant 32 : index
      %get3A_1182 = tpu.vector_load %arg5[%get3A_1180, %get3A_1181] {strides = array<i32>} : memref<32x148xf32, #tpu.memory_space<vmem>>, vector<1x16xf32>,
      %get3A_1183 = vector.shape_cast %get3A_1182 : vector<1x16xf32> to vector<16xf32>
      %eq3A_1184 = arith.constant 0.000000e+00 : f32
      %eq3A_1185 = vector.broadcast %eq3A_1184 : f32 to vector<16xf32>
      %eq3A_1186 = arith.cmpf oeq, %get3A_1183, %eq3A_1185 : vector<16xf32>
      %jit3A_1187 = arith.constant 1.000000e+02 : f32
      %broadcast_in_dim3A_1188 = vector.broadcast %jit3A_1187 : f32 to vector<16xf32>
      %select_n3A_1189 = arith.select %eq3A_1186, %broadcast_in_dim3A_1188, %get3A_1183 : vector<16xi1>, vector<16xf32>
      %min3A_1190 = arith.minimumf %min3A_1177, %select_n3A_1189 : vector<16xf32>
      %max3A_1191 = arith.maximumf %max3A_1178, %get3A_1183 : vector<16xf32>
      %get3A_1192 = arith.constant 26 : i32
      %get3A_1193 = arith.index_cast %get3A_1192 : i32 to index
      %get3A_1194 = arith.constant 32 : index
      %get3A_1195 = tpu.vector_load %arg5[%get3A_1193, %get3A_1194] {strides = array<i32>} : memref<32x148xf32, #tpu.memory_space<vmem>>, vector<1x16xf32>,
      %get3A_1196 = vector.shape_cast %get3A_1195 : vector<1x16xf32> to vector<16xf32>
      %eq3A_1197 = arith.constant 0.000000e+00 : f32
      %eq3A_1198 = vector.broadcast %eq3A_1197 : f32 to vector<16xf32>
      %eq3A_1199 = arith.cmpf oeq, %get3A_1196, %eq3A_1198 : vector<16xf32>
      %jit3A_1200 = arith.constant 1.000000e+02 : f32
      %broadcast_in_dim3A_1201 = vector.broadcast %jit3A_1200 : f32 to vector<16xf32>
      %select_n3A_1202 = arith.select %eq3A_1199, %broadcast_in_dim3A_1201, %get3A_1196 : vector<16xi1>, vector<16xf32>
      %min3A_1203 = arith.minimumf %min3A_1190, %select_n3A_1202 : vector<16xf32>
      %max3A_1204 = arith.maximumf %max3A_1191, %get3A_1196 : vector<16xf32>
      %get3A_1205 = arith.constant 27 : i32
      %get3A_1206 = arith.index_cast %get3A_1205 : i32 to index
      %get3A_1207 = arith.constant 32 : index
      %get3A_1208 = tpu.vector_load %arg5[%get3A_1206, %get3A_1207] {strides = array<i32>} : memref<32x148xf32, #tpu.memory_space<vmem>>, vector<1x16xf32>,
      %get3A_1209 = vector.shape_cast %get3A_1208 : vector<1x16xf32> to vector<16xf32>
      %eq3A_1210 = arith.constant 0.000000e+00 : f32
      %eq3A_1211 = vector.broadcast %eq3A_1210 : f32 to vector<16xf32>
      %eq3A_1212 = arith.cmpf oeq, %get3A_1209, %eq3A_1211 : vector<16xf32>
      %jit3A_1213 = arith.constant 1.000000e+02 : f32
      %broadcast_in_dim3A_1214 = vector.broadcast %jit3A_1213 : f32 to vector<16xf32>
      %select_n3A_1215 = arith.select %eq3A_1212, %broadcast_in_dim3A_1214, %get3A_1209 : vector<16xi1>, vector<16xf32>
      %min3A_1216 = arith.minimumf %min3A_1203, %select_n3A_1215 : vector<16xf32>
      %max3A_1217 = arith.maximumf %max3A_1204, %get3A_1209 : vector<16xf32>
      %get3A_1218 = arith.constant 28 : i32
      %get3A_1219 = arith.index_cast %get3A_1218 : i32 to index
      %get3A_1220 = arith.constant 32 : index
      %get3A_1221 = tpu.vector_load %arg5[%get3A_1219, %get3A_1220] {strides = array<i32>} : memref<32x148xf32, #tpu.memory_space<vmem>>, vector<1x16xf32>,
      %get3A_1222 = vector.shape_cast %get3A_1221 : vector<1x16xf32> to vector<16xf32>
      %eq3A_1223 = arith.constant 0.000000e+00 : f32
      %eq3A_1224 = vector.broadcast %eq3A_1223 : f32 to vector<16xf32>
      %eq3A_1225 = arith.cmpf oeq, %get3A_1222, %eq3A_1224 : vector<16xf32>
      %jit3A_1226 = arith.constant 1.000000e+02 : f32
      %broadcast_in_dim3A_1227 = vector.broadcast %jit3A_1226 : f32 to vector<16xf32>
      %select_n3A_1228 = arith.select %eq3A_1225, %broadcast_in_dim3A_1227, %get3A_1222 : vector<16xi1>, vector<16xf32>
      %min3A_1229 = arith.minimumf %min3A_1216, %select_n3A_1228 : vector<16xf32>
      %max3A_1230 = arith.maximumf %max3A_1217, %get3A_1222 : vector<16xf32>
      %get3A_1231 = arith.constant 29 : i32
      %get3A_1232 = arith.index_cast %get3A_1231 : i32 to index
      %get3A_1233 = arith.constant 32 : index
      %get3A_1234 = tpu.vector_load %arg5[%get3A_1232, %get3A_1233] {strides = array<i32>} : memref<32x148xf32, #tpu.memory_space<vmem>>, vector<1x16xf32>,
      %get3A_1235 = vector.shape_cast %get3A_1234 : vector<1x16xf32> to vector<16xf32>
      %eq3A_1236 = arith.constant 0.000000e+00 : f32
      %eq3A_1237 = vector.broadcast %eq3A_1236 : f32 to vector<16xf32>
      %eq3A_1238 = arith.cmpf oeq, %get3A_1235, %eq3A_1237 : vector<16xf32>
      %jit3A_1239 = arith.constant 1.000000e+02 : f32
      %broadcast_in_dim3A_1240 = vector.broadcast %jit3A_1239 : f32 to vector<16xf32>
      %select_n3A_1241 = arith.select %eq3A_1238, %broadcast_in_dim3A_1240, %get3A_1235 : vector<16xi1>, vector<16xf32>
      %min3A_1242 = arith.minimumf %min3A_1229, %select_n3A_1241 : vector<16xf32>
      %max3A_1243 = arith.maximumf %max3A_1230, %get3A_1235 : vector<16xf32>
      %get3A_1244 = arith.constant 30 : i32
      %get3A_1245 = arith.index_cast %get3A_1244 : i32 to index
      %get3A_1246 = arith.constant 32 : index
      %get3A_1247 = tpu.vector_load %arg5[%get3A_1245, %get3A_1246] {strides = array<i32>} : memref<32x148xf32, #tpu.memory_space<vmem>>, vector<1x16xf32>,
      %get3A_1248 = vector.shape_cast %get3A_1247 : vector<1x16xf32> to vector<16xf32>
      %eq3A_1249 = arith.constant 0.000000e+00 : f32
      %eq3A_1250 = vector.broadcast %eq3A_1249 : f32 to vector<16xf32>
      %eq3A_1251 = arith.cmpf oeq, %get3A_1248, %eq3A_1250 : vector<16xf32>
      %jit3A_1252 = arith.constant 1.000000e+02 : f32
      %broadcast_in_dim3A_1253 = vector.broadcast %jit3A_1252 : f32 to vector<16xf32>
      %select_n3A_1254 = arith.select %eq3A_1251, %broadcast_in_dim3A_1253, %get3A_1248 : vector<16xi1>, vector<16xf32>
      %min3A_1255 = arith.minimumf %min3A_1242, %select_n3A_1254 : vector<16xf32>
      %max3A_1256 = arith.maximumf %max3A_1243, %get3A_1248 : vector<16xf32>
      %get3A_1257 = arith.constant 31 : i32
      %get3A_1258 = arith.index_cast %get3A_1257 : i32 to index
      %get3A_1259 = arith.constant 32 : index
      %get3A_1260 = tpu.vector_load %arg5[%get3A_1258, %get3A_1259] {strides = array<i32>} : memref<32x148xf32, #tpu.memory_space<vmem>>, vector<1x16xf32>,
      %get3A_1261 = vector.shape_cast %get3A_1260 : vector<1x16xf32> to vector<16xf32>
      %eq3A_1262 = arith.constant 0.000000e+00 : f32
      %eq3A_1263 = vector.broadcast %eq3A_1262 : f32 to vector<16xf32>
      %eq3A_1264 = arith.cmpf oeq, %get3A_1261, %eq3A_1263 : vector<16xf32>
      %jit3A_1265 = arith.constant 1.000000e+02 : f32
      %broadcast_in_dim3A_1266 = vector.broadcast %jit3A_1265 : f32 to vector<16xf32>
      %select_n3A_1267 = arith.select %eq3A_1264, %broadcast_in_dim3A_1266, %get3A_1261 : vector<16xi1>, vector<16xf32>
      %min3A_1268 = arith.minimumf %min3A_1255, %select_n3A_1267 : vector<16xf32>
      %max3A_1269 = arith.maximumf %max3A_1256, %get3A_1261 : vector<16xf32>
      %swap3A_1270 = arith.constant 32 : index
      %swap3A_1271 = tpu.vector_load %arg6[%swap3A_1270] {strides = array<i32>} : memref<148xf32, #tpu.memory_space<vmem>>, vector<16xf32>,
      %swap3A_1272 = vector.shape_cast %swap3A_1271 : vector<16xf32> to vector<16xf32>
      %swap3A_1273 = vector.shape_cast %min3A_1268 : vector<16xf32> to vector<16xf32>
      tpu.vector_store %arg6[%swap3A_1270], %swap3A_1273 {strides = array<i32>} : memref<148xf32, #tpu.memory_space<vmem>>, vector<16xf32>,
      %swap3A_1274 = arith.constant 32 : index
      %swap3A_1275 = tpu.vector_load %arg7[%swap3A_1274] {strides = array<i32>} : memref<148xf32, #tpu.memory_space<vmem>>, vector<16xf32>,
      %swap3A_1276 = vector.shape_cast %swap3A_1275 : vector<16xf32> to vector<16xf32>
      %swap3A_1277 = vector.shape_cast %max3A_1269 : vector<16xf32> to vector<16xf32>
      tpu.vector_store %arg7[%swap3A_1274], %swap3A_1277 {strides = array<i32>} : memref<148xf32, #tpu.memory_space<vmem>>, vector<16xf32>,
      %get3A_1278 = arith.constant 0 : i32
      %get3A_1279 = arith.index_cast %get3A_1278 : i32 to index
      %get3A_1280 = arith.constant 48 : index
      %get3A_1281 = tpu.vector_load %arg5[%get3A_1279, %get3A_1280] {strides = array<i32>} : memref<32x148xf32, #tpu.memory_space<vmem>>, vector<1x16xf32>,
      %get3A_1282 = vector.shape_cast %get3A_1281 : vector<1x16xf32> to vector<16xf32>
      %eq3A_1283 = arith.constant 0.000000e+00 : f32
      %eq3A_1284 = vector.broadcast %eq3A_1283 : f32 to vector<16xf32>
      %eq3A_1285 = arith.cmpf oeq, %get3A_1282, %eq3A_1284 : vector<16xf32>
      %jit3A_1286 = arith.constant 1.000000e+02 : f32
      %broadcast_in_dim3A_1287 = vector.broadcast %jit3A_1286 : f32 to vector<16xf32>
      %select_n3A_1288 = arith.select %eq3A_1285, %broadcast_in_dim3A_1287, %get3A_1282 : vector<16xi1>, vector<16xf32>
      %min3A_1289 = arith.minimumf %broadcast_in_dim3A_3, %select_n3A_1288 : vector<16xf32>
      %max3A_1290 = arith.maximumf %broadcast_in_dim3A_5, %get3A_1282 : vector<16xf32>
      %get3A_1291 = arith.constant 1 : i32
      %get3A_1292 = arith.index_cast %get3A_1291 : i32 to index
      %get3A_1293 = arith.constant 48 : index
      %get3A_1294 = tpu.vector_load %arg5[%get3A_1292, %get3A_1293] {strides = array<i32>} : memref<32x148xf32, #tpu.memory_space<vmem>>, vector<1x16xf32>,
      %get3A_1295 = vector.shape_cast %get3A_1294 : vector<1x16xf32> to vector<16xf32>
      %eq3A_1296 = arith.constant 0.000000e+00 : f32
      %eq3A_1297 = vector.broadcast %eq3A_1296 : f32 to vector<16xf32>
      %eq3A_1298 = arith.cmpf oeq, %get3A_1295, %eq3A_1297 : vector<16xf32>
      %jit3A_1299 = arith.constant 1.000000e+02 : f32
      %broadcast_in_dim3A_1300 = vector.broadcast %jit3A_1299 : f32 to vector<16xf32>
      %select_n3A_1301 = arith.select %eq3A_1298, %broadcast_in_dim3A_1300, %get3A_1295 : vector<16xi1>, vector<16xf32>
      %min3A_1302 = arith.minimumf %min3A_1289, %select_n3A_1301 : vector<16xf32>
      %max3A_1303 = arith.maximumf %max3A_1290, %get3A_1295 : vector<16xf32>
      %get3A_1304 = arith.constant 2 : i32
      %get3A_1305 = arith.index_cast %get3A_1304 : i32 to index
      %get3A_1306 = arith.constant 48 : index
      %get3A_1307 = tpu.vector_load %arg5[%get3A_1305, %get3A_1306] {strides = array<i32>} : memref<32x148xf32, #tpu.memory_space<vmem>>, vector<1x16xf32>,
      %get3A_1308 = vector.shape_cast %get3A_1307 : vector<1x16xf32> to vector<16xf32>
      %eq3A_1309 = arith.constant 0.000000e+00 : f32
      %eq3A_1310 = vector.broadcast %eq3A_1309 : f32 to vector<16xf32>
      %eq3A_1311 = arith.cmpf oeq, %get3A_1308, %eq3A_1310 : vector<16xf32>
      %jit3A_1312 = arith.constant 1.000000e+02 : f32
      %broadcast_in_dim3A_1313 = vector.broadcast %jit3A_1312 : f32 to vector<16xf32>
      %select_n3A_1314 = arith.select %eq3A_1311, %broadcast_in_dim3A_1313, %get3A_1308 : vector<16xi1>, vector<16xf32>
      %min3A_1315 = arith.minimumf %min3A_1302, %select_n3A_1314 : vector<16xf32>
      %max3A_1316 = arith.maximumf %max3A_1303, %get3A_1308 : vector<16xf32>
      %get3A_1317 = arith.constant 3 : i32
      %get3A_1318 = arith.index_cast %get3A_1317 : i32 to index
      %get3A_1319 = arith.constant 48 : index
      %get3A_1320 = tpu.vector_load %arg5[%get3A_1318, %get3A_1319] {strides = array<i32>} : memref<32x148xf32, #tpu.memory_space<vmem>>, vector<1x16xf32>,
      %get3A_1321 = vector.shape_cast %get3A_1320 : vector<1x16xf32> to vector<16xf32>
      %eq3A_1322 = arith.constant 0.000000e+00 : f32
      %eq3A_1323 = vector.broadcast %eq3A_1322 : f32 to vector<16xf32>
      %eq3A_1324 = arith.cmpf oeq, %get3A_1321, %eq3A_1323 : vector<16xf32>
      %jit3A_1325 = arith.constant 1.000000e+02 : f32
      %broadcast_in_dim3A_1326 = vector.broadcast %jit3A_1325 : f32 to vector<16xf32>
      %select_n3A_1327 = arith.select %eq3A_1324, %broadcast_in_dim3A_1326, %get3A_1321 : vector<16xi1>, vector<16xf32>
      %min3A_1328 = arith.minimumf %min3A_1315, %select_n3A_1327 : vector<16xf32>
      %max3A_1329 = arith.maximumf %max3A_1316, %get3A_1321 : vector<16xf32>
      %get3A_1330 = arith.constant 4 : i32
      %get3A_1331 = arith.index_cast %get3A_1330 : i32 to index
      %get3A_1332 = arith.constant 48 : index
      %get3A_1333 = tpu.vector_load %arg5[%get3A_1331, %get3A_1332] {strides = array<i32>} : memref<32x148xf32, #tpu.memory_space<vmem>>, vector<1x16xf32>,
      %get3A_1334 = vector.shape_cast %get3A_1333 : vector<1x16xf32> to vector<16xf32>
      %eq3A_1335 = arith.constant 0.000000e+00 : f32
      %eq3A_1336 = vector.broadcast %eq3A_1335 : f32 to vector<16xf32>
      %eq3A_1337 = arith.cmpf oeq, %get3A_1334, %eq3A_1336 : vector<16xf32>
      %jit3A_1338 = arith.constant 1.000000e+02 : f32
      %broadcast_in_dim3A_1339 = vector.broadcast %jit3A_1338 : f32 to vector<16xf32>
      %select_n3A_1340 = arith.select %eq3A_1337, %broadcast_in_dim3A_1339, %get3A_1334 : vector<16xi1>, vector<16xf32>
      %min3A_1341 = arith.minimumf %min3A_1328, %select_n3A_1340 : vector<16xf32>
      %max3A_1342 = arith.maximumf %max3A_1329, %get3A_1334 : vector<16xf32>
      %get3A_1343 = arith.constant 5 : i32
      %get3A_1344 = arith.index_cast %get3A_1343 : i32 to index
      %get3A_1345 = arith.constant 48 : index
      %get3A_1346 = tpu.vector_load %arg5[%get3A_1344, %get3A_1345] {strides = array<i32>} : memref<32x148xf32, #tpu.memory_space<vmem>>, vector<1x16xf32>,
      %get3A_1347 = vector.shape_cast %get3A_1346 : vector<1x16xf32> to vector<16xf32>
      %eq3A_1348 = arith.constant 0.000000e+00 : f32
      %eq3A_1349 = vector.broadcast %eq3A_1348 : f32 to vector<16xf32>
      %eq3A_1350 = arith.cmpf oeq, %get3A_1347, %eq3A_1349 : vector<16xf32>
      %jit3A_1351 = arith.constant 1.000000e+02 : f32
      %broadcast_in_dim3A_1352 = vector.broadcast %jit3A_1351 : f32 to vector<16xf32>
      %select_n3A_1353 = arith.select %eq3A_1350, %broadcast_in_dim3A_1352, %get3A_1347 : vector<16xi1>, vector<16xf32>
      %min3A_1354 = arith.minimumf %min3A_1341, %select_n3A_1353 : vector<16xf32>
      %max3A_1355 = arith.maximumf %max3A_1342, %get3A_1347 : vector<16xf32>
      %get3A_1356 = arith.constant 6 : i32
      %get3A_1357 = arith.index_cast %get3A_1356 : i32 to index
      %get3A_1358 = arith.constant 48 : index
      %get3A_1359 = tpu.vector_load %arg5[%get3A_1357, %get3A_1358] {strides = array<i32>} : memref<32x148xf32, #tpu.memory_space<vmem>>, vector<1x16xf32>,
      %get3A_1360 = vector.shape_cast %get3A_1359 : vector<1x16xf32> to vector<16xf32>
      %eq3A_1361 = arith.constant 0.000000e+00 : f32
      %eq3A_1362 = vector.broadcast %eq3A_1361 : f32 to vector<16xf32>
      %eq3A_1363 = arith.cmpf oeq, %get3A_1360, %eq3A_1362 : vector<16xf32>
      %jit3A_1364 = arith.constant 1.000000e+02 : f32
      %broadcast_in_dim3A_1365 = vector.broadcast %jit3A_1364 : f32 to vector<16xf32>
      %select_n3A_1366 = arith.select %eq3A_1363, %broadcast_in_dim3A_1365, %get3A_1360 : vector<16xi1>, vector<16xf32>
      %min3A_1367 = arith.minimumf %min3A_1354, %select_n3A_1366 : vector<16xf32>
      %max3A_1368 = arith.maximumf %max3A_1355, %get3A_1360 : vector<16xf32>
      %get3A_1369 = arith.constant 7 : i32
      %get3A_1370 = arith.index_cast %get3A_1369 : i32 to index
      %get3A_1371 = arith.constant 48 : index
      %get3A_1372 = tpu.vector_load %arg5[%get3A_1370, %get3A_1371] {strides = array<i32>} : memref<32x148xf32, #tpu.memory_space<vmem>>, vector<1x16xf32>,
      %get3A_1373 = vector.shape_cast %get3A_1372 : vector<1x16xf32> to vector<16xf32>
      %eq3A_1374 = arith.constant 0.000000e+00 : f32
      %eq3A_1375 = vector.broadcast %eq3A_1374 : f32 to vector<16xf32>
      %eq3A_1376 = arith.cmpf oeq, %get3A_1373, %eq3A_1375 : vector<16xf32>
      %jit3A_1377 = arith.constant 1.000000e+02 : f32
      %broadcast_in_dim3A_1378 = vector.broadcast %jit3A_1377 : f32 to vector<16xf32>
      %select_n3A_1379 = arith.select %eq3A_1376, %broadcast_in_dim3A_1378, %get3A_1373 : vector<16xi1>, vector<16xf32>
      %min3A_1380 = arith.minimumf %min3A_1367, %select_n3A_1379 : vector<16xf32>
      %max3A_1381 = arith.maximumf %max3A_1368, %get3A_1373 : vector<16xf32>
      %get3A_1382 = arith.constant 8 : i32
      %get3A_1383 = arith.index_cast %get3A_1382 : i32 to index
      %get3A_1384 = arith.constant 48 : index
      %get3A_1385 = tpu.vector_load %arg5[%get3A_1383, %get3A_1384] {strides = array<i32>} : memref<32x148xf32, #tpu.memory_space<vmem>>, vector<1x16xf32>,
      %get3A_1386 = vector.shape_cast %get3A_1385 : vector<1x16xf32> to vector<16xf32>
      %eq3A_1387 = arith.constant 0.000000e+00 : f32
      %eq3A_1388 = vector.broadcast %eq3A_1387 : f32 to vector<16xf32>
      %eq3A_1389 = arith.cmpf oeq, %get3A_1386, %eq3A_1388 : vector<16xf32>
      %jit3A_1390 = arith.constant 1.000000e+02 : f32
      %broadcast_in_dim3A_1391 = vector.broadcast %jit3A_1390 : f32 to vector<16xf32>
      %select_n3A_1392 = arith.select %eq3A_1389, %broadcast_in_dim3A_1391, %get3A_1386 : vector<16xi1>, vector<16xf32>
      %min3A_1393 = arith.minimumf %min3A_1380, %select_n3A_1392 : vector<16xf32>
      %max3A_1394 = arith.maximumf %max3A_1381, %get3A_1386 : vector<16xf32>
      %get3A_1395 = arith.constant 9 : i32
      %get3A_1396 = arith.index_cast %get3A_1395 : i32 to index
      %get3A_1397 = arith.constant 48 : index
      %get3A_1398 = tpu.vector_load %arg5[%get3A_1396, %get3A_1397] {strides = array<i32>} : memref<32x148xf32, #tpu.memory_space<vmem>>, vector<1x16xf32>,
      %get3A_1399 = vector.shape_cast %get3A_1398 : vector<1x16xf32> to vector<16xf32>
      %eq3A_1400 = arith.constant 0.000000e+00 : f32
      %eq3A_1401 = vector.broadcast %eq3A_1400 : f32 to vector<16xf32>
      %eq3A_1402 = arith.cmpf oeq, %get3A_1399, %eq3A_1401 : vector<16xf32>
      %jit3A_1403 = arith.constant 1.000000e+02 : f32
      %broadcast_in_dim3A_1404 = vector.broadcast %jit3A_1403 : f32 to vector<16xf32>
      %select_n3A_1405 = arith.select %eq3A_1402, %broadcast_in_dim3A_1404, %get3A_1399 : vector<16xi1>, vector<16xf32>
      %min3A_1406 = arith.minimumf %min3A_1393, %select_n3A_1405 : vector<16xf32>
      %max3A_1407 = arith.maximumf %max3A_1394, %get3A_1399 : vector<16xf32>
      %get3A_1408 = arith.constant 10 : i32
      %get3A_1409 = arith.index_cast %get3A_1408 : i32 to index
      %get3A_1410 = arith.constant 48 : index
      %get3A_1411 = tpu.vector_load %arg5[%get3A_1409, %get3A_1410] {strides = array<i32>} : memref<32x148xf32, #tpu.memory_space<vmem>>, vector<1x16xf32>,
      %get3A_1412 = vector.shape_cast %get3A_1411 : vector<1x16xf32> to vector<16xf32>
      %eq3A_1413 = arith.constant 0.000000e+00 : f32
      %eq3A_1414 = vector.broadcast %eq3A_1413 : f32 to vector<16xf32>
      %eq3A_1415 = arith.cmpf oeq, %get3A_1412, %eq3A_1414 : vector<16xf32>
      %jit3A_1416 = arith.constant 1.000000e+02 : f32
      %broadcast_in_dim3A_1417 = vector.broadcast %jit3A_1416 : f32 to vector<16xf32>
      %select_n3A_1418 = arith.select %eq3A_1415, %broadcast_in_dim3A_1417, %get3A_1412 : vector<16xi1>, vector<16xf32>
      %min3A_1419 = arith.minimumf %min3A_1406, %select_n3A_1418 : vector<16xf32>
      %max3A_1420 = arith.maximumf %max3A_1407, %get3A_1412 : vector<16xf32>
      %get3A_1421 = arith.constant 11 : i32
      %get3A_1422 = arith.index_cast %get3A_1421 : i32 to index
      %get3A_1423 = arith.constant 48 : index
      %get3A_1424 = tpu.vector_load %arg5[%get3A_1422, %get3A_1423] {strides = array<i32>} : memref<32x148xf32, #tpu.memory_space<vmem>>, vector<1x16xf32>,
      %get3A_1425 = vector.shape_cast %get3A_1424 : vector<1x16xf32> to vector<16xf32>
      %eq3A_1426 = arith.constant 0.000000e+00 : f32
      %eq3A_1427 = vector.broadcast %eq3A_1426 : f32 to vector<16xf32>
      %eq3A_1428 = arith.cmpf oeq, %get3A_1425, %eq3A_1427 : vector<16xf32>
      %jit3A_1429 = arith.constant 1.000000e+02 : f32
      %broadcast_in_dim3A_1430 = vector.broadcast %jit3A_1429 : f32 to vector<16xf32>
      %select_n3A_1431 = arith.select %eq3A_1428, %broadcast_in_dim3A_1430, %get3A_1425 : vector<16xi1>, vector<16xf32>
      %min3A_1432 = arith.minimumf %min3A_1419, %select_n3A_1431 : vector<16xf32>
      %max3A_1433 = arith.maximumf %max3A_1420, %get3A_1425 : vector<16xf32>
      %get3A_1434 = arith.constant 12 : i32
      %get3A_1435 = arith.index_cast %get3A_1434 : i32 to index
      %get3A_1436 = arith.constant 48 : index
      %get3A_1437 = tpu.vector_load %arg5[%get3A_1435, %get3A_1436] {strides = array<i32>} : memref<32x148xf32, #tpu.memory_space<vmem>>, vector<1x16xf32>,
      %get3A_1438 = vector.shape_cast %get3A_1437 : vector<1x16xf32> to vector<16xf32>
      %eq3A_1439 = arith.constant 0.000000e+00 : f32
      %eq3A_1440 = vector.broadcast %eq3A_1439 : f32 to vector<16xf32>
      %eq3A_1441 = arith.cmpf oeq, %get3A_1438, %eq3A_1440 : vector<16xf32>
      %jit3A_1442 = arith.constant 1.000000e+02 : f32
      %broadcast_in_dim3A_1443 = vector.broadcast %jit3A_1442 : f32 to vector<16xf32>
      %select_n3A_1444 = arith.select %eq3A_1441, %broadcast_in_dim3A_1443, %get3A_1438 : vector<16xi1>, vector<16xf32>
      %min3A_1445 = arith.minimumf %min3A_1432, %select_n3A_1444 : vector<16xf32>
      %max3A_1446 = arith.maximumf %max3A_1433, %get3A_1438 : vector<16xf32>
      %get3A_1447 = arith.constant 13 : i32
      %get3A_1448 = arith.index_cast %get3A_1447 : i32 to index
      %get3A_1449 = arith.constant 48 : index
      %get3A_1450 = tpu.vector_load %arg5[%get3A_1448, %get3A_1449] {strides = array<i32>} : memref<32x148xf32, #tpu.memory_space<vmem>>, vector<1x16xf32>,
      %get3A_1451 = vector.shape_cast %get3A_1450 : vector<1x16xf32> to vector<16xf32>
      %eq3A_1452 = arith.constant 0.000000e+00 : f32
      %eq3A_1453 = vector.broadcast %eq3A_1452 : f32 to vector<16xf32>
      %eq3A_1454 = arith.cmpf oeq, %get3A_1451, %eq3A_1453 : vector<16xf32>
      %jit3A_1455 = arith.constant 1.000000e+02 : f32
      %broadcast_in_dim3A_1456 = vector.broadcast %jit3A_1455 : f32 to vector<16xf32>
      %select_n3A_1457 = arith.select %eq3A_1454, %broadcast_in_dim3A_1456, %get3A_1451 : vector<16xi1>, vector<16xf32>
      %min3A_1458 = arith.minimumf %min3A_1445, %select_n3A_1457 : vector<16xf32>
      %max3A_1459 = arith.maximumf %max3A_1446, %get3A_1451 : vector<16xf32>
      %get3A_1460 = arith.constant 14 : i32
      %get3A_1461 = arith.index_cast %get3A_1460 : i32 to index
      %get3A_1462 = arith.constant 48 : index
      %get3A_1463 = tpu.vector_load %arg5[%get3A_1461, %get3A_1462] {strides = array<i32>} : memref<32x148xf32, #tpu.memory_space<vmem>>, vector<1x16xf32>,
      %get3A_1464 = vector.shape_cast %get3A_1463 : vector<1x16xf32> to vector<16xf32>
      %eq3A_1465 = arith.constant 0.000000e+00 : f32
      %eq3A_1466 = vector.broadcast %eq3A_1465 : f32 to vector<16xf32>
      %eq3A_1467 = arith.cmpf oeq, %get3A_1464, %eq3A_1466 : vector<16xf32>
      %jit3A_1468 = arith.constant 1.000000e+02 : f32
      %broadcast_in_dim3A_1469 = vector.broadcast %jit3A_1468 : f32 to vector<16xf32>
      %select_n3A_1470 = arith.select %eq3A_1467, %broadcast_in_dim3A_1469, %get3A_1464 : vector<16xi1>, vector<16xf32>
      %min3A_1471 = arith.minimumf %min3A_1458, %select_n3A_1470 : vector<16xf32>
      %max3A_1472 = arith.maximumf %max3A_1459, %get3A_1464 : vector<16xf32>
      %get3A_1473 = arith.constant 15 : i32
      %get3A_1474 = arith.index_cast %get3A_1473 : i32 to index
      %get3A_1475 = arith.constant 48 : index
      %get3A_1476 = tpu.vector_load %arg5[%get3A_1474, %get3A_1475] {strides = array<i32>} : memref<32x148xf32, #tpu.memory_space<vmem>>, vector<1x16xf32>,
      %get3A_1477 = vector.shape_cast %get3A_1476 : vector<1x16xf32> to vector<16xf32>
      %eq3A_1478 = arith.constant 0.000000e+00 : f32
      %eq3A_1479 = vector.broadcast %eq3A_1478 : f32 to vector<16xf32>
      %eq3A_1480 = arith.cmpf oeq, %get3A_1477, %eq3A_1479 : vector<16xf32>
      %jit3A_1481 = arith.constant 1.000000e+02 : f32
      %broadcast_in_dim3A_1482 = vector.broadcast %jit3A_1481 : f32 to vector<16xf32>
      %select_n3A_1483 = arith.select %eq3A_1480, %broadcast_in_dim3A_1482, %get3A_1477 : vector<16xi1>, vector<16xf32>
      %min3A_1484 = arith.minimumf %min3A_1471, %select_n3A_1483 : vector<16xf32>
      %max3A_1485 = arith.maximumf %max3A_1472, %get3A_1477 : vector<16xf32>
      %get3A_1486 = arith.constant 16 : i32
      %get3A_1487 = arith.index_cast %get3A_1486 : i32 to index
      %get3A_1488 = arith.constant 48 : index
      %get3A_1489 = tpu.vector_load %arg5[%get3A_1487, %get3A_1488] {strides = array<i32>} : memref<32x148xf32, #tpu.memory_space<vmem>>, vector<1x16xf32>,
      %get3A_1490 = vector.shape_cast %get3A_1489 : vector<1x16xf32> to vector<16xf32>
      %eq3A_1491 = arith.constant 0.000000e+00 : f32
      %eq3A_1492 = vector.broadcast %eq3A_1491 : f32 to vector<16xf32>
      %eq3A_1493 = arith.cmpf oeq, %get3A_1490, %eq3A_1492 : vector<16xf32>
      %jit3A_1494 = arith.constant 1.000000e+02 : f32
      %broadcast_in_dim3A_1495 = vector.broadcast %jit3A_1494 : f32 to vector<16xf32>
      %select_n3A_1496 = arith.select %eq3A_1493, %broadcast_in_dim3A_1495, %get3A_1490 : vector<16xi1>, vector<16xf32>
      %min3A_1497 = arith.minimumf %min3A_1484, %select_n3A_1496 : vector<16xf32>
      %max3A_1498 = arith.maximumf %max3A_1485, %get3A_1490 : vector<16xf32>
      %get3A_1499 = arith.constant 17 : i32
      %get3A_1500 = arith.index_cast %get3A_1499 : i32 to index
      %get3A_1501 = arith.constant 48 : index
      %get3A_1502 = tpu.vector_load %arg5[%get3A_1500, %get3A_1501] {strides = array<i32>} : memref<32x148xf32, #tpu.memory_space<vmem>>, vector<1x16xf32>,
      %get3A_1503 = vector.shape_cast %get3A_1502 : vector<1x16xf32> to vector<16xf32>
      %eq3A_1504 = arith.constant 0.000000e+00 : f32
      %eq3A_1505 = vector.broadcast %eq3A_1504 : f32 to vector<16xf32>
      %eq3A_1506 = arith.cmpf oeq, %get3A_1503, %eq3A_1505 : vector<16xf32>
      %jit3A_1507 = arith.constant 1.000000e+02 : f32
      %broadcast_in_dim3A_1508 = vector.broadcast %jit3A_1507 : f32 to vector<16xf32>
      %select_n3A_1509 = arith.select %eq3A_1506, %broadcast_in_dim3A_1508, %get3A_1503 : vector<16xi1>, vector<16xf32>
      %min3A_1510 = arith.minimumf %min3A_1497, %select_n3A_1509 : vector<16xf32>
      %max3A_1511 = arith.maximumf %max3A_1498, %get3A_1503 : vector<16xf32>
      %get3A_1512 = arith.constant 18 : i32
      %get3A_1513 = arith.index_cast %get3A_1512 : i32 to index
      %get3A_1514 = arith.constant 48 : index
      %get3A_1515 = tpu.vector_load %arg5[%get3A_1513, %get3A_1514] {strides = array<i32>} : memref<32x148xf32, #tpu.memory_space<vmem>>, vector<1x16xf32>,
      %get3A_1516 = vector.shape_cast %get3A_1515 : vector<1x16xf32> to vector<16xf32>
      %eq3A_1517 = arith.constant 0.000000e+00 : f32
      %eq3A_1518 = vector.broadcast %eq3A_1517 : f32 to vector<16xf32>
      %eq3A_1519 = arith.cmpf oeq, %get3A_1516, %eq3A_1518 : vector<16xf32>
      %jit3A_1520 = arith.constant 1.000000e+02 : f32
      %broadcast_in_dim3A_1521 = vector.broadcast %jit3A_1520 : f32 to vector<16xf32>
      %select_n3A_1522 = arith.select %eq3A_1519, %broadcast_in_dim3A_1521, %get3A_1516 : vector<16xi1>, vector<16xf32>
      %min3A_1523 = arith.minimumf %min3A_1510, %select_n3A_1522 : vector<16xf32>
      %max3A_1524 = arith.maximumf %max3A_1511, %get3A_1516 : vector<16xf32>
      %get3A_1525 = arith.constant 19 : i32
      %get3A_1526 = arith.index_cast %get3A_1525 : i32 to index
      %get3A_1527 = arith.constant 48 : index
      %get3A_1528 = tpu.vector_load %arg5[%get3A_1526, %get3A_1527] {strides = array<i32>} : memref<32x148xf32, #tpu.memory_space<vmem>>, vector<1x16xf32>,
      %get3A_1529 = vector.shape_cast %get3A_1528 : vector<1x16xf32> to vector<16xf32>
      %eq3A_1530 = arith.constant 0.000000e+00 : f32
      %eq3A_1531 = vector.broadcast %eq3A_1530 : f32 to vector<16xf32>
      %eq3A_1532 = arith.cmpf oeq, %get3A_1529, %eq3A_1531 : vector<16xf32>
      %jit3A_1533 = arith.constant 1.000000e+02 : f32
      %broadcast_in_dim3A_1534 = vector.broadcast %jit3A_1533 : f32 to vector<16xf32>
      %select_n3A_1535 = arith.select %eq3A_1532, %broadcast_in_dim3A_1534, %get3A_1529 : vector<16xi1>, vector<16xf32>
      %min3A_1536 = arith.minimumf %min3A_1523, %select_n3A_1535 : vector<16xf32>
      %max3A_1537 = arith.maximumf %max3A_1524, %get3A_1529 : vector<16xf32>
      %get3A_1538 = arith.constant 20 : i32
      %get3A_1539 = arith.index_cast %get3A_1538 : i32 to index
      %get3A_1540 = arith.constant 48 : index
      %get3A_1541 = tpu.vector_load %arg5[%get3A_1539, %get3A_1540] {strides = array<i32>} : memref<32x148xf32, #tpu.memory_space<vmem>>, vector<1x16xf32>,
      %get3A_1542 = vector.shape_cast %get3A_1541 : vector<1x16xf32> to vector<16xf32>
      %eq3A_1543 = arith.constant 0.000000e+00 : f32
      %eq3A_1544 = vector.broadcast %eq3A_1543 : f32 to vector<16xf32>
      %eq3A_1545 = arith.cmpf oeq, %get3A_1542, %eq3A_1544 : vector<16xf32>
      %jit3A_1546 = arith.constant 1.000000e+02 : f32
      %broadcast_in_dim3A_1547 = vector.broadcast %jit3A_1546 : f32 to vector<16xf32>
      %select_n3A_1548 = arith.select %eq3A_1545, %broadcast_in_dim3A_1547, %get3A_1542 : vector<16xi1>, vector<16xf32>
      %min3A_1549 = arith.minimumf %min3A_1536, %select_n3A_1548 : vector<16xf32>
      %max3A_1550 = arith.maximumf %max3A_1537, %get3A_1542 : vector<16xf32>
      %get3A_1551 = arith.constant 21 : i32
      %get3A_1552 = arith.index_cast %get3A_1551 : i32 to index
      %get3A_1553 = arith.constant 48 : index
      %get3A_1554 = tpu.vector_load %arg5[%get3A_1552, %get3A_1553] {strides = array<i32>} : memref<32x148xf32, #tpu.memory_space<vmem>>, vector<1x16xf32>,
      %get3A_1555 = vector.shape_cast %get3A_1554 : vector<1x16xf32> to vector<16xf32>
      %eq3A_1556 = arith.constant 0.000000e+00 : f32
      %eq3A_1557 = vector.broadcast %eq3A_1556 : f32 to vector<16xf32>
      %eq3A_1558 = arith.cmpf oeq, %get3A_1555, %eq3A_1557 : vector<16xf32>
      %jit3A_1559 = arith.constant 1.000000e+02 : f32
      %broadcast_in_dim3A_1560 = vector.broadcast %jit3A_1559 : f32 to vector<16xf32>
      %select_n3A_1561 = arith.select %eq3A_1558, %broadcast_in_dim3A_1560, %get3A_1555 : vector<16xi1>, vector<16xf32>
      %min3A_1562 = arith.minimumf %min3A_1549, %select_n3A_1561 : vector<16xf32>
      %max3A_1563 = arith.maximumf %max3A_1550, %get3A_1555 : vector<16xf32>
      %get3A_1564 = arith.constant 22 : i32
      %get3A_1565 = arith.index_cast %get3A_1564 : i32 to index
      %get3A_1566 = arith.constant 48 : index
      %get3A_1567 = tpu.vector_load %arg5[%get3A_1565, %get3A_1566] {strides = array<i32>} : memref<32x148xf32, #tpu.memory_space<vmem>>, vector<1x16xf32>,
      %get3A_1568 = vector.shape_cast %get3A_1567 : vector<1x16xf32> to vector<16xf32>
      %eq3A_1569 = arith.constant 0.000000e+00 : f32
      %eq3A_1570 = vector.broadcast %eq3A_1569 : f32 to vector<16xf32>
      %eq3A_1571 = arith.cmpf oeq, %get3A_1568, %eq3A_1570 : vector<16xf32>
      %jit3A_1572 = arith.constant 1.000000e+02 : f32
      %broadcast_in_dim3A_1573 = vector.broadcast %jit3A_1572 : f32 to vector<16xf32>
      %select_n3A_1574 = arith.select %eq3A_1571, %broadcast_in_dim3A_1573, %get3A_1568 : vector<16xi1>, vector<16xf32>
      %min3A_1575 = arith.minimumf %min3A_1562, %select_n3A_1574 : vector<16xf32>
      %max3A_1576 = arith.maximumf %max3A_1563, %get3A_1568 : vector<16xf32>
      %get3A_1577 = arith.constant 23 : i32
      %get3A_1578 = arith.index_cast %get3A_1577 : i32 to index
      %get3A_1579 = arith.constant 48 : index
      %get3A_1580 = tpu.vector_load %arg5[%get3A_1578, %get3A_1579] {strides = array<i32>} : memref<32x148xf32, #tpu.memory_space<vmem>>, vector<1x16xf32>,
      %get3A_1581 = vector.shape_cast %get3A_1580 : vector<1x16xf32> to vector<16xf32>
      %eq3A_1582 = arith.constant 0.000000e+00 : f32
      %eq3A_1583 = vector.broadcast %eq3A_1582 : f32 to vector<16xf32>
      %eq3A_1584 = arith.cmpf oeq, %get3A_1581, %eq3A_1583 : vector<16xf32>
      %jit3A_1585 = arith.constant 1.000000e+02 : f32
      %broadcast_in_dim3A_1586 = vector.broadcast %jit3A_1585 : f32 to vector<16xf32>
      %select_n3A_1587 = arith.select %eq3A_1584, %broadcast_in_dim3A_1586, %get3A_1581 : vector<16xi1>, vector<16xf32>
      %min3A_1588 = arith.minimumf %min3A_1575, %select_n3A_1587 : vector<16xf32>
      %max3A_1589 = arith.maximumf %max3A_1576, %get3A_1581 : vector<16xf32>
      %get3A_1590 = arith.constant 24 : i32
      %get3A_1591 = arith.index_cast %get3A_1590 : i32 to index
      %get3A_1592 = arith.constant 48 : index
      %get3A_1593 = tpu.vector_load %arg5[%get3A_1591, %get3A_1592] {strides = array<i32>} : memref<32x148xf32, #tpu.memory_space<vmem>>, vector<1x16xf32>,
      %get3A_1594 = vector.shape_cast %get3A_1593 : vector<1x16xf32> to vector<16xf32>
      %eq3A_1595 = arith.constant 0.000000e+00 : f32
      %eq3A_1596 = vector.broadcast %eq3A_1595 : f32 to vector<16xf32>
      %eq3A_1597 = arith.cmpf oeq, %get3A_1594, %eq3A_1596 : vector<16xf32>
      %jit3A_1598 = arith.constant 1.000000e+02 : f32
      %broadcast_in_dim3A_1599 = vector.broadcast %jit3A_1598 : f32 to vector<16xf32>
      %select_n3A_1600 = arith.select %eq3A_1597, %broadcast_in_dim3A_1599, %get3A_1594 : vector<16xi1>, vector<16xf32>
      %min3A_1601 = arith.minimumf %min3A_1588, %select_n3A_1600 : vector<16xf32>
      %max3A_1602 = arith.maximumf %max3A_1589, %get3A_1594 : vector<16xf32>
      %get3A_1603 = arith.constant 25 : i32
      %get3A_1604 = arith.index_cast %get3A_1603 : i32 to index
      %get3A_1605 = arith.constant 48 : index
      %get3A_1606 = tpu.vector_load %arg5[%get3A_1604, %get3A_1605] {strides = array<i32>} : memref<32x148xf32, #tpu.memory_space<vmem>>, vector<1x16xf32>,
      %get3A_1607 = vector.shape_cast %get3A_1606 : vector<1x16xf32> to vector<16xf32>
      %eq3A_1608 = arith.constant 0.000000e+00 : f32
      %eq3A_1609 = vector.broadcast %eq3A_1608 : f32 to vector<16xf32>
      %eq3A_1610 = arith.cmpf oeq, %get3A_1607, %eq3A_1609 : vector<16xf32>
      %jit3A_1611 = arith.constant 1.000000e+02 : f32
      %broadcast_in_dim3A_1612 = vector.broadcast %jit3A_1611 : f32 to vector<16xf32>
      %select_n3A_1613 = arith.select %eq3A_1610, %broadcast_in_dim3A_1612, %get3A_1607 : vector<16xi1>, vector<16xf32>
      %min3A_1614 = arith.minimumf %min3A_1601, %select_n3A_1613 : vector<16xf32>
      %max3A_1615 = arith.maximumf %max3A_1602, %get3A_1607 : vector<16xf32>
      %get3A_1616 = arith.constant 26 : i32
      %get3A_1617 = arith.index_cast %get3A_1616 : i32 to index
      %get3A_1618 = arith.constant 48 : index
      %get3A_1619 = tpu.vector_load %arg5[%get3A_1617, %get3A_1618] {strides = array<i32>} : memref<32x148xf32, #tpu.memory_space<vmem>>, vector<1x16xf32>,
      %get3A_1620 = vector.shape_cast %get3A_1619 : vector<1x16xf32> to vector<16xf32>
      %eq3A_1621 = arith.constant 0.000000e+00 : f32
      %eq3A_1622 = vector.broadcast %eq3A_1621 : f32 to vector<16xf32>
      %eq3A_1623 = arith.cmpf oeq, %get3A_1620, %eq3A_1622 : vector<16xf32>
      %jit3A_1624 = arith.constant 1.000000e+02 : f32
      %broadcast_in_dim3A_1625 = vector.broadcast %jit3A_1624 : f32 to vector<16xf32>
      %select_n3A_1626 = arith.select %eq3A_1623, %broadcast_in_dim3A_1625, %get3A_1620 : vector<16xi1>, vector<16xf32>
      %min3A_1627 = arith.minimumf %min3A_1614, %select_n3A_1626 : vector<16xf32>
      %max3A_1628 = arith.maximumf %max3A_1615, %get3A_1620 : vector<16xf32>
      %get3A_1629 = arith.constant 27 : i32
      %get3A_1630 = arith.index_cast %get3A_1629 : i32 to index
      %get3A_1631 = arith.constant 48 : index
      %get3A_1632 = tpu.vector_load %arg5[%get3A_1630, %get3A_1631] {strides = array<i32>} : memref<32x148xf32, #tpu.memory_space<vmem>>, vector<1x16xf32>,
      %get3A_1633 = vector.shape_cast %get3A_1632 : vector<1x16xf32> to vector<16xf32>
      %eq3A_1634 = arith.constant 0.000000e+00 : f32
      %eq3A_1635 = vector.broadcast %eq3A_1634 : f32 to vector<16xf32>
      %eq3A_1636 = arith.cmpf oeq, %get3A_1633, %eq3A_1635 : vector<16xf32>
      %jit3A_1637 = arith.constant 1.000000e+02 : f32
      %broadcast_in_dim3A_1638 = vector.broadcast %jit3A_1637 : f32 to vector<16xf32>
      %select_n3A_1639 = arith.select %eq3A_1636, %broadcast_in_dim3A_1638, %get3A_1633 : vector<16xi1>, vector<16xf32>
      %min3A_1640 = arith.minimumf %min3A_1627, %select_n3A_1639 : vector<16xf32>
      %max3A_1641 = arith.maximumf %max3A_1628, %get3A_1633 : vector<16xf32>
      %get3A_1642 = arith.constant 28 : i32
      %get3A_1643 = arith.index_cast %get3A_1642 : i32 to index
      %get3A_1644 = arith.constant 48 : index
      %get3A_1645 = tpu.vector_load %arg5[%get3A_1643, %get3A_1644] {strides = array<i32>} : memref<32x148xf32, #tpu.memory_space<vmem>>, vector<1x16xf32>,
      %get3A_1646 = vector.shape_cast %get3A_1645 : vector<1x16xf32> to vector<16xf32>
      %eq3A_1647 = arith.constant 0.000000e+00 : f32
      %eq3A_1648 = vector.broadcast %eq3A_1647 : f32 to vector<16xf32>
      %eq3A_1649 = arith.cmpf oeq, %get3A_1646, %eq3A_1648 : vector<16xf32>
      %jit3A_1650 = arith.constant 1.000000e+02 : f32
      %broadcast_in_dim3A_1651 = vector.broadcast %jit3A_1650 : f32 to vector<16xf32>
      %select_n3A_1652 = arith.select %eq3A_1649, %broadcast_in_dim3A_1651, %get3A_1646 : vector<16xi1>, vector<16xf32>
      %min3A_1653 = arith.minimumf %min3A_1640, %select_n3A_1652 : vector<16xf32>
      %max3A_1654 = arith.maximumf %max3A_1641, %get3A_1646 : vector<16xf32>
      %get3A_1655 = arith.constant 29 : i32
      %get3A_1656 = arith.index_cast %get3A_1655 : i32 to index
      %get3A_1657 = arith.constant 48 : index
      %get3A_1658 = tpu.vector_load %arg5[%get3A_1656, %get3A_1657] {strides = array<i32>} : memref<32x148xf32, #tpu.memory_space<vmem>>, vector<1x16xf32>,
      %get3A_1659 = vector.shape_cast %get3A_1658 : vector<1x16xf32> to vector<16xf32>
      %eq3A_1660 = arith.constant 0.000000e+00 : f32
      %eq3A_1661 = vector.broadcast %eq3A_1660 : f32 to vector<16xf32>
      %eq3A_1662 = arith.cmpf oeq, %get3A_1659, %eq3A_1661 : vector<16xf32>
      %jit3A_1663 = arith.constant 1.000000e+02 : f32
      %broadcast_in_dim3A_1664 = vector.broadcast %jit3A_1663 : f32 to vector<16xf32>
      %select_n3A_1665 = arith.select %eq3A_1662, %broadcast_in_dim3A_1664, %get3A_1659 : vector<16xi1>, vector<16xf32>
      %min3A_1666 = arith.minimumf %min3A_1653, %select_n3A_1665 : vector<16xf32>
      %max3A_1667 = arith.maximumf %max3A_1654, %get3A_1659 : vector<16xf32>
      %get3A_1668 = arith.constant 30 : i32
      %get3A_1669 = arith.index_cast %get3A_1668 : i32 to index
      %get3A_1670 = arith.constant 48 : index
      %get3A_1671 = tpu.vector_load %arg5[%get3A_1669, %get3A_1670] {strides = array<i32>} : memref<32x148xf32, #tpu.memory_space<vmem>>, vector<1x16xf32>,
      %get3A_1672 = vector.shape_cast %get3A_1671 : vector<1x16xf32> to vector<16xf32>
      %eq3A_1673 = arith.constant 0.000000e+00 : f32
      %eq3A_1674 = vector.broadcast %eq3A_1673 : f32 to vector<16xf32>
      %eq3A_1675 = arith.cmpf oeq, %get3A_1672, %eq3A_1674 : vector<16xf32>
      %jit3A_1676 = arith.constant 1.000000e+02 : f32
      %broadcast_in_dim3A_1677 = vector.broadcast %jit3A_1676 : f32 to vector<16xf32>
      %select_n3A_1678 = arith.select %eq3A_1675, %broadcast_in_dim3A_1677, %get3A_1672 : vector<16xi1>, vector<16xf32>
      %min3A_1679 = arith.minimumf %min3A_1666, %select_n3A_1678 : vector<16xf32>
      %max3A_1680 = arith.maximumf %max3A_1667, %get3A_1672 : vector<16xf32>
      %get3A_1681 = arith.constant 31 : i32
      %get3A_1682 = arith.index_cast %get3A_1681 : i32 to index
      %get3A_1683 = arith.constant 48 : index
      %get3A_1684 = tpu.vector_load %arg5[%get3A_1682, %get3A_1683] {strides = array<i32>} : memref<32x148xf32, #tpu.memory_space<vmem>>, vector<1x16xf32>,
      %get3A_1685 = vector.shape_cast %get3A_1684 : vector<1x16xf32> to vector<16xf32>
      %eq3A_1686 = arith.constant 0.000000e+00 : f32
      %eq3A_1687 = vector.broadcast %eq3A_1686 : f32 to vector<16xf32>
      %eq3A_1688 = arith.cmpf oeq, %get3A_1685, %eq3A_1687 : vector<16xf32>
      %jit3A_1689 = arith.constant 1.000000e+02 : f32
      %broadcast_in_dim3A_1690 = vector.broadcast %jit3A_1689 : f32 to vector<16xf32>
      %select_n3A_1691 = arith.select %eq3A_1688, %broadcast_in_dim3A_1690, %get3A_1685 : vector<16xi1>, vector<16xf32>
      %min3A_1692 = arith.minimumf %min3A_1679, %select_n3A_1691 : vector<16xf32>
      %max3A_1693 = arith.maximumf %max3A_1680, %get3A_1685 : vector<16xf32>
      %swap3A_1694 = arith.constant 48 : index
      %swap3A_1695 = tpu.vector_load %arg6[%swap3A_1694] {strides = array<i32>} : memref<148xf32, #tpu.memory_space<vmem>>, vector<16xf32>,
      %swap3A_1696 = vector.shape_cast %swap3A_1695 : vector<16xf32> to vector<16xf32>
      %swap3A_1697 = vector.shape_cast %min3A_1692 : vector<16xf32> to vector<16xf32>
      tpu.vector_store %arg6[%swap3A_1694], %swap3A_1697 {strides = array<i32>} : memref<148xf32, #tpu.memory_space<vmem>>, vector<16xf32>,
      %swap3A_1698 = arith.constant 48 : index
      %swap3A_1699 = tpu.vector_load %arg7[%swap3A_1698] {strides = array<i32>} : memref<148xf32, #tpu.memory_space<vmem>>, vector<16xf32>,
      %swap3A_1700 = vector.shape_cast %swap3A_1699 : vector<16xf32> to vector<16xf32>
      %swap3A_1701 = vector.shape_cast %max3A_1693 : vector<16xf32> to vector<16xf32>
      tpu.vector_store %arg7[%swap3A_1698], %swap3A_1701 {strides = array<i32>} : memref<148xf32, #tpu.memory_space<vmem>>, vector<16xf32>,
      %get3A_1702 = arith.constant 0 : i32
      %get3A_1703 = arith.index_cast %get3A_1702 : i32 to index
      %get3A_1704 = arith.constant 64 : index
      %get3A_1705 = tpu.vector_load %arg5[%get3A_1703, %get3A_1704] {strides = array<i32>} : memref<32x148xf32, #tpu.memory_space<vmem>>, vector<1x16xf32>,
      %get3A_1706 = vector.shape_cast %get3A_1705 : vector<1x16xf32> to vector<16xf32>
      %eq3A_1707 = arith.constant 0.000000e+00 : f32
      %eq3A_1708 = vector.broadcast %eq3A_1707 : f32 to vector<16xf32>
      %eq3A_1709 = arith.cmpf oeq, %get3A_1706, %eq3A_1708 : vector<16xf32>
      %jit3A_1710 = arith.constant 1.000000e+02 : f32
      %broadcast_in_dim3A_1711 = vector.broadcast %jit3A_1710 : f32 to vector<16xf32>
      %select_n3A_1712 = arith.select %eq3A_1709, %broadcast_in_dim3A_1711, %get3A_1706 : vector<16xi1>, vector<16xf32>
      %min3A_1713 = arith.minimumf %broadcast_in_dim3A_3, %select_n3A_1712 : vector<16xf32>
      %max3A_1714 = arith.maximumf %broadcast_in_dim3A_5, %get3A_1706 : vector<16xf32>
      %get3A_1715 = arith.constant 1 : i32
      %get3A_1716 = arith.index_cast %get3A_1715 : i32 to index
      %get3A_1717 = arith.constant 64 : index
      %get3A_1718 = tpu.vector_load %arg5[%get3A_1716, %get3A_1717] {strides = array<i32>} : memref<32x148xf32, #tpu.memory_space<vmem>>, vector<1x16xf32>,
      %get3A_1719 = vector.shape_cast %get3A_1718 : vector<1x16xf32> to vector<16xf32>
      %eq3A_1720 = arith.constant 0.000000e+00 : f32
      %eq3A_1721 = vector.broadcast %eq3A_1720 : f32 to vector<16xf32>
      %eq3A_1722 = arith.cmpf oeq, %get3A_1719, %eq3A_1721 : vector<16xf32>
      %jit3A_1723 = arith.constant 1.000000e+02 : f32
      %broadcast_in_dim3A_1724 = vector.broadcast %jit3A_1723 : f32 to vector<16xf32>
      %select_n3A_1725 = arith.select %eq3A_1722, %broadcast_in_dim3A_1724, %get3A_1719 : vector<16xi1>, vector<16xf32>
      %min3A_1726 = arith.minimumf %min3A_1713, %select_n3A_1725 : vector<16xf32>
      %max3A_1727 = arith.maximumf %max3A_1714, %get3A_1719 : vector<16xf32>
      %get3A_1728 = arith.constant 2 : i32
      %get3A_1729 = arith.index_cast %get3A_1728 : i32 to index
      %get3A_1730 = arith.constant 64 : index
      %get3A_1731 = tpu.vector_load %arg5[%get3A_1729, %get3A_1730] {strides = array<i32>} : memref<32x148xf32, #tpu.memory_space<vmem>>, vector<1x16xf32>,
      %get3A_1732 = vector.shape_cast %get3A_1731 : vector<1x16xf32> to vector<16xf32>
      %eq3A_1733 = arith.constant 0.000000e+00 : f32
      %eq3A_1734 = vector.broadcast %eq3A_1733 : f32 to vector<16xf32>
      %eq3A_1735 = arith.cmpf oeq, %get3A_1732, %eq3A_1734 : vector<16xf32>
      %jit3A_1736 = arith.constant 1.000000e+02 : f32
      %broadcast_in_dim3A_1737 = vector.broadcast %jit3A_1736 : f32 to vector<16xf32>
      %select_n3A_1738 = arith.select %eq3A_1735, %broadcast_in_dim3A_1737, %get3A_1732 : vector<16xi1>, vector<16xf32>
      %min3A_1739 = arith.minimumf %min3A_1726, %select_n3A_1738 : vector<16xf32>
      %max3A_1740 = arith.maximumf %max3A_1727, %get3A_1732 : vector<16xf32>
      %get3A_1741 = arith.constant 3 : i32
      %get3A_1742 = arith.index_cast %get3A_1741 : i32 to index
      %get3A_1743 = arith.constant 64 : index
      %get3A_1744 = tpu.vector_load %arg5[%get3A_1742, %get3A_1743] {strides = array<i32>} : memref<32x148xf32, #tpu.memory_space<vmem>>, vector<1x16xf32>,
      %get3A_1745 = vector.shape_cast %get3A_1744 : vector<1x16xf32> to vector<16xf32>
      %eq3A_1746 = arith.constant 0.000000e+00 : f32
      %eq3A_1747 = vector.broadcast %eq3A_1746 : f32 to vector<16xf32>
      %eq3A_1748 = arith.cmpf oeq, %get3A_1745, %eq3A_1747 : vector<16xf32>
      %jit3A_1749 = arith.constant 1.000000e+02 : f32
      %broadcast_in_dim3A_1750 = vector.broadcast %jit3A_1749 : f32 to vector<16xf32>
      %select_n3A_1751 = arith.select %eq3A_1748, %broadcast_in_dim3A_1750, %get3A_1745 : vector<16xi1>, vector<16xf32>
      %min3A_1752 = arith.minimumf %min3A_1739, %select_n3A_1751 : vector<16xf32>
      %max3A_1753 = arith.maximumf %max3A_1740, %get3A_1745 : vector<16xf32>
      %get3A_1754 = arith.constant 4 : i32
      %get3A_1755 = arith.index_cast %get3A_1754 : i32 to index
      %get3A_1756 = arith.constant 64 : index
      %get3A_1757 = tpu.vector_load %arg5[%get3A_1755, %get3A_1756] {strides = array<i32>} : memref<32x148xf32, #tpu.memory_space<vmem>>, vector<1x16xf32>,
      %get3A_1758 = vector.shape_cast %get3A_1757 : vector<1x16xf32> to vector<16xf32>
      %eq3A_1759 = arith.constant 0.000000e+00 : f32
      %eq3A_1760 = vector.broadcast %eq3A_1759 : f32 to vector<16xf32>
      %eq3A_1761 = arith.cmpf oeq, %get3A_1758, %eq3A_1760 : vector<16xf32>
      %jit3A_1762 = arith.constant 1.000000e+02 : f32
      %broadcast_in_dim3A_1763 = vector.broadcast %jit3A_1762 : f32 to vector<16xf32>
      %select_n3A_1764 = arith.select %eq3A_1761, %broadcast_in_dim3A_1763, %get3A_1758 : vector<16xi1>, vector<16xf32>
      %min3A_1765 = arith.minimumf %min3A_1752, %select_n3A_1764 : vector<16xf32>
      %max3A_1766 = arith.maximumf %max3A_1753, %get3A_1758 : vector<16xf32>
      %get3A_1767 = arith.constant 5 : i32
      %get3A_1768 = arith.index_cast %get3A_1767 : i32 to index
      %get3A_1769 = arith.constant 64 : index
      %get3A_1770 = tpu.vector_load %arg5[%get3A_1768, %get3A_1769] {strides = array<i32>} : memref<32x148xf32, #tpu.memory_space<vmem>>, vector<1x16xf32>,
      %get3A_1771 = vector.shape_cast %get3A_1770 : vector<1x16xf32> to vector<16xf32>
      %eq3A_1772 = arith.constant 0.000000e+00 : f32
      %eq3A_1773 = vector.broadcast %eq3A_1772 : f32 to vector<16xf32>
      %eq3A_1774 = arith.cmpf oeq, %get3A_1771, %eq3A_1773 : vector<16xf32>
      %jit3A_1775 = arith.constant 1.000000e+02 : f32
      %broadcast_in_dim3A_1776 = vector.broadcast %jit3A_1775 : f32 to vector<16xf32>
      %select_n3A_1777 = arith.select %eq3A_1774, %broadcast_in_dim3A_1776, %get3A_1771 : vector<16xi1>, vector<16xf32>
      %min3A_1778 = arith.minimumf %min3A_1765, %select_n3A_1777 : vector<16xf32>
      %max3A_1779 = arith.maximumf %max3A_1766, %get3A_1771 : vector<16xf32>
      %get3A_1780 = arith.constant 6 : i32
      %get3A_1781 = arith.index_cast %get3A_1780 : i32 to index
      %get3A_1782 = arith.constant 64 : index
      %get3A_1783 = tpu.vector_load %arg5[%get3A_1781, %get3A_1782] {strides = array<i32>} : memref<32x148xf32, #tpu.memory_space<vmem>>, vector<1x16xf32>,
      %get3A_1784 = vector.shape_cast %get3A_1783 : vector<1x16xf32> to vector<16xf32>
      %eq3A_1785 = arith.constant 0.000000e+00 : f32
      %eq3A_1786 = vector.broadcast %eq3A_1785 : f32 to vector<16xf32>
      %eq3A_1787 = arith.cmpf oeq, %get3A_1784, %eq3A_1786 : vector<16xf32>
      %jit3A_1788 = arith.constant 1.000000e+02 : f32
      %broadcast_in_dim3A_1789 = vector.broadcast %jit3A_1788 : f32 to vector<16xf32>
      %select_n3A_1790 = arith.select %eq3A_1787, %broadcast_in_dim3A_1789, %get3A_1784 : vector<16xi1>, vector<16xf32>
      %min3A_1791 = arith.minimumf %min3A_1778, %select_n3A_1790 : vector<16xf32>
      %max3A_1792 = arith.maximumf %max3A_1779, %get3A_1784 : vector<16xf32>
      %get3A_1793 = arith.constant 7 : i32
      %get3A_1794 = arith.index_cast %get3A_1793 : i32 to index
      %get3A_1795 = arith.constant 64 : index
      %get3A_1796 = tpu.vector_load %arg5[%get3A_1794, %get3A_1795] {strides = array<i32>} : memref<32x148xf32, #tpu.memory_space<vmem>>, vector<1x16xf32>,
      %get3A_1797 = vector.shape_cast %get3A_1796 : vector<1x16xf32> to vector<16xf32>
      %eq3A_1798 = arith.constant 0.000000e+00 : f32
      %eq3A_1799 = vector.broadcast %eq3A_1798 : f32 to vector<16xf32>
      %eq3A_1800 = arith.cmpf oeq, %get3A_1797, %eq3A_1799 : vector<16xf32>
      %jit3A_1801 = arith.constant 1.000000e+02 : f32
      %broadcast_in_dim3A_1802 = vector.broadcast %jit3A_1801 : f32 to vector<16xf32>
      %select_n3A_1803 = arith.select %eq3A_1800, %broadcast_in_dim3A_1802, %get3A_1797 : vector<16xi1>, vector<16xf32>
      %min3A_1804 = arith.minimumf %min3A_1791, %select_n3A_1803 : vector<16xf32>
      %max3A_1805 = arith.maximumf %max3A_1792, %get3A_1797 : vector<16xf32>
      %get3A_1806 = arith.constant 8 : i32
      %get3A_1807 = arith.index_cast %get3A_1806 : i32 to index
      %get3A_1808 = arith.constant 64 : index
      %get3A_1809 = tpu.vector_load %arg5[%get3A_1807, %get3A_1808] {strides = array<i32>} : memref<32x148xf32, #tpu.memory_space<vmem>>, vector<1x16xf32>,
      %get3A_1810 = vector.shape_cast %get3A_1809 : vector<1x16xf32> to vector<16xf32>
      %eq3A_1811 = arith.constant 0.000000e+00 : f32
      %eq3A_1812 = vector.broadcast %eq3A_1811 : f32 to vector<16xf32>
      %eq3A_1813 = arith.cmpf oeq, %get3A_1810, %eq3A_1812 : vector<16xf32>
      %jit3A_1814 = arith.constant 1.000000e+02 : f32
      %broadcast_in_dim3A_1815 = vector.broadcast %jit3A_1814 : f32 to vector<16xf32>
      %select_n3A_1816 = arith.select %eq3A_1813, %broadcast_in_dim3A_1815, %get3A_1810 : vector<16xi1>, vector<16xf32>
      %min3A_1817 = arith.minimumf %min3A_1804, %select_n3A_1816 : vector<16xf32>
      %max3A_1818 = arith.maximumf %max3A_1805, %get3A_1810 : vector<16xf32>
      %get3A_1819 = arith.constant 9 : i32
      %get3A_1820 = arith.index_cast %get3A_1819 : i32 to index
      %get3A_1821 = arith.constant 64 : index
      %get3A_1822 = tpu.vector_load %arg5[%get3A_1820, %get3A_1821] {strides = array<i32>} : memref<32x148xf32, #tpu.memory_space<vmem>>, vector<1x16xf32>,
      %get3A_1823 = vector.shape_cast %get3A_1822 : vector<1x16xf32> to vector<16xf32>
      %eq3A_1824 = arith.constant 0.000000e+00 : f32
      %eq3A_1825 = vector.broadcast %eq3A_1824 : f32 to vector<16xf32>
      %eq3A_1826 = arith.cmpf oeq, %get3A_1823, %eq3A_1825 : vector<16xf32>
      %jit3A_1827 = arith.constant 1.000000e+02 : f32
      %broadcast_in_dim3A_1828 = vector.broadcast %jit3A_1827 : f32 to vector<16xf32>
      %select_n3A_1829 = arith.select %eq3A_1826, %broadcast_in_dim3A_1828, %get3A_1823 : vector<16xi1>, vector<16xf32>
      %min3A_1830 = arith.minimumf %min3A_1817, %select_n3A_1829 : vector<16xf32>
      %max3A_1831 = arith.maximumf %max3A_1818, %get3A_1823 : vector<16xf32>
      %get3A_1832 = arith.constant 10 : i32
      %get3A_1833 = arith.index_cast %get3A_1832 : i32 to index
      %get3A_1834 = arith.constant 64 : index
      %get3A_1835 = tpu.vector_load %arg5[%get3A_1833, %get3A_1834] {strides = array<i32>} : memref<32x148xf32, #tpu.memory_space<vmem>>, vector<1x16xf32>,
      %get3A_1836 = vector.shape_cast %get3A_1835 : vector<1x16xf32> to vector<16xf32>
      %eq3A_1837 = arith.constant 0.000000e+00 : f32
      %eq3A_1838 = vector.broadcast %eq3A_1837 : f32 to vector<16xf32>
      %eq3A_1839 = arith.cmpf oeq, %get3A_1836, %eq3A_1838 : vector<16xf32>
      %jit3A_1840 = arith.constant 1.000000e+02 : f32
      %broadcast_in_dim3A_1841 = vector.broadcast %jit3A_1840 : f32 to vector<16xf32>
      %select_n3A_1842 = arith.select %eq3A_1839, %broadcast_in_dim3A_1841, %get3A_1836 : vector<16xi1>, vector<16xf32>
      %min3A_1843 = arith.minimumf %min3A_1830, %select_n3A_1842 : vector<16xf32>
      %max3A_1844 = arith.maximumf %max3A_1831, %get3A_1836 : vector<16xf32>
      %get3A_1845 = arith.constant 11 : i32
      %get3A_1846 = arith.index_cast %get3A_1845 : i32 to index
      %get3A_1847 = arith.constant 64 : index
      %get3A_1848 = tpu.vector_load %arg5[%get3A_1846, %get3A_1847] {strides = array<i32>} : memref<32x148xf32, #tpu.memory_space<vmem>>, vector<1x16xf32>,
      %get3A_1849 = vector.shape_cast %get3A_1848 : vector<1x16xf32> to vector<16xf32>
      %eq3A_1850 = arith.constant 0.000000e+00 : f32
      %eq3A_1851 = vector.broadcast %eq3A_1850 : f32 to vector<16xf32>
      %eq3A_1852 = arith.cmpf oeq, %get3A_1849, %eq3A_1851 : vector<16xf32>
      %jit3A_1853 = arith.constant 1.000000e+02 : f32
      %broadcast_in_dim3A_1854 = vector.broadcast %jit3A_1853 : f32 to vector<16xf32>
      %select_n3A_1855 = arith.select %eq3A_1852, %broadcast_in_dim3A_1854, %get3A_1849 : vector<16xi1>, vector<16xf32>
      %min3A_1856 = arith.minimumf %min3A_1843, %select_n3A_1855 : vector<16xf32>
      %max3A_1857 = arith.maximumf %max3A_1844, %get3A_1849 : vector<16xf32>
      %get3A_1858 = arith.constant 12 : i32
      %get3A_1859 = arith.index_cast %get3A_1858 : i32 to index
      %get3A_1860 = arith.constant 64 : index
      %get3A_1861 = tpu.vector_load %arg5[%get3A_1859, %get3A_1860] {strides = array<i32>} : memref<32x148xf32, #tpu.memory_space<vmem>>, vector<1x16xf32>,
      %get3A_1862 = vector.shape_cast %get3A_1861 : vector<1x16xf32> to vector<16xf32>
      %eq3A_1863 = arith.constant 0.000000e+00 : f32
      %eq3A_1864 = vector.broadcast %eq3A_1863 : f32 to vector<16xf32>
      %eq3A_1865 = arith.cmpf oeq, %get3A_1862, %eq3A_1864 : vector<16xf32>
      %jit3A_1866 = arith.constant 1.000000e+02 : f32
      %broadcast_in_dim3A_1867 = vector.broadcast %jit3A_1866 : f32 to vector<16xf32>
      %select_n3A_1868 = arith.select %eq3A_1865, %broadcast_in_dim3A_1867, %get3A_1862 : vector<16xi1>, vector<16xf32>
      %min3A_1869 = arith.minimumf %min3A_1856, %select_n3A_1868 : vector<16xf32>
      %max3A_1870 = arith.maximumf %max3A_1857, %get3A_1862 : vector<16xf32>
      %get3A_1871 = arith.constant 13 : i32
      %get3A_1872 = arith.index_cast %get3A_1871 : i32 to index
      %get3A_1873 = arith.constant 64 : index
      %get3A_1874 = tpu.vector_load %arg5[%get3A_1872, %get3A_1873] {strides = array<i32>} : memref<32x148xf32, #tpu.memory_space<vmem>>, vector<1x16xf32>,
      %get3A_1875 = vector.shape_cast %get3A_1874 : vector<1x16xf32> to vector<16xf32>
      %eq3A_1876 = arith.constant 0.000000e+00 : f32
      %eq3A_1877 = vector.broadcast %eq3A_1876 : f32 to vector<16xf32>
      %eq3A_1878 = arith.cmpf oeq, %get3A_1875, %eq3A_1877 : vector<16xf32>
      %jit3A_1879 = arith.constant 1.000000e+02 : f32
      %broadcast_in_dim3A_1880 = vector.broadcast %jit3A_1879 : f32 to vector<16xf32>
      %select_n3A_1881 = arith.select %eq3A_1878, %broadcast_in_dim3A_1880, %get3A_1875 : vector<16xi1>, vector<16xf32>
      %min3A_1882 = arith.minimumf %min3A_1869, %select_n3A_1881 : vector<16xf32>
      %max3A_1883 = arith.maximumf %max3A_1870, %get3A_1875 : vector<16xf32>
      %get3A_1884 = arith.constant 14 : i32
      %get3A_1885 = arith.index_cast %get3A_1884 : i32 to index
      %get3A_1886 = arith.constant 64 : index
      %get3A_1887 = tpu.vector_load %arg5[%get3A_1885, %get3A_1886] {strides = array<i32>} : memref<32x148xf32, #tpu.memory_space<vmem>>, vector<1x16xf32>,
      %get3A_1888 = vector.shape_cast %get3A_1887 : vector<1x16xf32> to vector<16xf32>
      %eq3A_1889 = arith.constant 0.000000e+00 : f32
      %eq3A_1890 = vector.broadcast %eq3A_1889 : f32 to vector<16xf32>
      %eq3A_1891 = arith.cmpf oeq, %get3A_1888, %eq3A_1890 : vector<16xf32>
      %jit3A_1892 = arith.constant 1.000000e+02 : f32
      %broadcast_in_dim3A_1893 = vector.broadcast %jit3A_1892 : f32 to vector<16xf32>
      %select_n3A_1894 = arith.select %eq3A_1891, %broadcast_in_dim3A_1893, %get3A_1888 : vector<16xi1>, vector<16xf32>
      %min3A_1895 = arith.minimumf %min3A_1882, %select_n3A_1894 : vector<16xf32>
      %max3A_1896 = arith.maximumf %max3A_1883, %get3A_1888 : vector<16xf32>
      %get3A_1897 = arith.constant 15 : i32
      %get3A_1898 = arith.index_cast %get3A_1897 : i32 to index
      %get3A_1899 = arith.constant 64 : index
      %get3A_1900 = tpu.vector_load %arg5[%get3A_1898, %get3A_1899] {strides = array<i32>} : memref<32x148xf32, #tpu.memory_space<vmem>>, vector<1x16xf32>,
      %get3A_1901 = vector.shape_cast %get3A_1900 : vector<1x16xf32> to vector<16xf32>
      %eq3A_1902 = arith.constant 0.000000e+00 : f32
      %eq3A_1903 = vector.broadcast %eq3A_1902 : f32 to vector<16xf32>
      %eq3A_1904 = arith.cmpf oeq, %get3A_1901, %eq3A_1903 : vector<16xf32>
      %jit3A_1905 = arith.constant 1.000000e+02 : f32
      %broadcast_in_dim3A_1906 = vector.broadcast %jit3A_1905 : f32 to vector<16xf32>
      %select_n3A_1907 = arith.select %eq3A_1904, %broadcast_in_dim3A_1906, %get3A_1901 : vector<16xi1>, vector<16xf32>
      %min3A_1908 = arith.minimumf %min3A_1895, %select_n3A_1907 : vector<16xf32>
      %max3A_1909 = arith.maximumf %max3A_1896, %get3A_1901 : vector<16xf32>
      %get3A_1910 = arith.constant 16 : i32
      %get3A_1911 = arith.index_cast %get3A_1910 : i32 to index
      %get3A_1912 = arith.constant 64 : index
      %get3A_1913 = tpu.vector_load %arg5[%get3A_1911, %get3A_1912] {strides = array<i32>} : memref<32x148xf32, #tpu.memory_space<vmem>>, vector<1x16xf32>,
      %get3A_1914 = vector.shape_cast %get3A_1913 : vector<1x16xf32> to vector<16xf32>
      %eq3A_1915 = arith.constant 0.000000e+00 : f32
      %eq3A_1916 = vector.broadcast %eq3A_1915 : f32 to vector<16xf32>
      %eq3A_1917 = arith.cmpf oeq, %get3A_1914, %eq3A_1916 : vector<16xf32>
      %jit3A_1918 = arith.constant 1.000000e+02 : f32
      %broadcast_in_dim3A_1919 = vector.broadcast %jit3A_1918 : f32 to vector<16xf32>
      %select_n3A_1920 = arith.select %eq3A_1917, %broadcast_in_dim3A_1919, %get3A_1914 : vector<16xi1>, vector<16xf32>
      %min3A_1921 = arith.minimumf %min3A_1908, %select_n3A_1920 : vector<16xf32>
      %max3A_1922 = arith.maximumf %max3A_1909, %get3A_1914 : vector<16xf32>
      %get3A_1923 = arith.constant 17 : i32
      %get3A_1924 = arith.index_cast %get3A_1923 : i32 to index
      %get3A_1925 = arith.constant 64 : index
      %get3A_1926 = tpu.vector_load %arg5[%get3A_1924, %get3A_1925] {strides = array<i32>} : memref<32x148xf32, #tpu.memory_space<vmem>>, vector<1x16xf32>,
      %get3A_1927 = vector.shape_cast %get3A_1926 : vector<1x16xf32> to vector<16xf32>
      %eq3A_1928 = arith.constant 0.000000e+00 : f32
      %eq3A_1929 = vector.broadcast %eq3A_1928 : f32 to vector<16xf32>
      %eq3A_1930 = arith.cmpf oeq, %get3A_1927, %eq3A_1929 : vector<16xf32>
      %jit3A_1931 = arith.constant 1.000000e+02 : f32
      %broadcast_in_dim3A_1932 = vector.broadcast %jit3A_1931 : f32 to vector<16xf32>
      %select_n3A_1933 = arith.select %eq3A_1930, %broadcast_in_dim3A_1932, %get3A_1927 : vector<16xi1>, vector<16xf32>
      %min3A_1934 = arith.minimumf %min3A_1921, %select_n3A_1933 : vector<16xf32>
      %max3A_1935 = arith.maximumf %max3A_1922, %get3A_1927 : vector<16xf32>
      %get3A_1936 = arith.constant 18 : i32
      %get3A_1937 = arith.index_cast %get3A_1936 : i32 to index
      %get3A_1938 = arith.constant 64 : index
      %get3A_1939 = tpu.vector_load %arg5[%get3A_1937, %get3A_1938] {strides = array<i32>} : memref<32x148xf32, #tpu.memory_space<vmem>>, vector<1x16xf32>,
      %get3A_1940 = vector.shape_cast %get3A_1939 : vector<1x16xf32> to vector<16xf32>
      %eq3A_1941 = arith.constant 0.000000e+00 : f32
      %eq3A_1942 = vector.broadcast %eq3A_1941 : f32 to vector<16xf32>
      %eq3A_1943 = arith.cmpf oeq, %get3A_1940, %eq3A_1942 : vector<16xf32>
      %jit3A_1944 = arith.constant 1.000000e+02 : f32
      %broadcast_in_dim3A_1945 = vector.broadcast %jit3A_1944 : f32 to vector<16xf32>
      %select_n3A_1946 = arith.select %eq3A_1943, %broadcast_in_dim3A_1945, %get3A_1940 : vector<16xi1>, vector<16xf32>
      %min3A_1947 = arith.minimumf %min3A_1934, %select_n3A_1946 : vector<16xf32>
      %max3A_1948 = arith.maximumf %max3A_1935, %get3A_1940 : vector<16xf32>
      %get3A_1949 = arith.constant 19 : i32
      %get3A_1950 = arith.index_cast %get3A_1949 : i32 to index
      %get3A_1951 = arith.constant 64 : index
      %get3A_1952 = tpu.vector_load %arg5[%get3A_1950, %get3A_1951] {strides = array<i32>} : memref<32x148xf32, #tpu.memory_space<vmem>>, vector<1x16xf32>,
      %get3A_1953 = vector.shape_cast %get3A_1952 : vector<1x16xf32> to vector<16xf32>
      %eq3A_1954 = arith.constant 0.000000e+00 : f32
      %eq3A_1955 = vector.broadcast %eq3A_1954 : f32 to vector<16xf32>
      %eq3A_1956 = arith.cmpf oeq, %get3A_1953, %eq3A_1955 : vector<16xf32>
      %jit3A_1957 = arith.constant 1.000000e+02 : f32
      %broadcast_in_dim3A_1958 = vector.broadcast %jit3A_1957 : f32 to vector<16xf32>
      %select_n3A_1959 = arith.select %eq3A_1956, %broadcast_in_dim3A_1958, %get3A_1953 : vector<16xi1>, vector<16xf32>
      %min3A_1960 = arith.minimumf %min3A_1947, %select_n3A_1959 : vector<16xf32>
      %max3A_1961 = arith.maximumf %max3A_1948, %get3A_1953 : vector<16xf32>
      %get3A_1962 = arith.constant 20 : i32
      %get3A_1963 = arith.index_cast %get3A_1962 : i32 to index
      %get3A_1964 = arith.constant 64 : index
      %get3A_1965 = tpu.vector_load %arg5[%get3A_1963, %get3A_1964] {strides = array<i32>} : memref<32x148xf32, #tpu.memory_space<vmem>>, vector<1x16xf32>,
      %get3A_1966 = vector.shape_cast %get3A_1965 : vector<1x16xf32> to vector<16xf32>
      %eq3A_1967 = arith.constant 0.000000e+00 : f32
      %eq3A_1968 = vector.broadcast %eq3A_1967 : f32 to vector<16xf32>
      %eq3A_1969 = arith.cmpf oeq, %get3A_1966, %eq3A_1968 : vector<16xf32>
      %jit3A_1970 = arith.constant 1.000000e+02 : f32
      %broadcast_in_dim3A_1971 = vector.broadcast %jit3A_1970 : f32 to vector<16xf32>
      %select_n3A_1972 = arith.select %eq3A_1969, %broadcast_in_dim3A_1971, %get3A_1966 : vector<16xi1>, vector<16xf32>
      %min3A_1973 = arith.minimumf %min3A_1960, %select_n3A_1972 : vector<16xf32>
      %max3A_1974 = arith.maximumf %max3A_1961, %get3A_1966 : vector<16xf32>
      %get3A_1975 = arith.constant 21 : i32
      %get3A_1976 = arith.index_cast %get3A_1975 : i32 to index
      %get3A_1977 = arith.constant 64 : index
      %get3A_1978 = tpu.vector_load %arg5[%get3A_1976, %get3A_1977] {strides = array<i32>} : memref<32x148xf32, #tpu.memory_space<vmem>>, vector<1x16xf32>,
      %get3A_1979 = vector.shape_cast %get3A_1978 : vector<1x16xf32> to vector<16xf32>
      %eq3A_1980 = arith.constant 0.000000e+00 : f32
      %eq3A_1981 = vector.broadcast %eq3A_1980 : f32 to vector<16xf32>
      %eq3A_1982 = arith.cmpf oeq, %get3A_1979, %eq3A_1981 : vector<16xf32>
      %jit3A_1983 = arith.constant 1.000000e+02 : f32
      %broadcast_in_dim3A_1984 = vector.broadcast %jit3A_1983 : f32 to vector<16xf32>
      %select_n3A_1985 = arith.select %eq3A_1982, %broadcast_in_dim3A_1984, %get3A_1979 : vector<16xi1>, vector<16xf32>
      %min3A_1986 = arith.minimumf %min3A_1973, %select_n3A_1985 : vector<16xf32>
      %max3A_1987 = arith.maximumf %max3A_1974, %get3A_1979 : vector<16xf32>
      %get3A_1988 = arith.constant 22 : i32
      %get3A_1989 = arith.index_cast %get3A_1988 : i32 to index
      %get3A_1990 = arith.constant 64 : index
      %get3A_1991 = tpu.vector_load %arg5[%get3A_1989, %get3A_1990] {strides = array<i32>} : memref<32x148xf32, #tpu.memory_space<vmem>>, vector<1x16xf32>,
      %get3A_1992 = vector.shape_cast %get3A_1991 : vector<1x16xf32> to vector<16xf32>
      %eq3A_1993 = arith.constant 0.000000e+00 : f32
      %eq3A_1994 = vector.broadcast %eq3A_1993 : f32 to vector<16xf32>
      %eq3A_1995 = arith.cmpf oeq, %get3A_1992, %eq3A_1994 : vector<16xf32>
      %jit3A_1996 = arith.constant 1.000000e+02 : f32
      %broadcast_in_dim3A_1997 = vector.broadcast %jit3A_1996 : f32 to vector<16xf32>
      %select_n3A_1998 = arith.select %eq3A_1995, %broadcast_in_dim3A_1997, %get3A_1992 : vector<16xi1>, vector<16xf32>
      %min3A_1999 = arith.minimumf %min3A_1986, %select_n3A_1998 : vector<16xf32>
      %max3A_2000 = arith.maximumf %max3A_1987, %get3A_1992 : vector<16xf32>
      %get3A_2001 = arith.constant 23 : i32
      %get3A_2002 = arith.index_cast %get3A_2001 : i32 to index
      %get3A_2003 = arith.constant 64 : index
      %get3A_2004 = tpu.vector_load %arg5[%get3A_2002, %get3A_2003] {strides = array<i32>} : memref<32x148xf32, #tpu.memory_space<vmem>>, vector<1x16xf32>,
      %get3A_2005 = vector.shape_cast %get3A_2004 : vector<1x16xf32> to vector<16xf32>
      %eq3A_2006 = arith.constant 0.000000e+00 : f32
      %eq3A_2007 = vector.broadcast %eq3A_2006 : f32 to vector<16xf32>
      %eq3A_2008 = arith.cmpf oeq, %get3A_2005, %eq3A_2007 : vector<16xf32>
      %jit3A_2009 = arith.constant 1.000000e+02 : f32
      %broadcast_in_dim3A_2010 = vector.broadcast %jit3A_2009 : f32 to vector<16xf32>
      %select_n3A_2011 = arith.select %eq3A_2008, %broadcast_in_dim3A_2010, %get3A_2005 : vector<16xi1>, vector<16xf32>
      %min3A_2012 = arith.minimumf %min3A_1999, %select_n3A_2011 : vector<16xf32>
      %max3A_2013 = arith.maximumf %max3A_2000, %get3A_2005 : vector<16xf32>
      %get3A_2014 = arith.constant 24 : i32
      %get3A_2015 = arith.index_cast %get3A_2014 : i32 to index
      %get3A_2016 = arith.constant 64 : index
      %get3A_2017 = tpu.vector_load %arg5[%get3A_2015, %get3A_2016] {strides = array<i32>} : memref<32x148xf32, #tpu.memory_space<vmem>>, vector<1x16xf32>,
      %get3A_2018 = vector.shape_cast %get3A_2017 : vector<1x16xf32> to vector<16xf32>
      %eq3A_2019 = arith.constant 0.000000e+00 : f32
      %eq3A_2020 = vector.broadcast %eq3A_2019 : f32 to vector<16xf32>
      %eq3A_2021 = arith.cmpf oeq, %get3A_2018, %eq3A_2020 : vector<16xf32>
      %jit3A_2022 = arith.constant 1.000000e+02 : f32
      %broadcast_in_dim3A_2023 = vector.broadcast %jit3A_2022 : f32 to vector<16xf32>
      %select_n3A_2024 = arith.select %eq3A_2021, %broadcast_in_dim3A_2023, %get3A_2018 : vector<16xi1>, vector<16xf32>
      %min3A_2025 = arith.minimumf %min3A_2012, %select_n3A_2024 : vector<16xf32>
      %max3A_2026 = arith.maximumf %max3A_2013, %get3A_2018 : vector<16xf32>
      %get3A_2027 = arith.constant 25 : i32
      %get3A_2028 = arith.index_cast %get3A_2027 : i32 to index
      %get3A_2029 = arith.constant 64 : index
      %get3A_2030 = tpu.vector_load %arg5[%get3A_2028, %get3A_2029] {strides = array<i32>} : memref<32x148xf32, #tpu.memory_space<vmem>>, vector<1x16xf32>,
      %get3A_2031 = vector.shape_cast %get3A_2030 : vector<1x16xf32> to vector<16xf32>
      %eq3A_2032 = arith.constant 0.000000e+00 : f32
      %eq3A_2033 = vector.broadcast %eq3A_2032 : f32 to vector<16xf32>
      %eq3A_2034 = arith.cmpf oeq, %get3A_2031, %eq3A_2033 : vector<16xf32>
      %jit3A_2035 = arith.constant 1.000000e+02 : f32
      %broadcast_in_dim3A_2036 = vector.broadcast %jit3A_2035 : f32 to vector<16xf32>
      %select_n3A_2037 = arith.select %eq3A_2034, %broadcast_in_dim3A_2036, %get3A_2031 : vector<16xi1>, vector<16xf32>
      %min3A_2038 = arith.minimumf %min3A_2025, %select_n3A_2037 : vector<16xf32>
      %max3A_2039 = arith.maximumf %max3A_2026, %get3A_2031 : vector<16xf32>
      %get3A_2040 = arith.constant 26 : i32
      %get3A_2041 = arith.index_cast %get3A_2040 : i32 to index
      %get3A_2042 = arith.constant 64 : index
      %get3A_2043 = tpu.vector_load %arg5[%get3A_2041, %get3A_2042] {strides = array<i32>} : memref<32x148xf32, #tpu.memory_space<vmem>>, vector<1x16xf32>,
      %get3A_2044 = vector.shape_cast %get3A_2043 : vector<1x16xf32> to vector<16xf32>
      %eq3A_2045 = arith.constant 0.000000e+00 : f32
      %eq3A_2046 = vector.broadcast %eq3A_2045 : f32 to vector<16xf32>
      %eq3A_2047 = arith.cmpf oeq, %get3A_2044, %eq3A_2046 : vector<16xf32>
      %jit3A_2048 = arith.constant 1.000000e+02 : f32
      %broadcast_in_dim3A_2049 = vector.broadcast %jit3A_2048 : f32 to vector<16xf32>
      %select_n3A_2050 = arith.select %eq3A_2047, %broadcast_in_dim3A_2049, %get3A_2044 : vector<16xi1>, vector<16xf32>
      %min3A_2051 = arith.minimumf %min3A_2038, %select_n3A_2050 : vector<16xf32>
      %max3A_2052 = arith.maximumf %max3A_2039, %get3A_2044 : vector<16xf32>
      %get3A_2053 = arith.constant 27 : i32
      %get3A_2054 = arith.index_cast %get3A_2053 : i32 to index
      %get3A_2055 = arith.constant 64 : index
      %get3A_2056 = tpu.vector_load %arg5[%get3A_2054, %get3A_2055] {strides = array<i32>} : memref<32x148xf32, #tpu.memory_space<vmem>>, vector<1x16xf32>,
      %get3A_2057 = vector.shape_cast %get3A_2056 : vector<1x16xf32> to vector<16xf32>
      %eq3A_2058 = arith.constant 0.000000e+00 : f32
      %eq3A_2059 = vector.broadcast %eq3A_2058 : f32 to vector<16xf32>
      %eq3A_2060 = arith.cmpf oeq, %get3A_2057, %eq3A_2059 : vector<16xf32>
      %jit3A_2061 = arith.constant 1.000000e+02 : f32
      %broadcast_in_dim3A_2062 = vector.broadcast %jit3A_2061 : f32 to vector<16xf32>
      %select_n3A_2063 = arith.select %eq3A_2060, %broadcast_in_dim3A_2062, %get3A_2057 : vector<16xi1>, vector<16xf32>
      %min3A_2064 = arith.minimumf %min3A_2051, %select_n3A_2063 : vector<16xf32>
      %max3A_2065 = arith.maximumf %max3A_2052, %get3A_2057 : vector<16xf32>
      %get3A_2066 = arith.constant 28 : i32
      %get3A_2067 = arith.index_cast %get3A_2066 : i32 to index
      %get3A_2068 = arith.constant 64 : index
      %get3A_2069 = tpu.vector_load %arg5[%get3A_2067, %get3A_2068] {strides = array<i32>} : memref<32x148xf32, #tpu.memory_space<vmem>>, vector<1x16xf32>,
      %get3A_2070 = vector.shape_cast %get3A_2069 : vector<1x16xf32> to vector<16xf32>
      %eq3A_2071 = arith.constant 0.000000e+00 : f32
      %eq3A_2072 = vector.broadcast %eq3A_2071 : f32 to vector<16xf32>
      %eq3A_2073 = arith.cmpf oeq, %get3A_2070, %eq3A_2072 : vector<16xf32>
      %jit3A_2074 = arith.constant 1.000000e+02 : f32
      %broadcast_in_dim3A_2075 = vector.broadcast %jit3A_2074 : f32 to vector<16xf32>
      %select_n3A_2076 = arith.select %eq3A_2073, %broadcast_in_dim3A_2075, %get3A_2070 : vector<16xi1>, vector<16xf32>
      %min3A_2077 = arith.minimumf %min3A_2064, %select_n3A_2076 : vector<16xf32>
      %max3A_2078 = arith.maximumf %max3A_2065, %get3A_2070 : vector<16xf32>
      %get3A_2079 = arith.constant 29 : i32
      %get3A_2080 = arith.index_cast %get3A_2079 : i32 to index
      %get3A_2081 = arith.constant 64 : index
      %get3A_2082 = tpu.vector_load %arg5[%get3A_2080, %get3A_2081] {strides = array<i32>} : memref<32x148xf32, #tpu.memory_space<vmem>>, vector<1x16xf32>,
      %get3A_2083 = vector.shape_cast %get3A_2082 : vector<1x16xf32> to vector<16xf32>
      %eq3A_2084 = arith.constant 0.000000e+00 : f32
      %eq3A_2085 = vector.broadcast %eq3A_2084 : f32 to vector<16xf32>
      %eq3A_2086 = arith.cmpf oeq, %get3A_2083, %eq3A_2085 : vector<16xf32>
      %jit3A_2087 = arith.constant 1.000000e+02 : f32
      %broadcast_in_dim3A_2088 = vector.broadcast %jit3A_2087 : f32 to vector<16xf32>
      %select_n3A_2089 = arith.select %eq3A_2086, %broadcast_in_dim3A_2088, %get3A_2083 : vector<16xi1>, vector<16xf32>
      %min3A_2090 = arith.minimumf %min3A_2077, %select_n3A_2089 : vector<16xf32>
      %max3A_2091 = arith.maximumf %max3A_2078, %get3A_2083 : vector<16xf32>
      %get3A_2092 = arith.constant 30 : i32
      %get3A_2093 = arith.index_cast %get3A_2092 : i32 to index
      %get3A_2094 = arith.constant 64 : index
      %get3A_2095 = tpu.vector_load %arg5[%get3A_2093, %get3A_2094] {strides = array<i32>} : memref<32x148xf32, #tpu.memory_space<vmem>>, vector<1x16xf32>,
      %get3A_2096 = vector.shape_cast %get3A_2095 : vector<1x16xf32> to vector<16xf32>
      %eq3A_2097 = arith.constant 0.000000e+00 : f32
      %eq3A_2098 = vector.broadcast %eq3A_2097 : f32 to vector<16xf32>
      %eq3A_2099 = arith.cmpf oeq, %get3A_2096, %eq3A_2098 : vector<16xf32>
      %jit3A_2100 = arith.constant 1.000000e+02 : f32
      %broadcast_in_dim3A_2101 = vector.broadcast %jit3A_2100 : f32 to vector<16xf32>
      %select_n3A_2102 = arith.select %eq3A_2099, %broadcast_in_dim3A_2101, %get3A_2096 : vector<16xi1>, vector<16xf32>
      %min3A_2103 = arith.minimumf %min3A_2090, %select_n3A_2102 : vector<16xf32>
      %max3A_2104 = arith.maximumf %max3A_2091, %get3A_2096 : vector<16xf32>
      %get3A_2105 = arith.constant 31 : i32
      %get3A_2106 = arith.index_cast %get3A_2105 : i32 to index
      %get3A_2107 = arith.constant 64 : index
      %get3A_2108 = tpu.vector_load %arg5[%get3A_2106, %get3A_2107] {strides = array<i32>} : memref<32x148xf32, #tpu.memory_space<vmem>>, vector<1x16xf32>,
      %get3A_2109 = vector.shape_cast %get3A_2108 : vector<1x16xf32> to vector<16xf32>
      %eq3A_2110 = arith.constant 0.000000e+00 : f32
      %eq3A_2111 = vector.broadcast %eq3A_2110 : f32 to vector<16xf32>
      %eq3A_2112 = arith.cmpf oeq, %get3A_2109, %eq3A_2111 : vector<16xf32>
      %jit3A_2113 = arith.constant 1.000000e+02 : f32
      %broadcast_in_dim3A_2114 = vector.broadcast %jit3A_2113 : f32 to vector<16xf32>
      %select_n3A_2115 = arith.select %eq3A_2112, %broadcast_in_dim3A_2114, %get3A_2109 : vector<16xi1>, vector<16xf32>
      %min3A_2116 = arith.minimumf %min3A_2103, %select_n3A_2115 : vector<16xf32>
      %max3A_2117 = arith.maximumf %max3A_2104, %get3A_2109 : vector<16xf32>
      %swap3A_2118 = arith.constant 64 : index
      %swap3A_2119 = tpu.vector_load %arg6[%swap3A_2118] {strides = array<i32>} : memref<148xf32, #tpu.memory_space<vmem>>, vector<16xf32>,
      %swap3A_2120 = vector.shape_cast %swap3A_2119 : vector<16xf32> to vector<16xf32>
      %swap3A_2121 = vector.shape_cast %min3A_2116 : vector<16xf32> to vector<16xf32>
      tpu.vector_store %arg6[%swap3A_2118], %swap3A_2121 {strides = array<i32>} : memref<148xf32, #tpu.memory_space<vmem>>, vector<16xf32>,
      %swap3A_2122 = arith.constant 64 : index
      %swap3A_2123 = tpu.vector_load %arg7[%swap3A_2122] {strides = array<i32>} : memref<148xf32, #tpu.memory_space<vmem>>, vector<16xf32>,
      %swap3A_2124 = vector.shape_cast %swap3A_2123 : vector<16xf32> to vector<16xf32>
      %swap3A_2125 = vector.shape_cast %max3A_2117 : vector<16xf32> to vector<16xf32>
      tpu.vector_store %arg7[%swap3A_2122], %swap3A_2125 {strides = array<i32>} : memref<148xf32, #tpu.memory_space<vmem>>, vector<16xf32>,
      %get3A_2126 = arith.constant 0 : i32
      %get3A_2127 = arith.index_cast %get3A_2126 : i32 to index
      %get3A_2128 = arith.constant 80 : index
      %get3A_2129 = tpu.vector_load %arg5[%get3A_2127, %get3A_2128] {strides = array<i32>} : memref<32x148xf32, #tpu.memory_space<vmem>>, vector<1x16xf32>,
      %get3A_2130 = vector.shape_cast %get3A_2129 : vector<1x16xf32> to vector<16xf32>
      %eq3A_2131 = arith.constant 0.000000e+00 : f32
      %eq3A_2132 = vector.broadcast %eq3A_2131 : f32 to vector<16xf32>
      %eq3A_2133 = arith.cmpf oeq, %get3A_2130, %eq3A_2132 : vector<16xf32>
      %jit3A_2134 = arith.constant 1.000000e+02 : f32
      %broadcast_in_dim3A_2135 = vector.broadcast %jit3A_2134 : f32 to vector<16xf32>
      %select_n3A_2136 = arith.select %eq3A_2133, %broadcast_in_dim3A_2135, %get3A_2130 : vector<16xi1>, vector<16xf32>
      %min3A_2137 = arith.minimumf %broadcast_in_dim3A_3, %select_n3A_2136 : vector<16xf32>
      %max3A_2138 = arith.maximumf %broadcast_in_dim3A_5, %get3A_2130 : vector<16xf32>
      %get3A_2139 = arith.constant 1 : i32
      %get3A_2140 = arith.index_cast %get3A_2139 : i32 to index
      %get3A_2141 = arith.constant 80 : index
      %get3A_2142 = tpu.vector_load %arg5[%get3A_2140, %get3A_2141] {strides = array<i32>} : memref<32x148xf32, #tpu.memory_space<vmem>>, vector<1x16xf32>,
      %get3A_2143 = vector.shape_cast %get3A_2142 : vector<1x16xf32> to vector<16xf32>
      %eq3A_2144 = arith.constant 0.000000e+00 : f32
      %eq3A_2145 = vector.broadcast %eq3A_2144 : f32 to vector<16xf32>
      %eq3A_2146 = arith.cmpf oeq, %get3A_2143, %eq3A_2145 : vector<16xf32>
      %jit3A_2147 = arith.constant 1.000000e+02 : f32
      %broadcast_in_dim3A_2148 = vector.broadcast %jit3A_2147 : f32 to vector<16xf32>
      %select_n3A_2149 = arith.select %eq3A_2146, %broadcast_in_dim3A_2148, %get3A_2143 : vector<16xi1>, vector<16xf32>
      %min3A_2150 = arith.minimumf %min3A_2137, %select_n3A_2149 : vector<16xf32>
      %max3A_2151 = arith.maximumf %max3A_2138, %get3A_2143 : vector<16xf32>
      %get3A_2152 = arith.constant 2 : i32
      %get3A_2153 = arith.index_cast %get3A_2152 : i32 to index
      %get3A_2154 = arith.constant 80 : index
      %get3A_2155 = tpu.vector_load %arg5[%get3A_2153, %get3A_2154] {strides = array<i32>} : memref<32x148xf32, #tpu.memory_space<vmem>>, vector<1x16xf32>,
      %get3A_2156 = vector.shape_cast %get3A_2155 : vector<1x16xf32> to vector<16xf32>
      %eq3A_2157 = arith.constant 0.000000e+00 : f32
      %eq3A_2158 = vector.broadcast %eq3A_2157 : f32 to vector<16xf32>
      %eq3A_2159 = arith.cmpf oeq, %get3A_2156, %eq3A_2158 : vector<16xf32>
      %jit3A_2160 = arith.constant 1.000000e+02 : f32
      %broadcast_in_dim3A_2161 = vector.broadcast %jit3A_2160 : f32 to vector<16xf32>
      %select_n3A_2162 = arith.select %eq3A_2159, %broadcast_in_dim3A_2161, %get3A_2156 : vector<16xi1>, vector<16xf32>
      %min3A_2163 = arith.minimumf %min3A_2150, %select_n3A_2162 : vector<16xf32>
      %max3A_2164 = arith.maximumf %max3A_2151, %get3A_2156 : vector<16xf32>
      %get3A_2165 = arith.constant 3 : i32
      %get3A_2166 = arith.index_cast %get3A_2165 : i32 to index
      %get3A_2167 = arith.constant 80 : index
      %get3A_2168 = tpu.vector_load %arg5[%get3A_2166, %get3A_2167] {strides = array<i32>} : memref<32x148xf32, #tpu.memory_space<vmem>>, vector<1x16xf32>,
      %get3A_2169 = vector.shape_cast %get3A_2168 : vector<1x16xf32> to vector<16xf32>
      %eq3A_2170 = arith.constant 0.000000e+00 : f32
      %eq3A_2171 = vector.broadcast %eq3A_2170 : f32 to vector<16xf32>
      %eq3A_2172 = arith.cmpf oeq, %get3A_2169, %eq3A_2171 : vector<16xf32>
      %jit3A_2173 = arith.constant 1.000000e+02 : f32
      %broadcast_in_dim3A_2174 = vector.broadcast %jit3A_2173 : f32 to vector<16xf32>
      %select_n3A_2175 = arith.select %eq3A_2172, %broadcast_in_dim3A_2174, %get3A_2169 : vector<16xi1>, vector<16xf32>
      %min3A_2176 = arith.minimumf %min3A_2163, %select_n3A_2175 : vector<16xf32>
      %max3A_2177 = arith.maximumf %max3A_2164, %get3A_2169 : vector<16xf32>
      %get3A_2178 = arith.constant 4 : i32
      %get3A_2179 = arith.index_cast %get3A_2178 : i32 to index
      %get3A_2180 = arith.constant 80 : index
      %get3A_2181 = tpu.vector_load %arg5[%get3A_2179, %get3A_2180] {strides = array<i32>} : memref<32x148xf32, #tpu.memory_space<vmem>>, vector<1x16xf32>,
      %get3A_2182 = vector.shape_cast %get3A_2181 : vector<1x16xf32> to vector<16xf32>
      %eq3A_2183 = arith.constant 0.000000e+00 : f32
      %eq3A_2184 = vector.broadcast %eq3A_2183 : f32 to vector<16xf32>
      %eq3A_2185 = arith.cmpf oeq, %get3A_2182, %eq3A_2184 : vector<16xf32>
      %jit3A_2186 = arith.constant 1.000000e+02 : f32
      %broadcast_in_dim3A_2187 = vector.broadcast %jit3A_2186 : f32 to vector<16xf32>
      %select_n3A_2188 = arith.select %eq3A_2185, %broadcast_in_dim3A_2187, %get3A_2182 : vector<16xi1>, vector<16xf32>
      %min3A_2189 = arith.minimumf %min3A_2176, %select_n3A_2188 : vector<16xf32>
      %max3A_2190 = arith.maximumf %max3A_2177, %get3A_2182 : vector<16xf32>
      %get3A_2191 = arith.constant 5 : i32
      %get3A_2192 = arith.index_cast %get3A_2191 : i32 to index
      %get3A_2193 = arith.constant 80 : index
      %get3A_2194 = tpu.vector_load %arg5[%get3A_2192, %get3A_2193] {strides = array<i32>} : memref<32x148xf32, #tpu.memory_space<vmem>>, vector<1x16xf32>,
      %get3A_2195 = vector.shape_cast %get3A_2194 : vector<1x16xf32> to vector<16xf32>
      %eq3A_2196 = arith.constant 0.000000e+00 : f32
      %eq3A_2197 = vector.broadcast %eq3A_2196 : f32 to vector<16xf32>
      %eq3A_2198 = arith.cmpf oeq, %get3A_2195, %eq3A_2197 : vector<16xf32>
      %jit3A_2199 = arith.constant 1.000000e+02 : f32
      %broadcast_in_dim3A_2200 = vector.broadcast %jit3A_2199 : f32 to vector<16xf32>
      %select_n3A_2201 = arith.select %eq3A_2198, %broadcast_in_dim3A_2200, %get3A_2195 : vector<16xi1>, vector<16xf32>
      %min3A_2202 = arith.minimumf %min3A_2189, %select_n3A_2201 : vector<16xf32>
      %max3A_2203 = arith.maximumf %max3A_2190, %get3A_2195 : vector<16xf32>
      %get3A_2204 = arith.constant 6 : i32
      %get3A_2205 = arith.index_cast %get3A_2204 : i32 to index
      %get3A_2206 = arith.constant 80 : index
      %get3A_2207 = tpu.vector_load %arg5[%get3A_2205, %get3A_2206] {strides = array<i32>} : memref<32x148xf32, #tpu.memory_space<vmem>>, vector<1x16xf32>,
      %get3A_2208 = vector.shape_cast %get3A_2207 : vector<1x16xf32> to vector<16xf32>
      %eq3A_2209 = arith.constant 0.000000e+00 : f32
      %eq3A_2210 = vector.broadcast %eq3A_2209 : f32 to vector<16xf32>
      %eq3A_2211 = arith.cmpf oeq, %get3A_2208, %eq3A_2210 : vector<16xf32>
      %jit3A_2212 = arith.constant 1.000000e+02 : f32
      %broadcast_in_dim3A_2213 = vector.broadcast %jit3A_2212 : f32 to vector<16xf32>
      %select_n3A_2214 = arith.select %eq3A_2211, %broadcast_in_dim3A_2213, %get3A_2208 : vector<16xi1>, vector<16xf32>
      %min3A_2215 = arith.minimumf %min3A_2202, %select_n3A_2214 : vector<16xf32>
      %max3A_2216 = arith.maximumf %max3A_2203, %get3A_2208 : vector<16xf32>
      %get3A_2217 = arith.constant 7 : i32
      %get3A_2218 = arith.index_cast %get3A_2217 : i32 to index
      %get3A_2219 = arith.constant 80 : index
      %get3A_2220 = tpu.vector_load %arg5[%get3A_2218, %get3A_2219] {strides = array<i32>} : memref<32x148xf32, #tpu.memory_space<vmem>>, vector<1x16xf32>,
      %get3A_2221 = vector.shape_cast %get3A_2220 : vector<1x16xf32> to vector<16xf32>
      %eq3A_2222 = arith.constant 0.000000e+00 : f32
      %eq3A_2223 = vector.broadcast %eq3A_2222 : f32 to vector<16xf32>
      %eq3A_2224 = arith.cmpf oeq, %get3A_2221, %eq3A_2223 : vector<16xf32>
      %jit3A_2225 = arith.constant 1.000000e+02 : f32
      %broadcast_in_dim3A_2226 = vector.broadcast %jit3A_2225 : f32 to vector<16xf32>
      %select_n3A_2227 = arith.select %eq3A_2224, %broadcast_in_dim3A_2226, %get3A_2221 : vector<16xi1>, vector<16xf32>
      %min3A_2228 = arith.minimumf %min3A_2215, %select_n3A_2227 : vector<16xf32>
      %max3A_2229 = arith.maximumf %max3A_2216, %get3A_2221 : vector<16xf32>
      %get3A_2230 = arith.constant 8 : i32
      %get3A_2231 = arith.index_cast %get3A_2230 : i32 to index
      %get3A_2232 = arith.constant 80 : index
      %get3A_2233 = tpu.vector_load %arg5[%get3A_2231, %get3A_2232] {strides = array<i32>} : memref<32x148xf32, #tpu.memory_space<vmem>>, vector<1x16xf32>,
      %get3A_2234 = vector.shape_cast %get3A_2233 : vector<1x16xf32> to vector<16xf32>
      %eq3A_2235 = arith.constant 0.000000e+00 : f32
      %eq3A_2236 = vector.broadcast %eq3A_2235 : f32 to vector<16xf32>
      %eq3A_2237 = arith.cmpf oeq, %get3A_2234, %eq3A_2236 : vector<16xf32>
      %jit3A_2238 = arith.constant 1.000000e+02 : f32
      %broadcast_in_dim3A_2239 = vector.broadcast %jit3A_2238 : f32 to vector<16xf32>
      %select_n3A_2240 = arith.select %eq3A_2237, %broadcast_in_dim3A_2239, %get3A_2234 : vector<16xi1>, vector<16xf32>
      %min3A_2241 = arith.minimumf %min3A_2228, %select_n3A_2240 : vector<16xf32>
      %max3A_2242 = arith.maximumf %max3A_2229, %get3A_2234 : vector<16xf32>
      %get3A_2243 = arith.constant 9 : i32
      %get3A_2244 = arith.index_cast %get3A_2243 : i32 to index
      %get3A_2245 = arith.constant 80 : index
      %get3A_2246 = tpu.vector_load %arg5[%get3A_2244, %get3A_2245] {strides = array<i32>} : memref<32x148xf32, #tpu.memory_space<vmem>>, vector<1x16xf32>,
      %get3A_2247 = vector.shape_cast %get3A_2246 : vector<1x16xf32> to vector<16xf32>
      %eq3A_2248 = arith.constant 0.000000e+00 : f32
      %eq3A_2249 = vector.broadcast %eq3A_2248 : f32 to vector<16xf32>
      %eq3A_2250 = arith.cmpf oeq, %get3A_2247, %eq3A_2249 : vector<16xf32>
      %jit3A_2251 = arith.constant 1.000000e+02 : f32
      %broadcast_in_dim3A_2252 = vector.broadcast %jit3A_2251 : f32 to vector<16xf32>
      %select_n3A_2253 = arith.select %eq3A_2250, %broadcast_in_dim3A_2252, %get3A_2247 : vector<16xi1>, vector<16xf32>
      %min3A_2254 = arith.minimumf %min3A_2241, %select_n3A_2253 : vector<16xf32>
      %max3A_2255 = arith.maximumf %max3A_2242, %get3A_2247 : vector<16xf32>
      %get3A_2256 = arith.constant 10 : i32
      %get3A_2257 = arith.index_cast %get3A_2256 : i32 to index
      %get3A_2258 = arith.constant 80 : index
      %get3A_2259 = tpu.vector_load %arg5[%get3A_2257, %get3A_2258] {strides = array<i32>} : memref<32x148xf32, #tpu.memory_space<vmem>>, vector<1x16xf32>,
      %get3A_2260 = vector.shape_cast %get3A_2259 : vector<1x16xf32> to vector<16xf32>
      %eq3A_2261 = arith.constant 0.000000e+00 : f32
      %eq3A_2262 = vector.broadcast %eq3A_2261 : f32 to vector<16xf32>
      %eq3A_2263 = arith.cmpf oeq, %get3A_2260, %eq3A_2262 : vector<16xf32>
      %jit3A_2264 = arith.constant 1.000000e+02 : f32
      %broadcast_in_dim3A_2265 = vector.broadcast %jit3A_2264 : f32 to vector<16xf32>
      %select_n3A_2266 = arith.select %eq3A_2263, %broadcast_in_dim3A_2265, %get3A_2260 : vector<16xi1>, vector<16xf32>
      %min3A_2267 = arith.minimumf %min3A_2254, %select_n3A_2266 : vector<16xf32>
      %max3A_2268 = arith.maximumf %max3A_2255, %get3A_2260 : vector<16xf32>
      %get3A_2269 = arith.constant 11 : i32
      %get3A_2270 = arith.index_cast %get3A_2269 : i32 to index
      %get3A_2271 = arith.constant 80 : index
      %get3A_2272 = tpu.vector_load %arg5[%get3A_2270, %get3A_2271] {strides = array<i32>} : memref<32x148xf32, #tpu.memory_space<vmem>>, vector<1x16xf32>,
      %get3A_2273 = vector.shape_cast %get3A_2272 : vector<1x16xf32> to vector<16xf32>
      %eq3A_2274 = arith.constant 0.000000e+00 : f32
      %eq3A_2275 = vector.broadcast %eq3A_2274 : f32 to vector<16xf32>
      %eq3A_2276 = arith.cmpf oeq, %get3A_2273, %eq3A_2275 : vector<16xf32>
      %jit3A_2277 = arith.constant 1.000000e+02 : f32
      %broadcast_in_dim3A_2278 = vector.broadcast %jit3A_2277 : f32 to vector<16xf32>
      %select_n3A_2279 = arith.select %eq3A_2276, %broadcast_in_dim3A_2278, %get3A_2273 : vector<16xi1>, vector<16xf32>
      %min3A_2280 = arith.minimumf %min3A_2267, %select_n3A_2279 : vector<16xf32>
      %max3A_2281 = arith.maximumf %max3A_2268, %get3A_2273 : vector<16xf32>
      %get3A_2282 = arith.constant 12 : i32
      %get3A_2283 = arith.index_cast %get3A_2282 : i32 to index
      %get3A_2284 = arith.constant 80 : index
      %get3A_2285 = tpu.vector_load %arg5[%get3A_2283, %get3A_2284] {strides = array<i32>} : memref<32x148xf32, #tpu.memory_space<vmem>>, vector<1x16xf32>,
      %get3A_2286 = vector.shape_cast %get3A_2285 : vector<1x16xf32> to vector<16xf32>
      %eq3A_2287 = arith.constant 0.000000e+00 : f32
      %eq3A_2288 = vector.broadcast %eq3A_2287 : f32 to vector<16xf32>
      %eq3A_2289 = arith.cmpf oeq, %get3A_2286, %eq3A_2288 : vector<16xf32>
      %jit3A_2290 = arith.constant 1.000000e+02 : f32
      %broadcast_in_dim3A_2291 = vector.broadcast %jit3A_2290 : f32 to vector<16xf32>
      %select_n3A_2292 = arith.select %eq3A_2289, %broadcast_in_dim3A_2291, %get3A_2286 : vector<16xi1>, vector<16xf32>
      %min3A_2293 = arith.minimumf %min3A_2280, %select_n3A_2292 : vector<16xf32>
      %max3A_2294 = arith.maximumf %max3A_2281, %get3A_2286 : vector<16xf32>
      %get3A_2295 = arith.constant 13 : i32
      %get3A_2296 = arith.index_cast %get3A_2295 : i32 to index
      %get3A_2297 = arith.constant 80 : index
      %get3A_2298 = tpu.vector_load %arg5[%get3A_2296, %get3A_2297] {strides = array<i32>} : memref<32x148xf32, #tpu.memory_space<vmem>>, vector<1x16xf32>,
      %get3A_2299 = vector.shape_cast %get3A_2298 : vector<1x16xf32> to vector<16xf32>
      %eq3A_2300 = arith.constant 0.000000e+00 : f32
      %eq3A_2301 = vector.broadcast %eq3A_2300 : f32 to vector<16xf32>
      %eq3A_2302 = arith.cmpf oeq, %get3A_2299, %eq3A_2301 : vector<16xf32>
      %jit3A_2303 = arith.constant 1.000000e+02 : f32
      %broadcast_in_dim3A_2304 = vector.broadcast %jit3A_2303 : f32 to vector<16xf32>
      %select_n3A_2305 = arith.select %eq3A_2302, %broadcast_in_dim3A_2304, %get3A_2299 : vector<16xi1>, vector<16xf32>
      %min3A_2306 = arith.minimumf %min3A_2293, %select_n3A_2305 : vector<16xf32>
      %max3A_2307 = arith.maximumf %max3A_2294, %get3A_2299 : vector<16xf32>
      %get3A_2308 = arith.constant 14 : i32
      %get3A_2309 = arith.index_cast %get3A_2308 : i32 to index
      %get3A_2310 = arith.constant 80 : index
      %get3A_2311 = tpu.vector_load %arg5[%get3A_2309, %get3A_2310] {strides = array<i32>} : memref<32x148xf32, #tpu.memory_space<vmem>>, vector<1x16xf32>,
      %get3A_2312 = vector.shape_cast %get3A_2311 : vector<1x16xf32> to vector<16xf32>
      %eq3A_2313 = arith.constant 0.000000e+00 : f32
      %eq3A_2314 = vector.broadcast %eq3A_2313 : f32 to vector<16xf32>
      %eq3A_2315 = arith.cmpf oeq, %get3A_2312, %eq3A_2314 : vector<16xf32>
      %jit3A_2316 = arith.constant 1.000000e+02 : f32
      %broadcast_in_dim3A_2317 = vector.broadcast %jit3A_2316 : f32 to vector<16xf32>
      %select_n3A_2318 = arith.select %eq3A_2315, %broadcast_in_dim3A_2317, %get3A_2312 : vector<16xi1>, vector<16xf32>
      %min3A_2319 = arith.minimumf %min3A_2306, %select_n3A_2318 : vector<16xf32>
      %max3A_2320 = arith.maximumf %max3A_2307, %get3A_2312 : vector<16xf32>
      %get3A_2321 = arith.constant 15 : i32
      %get3A_2322 = arith.index_cast %get3A_2321 : i32 to index
      %get3A_2323 = arith.constant 80 : index
      %get3A_2324 = tpu.vector_load %arg5[%get3A_2322, %get3A_2323] {strides = array<i32>} : memref<32x148xf32, #tpu.memory_space<vmem>>, vector<1x16xf32>,
      %get3A_2325 = vector.shape_cast %get3A_2324 : vector<1x16xf32> to vector<16xf32>
      %eq3A_2326 = arith.constant 0.000000e+00 : f32
      %eq3A_2327 = vector.broadcast %eq3A_2326 : f32 to vector<16xf32>
      %eq3A_2328 = arith.cmpf oeq, %get3A_2325, %eq3A_2327 : vector<16xf32>
      %jit3A_2329 = arith.constant 1.000000e+02 : f32
      %broadcast_in_dim3A_2330 = vector.broadcast %jit3A_2329 : f32 to vector<16xf32>
      %select_n3A_2331 = arith.select %eq3A_2328, %broadcast_in_dim3A_2330, %get3A_2325 : vector<16xi1>, vector<16xf32>
      %min3A_2332 = arith.minimumf %min3A_2319, %select_n3A_2331 : vector<16xf32>
      %max3A_2333 = arith.maximumf %max3A_2320, %get3A_2325 : vector<16xf32>
      %get3A_2334 = arith.constant 16 : i32
      %get3A_2335 = arith.index_cast %get3A_2334 : i32 to index
      %get3A_2336 = arith.constant 80 : index
      %get3A_2337 = tpu.vector_load %arg5[%get3A_2335, %get3A_2336] {strides = array<i32>} : memref<32x148xf32, #tpu.memory_space<vmem>>, vector<1x16xf32>,
      %get3A_2338 = vector.shape_cast %get3A_2337 : vector<1x16xf32> to vector<16xf32>
      %eq3A_2339 = arith.constant 0.000000e+00 : f32
      %eq3A_2340 = vector.broadcast %eq3A_2339 : f32 to vector<16xf32>
      %eq3A_2341 = arith.cmpf oeq, %get3A_2338, %eq3A_2340 : vector<16xf32>
      %jit3A_2342 = arith.constant 1.000000e+02 : f32
      %broadcast_in_dim3A_2343 = vector.broadcast %jit3A_2342 : f32 to vector<16xf32>
      %select_n3A_2344 = arith.select %eq3A_2341, %broadcast_in_dim3A_2343, %get3A_2338 : vector<16xi1>, vector<16xf32>
      %min3A_2345 = arith.minimumf %min3A_2332, %select_n3A_2344 : vector<16xf32>
      %max3A_2346 = arith.maximumf %max3A_2333, %get3A_2338 : vector<16xf32>
      %get3A_2347 = arith.constant 17 : i32
      %get3A_2348 = arith.index_cast %get3A_2347 : i32 to index
      %get3A_2349 = arith.constant 80 : index
      %get3A_2350 = tpu.vector_load %arg5[%get3A_2348, %get3A_2349] {strides = array<i32>} : memref<32x148xf32, #tpu.memory_space<vmem>>, vector<1x16xf32>,
      %get3A_2351 = vector.shape_cast %get3A_2350 : vector<1x16xf32> to vector<16xf32>
      %eq3A_2352 = arith.constant 0.000000e+00 : f32
      %eq3A_2353 = vector.broadcast %eq3A_2352 : f32 to vector<16xf32>
      %eq3A_2354 = arith.cmpf oeq, %get3A_2351, %eq3A_2353 : vector<16xf32>
      %jit3A_2355 = arith.constant 1.000000e+02 : f32
      %broadcast_in_dim3A_2356 = vector.broadcast %jit3A_2355 : f32 to vector<16xf32>
      %select_n3A_2357 = arith.select %eq3A_2354, %broadcast_in_dim3A_2356, %get3A_2351 : vector<16xi1>, vector<16xf32>
      %min3A_2358 = arith.minimumf %min3A_2345, %select_n3A_2357 : vector<16xf32>
      %max3A_2359 = arith.maximumf %max3A_2346, %get3A_2351 : vector<16xf32>
      %get3A_2360 = arith.constant 18 : i32
      %get3A_2361 = arith.index_cast %get3A_2360 : i32 to index
      %get3A_2362 = arith.constant 80 : index
      %get3A_2363 = tpu.vector_load %arg5[%get3A_2361, %get3A_2362] {strides = array<i32>} : memref<32x148xf32, #tpu.memory_space<vmem>>, vector<1x16xf32>,
      %get3A_2364 = vector.shape_cast %get3A_2363 : vector<1x16xf32> to vector<16xf32>
      %eq3A_2365 = arith.constant 0.000000e+00 : f32
      %eq3A_2366 = vector.broadcast %eq3A_2365 : f32 to vector<16xf32>
      %eq3A_2367 = arith.cmpf oeq, %get3A_2364, %eq3A_2366 : vector<16xf32>
      %jit3A_2368 = arith.constant 1.000000e+02 : f32
      %broadcast_in_dim3A_2369 = vector.broadcast %jit3A_2368 : f32 to vector<16xf32>
      %select_n3A_2370 = arith.select %eq3A_2367, %broadcast_in_dim3A_2369, %get3A_2364 : vector<16xi1>, vector<16xf32>
      %min3A_2371 = arith.minimumf %min3A_2358, %select_n3A_2370 : vector<16xf32>
      %max3A_2372 = arith.maximumf %max3A_2359, %get3A_2364 : vector<16xf32>
      %get3A_2373 = arith.constant 19 : i32
      %get3A_2374 = arith.index_cast %get3A_2373 : i32 to index
      %get3A_2375 = arith.constant 80 : index
      %get3A_2376 = tpu.vector_load %arg5[%get3A_2374, %get3A_2375] {strides = array<i32>} : memref<32x148xf32, #tpu.memory_space<vmem>>, vector<1x16xf32>,
      %get3A_2377 = vector.shape_cast %get3A_2376 : vector<1x16xf32> to vector<16xf32>
      %eq3A_2378 = arith.constant 0.000000e+00 : f32
      %eq3A_2379 = vector.broadcast %eq3A_2378 : f32 to vector<16xf32>
      %eq3A_2380 = arith.cmpf oeq, %get3A_2377, %eq3A_2379 : vector<16xf32>
      %jit3A_2381 = arith.constant 1.000000e+02 : f32
      %broadcast_in_dim3A_2382 = vector.broadcast %jit3A_2381 : f32 to vector<16xf32>
      %select_n3A_2383 = arith.select %eq3A_2380, %broadcast_in_dim3A_2382, %get3A_2377 : vector<16xi1>, vector<16xf32>
      %min3A_2384 = arith.minimumf %min3A_2371, %select_n3A_2383 : vector<16xf32>
      %max3A_2385 = arith.maximumf %max3A_2372, %get3A_2377 : vector<16xf32>
      %get3A_2386 = arith.constant 20 : i32
      %get3A_2387 = arith.index_cast %get3A_2386 : i32 to index
      %get3A_2388 = arith.constant 80 : index
      %get3A_2389 = tpu.vector_load %arg5[%get3A_2387, %get3A_2388] {strides = array<i32>} : memref<32x148xf32, #tpu.memory_space<vmem>>, vector<1x16xf32>,
      %get3A_2390 = vector.shape_cast %get3A_2389 : vector<1x16xf32> to vector<16xf32>
      %eq3A_2391 = arith.constant 0.000000e+00 : f32
      %eq3A_2392 = vector.broadcast %eq3A_2391 : f32 to vector<16xf32>
      %eq3A_2393 = arith.cmpf oeq, %get3A_2390, %eq3A_2392 : vector<16xf32>
      %jit3A_2394 = arith.constant 1.000000e+02 : f32
      %broadcast_in_dim3A_2395 = vector.broadcast %jit3A_2394 : f32 to vector<16xf32>
      %select_n3A_2396 = arith.select %eq3A_2393, %broadcast_in_dim3A_2395, %get3A_2390 : vector<16xi1>, vector<16xf32>
      %min3A_2397 = arith.minimumf %min3A_2384, %select_n3A_2396 : vector<16xf32>
      %max3A_2398 = arith.maximumf %max3A_2385, %get3A_2390 : vector<16xf32>
      %get3A_2399 = arith.constant 21 : i32
      %get3A_2400 = arith.index_cast %get3A_2399 : i32 to index
      %get3A_2401 = arith.constant 80 : index
      %get3A_2402 = tpu.vector_load %arg5[%get3A_2400, %get3A_2401] {strides = array<i32>} : memref<32x148xf32, #tpu.memory_space<vmem>>, vector<1x16xf32>,
      %get3A_2403 = vector.shape_cast %get3A_2402 : vector<1x16xf32> to vector<16xf32>
      %eq3A_2404 = arith.constant 0.000000e+00 : f32
      %eq3A_2405 = vector.broadcast %eq3A_2404 : f32 to vector<16xf32>
      %eq3A_2406 = arith.cmpf oeq, %get3A_2403, %eq3A_2405 : vector<16xf32>
      %jit3A_2407 = arith.constant 1.000000e+02 : f32
      %broadcast_in_dim3A_2408 = vector.broadcast %jit3A_2407 : f32 to vector<16xf32>
      %select_n3A_2409 = arith.select %eq3A_2406, %broadcast_in_dim3A_2408, %get3A_2403 : vector<16xi1>, vector<16xf32>
      %min3A_2410 = arith.minimumf %min3A_2397, %select_n3A_2409 : vector<16xf32>
      %max3A_2411 = arith.maximumf %max3A_2398, %get3A_2403 : vector<16xf32>
      %get3A_2412 = arith.constant 22 : i32
      %get3A_2413 = arith.index_cast %get3A_2412 : i32 to index
      %get3A_2414 = arith.constant 80 : index
      %get3A_2415 = tpu.vector_load %arg5[%get3A_2413, %get3A_2414] {strides = array<i32>} : memref<32x148xf32, #tpu.memory_space<vmem>>, vector<1x16xf32>,
      %get3A_2416 = vector.shape_cast %get3A_2415 : vector<1x16xf32> to vector<16xf32>
      %eq3A_2417 = arith.constant 0.000000e+00 : f32
      %eq3A_2418 = vector.broadcast %eq3A_2417 : f32 to vector<16xf32>
      %eq3A_2419 = arith.cmpf oeq, %get3A_2416, %eq3A_2418 : vector<16xf32>
      %jit3A_2420 = arith.constant 1.000000e+02 : f32
      %broadcast_in_dim3A_2421 = vector.broadcast %jit3A_2420 : f32 to vector<16xf32>
      %select_n3A_2422 = arith.select %eq3A_2419, %broadcast_in_dim3A_2421, %get3A_2416 : vector<16xi1>, vector<16xf32>
      %min3A_2423 = arith.minimumf %min3A_2410, %select_n3A_2422 : vector<16xf32>
      %max3A_2424 = arith.maximumf %max3A_2411, %get3A_2416 : vector<16xf32>
      %get3A_2425 = arith.constant 23 : i32
      %get3A_2426 = arith.index_cast %get3A_2425 : i32 to index
      %get3A_2427 = arith.constant 80 : index
      %get3A_2428 = tpu.vector_load %arg5[%get3A_2426, %get3A_2427] {strides = array<i32>} : memref<32x148xf32, #tpu.memory_space<vmem>>, vector<1x16xf32>,
      %get3A_2429 = vector.shape_cast %get3A_2428 : vector<1x16xf32> to vector<16xf32>
      %eq3A_2430 = arith.constant 0.000000e+00 : f32
      %eq3A_2431 = vector.broadcast %eq3A_2430 : f32 to vector<16xf32>
      %eq3A_2432 = arith.cmpf oeq, %get3A_2429, %eq3A_2431 : vector<16xf32>
      %jit3A_2433 = arith.constant 1.000000e+02 : f32
      %broadcast_in_dim3A_2434 = vector.broadcast %jit3A_2433 : f32 to vector<16xf32>
      %select_n3A_2435 = arith.select %eq3A_2432, %broadcast_in_dim3A_2434, %get3A_2429 : vector<16xi1>, vector<16xf32>
      %min3A_2436 = arith.minimumf %min3A_2423, %select_n3A_2435 : vector<16xf32>
      %max3A_2437 = arith.maximumf %max3A_2424, %get3A_2429 : vector<16xf32>
      %get3A_2438 = arith.constant 24 : i32
      %get3A_2439 = arith.index_cast %get3A_2438 : i32 to index
      %get3A_2440 = arith.constant 80 : index
      %get3A_2441 = tpu.vector_load %arg5[%get3A_2439, %get3A_2440] {strides = array<i32>} : memref<32x148xf32, #tpu.memory_space<vmem>>, vector<1x16xf32>,
      %get3A_2442 = vector.shape_cast %get3A_2441 : vector<1x16xf32> to vector<16xf32>
      %eq3A_2443 = arith.constant 0.000000e+00 : f32
      %eq3A_2444 = vector.broadcast %eq3A_2443 : f32 to vector<16xf32>
      %eq3A_2445 = arith.cmpf oeq, %get3A_2442, %eq3A_2444 : vector<16xf32>
      %jit3A_2446 = arith.constant 1.000000e+02 : f32
      %broadcast_in_dim3A_2447 = vector.broadcast %jit3A_2446 : f32 to vector<16xf32>
      %select_n3A_2448 = arith.select %eq3A_2445, %broadcast_in_dim3A_2447, %get3A_2442 : vector<16xi1>, vector<16xf32>
      %min3A_2449 = arith.minimumf %min3A_2436, %select_n3A_2448 : vector<16xf32>
      %max3A_2450 = arith.maximumf %max3A_2437, %get3A_2442 : vector<16xf32>
      %get3A_2451 = arith.constant 25 : i32
      %get3A_2452 = arith.index_cast %get3A_2451 : i32 to index
      %get3A_2453 = arith.constant 80 : index
      %get3A_2454 = tpu.vector_load %arg5[%get3A_2452, %get3A_2453] {strides = array<i32>} : memref<32x148xf32, #tpu.memory_space<vmem>>, vector<1x16xf32>,
      %get3A_2455 = vector.shape_cast %get3A_2454 : vector<1x16xf32> to vector<16xf32>
      %eq3A_2456 = arith.constant 0.000000e+00 : f32
      %eq3A_2457 = vector.broadcast %eq3A_2456 : f32 to vector<16xf32>
      %eq3A_2458 = arith.cmpf oeq, %get3A_2455, %eq3A_2457 : vector<16xf32>
      %jit3A_2459 = arith.constant 1.000000e+02 : f32
      %broadcast_in_dim3A_2460 = vector.broadcast %jit3A_2459 : f32 to vector<16xf32>
      %select_n3A_2461 = arith.select %eq3A_2458, %broadcast_in_dim3A_2460, %get3A_2455 : vector<16xi1>, vector<16xf32>
      %min3A_2462 = arith.minimumf %min3A_2449, %select_n3A_2461 : vector<16xf32>
      %max3A_2463 = arith.maximumf %max3A_2450, %get3A_2455 : vector<16xf32>
      %get3A_2464 = arith.constant 26 : i32
      %get3A_2465 = arith.index_cast %get3A_2464 : i32 to index
      %get3A_2466 = arith.constant 80 : index
      %get3A_2467 = tpu.vector_load %arg5[%get3A_2465, %get3A_2466] {strides = array<i32>} : memref<32x148xf32, #tpu.memory_space<vmem>>, vector<1x16xf32>,
      %get3A_2468 = vector.shape_cast %get3A_2467 : vector<1x16xf32> to vector<16xf32>
      %eq3A_2469 = arith.constant 0.000000e+00 : f32
      %eq3A_2470 = vector.broadcast %eq3A_2469 : f32 to vector<16xf32>
      %eq3A_2471 = arith.cmpf oeq, %get3A_2468, %eq3A_2470 : vector<16xf32>
      %jit3A_2472 = arith.constant 1.000000e+02 : f32
      %broadcast_in_dim3A_2473 = vector.broadcast %jit3A_2472 : f32 to vector<16xf32>
      %select_n3A_2474 = arith.select %eq3A_2471, %broadcast_in_dim3A_2473, %get3A_2468 : vector<16xi1>, vector<16xf32>
      %min3A_2475 = arith.minimumf %min3A_2462, %select_n3A_2474 : vector<16xf32>
      %max3A_2476 = arith.maximumf %max3A_2463, %get3A_2468 : vector<16xf32>
      %get3A_2477 = arith.constant 27 : i32
      %get3A_2478 = arith.index_cast %get3A_2477 : i32 to index
      %get3A_2479 = arith.constant 80 : index
      %get3A_2480 = tpu.vector_load %arg5[%get3A_2478, %get3A_2479] {strides = array<i32>} : memref<32x148xf32, #tpu.memory_space<vmem>>, vector<1x16xf32>,
      %get3A_2481 = vector.shape_cast %get3A_2480 : vector<1x16xf32> to vector<16xf32>
      %eq3A_2482 = arith.constant 0.000000e+00 : f32
      %eq3A_2483 = vector.broadcast %eq3A_2482 : f32 to vector<16xf32>
      %eq3A_2484 = arith.cmpf oeq, %get3A_2481, %eq3A_2483 : vector<16xf32>
      %jit3A_2485 = arith.constant 1.000000e+02 : f32
      %broadcast_in_dim3A_2486 = vector.broadcast %jit3A_2485 : f32 to vector<16xf32>
      %select_n3A_2487 = arith.select %eq3A_2484, %broadcast_in_dim3A_2486, %get3A_2481 : vector<16xi1>, vector<16xf32>
      %min3A_2488 = arith.minimumf %min3A_2475, %select_n3A_2487 : vector<16xf32>
      %max3A_2489 = arith.maximumf %max3A_2476, %get3A_2481 : vector<16xf32>
      %get3A_2490 = arith.constant 28 : i32
      %get3A_2491 = arith.index_cast %get3A_2490 : i32 to index
      %get3A_2492 = arith.constant 80 : index
      %get3A_2493 = tpu.vector_load %arg5[%get3A_2491, %get3A_2492] {strides = array<i32>} : memref<32x148xf32, #tpu.memory_space<vmem>>, vector<1x16xf32>,
      %get3A_2494 = vector.shape_cast %get3A_2493 : vector<1x16xf32> to vector<16xf32>
      %eq3A_2495 = arith.constant 0.000000e+00 : f32
      %eq3A_2496 = vector.broadcast %eq3A_2495 : f32 to vector<16xf32>
      %eq3A_2497 = arith.cmpf oeq, %get3A_2494, %eq3A_2496 : vector<16xf32>
      %jit3A_2498 = arith.constant 1.000000e+02 : f32
      %broadcast_in_dim3A_2499 = vector.broadcast %jit3A_2498 : f32 to vector<16xf32>
      %select_n3A_2500 = arith.select %eq3A_2497, %broadcast_in_dim3A_2499, %get3A_2494 : vector<16xi1>, vector<16xf32>
      %min3A_2501 = arith.minimumf %min3A_2488, %select_n3A_2500 : vector<16xf32>
      %max3A_2502 = arith.maximumf %max3A_2489, %get3A_2494 : vector<16xf32>
      %get3A_2503 = arith.constant 29 : i32
      %get3A_2504 = arith.index_cast %get3A_2503 : i32 to index
      %get3A_2505 = arith.constant 80 : index
      %get3A_2506 = tpu.vector_load %arg5[%get3A_2504, %get3A_2505] {strides = array<i32>} : memref<32x148xf32, #tpu.memory_space<vmem>>, vector<1x16xf32>,
      %get3A_2507 = vector.shape_cast %get3A_2506 : vector<1x16xf32> to vector<16xf32>
      %eq3A_2508 = arith.constant 0.000000e+00 : f32
      %eq3A_2509 = vector.broadcast %eq3A_2508 : f32 to vector<16xf32>
      %eq3A_2510 = arith.cmpf oeq, %get3A_2507, %eq3A_2509 : vector<16xf32>
      %jit3A_2511 = arith.constant 1.000000e+02 : f32
      %broadcast_in_dim3A_2512 = vector.broadcast %jit3A_2511 : f32 to vector<16xf32>
      %select_n3A_2513 = arith.select %eq3A_2510, %broadcast_in_dim3A_2512, %get3A_2507 : vector<16xi1>, vector<16xf32>
      %min3A_2514 = arith.minimumf %min3A_2501, %select_n3A_2513 : vector<16xf32>
      %max3A_2515 = arith.maximumf %max3A_2502, %get3A_2507 : vector<16xf32>
      %get3A_2516 = arith.constant 30 : i32
      %get3A_2517 = arith.index_cast %get3A_2516 : i32 to index
      %get3A_2518 = arith.constant 80 : index
      %get3A_2519 = tpu.vector_load %arg5[%get3A_2517, %get3A_2518] {strides = array<i32>} : memref<32x148xf32, #tpu.memory_space<vmem>>, vector<1x16xf32>,
      %get3A_2520 = vector.shape_cast %get3A_2519 : vector<1x16xf32> to vector<16xf32>
      %eq3A_2521 = arith.constant 0.000000e+00 : f32
      %eq3A_2522 = vector.broadcast %eq3A_2521 : f32 to vector<16xf32>
      %eq3A_2523 = arith.cmpf oeq, %get3A_2520, %eq3A_2522 : vector<16xf32>
      %jit3A_2524 = arith.constant 1.000000e+02 : f32
      %broadcast_in_dim3A_2525 = vector.broadcast %jit3A_2524 : f32 to vector<16xf32>
      %select_n3A_2526 = arith.select %eq3A_2523, %broadcast_in_dim3A_2525, %get3A_2520 : vector<16xi1>, vector<16xf32>
      %min3A_2527 = arith.minimumf %min3A_2514, %select_n3A_2526 : vector<16xf32>
      %max3A_2528 = arith.maximumf %max3A_2515, %get3A_2520 : vector<16xf32>
      %get3A_2529 = arith.constant 31 : i32
      %get3A_2530 = arith.index_cast %get3A_2529 : i32 to index
      %get3A_2531 = arith.constant 80 : index
      %get3A_2532 = tpu.vector_load %arg5[%get3A_2530, %get3A_2531] {strides = array<i32>} : memref<32x148xf32, #tpu.memory_space<vmem>>, vector<1x16xf32>,
      %get3A_2533 = vector.shape_cast %get3A_2532 : vector<1x16xf32> to vector<16xf32>
      %eq3A_2534 = arith.constant 0.000000e+00 : f32
      %eq3A_2535 = vector.broadcast %eq3A_2534 : f32 to vector<16xf32>
      %eq3A_2536 = arith.cmpf oeq, %get3A_2533, %eq3A_2535 : vector<16xf32>
      %jit3A_2537 = arith.constant 1.000000e+02 : f32
      %broadcast_in_dim3A_2538 = vector.broadcast %jit3A_2537 : f32 to vector<16xf32>
      %select_n3A_2539 = arith.select %eq3A_2536, %broadcast_in_dim3A_2538, %get3A_2533 : vector<16xi1>, vector<16xf32>
      %min3A_2540 = arith.minimumf %min3A_2527, %select_n3A_2539 : vector<16xf32>
      %max3A_2541 = arith.maximumf %max3A_2528, %get3A_2533 : vector<16xf32>
      %swap3A_2542 = arith.constant 80 : index
      %swap3A_2543 = tpu.vector_load %arg6[%swap3A_2542] {strides = array<i32>} : memref<148xf32, #tpu.memory_space<vmem>>, vector<16xf32>,
      %swap3A_2544 = vector.shape_cast %swap3A_2543 : vector<16xf32> to vector<16xf32>
      %swap3A_2545 = vector.shape_cast %min3A_2540 : vector<16xf32> to vector<16xf32>
      tpu.vector_store %arg6[%swap3A_2542], %swap3A_2545 {strides = array<i32>} : memref<148xf32, #tpu.memory_space<vmem>>, vector<16xf32>,
      %swap3A_2546 = arith.constant 80 : index
      %swap3A_2547 = tpu.vector_load %arg7[%swap3A_2546] {strides = array<i32>} : memref<148xf32, #tpu.memory_space<vmem>>, vector<16xf32>,
      %swap3A_2548 = vector.shape_cast %swap3A_2547 : vector<16xf32> to vector<16xf32>
      %swap3A_2549 = vector.shape_cast %max3A_2541 : vector<16xf32> to vector<16xf32>
      tpu.vector_store %arg7[%swap3A_2546], %swap3A_2549 {strides = array<i32>} : memref<148xf32, #tpu.memory_space<vmem>>, vector<16xf32>,
      %get3A_2550 = arith.constant 0 : i32
      %get3A_2551 = arith.index_cast %get3A_2550 : i32 to index
      %get3A_2552 = arith.constant 96 : index
      %get3A_2553 = tpu.vector_load %arg5[%get3A_2551, %get3A_2552] {strides = array<i32>} : memref<32x148xf32, #tpu.memory_space<vmem>>, vector<1x16xf32>,
      %get3A_2554 = vector.shape_cast %get3A_2553 : vector<1x16xf32> to vector<16xf32>
      %eq3A_2555 = arith.constant 0.000000e+00 : f32
      %eq3A_2556 = vector.broadcast %eq3A_2555 : f32 to vector<16xf32>
      %eq3A_2557 = arith.cmpf oeq, %get3A_2554, %eq3A_2556 : vector<16xf32>
      %jit3A_2558 = arith.constant 1.000000e+02 : f32
      %broadcast_in_dim3A_2559 = vector.broadcast %jit3A_2558 : f32 to vector<16xf32>
      %select_n3A_2560 = arith.select %eq3A_2557, %broadcast_in_dim3A_2559, %get3A_2554 : vector<16xi1>, vector<16xf32>
      %min3A_2561 = arith.minimumf %broadcast_in_dim3A_3, %select_n3A_2560 : vector<16xf32>
      %max3A_2562 = arith.maximumf %broadcast_in_dim3A_5, %get3A_2554 : vector<16xf32>
      %get3A_2563 = arith.constant 1 : i32
      %get3A_2564 = arith.index_cast %get3A_2563 : i32 to index
      %get3A_2565 = arith.constant 96 : index
      %get3A_2566 = tpu.vector_load %arg5[%get3A_2564, %get3A_2565] {strides = array<i32>} : memref<32x148xf32, #tpu.memory_space<vmem>>, vector<1x16xf32>,
      %get3A_2567 = vector.shape_cast %get3A_2566 : vector<1x16xf32> to vector<16xf32>
      %eq3A_2568 = arith.constant 0.000000e+00 : f32
      %eq3A_2569 = vector.broadcast %eq3A_2568 : f32 to vector<16xf32>
      %eq3A_2570 = arith.cmpf oeq, %get3A_2567, %eq3A_2569 : vector<16xf32>
      %jit3A_2571 = arith.constant 1.000000e+02 : f32
      %broadcast_in_dim3A_2572 = vector.broadcast %jit3A_2571 : f32 to vector<16xf32>
      %select_n3A_2573 = arith.select %eq3A_2570, %broadcast_in_dim3A_2572, %get3A_2567 : vector<16xi1>, vector<16xf32>
      %min3A_2574 = arith.minimumf %min3A_2561, %select_n3A_2573 : vector<16xf32>
      %max3A_2575 = arith.maximumf %max3A_2562, %get3A_2567 : vector<16xf32>
      %get3A_2576 = arith.constant 2 : i32
      %get3A_2577 = arith.index_cast %get3A_2576 : i32 to index
      %get3A_2578 = arith.constant 96 : index
      %get3A_2579 = tpu.vector_load %arg5[%get3A_2577, %get3A_2578] {strides = array<i32>} : memref<32x148xf32, #tpu.memory_space<vmem>>, vector<1x16xf32>,
      %get3A_2580 = vector.shape_cast %get3A_2579 : vector<1x16xf32> to vector<16xf32>
      %eq3A_2581 = arith.constant 0.000000e+00 : f32
      %eq3A_2582 = vector.broadcast %eq3A_2581 : f32 to vector<16xf32>
      %eq3A_2583 = arith.cmpf oeq, %get3A_2580, %eq3A_2582 : vector<16xf32>
      %jit3A_2584 = arith.constant 1.000000e+02 : f32
      %broadcast_in_dim3A_2585 = vector.broadcast %jit3A_2584 : f32 to vector<16xf32>
      %select_n3A_2586 = arith.select %eq3A_2583, %broadcast_in_dim3A_2585, %get3A_2580 : vector<16xi1>, vector<16xf32>
      %min3A_2587 = arith.minimumf %min3A_2574, %select_n3A_2586 : vector<16xf32>
      %max3A_2588 = arith.maximumf %max3A_2575, %get3A_2580 : vector<16xf32>
      %get3A_2589 = arith.constant 3 : i32
      %get3A_2590 = arith.index_cast %get3A_2589 : i32 to index
      %get3A_2591 = arith.constant 96 : index
      %get3A_2592 = tpu.vector_load %arg5[%get3A_2590, %get3A_2591] {strides = array<i32>} : memref<32x148xf32, #tpu.memory_space<vmem>>, vector<1x16xf32>,
      %get3A_2593 = vector.shape_cast %get3A_2592 : vector<1x16xf32> to vector<16xf32>
      %eq3A_2594 = arith.constant 0.000000e+00 : f32
      %eq3A_2595 = vector.broadcast %eq3A_2594 : f32 to vector<16xf32>
      %eq3A_2596 = arith.cmpf oeq, %get3A_2593, %eq3A_2595 : vector<16xf32>
      %jit3A_2597 = arith.constant 1.000000e+02 : f32
      %broadcast_in_dim3A_2598 = vector.broadcast %jit3A_2597 : f32 to vector<16xf32>
      %select_n3A_2599 = arith.select %eq3A_2596, %broadcast_in_dim3A_2598, %get3A_2593 : vector<16xi1>, vector<16xf32>
      %min3A_2600 = arith.minimumf %min3A_2587, %select_n3A_2599 : vector<16xf32>
      %max3A_2601 = arith.maximumf %max3A_2588, %get3A_2593 : vector<16xf32>
      %get3A_2602 = arith.constant 4 : i32
      %get3A_2603 = arith.index_cast %get3A_2602 : i32 to index
      %get3A_2604 = arith.constant 96 : index
      %get3A_2605 = tpu.vector_load %arg5[%get3A_2603, %get3A_2604] {strides = array<i32>} : memref<32x148xf32, #tpu.memory_space<vmem>>, vector<1x16xf32>,
      %get3A_2606 = vector.shape_cast %get3A_2605 : vector<1x16xf32> to vector<16xf32>
      %eq3A_2607 = arith.constant 0.000000e+00 : f32
      %eq3A_2608 = vector.broadcast %eq3A_2607 : f32 to vector<16xf32>
      %eq3A_2609 = arith.cmpf oeq, %get3A_2606, %eq3A_2608 : vector<16xf32>
      %jit3A_2610 = arith.constant 1.000000e+02 : f32
      %broadcast_in_dim3A_2611 = vector.broadcast %jit3A_2610 : f32 to vector<16xf32>
      %select_n3A_2612 = arith.select %eq3A_2609, %broadcast_in_dim3A_2611, %get3A_2606 : vector<16xi1>, vector<16xf32>
      %min3A_2613 = arith.minimumf %min3A_2600, %select_n3A_2612 : vector<16xf32>
      %max3A_2614 = arith.maximumf %max3A_2601, %get3A_2606 : vector<16xf32>
      %get3A_2615 = arith.constant 5 : i32
      %get3A_2616 = arith.index_cast %get3A_2615 : i32 to index
      %get3A_2617 = arith.constant 96 : index
      %get3A_2618 = tpu.vector_load %arg5[%get3A_2616, %get3A_2617] {strides = array<i32>} : memref<32x148xf32, #tpu.memory_space<vmem>>, vector<1x16xf32>,
      %get3A_2619 = vector.shape_cast %get3A_2618 : vector<1x16xf32> to vector<16xf32>
      %eq3A_2620 = arith.constant 0.000000e+00 : f32
      %eq3A_2621 = vector.broadcast %eq3A_2620 : f32 to vector<16xf32>
      %eq3A_2622 = arith.cmpf oeq, %get3A_2619, %eq3A_2621 : vector<16xf32>
      %jit3A_2623 = arith.constant 1.000000e+02 : f32
      %broadcast_in_dim3A_2624 = vector.broadcast %jit3A_2623 : f32 to vector<16xf32>
      %select_n3A_2625 = arith.select %eq3A_2622, %broadcast_in_dim3A_2624, %get3A_2619 : vector<16xi1>, vector<16xf32>
      %min3A_2626 = arith.minimumf %min3A_2613, %select_n3A_2625 : vector<16xf32>
      %max3A_2627 = arith.maximumf %max3A_2614, %get3A_2619 : vector<16xf32>
      %get3A_2628 = arith.constant 6 : i32
      %get3A_2629 = arith.index_cast %get3A_2628 : i32 to index
      %get3A_2630 = arith.constant 96 : index
      %get3A_2631 = tpu.vector_load %arg5[%get3A_2629, %get3A_2630] {strides = array<i32>} : memref<32x148xf32, #tpu.memory_space<vmem>>, vector<1x16xf32>,
      %get3A_2632 = vector.shape_cast %get3A_2631 : vector<1x16xf32> to vector<16xf32>
      %eq3A_2633 = arith.constant 0.000000e+00 : f32
      %eq3A_2634 = vector.broadcast %eq3A_2633 : f32 to vector<16xf32>
      %eq3A_2635 = arith.cmpf oeq, %get3A_2632, %eq3A_2634 : vector<16xf32>
      %jit3A_2636 = arith.constant 1.000000e+02 : f32
      %broadcast_in_dim3A_2637 = vector.broadcast %jit3A_2636 : f32 to vector<16xf32>
      %select_n3A_2638 = arith.select %eq3A_2635, %broadcast_in_dim3A_2637, %get3A_2632 : vector<16xi1>, vector<16xf32>
      %min3A_2639 = arith.minimumf %min3A_2626, %select_n3A_2638 : vector<16xf32>
      %max3A_2640 = arith.maximumf %max3A_2627, %get3A_2632 : vector<16xf32>
      %get3A_2641 = arith.constant 7 : i32
      %get3A_2642 = arith.index_cast %get3A_2641 : i32 to index
      %get3A_2643 = arith.constant 96 : index
      %get3A_2644 = tpu.vector_load %arg5[%get3A_2642, %get3A_2643] {strides = array<i32>} : memref<32x148xf32, #tpu.memory_space<vmem>>, vector<1x16xf32>,
      %get3A_2645 = vector.shape_cast %get3A_2644 : vector<1x16xf32> to vector<16xf32>
      %eq3A_2646 = arith.constant 0.000000e+00 : f32
      %eq3A_2647 = vector.broadcast %eq3A_2646 : f32 to vector<16xf32>
      %eq3A_2648 = arith.cmpf oeq, %get3A_2645, %eq3A_2647 : vector<16xf32>
      %jit3A_2649 = arith.constant 1.000000e+02 : f32
      %broadcast_in_dim3A_2650 = vector.broadcast %jit3A_2649 : f32 to vector<16xf32>
      %select_n3A_2651 = arith.select %eq3A_2648, %broadcast_in_dim3A_2650, %get3A_2645 : vector<16xi1>, vector<16xf32>
      %min3A_2652 = arith.minimumf %min3A_2639, %select_n3A_2651 : vector<16xf32>
      %max3A_2653 = arith.maximumf %max3A_2640, %get3A_2645 : vector<16xf32>
      %get3A_2654 = arith.constant 8 : i32
      %get3A_2655 = arith.index_cast %get3A_2654 : i32 to index
      %get3A_2656 = arith.constant 96 : index
      %get3A_2657 = tpu.vector_load %arg5[%get3A_2655, %get3A_2656] {strides = array<i32>} : memref<32x148xf32, #tpu.memory_space<vmem>>, vector<1x16xf32>,
      %get3A_2658 = vector.shape_cast %get3A_2657 : vector<1x16xf32> to vector<16xf32>
      %eq3A_2659 = arith.constant 0.000000e+00 : f32
      %eq3A_2660 = vector.broadcast %eq3A_2659 : f32 to vector<16xf32>
      %eq3A_2661 = arith.cmpf oeq, %get3A_2658, %eq3A_2660 : vector<16xf32>
      %jit3A_2662 = arith.constant 1.000000e+02 : f32
      %broadcast_in_dim3A_2663 = vector.broadcast %jit3A_2662 : f32 to vector<16xf32>
      %select_n3A_2664 = arith.select %eq3A_2661, %broadcast_in_dim3A_2663, %get3A_2658 : vector<16xi1>, vector<16xf32>
      %min3A_2665 = arith.minimumf %min3A_2652, %select_n3A_2664 : vector<16xf32>
      %max3A_2666 = arith.maximumf %max3A_2653, %get3A_2658 : vector<16xf32>
      %get3A_2667 = arith.constant 9 : i32
      %get3A_2668 = arith.index_cast %get3A_2667 : i32 to index
      %get3A_2669 = arith.constant 96 : index
      %get3A_2670 = tpu.vector_load %arg5[%get3A_2668, %get3A_2669] {strides = array<i32>} : memref<32x148xf32, #tpu.memory_space<vmem>>, vector<1x16xf32>,
      %get3A_2671 = vector.shape_cast %get3A_2670 : vector<1x16xf32> to vector<16xf32>
      %eq3A_2672 = arith.constant 0.000000e+00 : f32
      %eq3A_2673 = vector.broadcast %eq3A_2672 : f32 to vector<16xf32>
      %eq3A_2674 = arith.cmpf oeq, %get3A_2671, %eq3A_2673 : vector<16xf32>
      %jit3A_2675 = arith.constant 1.000000e+02 : f32
      %broadcast_in_dim3A_2676 = vector.broadcast %jit3A_2675 : f32 to vector<16xf32>
      %select_n3A_2677 = arith.select %eq3A_2674, %broadcast_in_dim3A_2676, %get3A_2671 : vector<16xi1>, vector<16xf32>
      %min3A_2678 = arith.minimumf %min3A_2665, %select_n3A_2677 : vector<16xf32>
      %max3A_2679 = arith.maximumf %max3A_2666, %get3A_2671 : vector<16xf32>
      %get3A_2680 = arith.constant 10 : i32
      %get3A_2681 = arith.index_cast %get3A_2680 : i32 to index
      %get3A_2682 = arith.constant 96 : index
      %get3A_2683 = tpu.vector_load %arg5[%get3A_2681, %get3A_2682] {strides = array<i32>} : memref<32x148xf32, #tpu.memory_space<vmem>>, vector<1x16xf32>,
      %get3A_2684 = vector.shape_cast %get3A_2683 : vector<1x16xf32> to vector<16xf32>
      %eq3A_2685 = arith.constant 0.000000e+00 : f32
      %eq3A_2686 = vector.broadcast %eq3A_2685 : f32 to vector<16xf32>
      %eq3A_2687 = arith.cmpf oeq, %get3A_2684, %eq3A_2686 : vector<16xf32>
      %jit3A_2688 = arith.constant 1.000000e+02 : f32
      %broadcast_in_dim3A_2689 = vector.broadcast %jit3A_2688 : f32 to vector<16xf32>
      %select_n3A_2690 = arith.select %eq3A_2687, %broadcast_in_dim3A_2689, %get3A_2684 : vector<16xi1>, vector<16xf32>
      %min3A_2691 = arith.minimumf %min3A_2678, %select_n3A_2690 : vector<16xf32>
      %max3A_2692 = arith.maximumf %max3A_2679, %get3A_2684 : vector<16xf32>
      %get3A_2693 = arith.constant 11 : i32
      %get3A_2694 = arith.index_cast %get3A_2693 : i32 to index
      %get3A_2695 = arith.constant 96 : index
      %get3A_2696 = tpu.vector_load %arg5[%get3A_2694, %get3A_2695] {strides = array<i32>} : memref<32x148xf32, #tpu.memory_space<vmem>>, vector<1x16xf32>,
      %get3A_2697 = vector.shape_cast %get3A_2696 : vector<1x16xf32> to vector<16xf32>
      %eq3A_2698 = arith.constant 0.000000e+00 : f32
      %eq3A_2699 = vector.broadcast %eq3A_2698 : f32 to vector<16xf32>
      %eq3A_2700 = arith.cmpf oeq, %get3A_2697, %eq3A_2699 : vector<16xf32>
      %jit3A_2701 = arith.constant 1.000000e+02 : f32
      %broadcast_in_dim3A_2702 = vector.broadcast %jit3A_2701 : f32 to vector<16xf32>
      %select_n3A_2703 = arith.select %eq3A_2700, %broadcast_in_dim3A_2702, %get3A_2697 : vector<16xi1>, vector<16xf32>
      %min3A_2704 = arith.minimumf %min3A_2691, %select_n3A_2703 : vector<16xf32>
      %max3A_2705 = arith.maximumf %max3A_2692, %get3A_2697 : vector<16xf32>
      %get3A_2706 = arith.constant 12 : i32
      %get3A_2707 = arith.index_cast %get3A_2706 : i32 to index
      %get3A_2708 = arith.constant 96 : index
      %get3A_2709 = tpu.vector_load %arg5[%get3A_2707, %get3A_2708] {strides = array<i32>} : memref<32x148xf32, #tpu.memory_space<vmem>>, vector<1x16xf32>,
      %get3A_2710 = vector.shape_cast %get3A_2709 : vector<1x16xf32> to vector<16xf32>
      %eq3A_2711 = arith.constant 0.000000e+00 : f32
      %eq3A_2712 = vector.broadcast %eq3A_2711 : f32 to vector<16xf32>
      %eq3A_2713 = arith.cmpf oeq, %get3A_2710, %eq3A_2712 : vector<16xf32>
      %jit3A_2714 = arith.constant 1.000000e+02 : f32
      %broadcast_in_dim3A_2715 = vector.broadcast %jit3A_2714 : f32 to vector<16xf32>
      %select_n3A_2716 = arith.select %eq3A_2713, %broadcast_in_dim3A_2715, %get3A_2710 : vector<16xi1>, vector<16xf32>
      %min3A_2717 = arith.minimumf %min3A_2704, %select_n3A_2716 : vector<16xf32>
      %max3A_2718 = arith.maximumf %max3A_2705, %get3A_2710 : vector<16xf32>
      %get3A_2719 = arith.constant 13 : i32
      %get3A_2720 = arith.index_cast %get3A_2719 : i32 to index
      %get3A_2721 = arith.constant 96 : index
      %get3A_2722 = tpu.vector_load %arg5[%get3A_2720, %get3A_2721] {strides = array<i32>} : memref<32x148xf32, #tpu.memory_space<vmem>>, vector<1x16xf32>,
      %get3A_2723 = vector.shape_cast %get3A_2722 : vector<1x16xf32> to vector<16xf32>
      %eq3A_2724 = arith.constant 0.000000e+00 : f32
      %eq3A_2725 = vector.broadcast %eq3A_2724 : f32 to vector<16xf32>
      %eq3A_2726 = arith.cmpf oeq, %get3A_2723, %eq3A_2725 : vector<16xf32>
      %jit3A_2727 = arith.constant 1.000000e+02 : f32
      %broadcast_in_dim3A_2728 = vector.broadcast %jit3A_2727 : f32 to vector<16xf32>
      %select_n3A_2729 = arith.select %eq3A_2726, %broadcast_in_dim3A_2728, %get3A_2723 : vector<16xi1>, vector<16xf32>
      %min3A_2730 = arith.minimumf %min3A_2717, %select_n3A_2729 : vector<16xf32>
      %max3A_2731 = arith.maximumf %max3A_2718, %get3A_2723 : vector<16xf32>
      %get3A_2732 = arith.constant 14 : i32
      %get3A_2733 = arith.index_cast %get3A_2732 : i32 to index
      %get3A_2734 = arith.constant 96 : index
      %get3A_2735 = tpu.vector_load %arg5[%get3A_2733, %get3A_2734] {strides = array<i32>} : memref<32x148xf32, #tpu.memory_space<vmem>>, vector<1x16xf32>,
      %get3A_2736 = vector.shape_cast %get3A_2735 : vector<1x16xf32> to vector<16xf32>
      %eq3A_2737 = arith.constant 0.000000e+00 : f32
      %eq3A_2738 = vector.broadcast %eq3A_2737 : f32 to vector<16xf32>
      %eq3A_2739 = arith.cmpf oeq, %get3A_2736, %eq3A_2738 : vector<16xf32>
      %jit3A_2740 = arith.constant 1.000000e+02 : f32
      %broadcast_in_dim3A_2741 = vector.broadcast %jit3A_2740 : f32 to vector<16xf32>
      %select_n3A_2742 = arith.select %eq3A_2739, %broadcast_in_dim3A_2741, %get3A_2736 : vector<16xi1>, vector<16xf32>
      %min3A_2743 = arith.minimumf %min3A_2730, %select_n3A_2742 : vector<16xf32>
      %max3A_2744 = arith.maximumf %max3A_2731, %get3A_2736 : vector<16xf32>
      %get3A_2745 = arith.constant 15 : i32
      %get3A_2746 = arith.index_cast %get3A_2745 : i32 to index
      %get3A_2747 = arith.constant 96 : index
      %get3A_2748 = tpu.vector_load %arg5[%get3A_2746, %get3A_2747] {strides = array<i32>} : memref<32x148xf32, #tpu.memory_space<vmem>>, vector<1x16xf32>,
      %get3A_2749 = vector.shape_cast %get3A_2748 : vector<1x16xf32> to vector<16xf32>
      %eq3A_2750 = arith.constant 0.000000e+00 : f32
      %eq3A_2751 = vector.broadcast %eq3A_2750 : f32 to vector<16xf32>
      %eq3A_2752 = arith.cmpf oeq, %get3A_2749, %eq3A_2751 : vector<16xf32>
      %jit3A_2753 = arith.constant 1.000000e+02 : f32
      %broadcast_in_dim3A_2754 = vector.broadcast %jit3A_2753 : f32 to vector<16xf32>
      %select_n3A_2755 = arith.select %eq3A_2752, %broadcast_in_dim3A_2754, %get3A_2749 : vector<16xi1>, vector<16xf32>
      %min3A_2756 = arith.minimumf %min3A_2743, %select_n3A_2755 : vector<16xf32>
      %max3A_2757 = arith.maximumf %max3A_2744, %get3A_2749 : vector<16xf32>
      %get3A_2758 = arith.constant 16 : i32
      %get3A_2759 = arith.index_cast %get3A_2758 : i32 to index
      %get3A_2760 = arith.constant 96 : index
      %get3A_2761 = tpu.vector_load %arg5[%get3A_2759, %get3A_2760] {strides = array<i32>} : memref<32x148xf32, #tpu.memory_space<vmem>>, vector<1x16xf32>,
      %get3A_2762 = vector.shape_cast %get3A_2761 : vector<1x16xf32> to vector<16xf32>
      %eq3A_2763 = arith.constant 0.000000e+00 : f32
      %eq3A_2764 = vector.broadcast %eq3A_2763 : f32 to vector<16xf32>
      %eq3A_2765 = arith.cmpf oeq, %get3A_2762, %eq3A_2764 : vector<16xf32>
      %jit3A_2766 = arith.constant 1.000000e+02 : f32
      %broadcast_in_dim3A_2767 = vector.broadcast %jit3A_2766 : f32 to vector<16xf32>
      %select_n3A_2768 = arith.select %eq3A_2765, %broadcast_in_dim3A_2767, %get3A_2762 : vector<16xi1>, vector<16xf32>
      %min3A_2769 = arith.minimumf %min3A_2756, %select_n3A_2768 : vector<16xf32>
      %max3A_2770 = arith.maximumf %max3A_2757, %get3A_2762 : vector<16xf32>
      %get3A_2771 = arith.constant 17 : i32
      %get3A_2772 = arith.index_cast %get3A_2771 : i32 to index
      %get3A_2773 = arith.constant 96 : index
      %get3A_2774 = tpu.vector_load %arg5[%get3A_2772, %get3A_2773] {strides = array<i32>} : memref<32x148xf32, #tpu.memory_space<vmem>>, vector<1x16xf32>,
      %get3A_2775 = vector.shape_cast %get3A_2774 : vector<1x16xf32> to vector<16xf32>
      %eq3A_2776 = arith.constant 0.000000e+00 : f32
      %eq3A_2777 = vector.broadcast %eq3A_2776 : f32 to vector<16xf32>
      %eq3A_2778 = arith.cmpf oeq, %get3A_2775, %eq3A_2777 : vector<16xf32>
      %jit3A_2779 = arith.constant 1.000000e+02 : f32
      %broadcast_in_dim3A_2780 = vector.broadcast %jit3A_2779 : f32 to vector<16xf32>
      %select_n3A_2781 = arith.select %eq3A_2778, %broadcast_in_dim3A_2780, %get3A_2775 : vector<16xi1>, vector<16xf32>
      %min3A_2782 = arith.minimumf %min3A_2769, %select_n3A_2781 : vector<16xf32>
      %max3A_2783 = arith.maximumf %max3A_2770, %get3A_2775 : vector<16xf32>
      %get3A_2784 = arith.constant 18 : i32
      %get3A_2785 = arith.index_cast %get3A_2784 : i32 to index
      %get3A_2786 = arith.constant 96 : index
      %get3A_2787 = tpu.vector_load %arg5[%get3A_2785, %get3A_2786] {strides = array<i32>} : memref<32x148xf32, #tpu.memory_space<vmem>>, vector<1x16xf32>,
      %get3A_2788 = vector.shape_cast %get3A_2787 : vector<1x16xf32> to vector<16xf32>
      %eq3A_2789 = arith.constant 0.000000e+00 : f32
      %eq3A_2790 = vector.broadcast %eq3A_2789 : f32 to vector<16xf32>
      %eq3A_2791 = arith.cmpf oeq, %get3A_2788, %eq3A_2790 : vector<16xf32>
      %jit3A_2792 = arith.constant 1.000000e+02 : f32
      %broadcast_in_dim3A_2793 = vector.broadcast %jit3A_2792 : f32 to vector<16xf32>
      %select_n3A_2794 = arith.select %eq3A_2791, %broadcast_in_dim3A_2793, %get3A_2788 : vector<16xi1>, vector<16xf32>
      %min3A_2795 = arith.minimumf %min3A_2782, %select_n3A_2794 : vector<16xf32>
      %max3A_2796 = arith.maximumf %max3A_2783, %get3A_2788 : vector<16xf32>
      %get3A_2797 = arith.constant 19 : i32
      %get3A_2798 = arith.index_cast %get3A_2797 : i32 to index
      %get3A_2799 = arith.constant 96 : index
      %get3A_2800 = tpu.vector_load %arg5[%get3A_2798, %get3A_2799] {strides = array<i32>} : memref<32x148xf32, #tpu.memory_space<vmem>>, vector<1x16xf32>,
      %get3A_2801 = vector.shape_cast %get3A_2800 : vector<1x16xf32> to vector<16xf32>
      %eq3A_2802 = arith.constant 0.000000e+00 : f32
      %eq3A_2803 = vector.broadcast %eq3A_2802 : f32 to vector<16xf32>
      %eq3A_2804 = arith.cmpf oeq, %get3A_2801, %eq3A_2803 : vector<16xf32>
      %jit3A_2805 = arith.constant 1.000000e+02 : f32
      %broadcast_in_dim3A_2806 = vector.broadcast %jit3A_2805 : f32 to vector<16xf32>
      %select_n3A_2807 = arith.select %eq3A_2804, %broadcast_in_dim3A_2806, %get3A_2801 : vector<16xi1>, vector<16xf32>
      %min3A_2808 = arith.minimumf %min3A_2795, %select_n3A_2807 : vector<16xf32>
      %max3A_2809 = arith.maximumf %max3A_2796, %get3A_2801 : vector<16xf32>
      %get3A_2810 = arith.constant 20 : i32
      %get3A_2811 = arith.index_cast %get3A_2810 : i32 to index
      %get3A_2812 = arith.constant 96 : index
      %get3A_2813 = tpu.vector_load %arg5[%get3A_2811, %get3A_2812] {strides = array<i32>} : memref<32x148xf32, #tpu.memory_space<vmem>>, vector<1x16xf32>,
      %get3A_2814 = vector.shape_cast %get3A_2813 : vector<1x16xf32> to vector<16xf32>
      %eq3A_2815 = arith.constant 0.000000e+00 : f32
      %eq3A_2816 = vector.broadcast %eq3A_2815 : f32 to vector<16xf32>
      %eq3A_2817 = arith.cmpf oeq, %get3A_2814, %eq3A_2816 : vector<16xf32>
      %jit3A_2818 = arith.constant 1.000000e+02 : f32
      %broadcast_in_dim3A_2819 = vector.broadcast %jit3A_2818 : f32 to vector<16xf32>
      %select_n3A_2820 = arith.select %eq3A_2817, %broadcast_in_dim3A_2819, %get3A_2814 : vector<16xi1>, vector<16xf32>
      %min3A_2821 = arith.minimumf %min3A_2808, %select_n3A_2820 : vector<16xf32>
      %max3A_2822 = arith.maximumf %max3A_2809, %get3A_2814 : vector<16xf32>
      %get3A_2823 = arith.constant 21 : i32
      %get3A_2824 = arith.index_cast %get3A_2823 : i32 to index
      %get3A_2825 = arith.constant 96 : index
      %get3A_2826 = tpu.vector_load %arg5[%get3A_2824, %get3A_2825] {strides = array<i32>} : memref<32x148xf32, #tpu.memory_space<vmem>>, vector<1x16xf32>,
      %get3A_2827 = vector.shape_cast %get3A_2826 : vector<1x16xf32> to vector<16xf32>
      %eq3A_2828 = arith.constant 0.000000e+00 : f32
      %eq3A_2829 = vector.broadcast %eq3A_2828 : f32 to vector<16xf32>
      %eq3A_2830 = arith.cmpf oeq, %get3A_2827, %eq3A_2829 : vector<16xf32>
      %jit3A_2831 = arith.constant 1.000000e+02 : f32
      %broadcast_in_dim3A_2832 = vector.broadcast %jit3A_2831 : f32 to vector<16xf32>
      %select_n3A_2833 = arith.select %eq3A_2830, %broadcast_in_dim3A_2832, %get3A_2827 : vector<16xi1>, vector<16xf32>
      %min3A_2834 = arith.minimumf %min3A_2821, %select_n3A_2833 : vector<16xf32>
      %max3A_2835 = arith.maximumf %max3A_2822, %get3A_2827 : vector<16xf32>
      %get3A_2836 = arith.constant 22 : i32
      %get3A_2837 = arith.index_cast %get3A_2836 : i32 to index
      %get3A_2838 = arith.constant 96 : index
      %get3A_2839 = tpu.vector_load %arg5[%get3A_2837, %get3A_2838] {strides = array<i32>} : memref<32x148xf32, #tpu.memory_space<vmem>>, vector<1x16xf32>,
      %get3A_2840 = vector.shape_cast %get3A_2839 : vector<1x16xf32> to vector<16xf32>
      %eq3A_2841 = arith.constant 0.000000e+00 : f32
      %eq3A_2842 = vector.broadcast %eq3A_2841 : f32 to vector<16xf32>
      %eq3A_2843 = arith.cmpf oeq, %get3A_2840, %eq3A_2842 : vector<16xf32>
      %jit3A_2844 = arith.constant 1.000000e+02 : f32
      %broadcast_in_dim3A_2845 = vector.broadcast %jit3A_2844 : f32 to vector<16xf32>
      %select_n3A_2846 = arith.select %eq3A_2843, %broadcast_in_dim3A_2845, %get3A_2840 : vector<16xi1>, vector<16xf32>
      %min3A_2847 = arith.minimumf %min3A_2834, %select_n3A_2846 : vector<16xf32>
      %max3A_2848 = arith.maximumf %max3A_2835, %get3A_2840 : vector<16xf32>
      %get3A_2849 = arith.constant 23 : i32
      %get3A_2850 = arith.index_cast %get3A_2849 : i32 to index
      %get3A_2851 = arith.constant 96 : index
      %get3A_2852 = tpu.vector_load %arg5[%get3A_2850, %get3A_2851] {strides = array<i32>} : memref<32x148xf32, #tpu.memory_space<vmem>>, vector<1x16xf32>,
      %get3A_2853 = vector.shape_cast %get3A_2852 : vector<1x16xf32> to vector<16xf32>
      %eq3A_2854 = arith.constant 0.000000e+00 : f32
      %eq3A_2855 = vector.broadcast %eq3A_2854 : f32 to vector<16xf32>
      %eq3A_2856 = arith.cmpf oeq, %get3A_2853, %eq3A_2855 : vector<16xf32>
      %jit3A_2857 = arith.constant 1.000000e+02 : f32
      %broadcast_in_dim3A_2858 = vector.broadcast %jit3A_2857 : f32 to vector<16xf32>
      %select_n3A_2859 = arith.select %eq3A_2856, %broadcast_in_dim3A_2858, %get3A_2853 : vector<16xi1>, vector<16xf32>
      %min3A_2860 = arith.minimumf %min3A_2847, %select_n3A_2859 : vector<16xf32>
      %max3A_2861 = arith.maximumf %max3A_2848, %get3A_2853 : vector<16xf32>
      %get3A_2862 = arith.constant 24 : i32
      %get3A_2863 = arith.index_cast %get3A_2862 : i32 to index
      %get3A_2864 = arith.constant 96 : index
      %get3A_2865 = tpu.vector_load %arg5[%get3A_2863, %get3A_2864] {strides = array<i32>} : memref<32x148xf32, #tpu.memory_space<vmem>>, vector<1x16xf32>,
      %get3A_2866 = vector.shape_cast %get3A_2865 : vector<1x16xf32> to vector<16xf32>
      %eq3A_2867 = arith.constant 0.000000e+00 : f32
      %eq3A_2868 = vector.broadcast %eq3A_2867 : f32 to vector<16xf32>
      %eq3A_2869 = arith.cmpf oeq, %get3A_2866, %eq3A_2868 : vector<16xf32>
      %jit3A_2870 = arith.constant 1.000000e+02 : f32
      %broadcast_in_dim3A_2871 = vector.broadcast %jit3A_2870 : f32 to vector<16xf32>
      %select_n3A_2872 = arith.select %eq3A_2869, %broadcast_in_dim3A_2871, %get3A_2866 : vector<16xi1>, vector<16xf32>
      %min3A_2873 = arith.minimumf %min3A_2860, %select_n3A_2872 : vector<16xf32>
      %max3A_2874 = arith.maximumf %max3A_2861, %get3A_2866 : vector<16xf32>
      %get3A_2875 = arith.constant 25 : i32
      %get3A_2876 = arith.index_cast %get3A_2875 : i32 to index
      %get3A_2877 = arith.constant 96 : index
      %get3A_2878 = tpu.vector_load %arg5[%get3A_2876, %get3A_2877] {strides = array<i32>} : memref<32x148xf32, #tpu.memory_space<vmem>>, vector<1x16xf32>,
      %get3A_2879 = vector.shape_cast %get3A_2878 : vector<1x16xf32> to vector<16xf32>
      %eq3A_2880 = arith.constant 0.000000e+00 : f32
      %eq3A_2881 = vector.broadcast %eq3A_2880 : f32 to vector<16xf32>
      %eq3A_2882 = arith.cmpf oeq, %get3A_2879, %eq3A_2881 : vector<16xf32>
      %jit3A_2883 = arith.constant 1.000000e+02 : f32
      %broadcast_in_dim3A_2884 = vector.broadcast %jit3A_2883 : f32 to vector<16xf32>
      %select_n3A_2885 = arith.select %eq3A_2882, %broadcast_in_dim3A_2884, %get3A_2879 : vector<16xi1>, vector<16xf32>
      %min3A_2886 = arith.minimumf %min3A_2873, %select_n3A_2885 : vector<16xf32>
      %max3A_2887 = arith.maximumf %max3A_2874, %get3A_2879 : vector<16xf32>
      %get3A_2888 = arith.constant 26 : i32
      %get3A_2889 = arith.index_cast %get3A_2888 : i32 to index
      %get3A_2890 = arith.constant 96 : index
      %get3A_2891 = tpu.vector_load %arg5[%get3A_2889, %get3A_2890] {strides = array<i32>} : memref<32x148xf32, #tpu.memory_space<vmem>>, vector<1x16xf32>,
      %get3A_2892 = vector.shape_cast %get3A_2891 : vector<1x16xf32> to vector<16xf32>
      %eq3A_2893 = arith.constant 0.000000e+00 : f32
      %eq3A_2894 = vector.broadcast %eq3A_2893 : f32 to vector<16xf32>
      %eq3A_2895 = arith.cmpf oeq, %get3A_2892, %eq3A_2894 : vector<16xf32>
      %jit3A_2896 = arith.constant 1.000000e+02 : f32
      %broadcast_in_dim3A_2897 = vector.broadcast %jit3A_2896 : f32 to vector<16xf32>
      %select_n3A_2898 = arith.select %eq3A_2895, %broadcast_in_dim3A_2897, %get3A_2892 : vector<16xi1>, vector<16xf32>
      %min3A_2899 = arith.minimumf %min3A_2886, %select_n3A_2898 : vector<16xf32>
      %max3A_2900 = arith.maximumf %max3A_2887, %get3A_2892 : vector<16xf32>
      %get3A_2901 = arith.constant 27 : i32
      %get3A_2902 = arith.index_cast %get3A_2901 : i32 to index
      %get3A_2903 = arith.constant 96 : index
      %get3A_2904 = tpu.vector_load %arg5[%get3A_2902, %get3A_2903] {strides = array<i32>} : memref<32x148xf32, #tpu.memory_space<vmem>>, vector<1x16xf32>,
      %get3A_2905 = vector.shape_cast %get3A_2904 : vector<1x16xf32> to vector<16xf32>
      %eq3A_2906 = arith.constant 0.000000e+00 : f32
      %eq3A_2907 = vector.broadcast %eq3A_2906 : f32 to vector<16xf32>
      %eq3A_2908 = arith.cmpf oeq, %get3A_2905, %eq3A_2907 : vector<16xf32>
      %jit3A_2909 = arith.constant 1.000000e+02 : f32
      %broadcast_in_dim3A_2910 = vector.broadcast %jit3A_2909 : f32 to vector<16xf32>
      %select_n3A_2911 = arith.select %eq3A_2908, %broadcast_in_dim3A_2910, %get3A_2905 : vector<16xi1>, vector<16xf32>
      %min3A_2912 = arith.minimumf %min3A_2899, %select_n3A_2911 : vector<16xf32>
      %max3A_2913 = arith.maximumf %max3A_2900, %get3A_2905 : vector<16xf32>
      %get3A_2914 = arith.constant 28 : i32
      %get3A_2915 = arith.index_cast %get3A_2914 : i32 to index
      %get3A_2916 = arith.constant 96 : index
      %get3A_2917 = tpu.vector_load %arg5[%get3A_2915, %get3A_2916] {strides = array<i32>} : memref<32x148xf32, #tpu.memory_space<vmem>>, vector<1x16xf32>,
      %get3A_2918 = vector.shape_cast %get3A_2917 : vector<1x16xf32> to vector<16xf32>
      %eq3A_2919 = arith.constant 0.000000e+00 : f32
      %eq3A_2920 = vector.broadcast %eq3A_2919 : f32 to vector<16xf32>
      %eq3A_2921 = arith.cmpf oeq, %get3A_2918, %eq3A_2920 : vector<16xf32>
      %jit3A_2922 = arith.constant 1.000000e+02 : f32
      %broadcast_in_dim3A_2923 = vector.broadcast %jit3A_2922 : f32 to vector<16xf32>
      %select_n3A_2924 = arith.select %eq3A_2921, %broadcast_in_dim3A_2923, %get3A_2918 : vector<16xi1>, vector<16xf32>
      %min3A_2925 = arith.minimumf %min3A_2912, %select_n3A_2924 : vector<16xf32>
      %max3A_2926 = arith.maximumf %max3A_2913, %get3A_2918 : vector<16xf32>
      %get3A_2927 = arith.constant 29 : i32
      %get3A_2928 = arith.index_cast %get3A_2927 : i32 to index
      %get3A_2929 = arith.constant 96 : index
      %get3A_2930 = tpu.vector_load %arg5[%get3A_2928, %get3A_2929] {strides = array<i32>} : memref<32x148xf32, #tpu.memory_space<vmem>>, vector<1x16xf32>,
      %get3A_2931 = vector.shape_cast %get3A_2930 : vector<1x16xf32> to vector<16xf32>
      %eq3A_2932 = arith.constant 0.000000e+00 : f32
      %eq3A_2933 = vector.broadcast %eq3A_2932 : f32 to vector<16xf32>
      %eq3A_2934 = arith.cmpf oeq, %get3A_2931, %eq3A_2933 : vector<16xf32>
      %jit3A_2935 = arith.constant 1.000000e+02 : f32
      %broadcast_in_dim3A_2936 = vector.broadcast %jit3A_2935 : f32 to vector<16xf32>
      %select_n3A_2937 = arith.select %eq3A_2934, %broadcast_in_dim3A_2936, %get3A_2931 : vector<16xi1>, vector<16xf32>
      %min3A_2938 = arith.minimumf %min3A_2925, %select_n3A_2937 : vector<16xf32>
      %max3A_2939 = arith.maximumf %max3A_2926, %get3A_2931 : vector<16xf32>
      %get3A_2940 = arith.constant 30 : i32
      %get3A_2941 = arith.index_cast %get3A_2940 : i32 to index
      %get3A_2942 = arith.constant 96 : index
      %get3A_2943 = tpu.vector_load %arg5[%get3A_2941, %get3A_2942] {strides = array<i32>} : memref<32x148xf32, #tpu.memory_space<vmem>>, vector<1x16xf32>,
      %get3A_2944 = vector.shape_cast %get3A_2943 : vector<1x16xf32> to vector<16xf32>
      %eq3A_2945 = arith.constant 0.000000e+00 : f32
      %eq3A_2946 = vector.broadcast %eq3A_2945 : f32 to vector<16xf32>
      %eq3A_2947 = arith.cmpf oeq, %get3A_2944, %eq3A_2946 : vector<16xf32>
      %jit3A_2948 = arith.constant 1.000000e+02 : f32
      %broadcast_in_dim3A_2949 = vector.broadcast %jit3A_2948 : f32 to vector<16xf32>
      %select_n3A_2950 = arith.select %eq3A_2947, %broadcast_in_dim3A_2949, %get3A_2944 : vector<16xi1>, vector<16xf32>
      %min3A_2951 = arith.minimumf %min3A_2938, %select_n3A_2950 : vector<16xf32>
      %max3A_2952 = arith.maximumf %max3A_2939, %get3A_2944 : vector<16xf32>
      %get3A_2953 = arith.constant 31 : i32
      %get3A_2954 = arith.index_cast %get3A_2953 : i32 to index
      %get3A_2955 = arith.constant 96 : index
      %get3A_2956 = tpu.vector_load %arg5[%get3A_2954, %get3A_2955] {strides = array<i32>} : memref<32x148xf32, #tpu.memory_space<vmem>>, vector<1x16xf32>,
      %get3A_2957 = vector.shape_cast %get3A_2956 : vector<1x16xf32> to vector<16xf32>
      %eq3A_2958 = arith.constant 0.000000e+00 : f32
      %eq3A_2959 = vector.broadcast %eq3A_2958 : f32 to vector<16xf32>
      %eq3A_2960 = arith.cmpf oeq, %get3A_2957, %eq3A_2959 : vector<16xf32>
      %jit3A_2961 = arith.constant 1.000000e+02 : f32
      %broadcast_in_dim3A_2962 = vector.broadcast %jit3A_2961 : f32 to vector<16xf32>
      %select_n3A_2963 = arith.select %eq3A_2960, %broadcast_in_dim3A_2962, %get3A_2957 : vector<16xi1>, vector<16xf32>
      %min3A_2964 = arith.minimumf %min3A_2951, %select_n3A_2963 : vector<16xf32>
      %max3A_2965 = arith.maximumf %max3A_2952, %get3A_2957 : vector<16xf32>
      %swap3A_2966 = arith.constant 96 : index
      %swap3A_2967 = tpu.vector_load %arg6[%swap3A_2966] {strides = array<i32>} : memref<148xf32, #tpu.memory_space<vmem>>, vector<16xf32>,
      %swap3A_2968 = vector.shape_cast %swap3A_2967 : vector<16xf32> to vector<16xf32>
      %swap3A_2969 = vector.shape_cast %min3A_2964 : vector<16xf32> to vector<16xf32>
      tpu.vector_store %arg6[%swap3A_2966], %swap3A_2969 {strides = array<i32>} : memref<148xf32, #tpu.memory_space<vmem>>, vector<16xf32>,
      %swap3A_2970 = arith.constant 96 : index
      %swap3A_2971 = tpu.vector_load %arg7[%swap3A_2970] {strides = array<i32>} : memref<148xf32, #tpu.memory_space<vmem>>, vector<16xf32>,
      %swap3A_2972 = vector.shape_cast %swap3A_2971 : vector<16xf32> to vector<16xf32>
      %swap3A_2973 = vector.shape_cast %max3A_2965 : vector<16xf32> to vector<16xf32>
      tpu.vector_store %arg7[%swap3A_2970], %swap3A_2973 {strides = array<i32>} : memref<148xf32, #tpu.memory_space<vmem>>, vector<16xf32>,
      %get3A_2974 = arith.constant 0 : i32
      %get3A_2975 = arith.index_cast %get3A_2974 : i32 to index
      %get3A_2976 = arith.constant 112 : index
      %get3A_2977 = tpu.vector_load %arg5[%get3A_2975, %get3A_2976] {strides = array<i32>} : memref<32x148xf32, #tpu.memory_space<vmem>>, vector<1x16xf32>,
      %get3A_2978 = vector.shape_cast %get3A_2977 : vector<1x16xf32> to vector<16xf32>
      %eq3A_2979 = arith.constant 0.000000e+00 : f32
      %eq3A_2980 = vector.broadcast %eq3A_2979 : f32 to vector<16xf32>
      %eq3A_2981 = arith.cmpf oeq, %get3A_2978, %eq3A_2980 : vector<16xf32>
      %jit3A_2982 = arith.constant 1.000000e+02 : f32
      %broadcast_in_dim3A_2983 = vector.broadcast %jit3A_2982 : f32 to vector<16xf32>
      %select_n3A_2984 = arith.select %eq3A_2981, %broadcast_in_dim3A_2983, %get3A_2978 : vector<16xi1>, vector<16xf32>
      %min3A_2985 = arith.minimumf %broadcast_in_dim3A_3, %select_n3A_2984 : vector<16xf32>
      %max3A_2986 = arith.maximumf %broadcast_in_dim3A_5, %get3A_2978 : vector<16xf32>
      %get3A_2987 = arith.constant 1 : i32
      %get3A_2988 = arith.index_cast %get3A_2987 : i32 to index
      %get3A_2989 = arith.constant 112 : index
      %get3A_2990 = tpu.vector_load %arg5[%get3A_2988, %get3A_2989] {strides = array<i32>} : memref<32x148xf32, #tpu.memory_space<vmem>>, vector<1x16xf32>,
      %get3A_2991 = vector.shape_cast %get3A_2990 : vector<1x16xf32> to vector<16xf32>
      %eq3A_2992 = arith.constant 0.000000e+00 : f32
      %eq3A_2993 = vector.broadcast %eq3A_2992 : f32 to vector<16xf32>
      %eq3A_2994 = arith.cmpf oeq, %get3A_2991, %eq3A_2993 : vector<16xf32>
      %jit3A_2995 = arith.constant 1.000000e+02 : f32
      %broadcast_in_dim3A_2996 = vector.broadcast %jit3A_2995 : f32 to vector<16xf32>
      %select_n3A_2997 = arith.select %eq3A_2994, %broadcast_in_dim3A_2996, %get3A_2991 : vector<16xi1>, vector<16xf32>
      %min3A_2998 = arith.minimumf %min3A_2985, %select_n3A_2997 : vector<16xf32>
      %max3A_2999 = arith.maximumf %max3A_2986, %get3A_2991 : vector<16xf32>
      %get3A_3000 = arith.constant 2 : i32
      %get3A_3001 = arith.index_cast %get3A_3000 : i32 to index
      %get3A_3002 = arith.constant 112 : index
      %get3A_3003 = tpu.vector_load %arg5[%get3A_3001, %get3A_3002] {strides = array<i32>} : memref<32x148xf32, #tpu.memory_space<vmem>>, vector<1x16xf32>,
      %get3A_3004 = vector.shape_cast %get3A_3003 : vector<1x16xf32> to vector<16xf32>
      %eq3A_3005 = arith.constant 0.000000e+00 : f32
      %eq3A_3006 = vector.broadcast %eq3A_3005 : f32 to vector<16xf32>
      %eq3A_3007 = arith.cmpf oeq, %get3A_3004, %eq3A_3006 : vector<16xf32>
      %jit3A_3008 = arith.constant 1.000000e+02 : f32
      %broadcast_in_dim3A_3009 = vector.broadcast %jit3A_3008 : f32 to vector<16xf32>
      %select_n3A_3010 = arith.select %eq3A_3007, %broadcast_in_dim3A_3009, %get3A_3004 : vector<16xi1>, vector<16xf32>
      %min3A_3011 = arith.minimumf %min3A_2998, %select_n3A_3010 : vector<16xf32>
      %max3A_3012 = arith.maximumf %max3A_2999, %get3A_3004 : vector<16xf32>
      %get3A_3013 = arith.constant 3 : i32
      %get3A_3014 = arith.index_cast %get3A_3013 : i32 to index
      %get3A_3015 = arith.constant 112 : index
      %get3A_3016 = tpu.vector_load %arg5[%get3A_3014, %get3A_3015] {strides = array<i32>} : memref<32x148xf32, #tpu.memory_space<vmem>>, vector<1x16xf32>,
      %get3A_3017 = vector.shape_cast %get3A_3016 : vector<1x16xf32> to vector<16xf32>
      %eq3A_3018 = arith.constant 0.000000e+00 : f32
      %eq3A_3019 = vector.broadcast %eq3A_3018 : f32 to vector<16xf32>
      %eq3A_3020 = arith.cmpf oeq, %get3A_3017, %eq3A_3019 : vector<16xf32>
      %jit3A_3021 = arith.constant 1.000000e+02 : f32
      %broadcast_in_dim3A_3022 = vector.broadcast %jit3A_3021 : f32 to vector<16xf32>
      %select_n3A_3023 = arith.select %eq3A_3020, %broadcast_in_dim3A_3022, %get3A_3017 : vector<16xi1>, vector<16xf32>
      %min3A_3024 = arith.minimumf %min3A_3011, %select_n3A_3023 : vector<16xf32>
      %max3A_3025 = arith.maximumf %max3A_3012, %get3A_3017 : vector<16xf32>
      %get3A_3026 = arith.constant 4 : i32
      %get3A_3027 = arith.index_cast %get3A_3026 : i32 to index
      %get3A_3028 = arith.constant 112 : index
      %get3A_3029 = tpu.vector_load %arg5[%get3A_3027, %get3A_3028] {strides = array<i32>} : memref<32x148xf32, #tpu.memory_space<vmem>>, vector<1x16xf32>,
      %get3A_3030 = vector.shape_cast %get3A_3029 : vector<1x16xf32> to vector<16xf32>
      %eq3A_3031 = arith.constant 0.000000e+00 : f32
      %eq3A_3032 = vector.broadcast %eq3A_3031 : f32 to vector<16xf32>
      %eq3A_3033 = arith.cmpf oeq, %get3A_3030, %eq3A_3032 : vector<16xf32>
      %jit3A_3034 = arith.constant 1.000000e+02 : f32
      %broadcast_in_dim3A_3035 = vector.broadcast %jit3A_3034 : f32 to vector<16xf32>
      %select_n3A_3036 = arith.select %eq3A_3033, %broadcast_in_dim3A_3035, %get3A_3030 : vector<16xi1>, vector<16xf32>
      %min3A_3037 = arith.minimumf %min3A_3024, %select_n3A_3036 : vector<16xf32>
      %max3A_3038 = arith.maximumf %max3A_3025, %get3A_3030 : vector<16xf32>
      %get3A_3039 = arith.constant 5 : i32
      %get3A_3040 = arith.index_cast %get3A_3039 : i32 to index
      %get3A_3041 = arith.constant 112 : index
      %get3A_3042 = tpu.vector_load %arg5[%get3A_3040, %get3A_3041] {strides = array<i32>} : memref<32x148xf32, #tpu.memory_space<vmem>>, vector<1x16xf32>,
      %get3A_3043 = vector.shape_cast %get3A_3042 : vector<1x16xf32> to vector<16xf32>
      %eq3A_3044 = arith.constant 0.000000e+00 : f32
      %eq3A_3045 = vector.broadcast %eq3A_3044 : f32 to vector<16xf32>
      %eq3A_3046 = arith.cmpf oeq, %get3A_3043, %eq3A_3045 : vector<16xf32>
      %jit3A_3047 = arith.constant 1.000000e+02 : f32
      %broadcast_in_dim3A_3048 = vector.broadcast %jit3A_3047 : f32 to vector<16xf32>
      %select_n3A_3049 = arith.select %eq3A_3046, %broadcast_in_dim3A_3048, %get3A_3043 : vector<16xi1>, vector<16xf32>
      %min3A_3050 = arith.minimumf %min3A_3037, %select_n3A_3049 : vector<16xf32>
      %max3A_3051 = arith.maximumf %max3A_3038, %get3A_3043 : vector<16xf32>
      %get3A_3052 = arith.constant 6 : i32
      %get3A_3053 = arith.index_cast %get3A_3052 : i32 to index
      %get3A_3054 = arith.constant 112 : index
      %get3A_3055 = tpu.vector_load %arg5[%get3A_3053, %get3A_3054] {strides = array<i32>} : memref<32x148xf32, #tpu.memory_space<vmem>>, vector<1x16xf32>,
      %get3A_3056 = vector.shape_cast %get3A_3055 : vector<1x16xf32> to vector<16xf32>
      %eq3A_3057 = arith.constant 0.000000e+00 : f32
      %eq3A_3058 = vector.broadcast %eq3A_3057 : f32 to vector<16xf32>
      %eq3A_3059 = arith.cmpf oeq, %get3A_3056, %eq3A_3058 : vector<16xf32>
      %jit3A_3060 = arith.constant 1.000000e+02 : f32
      %broadcast_in_dim3A_3061 = vector.broadcast %jit3A_3060 : f32 to vector<16xf32>
      %select_n3A_3062 = arith.select %eq3A_3059, %broadcast_in_dim3A_3061, %get3A_3056 : vector<16xi1>, vector<16xf32>
      %min3A_3063 = arith.minimumf %min3A_3050, %select_n3A_3062 : vector<16xf32>
      %max3A_3064 = arith.maximumf %max3A_3051, %get3A_3056 : vector<16xf32>
      %get3A_3065 = arith.constant 7 : i32
      %get3A_3066 = arith.index_cast %get3A_3065 : i32 to index
      %get3A_3067 = arith.constant 112 : index
      %get3A_3068 = tpu.vector_load %arg5[%get3A_3066, %get3A_3067] {strides = array<i32>} : memref<32x148xf32, #tpu.memory_space<vmem>>, vector<1x16xf32>,
      %get3A_3069 = vector.shape_cast %get3A_3068 : vector<1x16xf32> to vector<16xf32>
      %eq3A_3070 = arith.constant 0.000000e+00 : f32
      %eq3A_3071 = vector.broadcast %eq3A_3070 : f32 to vector<16xf32>
      %eq3A_3072 = arith.cmpf oeq, %get3A_3069, %eq3A_3071 : vector<16xf32>
      %jit3A_3073 = arith.constant 1.000000e+02 : f32
      %broadcast_in_dim3A_3074 = vector.broadcast %jit3A_3073 : f32 to vector<16xf32>
      %select_n3A_3075 = arith.select %eq3A_3072, %broadcast_in_dim3A_3074, %get3A_3069 : vector<16xi1>, vector<16xf32>
      %min3A_3076 = arith.minimumf %min3A_3063, %select_n3A_3075 : vector<16xf32>
      %max3A_3077 = arith.maximumf %max3A_3064, %get3A_3069 : vector<16xf32>
      %get3A_3078 = arith.constant 8 : i32
      %get3A_3079 = arith.index_cast %get3A_3078 : i32 to index
      %get3A_3080 = arith.constant 112 : index
      %get3A_3081 = tpu.vector_load %arg5[%get3A_3079, %get3A_3080] {strides = array<i32>} : memref<32x148xf32, #tpu.memory_space<vmem>>, vector<1x16xf32>,
      %get3A_3082 = vector.shape_cast %get3A_3081 : vector<1x16xf32> to vector<16xf32>
      %eq3A_3083 = arith.constant 0.000000e+00 : f32
      %eq3A_3084 = vector.broadcast %eq3A_3083 : f32 to vector<16xf32>
      %eq3A_3085 = arith.cmpf oeq, %get3A_3082, %eq3A_3084 : vector<16xf32>
      %jit3A_3086 = arith.constant 1.000000e+02 : f32
      %broadcast_in_dim3A_3087 = vector.broadcast %jit3A_3086 : f32 to vector<16xf32>
      %select_n3A_3088 = arith.select %eq3A_3085, %broadcast_in_dim3A_3087, %get3A_3082 : vector<16xi1>, vector<16xf32>
      %min3A_3089 = arith.minimumf %min3A_3076, %select_n3A_3088 : vector<16xf32>
      %max3A_3090 = arith.maximumf %max3A_3077, %get3A_3082 : vector<16xf32>
      %get3A_3091 = arith.constant 9 : i32
      %get3A_3092 = arith.index_cast %get3A_3091 : i32 to index
      %get3A_3093 = arith.constant 112 : index
      %get3A_3094 = tpu.vector_load %arg5[%get3A_3092, %get3A_3093] {strides = array<i32>} : memref<32x148xf32, #tpu.memory_space<vmem>>, vector<1x16xf32>,
      %get3A_3095 = vector.shape_cast %get3A_3094 : vector<1x16xf32> to vector<16xf32>
      %eq3A_3096 = arith.constant 0.000000e+00 : f32
      %eq3A_3097 = vector.broadcast %eq3A_3096 : f32 to vector<16xf32>
      %eq3A_3098 = arith.cmpf oeq, %get3A_3095, %eq3A_3097 : vector<16xf32>
      %jit3A_3099 = arith.constant 1.000000e+02 : f32
      %broadcast_in_dim3A_3100 = vector.broadcast %jit3A_3099 : f32 to vector<16xf32>
      %select_n3A_3101 = arith.select %eq3A_3098, %broadcast_in_dim3A_3100, %get3A_3095 : vector<16xi1>, vector<16xf32>
      %min3A_3102 = arith.minimumf %min3A_3089, %select_n3A_3101 : vector<16xf32>
      %max3A_3103 = arith.maximumf %max3A_3090, %get3A_3095 : vector<16xf32>
      %get3A_3104 = arith.constant 10 : i32
      %get3A_3105 = arith.index_cast %get3A_3104 : i32 to index
      %get3A_3106 = arith.constant 112 : index
      %get3A_3107 = tpu.vector_load %arg5[%get3A_3105, %get3A_3106] {strides = array<i32>} : memref<32x148xf32, #tpu.memory_space<vmem>>, vector<1x16xf32>,
      %get3A_3108 = vector.shape_cast %get3A_3107 : vector<1x16xf32> to vector<16xf32>
      %eq3A_3109 = arith.constant 0.000000e+00 : f32
      %eq3A_3110 = vector.broadcast %eq3A_3109 : f32 to vector<16xf32>
      %eq3A_3111 = arith.cmpf oeq, %get3A_3108, %eq3A_3110 : vector<16xf32>
      %jit3A_3112 = arith.constant 1.000000e+02 : f32
      %broadcast_in_dim3A_3113 = vector.broadcast %jit3A_3112 : f32 to vector<16xf32>
      %select_n3A_3114 = arith.select %eq3A_3111, %broadcast_in_dim3A_3113, %get3A_3108 : vector<16xi1>, vector<16xf32>
      %min3A_3115 = arith.minimumf %min3A_3102, %select_n3A_3114 : vector<16xf32>
      %max3A_3116 = arith.maximumf %max3A_3103, %get3A_3108 : vector<16xf32>
      %get3A_3117 = arith.constant 11 : i32
      %get3A_3118 = arith.index_cast %get3A_3117 : i32 to index
      %get3A_3119 = arith.constant 112 : index
      %get3A_3120 = tpu.vector_load %arg5[%get3A_3118, %get3A_3119] {strides = array<i32>} : memref<32x148xf32, #tpu.memory_space<vmem>>, vector<1x16xf32>,
      %get3A_3121 = vector.shape_cast %get3A_3120 : vector<1x16xf32> to vector<16xf32>
      %eq3A_3122 = arith.constant 0.000000e+00 : f32
      %eq3A_3123 = vector.broadcast %eq3A_3122 : f32 to vector<16xf32>
      %eq3A_3124 = arith.cmpf oeq, %get3A_3121, %eq3A_3123 : vector<16xf32>
      %jit3A_3125 = arith.constant 1.000000e+02 : f32
      %broadcast_in_dim3A_3126 = vector.broadcast %jit3A_3125 : f32 to vector<16xf32>
      %select_n3A_3127 = arith.select %eq3A_3124, %broadcast_in_dim3A_3126, %get3A_3121 : vector<16xi1>, vector<16xf32>
      %min3A_3128 = arith.minimumf %min3A_3115, %select_n3A_3127 : vector<16xf32>
      %max3A_3129 = arith.maximumf %max3A_3116, %get3A_3121 : vector<16xf32>
      %get3A_3130 = arith.constant 12 : i32
      %get3A_3131 = arith.index_cast %get3A_3130 : i32 to index
      %get3A_3132 = arith.constant 112 : index
      %get3A_3133 = tpu.vector_load %arg5[%get3A_3131, %get3A_3132] {strides = array<i32>} : memref<32x148xf32, #tpu.memory_space<vmem>>, vector<1x16xf32>,
      %get3A_3134 = vector.shape_cast %get3A_3133 : vector<1x16xf32> to vector<16xf32>
      %eq3A_3135 = arith.constant 0.000000e+00 : f32
      %eq3A_3136 = vector.broadcast %eq3A_3135 : f32 to vector<16xf32>
      %eq3A_3137 = arith.cmpf oeq, %get3A_3134, %eq3A_3136 : vector<16xf32>
      %jit3A_3138 = arith.constant 1.000000e+02 : f32
      %broadcast_in_dim3A_3139 = vector.broadcast %jit3A_3138 : f32 to vector<16xf32>
      %select_n3A_3140 = arith.select %eq3A_3137, %broadcast_in_dim3A_3139, %get3A_3134 : vector<16xi1>, vector<16xf32>
      %min3A_3141 = arith.minimumf %min3A_3128, %select_n3A_3140 : vector<16xf32>
      %max3A_3142 = arith.maximumf %max3A_3129, %get3A_3134 : vector<16xf32>
      %get3A_3143 = arith.constant 13 : i32
      %get3A_3144 = arith.index_cast %get3A_3143 : i32 to index
      %get3A_3145 = arith.constant 112 : index
      %get3A_3146 = tpu.vector_load %arg5[%get3A_3144, %get3A_3145] {strides = array<i32>} : memref<32x148xf32, #tpu.memory_space<vmem>>, vector<1x16xf32>,
      %get3A_3147 = vector.shape_cast %get3A_3146 : vector<1x16xf32> to vector<16xf32>
      %eq3A_3148 = arith.constant 0.000000e+00 : f32
      %eq3A_3149 = vector.broadcast %eq3A_3148 : f32 to vector<16xf32>
      %eq3A_3150 = arith.cmpf oeq, %get3A_3147, %eq3A_3149 : vector<16xf32>
      %jit3A_3151 = arith.constant 1.000000e+02 : f32
      %broadcast_in_dim3A_3152 = vector.broadcast %jit3A_3151 : f32 to vector<16xf32>
      %select_n3A_3153 = arith.select %eq3A_3150, %broadcast_in_dim3A_3152, %get3A_3147 : vector<16xi1>, vector<16xf32>
      %min3A_3154 = arith.minimumf %min3A_3141, %select_n3A_3153 : vector<16xf32>
      %max3A_3155 = arith.maximumf %max3A_3142, %get3A_3147 : vector<16xf32>
      %get3A_3156 = arith.constant 14 : i32
      %get3A_3157 = arith.index_cast %get3A_3156 : i32 to index
      %get3A_3158 = arith.constant 112 : index
      %get3A_3159 = tpu.vector_load %arg5[%get3A_3157, %get3A_3158] {strides = array<i32>} : memref<32x148xf32, #tpu.memory_space<vmem>>, vector<1x16xf32>,
      %get3A_3160 = vector.shape_cast %get3A_3159 : vector<1x16xf32> to vector<16xf32>
      %eq3A_3161 = arith.constant 0.000000e+00 : f32
      %eq3A_3162 = vector.broadcast %eq3A_3161 : f32 to vector<16xf32>
      %eq3A_3163 = arith.cmpf oeq, %get3A_3160, %eq3A_3162 : vector<16xf32>
      %jit3A_3164 = arith.constant 1.000000e+02 : f32
      %broadcast_in_dim3A_3165 = vector.broadcast %jit3A_3164 : f32 to vector<16xf32>
      %select_n3A_3166 = arith.select %eq3A_3163, %broadcast_in_dim3A_3165, %get3A_3160 : vector<16xi1>, vector<16xf32>
      %min3A_3167 = arith.minimumf %min3A_3154, %select_n3A_3166 : vector<16xf32>
      %max3A_3168 = arith.maximumf %max3A_3155, %get3A_3160 : vector<16xf32>
      %get3A_3169 = arith.constant 15 : i32
      %get3A_3170 = arith.index_cast %get3A_3169 : i32 to index
      %get3A_3171 = arith.constant 112 : index
      %get3A_3172 = tpu.vector_load %arg5[%get3A_3170, %get3A_3171] {strides = array<i32>} : memref<32x148xf32, #tpu.memory_space<vmem>>, vector<1x16xf32>,
      %get3A_3173 = vector.shape_cast %get3A_3172 : vector<1x16xf32> to vector<16xf32>
      %eq3A_3174 = arith.constant 0.000000e+00 : f32
      %eq3A_3175 = vector.broadcast %eq3A_3174 : f32 to vector<16xf32>
      %eq3A_3176 = arith.cmpf oeq, %get3A_3173, %eq3A_3175 : vector<16xf32>
      %jit3A_3177 = arith.constant 1.000000e+02 : f32
      %broadcast_in_dim3A_3178 = vector.broadcast %jit3A_3177 : f32 to vector<16xf32>
      %select_n3A_3179 = arith.select %eq3A_3176, %broadcast_in_dim3A_3178, %get3A_3173 : vector<16xi1>, vector<16xf32>
      %min3A_3180 = arith.minimumf %min3A_3167, %select_n3A_3179 : vector<16xf32>
      %max3A_3181 = arith.maximumf %max3A_3168, %get3A_3173 : vector<16xf32>
      %get3A_3182 = arith.constant 16 : i32
      %get3A_3183 = arith.index_cast %get3A_3182 : i32 to index
      %get3A_3184 = arith.constant 112 : index
      %get3A_3185 = tpu.vector_load %arg5[%get3A_3183, %get3A_3184] {strides = array<i32>} : memref<32x148xf32, #tpu.memory_space<vmem>>, vector<1x16xf32>,
      %get3A_3186 = vector.shape_cast %get3A_3185 : vector<1x16xf32> to vector<16xf32>
      %eq3A_3187 = arith.constant 0.000000e+00 : f32
      %eq3A_3188 = vector.broadcast %eq3A_3187 : f32 to vector<16xf32>
      %eq3A_3189 = arith.cmpf oeq, %get3A_3186, %eq3A_3188 : vector<16xf32>
      %jit3A_3190 = arith.constant 1.000000e+02 : f32
      %broadcast_in_dim3A_3191 = vector.broadcast %jit3A_3190 : f32 to vector<16xf32>
      %select_n3A_3192 = arith.select %eq3A_3189, %broadcast_in_dim3A_3191, %get3A_3186 : vector<16xi1>, vector<16xf32>
      %min3A_3193 = arith.minimumf %min3A_3180, %select_n3A_3192 : vector<16xf32>
      %max3A_3194 = arith.maximumf %max3A_3181, %get3A_3186 : vector<16xf32>
      %get3A_3195 = arith.constant 17 : i32
      %get3A_3196 = arith.index_cast %get3A_3195 : i32 to index
      %get3A_3197 = arith.constant 112 : index
      %get3A_3198 = tpu.vector_load %arg5[%get3A_3196, %get3A_3197] {strides = array<i32>} : memref<32x148xf32, #tpu.memory_space<vmem>>, vector<1x16xf32>,
      %get3A_3199 = vector.shape_cast %get3A_3198 : vector<1x16xf32> to vector<16xf32>
      %eq3A_3200 = arith.constant 0.000000e+00 : f32
      %eq3A_3201 = vector.broadcast %eq3A_3200 : f32 to vector<16xf32>
      %eq3A_3202 = arith.cmpf oeq, %get3A_3199, %eq3A_3201 : vector<16xf32>
      %jit3A_3203 = arith.constant 1.000000e+02 : f32
      %broadcast_in_dim3A_3204 = vector.broadcast %jit3A_3203 : f32 to vector<16xf32>
      %select_n3A_3205 = arith.select %eq3A_3202, %broadcast_in_dim3A_3204, %get3A_3199 : vector<16xi1>, vector<16xf32>
      %min3A_3206 = arith.minimumf %min3A_3193, %select_n3A_3205 : vector<16xf32>
      %max3A_3207 = arith.maximumf %max3A_3194, %get3A_3199 : vector<16xf32>
      %get3A_3208 = arith.constant 18 : i32
      %get3A_3209 = arith.index_cast %get3A_3208 : i32 to index
      %get3A_3210 = arith.constant 112 : index
      %get3A_3211 = tpu.vector_load %arg5[%get3A_3209, %get3A_3210] {strides = array<i32>} : memref<32x148xf32, #tpu.memory_space<vmem>>, vector<1x16xf32>,
      %get3A_3212 = vector.shape_cast %get3A_3211 : vector<1x16xf32> to vector<16xf32>
      %eq3A_3213 = arith.constant 0.000000e+00 : f32
      %eq3A_3214 = vector.broadcast %eq3A_3213 : f32 to vector<16xf32>
      %eq3A_3215 = arith.cmpf oeq, %get3A_3212, %eq3A_3214 : vector<16xf32>
      %jit3A_3216 = arith.constant 1.000000e+02 : f32
      %broadcast_in_dim3A_3217 = vector.broadcast %jit3A_3216 : f32 to vector<16xf32>
      %select_n3A_3218 = arith.select %eq3A_3215, %broadcast_in_dim3A_3217, %get3A_3212 : vector<16xi1>, vector<16xf32>
      %min3A_3219 = arith.minimumf %min3A_3206, %select_n3A_3218 : vector<16xf32>
      %max3A_3220 = arith.maximumf %max3A_3207, %get3A_3212 : vector<16xf32>
      %get3A_3221 = arith.constant 19 : i32
      %get3A_3222 = arith.index_cast %get3A_3221 : i32 to index
      %get3A_3223 = arith.constant 112 : index
      %get3A_3224 = tpu.vector_load %arg5[%get3A_3222, %get3A_3223] {strides = array<i32>} : memref<32x148xf32, #tpu.memory_space<vmem>>, vector<1x16xf32>,
      %get3A_3225 = vector.shape_cast %get3A_3224 : vector<1x16xf32> to vector<16xf32>
      %eq3A_3226 = arith.constant 0.000000e+00 : f32
      %eq3A_3227 = vector.broadcast %eq3A_3226 : f32 to vector<16xf32>
      %eq3A_3228 = arith.cmpf oeq, %get3A_3225, %eq3A_3227 : vector<16xf32>
      %jit3A_3229 = arith.constant 1.000000e+02 : f32
      %broadcast_in_dim3A_3230 = vector.broadcast %jit3A_3229 : f32 to vector<16xf32>
      %select_n3A_3231 = arith.select %eq3A_3228, %broadcast_in_dim3A_3230, %get3A_3225 : vector<16xi1>, vector<16xf32>
      %min3A_3232 = arith.minimumf %min3A_3219, %select_n3A_3231 : vector<16xf32>
      %max3A_3233 = arith.maximumf %max3A_3220, %get3A_3225 : vector<16xf32>
      %get3A_3234 = arith.constant 20 : i32
      %get3A_3235 = arith.index_cast %get3A_3234 : i32 to index
      %get3A_3236 = arith.constant 112 : index
      %get3A_3237 = tpu.vector_load %arg5[%get3A_3235, %get3A_3236] {strides = array<i32>} : memref<32x148xf32, #tpu.memory_space<vmem>>, vector<1x16xf32>,
      %get3A_3238 = vector.shape_cast %get3A_3237 : vector<1x16xf32> to vector<16xf32>
      %eq3A_3239 = arith.constant 0.000000e+00 : f32
      %eq3A_3240 = vector.broadcast %eq3A_3239 : f32 to vector<16xf32>
      %eq3A_3241 = arith.cmpf oeq, %get3A_3238, %eq3A_3240 : vector<16xf32>
      %jit3A_3242 = arith.constant 1.000000e+02 : f32
      %broadcast_in_dim3A_3243 = vector.broadcast %jit3A_3242 : f32 to vector<16xf32>
      %select_n3A_3244 = arith.select %eq3A_3241, %broadcast_in_dim3A_3243, %get3A_3238 : vector<16xi1>, vector<16xf32>
      %min3A_3245 = arith.minimumf %min3A_3232, %select_n3A_3244 : vector<16xf32>
      %max3A_3246 = arith.maximumf %max3A_3233, %get3A_3238 : vector<16xf32>
      %get3A_3247 = arith.constant 21 : i32
      %get3A_3248 = arith.index_cast %get3A_3247 : i32 to index
      %get3A_3249 = arith.constant 112 : index
      %get3A_3250 = tpu.vector_load %arg5[%get3A_3248, %get3A_3249] {strides = array<i32>} : memref<32x148xf32, #tpu.memory_space<vmem>>, vector<1x16xf32>,
      %get3A_3251 = vector.shape_cast %get3A_3250 : vector<1x16xf32> to vector<16xf32>
      %eq3A_3252 = arith.constant 0.000000e+00 : f32
      %eq3A_3253 = vector.broadcast %eq3A_3252 : f32 to vector<16xf32>
      %eq3A_3254 = arith.cmpf oeq, %get3A_3251, %eq3A_3253 : vector<16xf32>
      %jit3A_3255 = arith.constant 1.000000e+02 : f32
      %broadcast_in_dim3A_3256 = vector.broadcast %jit3A_3255 : f32 to vector<16xf32>
      %select_n3A_3257 = arith.select %eq3A_3254, %broadcast_in_dim3A_3256, %get3A_3251 : vector<16xi1>, vector<16xf32>
      %min3A_3258 = arith.minimumf %min3A_3245, %select_n3A_3257 : vector<16xf32>
      %max3A_3259 = arith.maximumf %max3A_3246, %get3A_3251 : vector<16xf32>
      %get3A_3260 = arith.constant 22 : i32
      %get3A_3261 = arith.index_cast %get3A_3260 : i32 to index
      %get3A_3262 = arith.constant 112 : index
      %get3A_3263 = tpu.vector_load %arg5[%get3A_3261, %get3A_3262] {strides = array<i32>} : memref<32x148xf32, #tpu.memory_space<vmem>>, vector<1x16xf32>,
      %get3A_3264 = vector.shape_cast %get3A_3263 : vector<1x16xf32> to vector<16xf32>
      %eq3A_3265 = arith.constant 0.000000e+00 : f32
      %eq3A_3266 = vector.broadcast %eq3A_3265 : f32 to vector<16xf32>
      %eq3A_3267 = arith.cmpf oeq, %get3A_3264, %eq3A_3266 : vector<16xf32>
      %jit3A_3268 = arith.constant 1.000000e+02 : f32
      %broadcast_in_dim3A_3269 = vector.broadcast %jit3A_3268 : f32 to vector<16xf32>
      %select_n3A_3270 = arith.select %eq3A_3267, %broadcast_in_dim3A_3269, %get3A_3264 : vector<16xi1>, vector<16xf32>
      %min3A_3271 = arith.minimumf %min3A_3258, %select_n3A_3270 : vector<16xf32>
      %max3A_3272 = arith.maximumf %max3A_3259, %get3A_3264 : vector<16xf32>
      %get3A_3273 = arith.constant 23 : i32
      %get3A_3274 = arith.index_cast %get3A_3273 : i32 to index
      %get3A_3275 = arith.constant 112 : index
      %get3A_3276 = tpu.vector_load %arg5[%get3A_3274, %get3A_3275] {strides = array<i32>} : memref<32x148xf32, #tpu.memory_space<vmem>>, vector<1x16xf32>,
      %get3A_3277 = vector.shape_cast %get3A_3276 : vector<1x16xf32> to vector<16xf32>
      %eq3A_3278 = arith.constant 0.000000e+00 : f32
      %eq3A_3279 = vector.broadcast %eq3A_3278 : f32 to vector<16xf32>
      %eq3A_3280 = arith.cmpf oeq, %get3A_3277, %eq3A_3279 : vector<16xf32>
      %jit3A_3281 = arith.constant 1.000000e+02 : f32
      %broadcast_in_dim3A_3282 = vector.broadcast %jit3A_3281 : f32 to vector<16xf32>
      %select_n3A_3283 = arith.select %eq3A_3280, %broadcast_in_dim3A_3282, %get3A_3277 : vector<16xi1>, vector<16xf32>
      %min3A_3284 = arith.minimumf %min3A_3271, %select_n3A_3283 : vector<16xf32>
      %max3A_3285 = arith.maximumf %max3A_3272, %get3A_3277 : vector<16xf32>
      %get3A_3286 = arith.constant 24 : i32
      %get3A_3287 = arith.index_cast %get3A_3286 : i32 to index
      %get3A_3288 = arith.constant 112 : index
      %get3A_3289 = tpu.vector_load %arg5[%get3A_3287, %get3A_3288] {strides = array<i32>} : memref<32x148xf32, #tpu.memory_space<vmem>>, vector<1x16xf32>,
      %get3A_3290 = vector.shape_cast %get3A_3289 : vector<1x16xf32> to vector<16xf32>
      %eq3A_3291 = arith.constant 0.000000e+00 : f32
      %eq3A_3292 = vector.broadcast %eq3A_3291 : f32 to vector<16xf32>
      %eq3A_3293 = arith.cmpf oeq, %get3A_3290, %eq3A_3292 : vector<16xf32>
      %jit3A_3294 = arith.constant 1.000000e+02 : f32
      %broadcast_in_dim3A_3295 = vector.broadcast %jit3A_3294 : f32 to vector<16xf32>
      %select_n3A_3296 = arith.select %eq3A_3293, %broadcast_in_dim3A_3295, %get3A_3290 : vector<16xi1>, vector<16xf32>
      %min3A_3297 = arith.minimumf %min3A_3284, %select_n3A_3296 : vector<16xf32>
      %max3A_3298 = arith.maximumf %max3A_3285, %get3A_3290 : vector<16xf32>
      %get3A_3299 = arith.constant 25 : i32
      %get3A_3300 = arith.index_cast %get3A_3299 : i32 to index
      %get3A_3301 = arith.constant 112 : index
      %get3A_3302 = tpu.vector_load %arg5[%get3A_3300, %get3A_3301] {strides = array<i32>} : memref<32x148xf32, #tpu.memory_space<vmem>>, vector<1x16xf32>,
      %get3A_3303 = vector.shape_cast %get3A_3302 : vector<1x16xf32> to vector<16xf32>
      %eq3A_3304 = arith.constant 0.000000e+00 : f32
      %eq3A_3305 = vector.broadcast %eq3A_3304 : f32 to vector<16xf32>
      %eq3A_3306 = arith.cmpf oeq, %get3A_3303, %eq3A_3305 : vector<16xf32>
      %jit3A_3307 = arith.constant 1.000000e+02 : f32
      %broadcast_in_dim3A_3308 = vector.broadcast %jit3A_3307 : f32 to vector<16xf32>
      %select_n3A_3309 = arith.select %eq3A_3306, %broadcast_in_dim3A_3308, %get3A_3303 : vector<16xi1>, vector<16xf32>
      %min3A_3310 = arith.minimumf %min3A_3297, %select_n3A_3309 : vector<16xf32>
      %max3A_3311 = arith.maximumf %max3A_3298, %get3A_3303 : vector<16xf32>
      %get3A_3312 = arith.constant 26 : i32
      %get3A_3313 = arith.index_cast %get3A_3312 : i32 to index
      %get3A_3314 = arith.constant 112 : index
      %get3A_3315 = tpu.vector_load %arg5[%get3A_3313, %get3A_3314] {strides = array<i32>} : memref<32x148xf32, #tpu.memory_space<vmem>>, vector<1x16xf32>,
      %get3A_3316 = vector.shape_cast %get3A_3315 : vector<1x16xf32> to vector<16xf32>
      %eq3A_3317 = arith.constant 0.000000e+00 : f32
      %eq3A_3318 = vector.broadcast %eq3A_3317 : f32 to vector<16xf32>
      %eq3A_3319 = arith.cmpf oeq, %get3A_3316, %eq3A_3318 : vector<16xf32>
      %jit3A_3320 = arith.constant 1.000000e+02 : f32
      %broadcast_in_dim3A_3321 = vector.broadcast %jit3A_3320 : f32 to vector<16xf32>
      %select_n3A_3322 = arith.select %eq3A_3319, %broadcast_in_dim3A_3321, %get3A_3316 : vector<16xi1>, vector<16xf32>
      %min3A_3323 = arith.minimumf %min3A_3310, %select_n3A_3322 : vector<16xf32>
      %max3A_3324 = arith.maximumf %max3A_3311, %get3A_3316 : vector<16xf32>
      %get3A_3325 = arith.constant 27 : i32
      %get3A_3326 = arith.index_cast %get3A_3325 : i32 to index
      %get3A_3327 = arith.constant 112 : index
      %get3A_3328 = tpu.vector_load %arg5[%get3A_3326, %get3A_3327] {strides = array<i32>} : memref<32x148xf32, #tpu.memory_space<vmem>>, vector<1x16xf32>,
      %get3A_3329 = vector.shape_cast %get3A_3328 : vector<1x16xf32> to vector<16xf32>
      %eq3A_3330 = arith.constant 0.000000e+00 : f32
      %eq3A_3331 = vector.broadcast %eq3A_3330 : f32 to vector<16xf32>
      %eq3A_3332 = arith.cmpf oeq, %get3A_3329, %eq3A_3331 : vector<16xf32>
      %jit3A_3333 = arith.constant 1.000000e+02 : f32
      %broadcast_in_dim3A_3334 = vector.broadcast %jit3A_3333 : f32 to vector<16xf32>
      %select_n3A_3335 = arith.select %eq3A_3332, %broadcast_in_dim3A_3334, %get3A_3329 : vector<16xi1>, vector<16xf32>
      %min3A_3336 = arith.minimumf %min3A_3323, %select_n3A_3335 : vector<16xf32>
      %max3A_3337 = arith.maximumf %max3A_3324, %get3A_3329 : vector<16xf32>
      %get3A_3338 = arith.constant 28 : i32
      %get3A_3339 = arith.index_cast %get3A_3338 : i32 to index
      %get3A_3340 = arith.constant 112 : index
      %get3A_3341 = tpu.vector_load %arg5[%get3A_3339, %get3A_3340] {strides = array<i32>} : memref<32x148xf32, #tpu.memory_space<vmem>>, vector<1x16xf32>,
      %get3A_3342 = vector.shape_cast %get3A_3341 : vector<1x16xf32> to vector<16xf32>
      %eq3A_3343 = arith.constant 0.000000e+00 : f32
      %eq3A_3344 = vector.broadcast %eq3A_3343 : f32 to vector<16xf32>
      %eq3A_3345 = arith.cmpf oeq, %get3A_3342, %eq3A_3344 : vector<16xf32>
      %jit3A_3346 = arith.constant 1.000000e+02 : f32
      %broadcast_in_dim3A_3347 = vector.broadcast %jit3A_3346 : f32 to vector<16xf32>
      %select_n3A_3348 = arith.select %eq3A_3345, %broadcast_in_dim3A_3347, %get3A_3342 : vector<16xi1>, vector<16xf32>
      %min3A_3349 = arith.minimumf %min3A_3336, %select_n3A_3348 : vector<16xf32>
      %max3A_3350 = arith.maximumf %max3A_3337, %get3A_3342 : vector<16xf32>
      %get3A_3351 = arith.constant 29 : i32
      %get3A_3352 = arith.index_cast %get3A_3351 : i32 to index
      %get3A_3353 = arith.constant 112 : index
      %get3A_3354 = tpu.vector_load %arg5[%get3A_3352, %get3A_3353] {strides = array<i32>} : memref<32x148xf32, #tpu.memory_space<vmem>>, vector<1x16xf32>,
      %get3A_3355 = vector.shape_cast %get3A_3354 : vector<1x16xf32> to vector<16xf32>
      %eq3A_3356 = arith.constant 0.000000e+00 : f32
      %eq3A_3357 = vector.broadcast %eq3A_3356 : f32 to vector<16xf32>
      %eq3A_3358 = arith.cmpf oeq, %get3A_3355, %eq3A_3357 : vector<16xf32>
      %jit3A_3359 = arith.constant 1.000000e+02 : f32
      %broadcast_in_dim3A_3360 = vector.broadcast %jit3A_3359 : f32 to vector<16xf32>
      %select_n3A_3361 = arith.select %eq3A_3358, %broadcast_in_dim3A_3360, %get3A_3355 : vector<16xi1>, vector<16xf32>
      %min3A_3362 = arith.minimumf %min3A_3349, %select_n3A_3361 : vector<16xf32>
      %max3A_3363 = arith.maximumf %max3A_3350, %get3A_3355 : vector<16xf32>
      %get3A_3364 = arith.constant 30 : i32
      %get3A_3365 = arith.index_cast %get3A_3364 : i32 to index
      %get3A_3366 = arith.constant 112 : index
      %get3A_3367 = tpu.vector_load %arg5[%get3A_3365, %get3A_3366] {strides = array<i32>} : memref<32x148xf32, #tpu.memory_space<vmem>>, vector<1x16xf32>,
      %get3A_3368 = vector.shape_cast %get3A_3367 : vector<1x16xf32> to vector<16xf32>
      %eq3A_3369 = arith.constant 0.000000e+00 : f32
      %eq3A_3370 = vector.broadcast %eq3A_3369 : f32 to vector<16xf32>
      %eq3A_3371 = arith.cmpf oeq, %get3A_3368, %eq3A_3370 : vector<16xf32>
      %jit3A_3372 = arith.constant 1.000000e+02 : f32
      %broadcast_in_dim3A_3373 = vector.broadcast %jit3A_3372 : f32 to vector<16xf32>
      %select_n3A_3374 = arith.select %eq3A_3371, %broadcast_in_dim3A_3373, %get3A_3368 : vector<16xi1>, vector<16xf32>
      %min3A_3375 = arith.minimumf %min3A_3362, %select_n3A_3374 : vector<16xf32>
      %max3A_3376 = arith.maximumf %max3A_3363, %get3A_3368 : vector<16xf32>
      %get3A_3377 = arith.constant 31 : i32
      %get3A_3378 = arith.index_cast %get3A_3377 : i32 to index
      %get3A_3379 = arith.constant 112 : index
      %get3A_3380 = tpu.vector_load %arg5[%get3A_3378, %get3A_3379] {strides = array<i32>} : memref<32x148xf32, #tpu.memory_space<vmem>>, vector<1x16xf32>,
      %get3A_3381 = vector.shape_cast %get3A_3380 : vector<1x16xf32> to vector<16xf32>
      %eq3A_3382 = arith.constant 0.000000e+00 : f32
      %eq3A_3383 = vector.broadcast %eq3A_3382 : f32 to vector<16xf32>
      %eq3A_3384 = arith.cmpf oeq, %get3A_3381, %eq3A_3383 : vector<16xf32>
      %jit3A_3385 = arith.constant 1.000000e+02 : f32
      %broadcast_in_dim3A_3386 = vector.broadcast %jit3A_3385 : f32 to vector<16xf32>
      %select_n3A_3387 = arith.select %eq3A_3384, %broadcast_in_dim3A_3386, %get3A_3381 : vector<16xi1>, vector<16xf32>
      %min3A_3388 = arith.minimumf %min3A_3375, %select_n3A_3387 : vector<16xf32>
      %max3A_3389 = arith.maximumf %max3A_3376, %get3A_3381 : vector<16xf32>
      %swap3A_3390 = arith.constant 112 : index
      %swap3A_3391 = tpu.vector_load %arg6[%swap3A_3390] {strides = array<i32>} : memref<148xf32, #tpu.memory_space<vmem>>, vector<16xf32>,
      %swap3A_3392 = vector.shape_cast %swap3A_3391 : vector<16xf32> to vector<16xf32>
      %swap3A_3393 = vector.shape_cast %min3A_3388 : vector<16xf32> to vector<16xf32>
      tpu.vector_store %arg6[%swap3A_3390], %swap3A_3393 {strides = array<i32>} : memref<148xf32, #tpu.memory_space<vmem>>, vector<16xf32>,
      %swap3A_3394 = arith.constant 112 : index
      %swap3A_3395 = tpu.vector_load %arg7[%swap3A_3394] {strides = array<i32>} : memref<148xf32, #tpu.memory_space<vmem>>, vector<16xf32>,
      %swap3A_3396 = vector.shape_cast %swap3A_3395 : vector<16xf32> to vector<16xf32>
      %swap3A_3397 = vector.shape_cast %max3A_3389 : vector<16xf32> to vector<16xf32>
      tpu.vector_store %arg7[%swap3A_3394], %swap3A_3397 {strides = array<i32>} : memref<148xf32, #tpu.memory_space<vmem>>, vector<16xf32>,
      %get3A_3398 = arith.constant 0 : i32
      %get3A_3399 = arith.index_cast %get3A_3398 : i32 to index
      %get3A_3400 = arith.constant 128 : index
      %get3A_3401 = tpu.vector_load %arg5[%get3A_3399, %get3A_3400] {strides = array<i32>} : memref<32x148xf32, #tpu.memory_space<vmem>>, vector<1x16xf32>,
      %get3A_3402 = vector.shape_cast %get3A_3401 : vector<1x16xf32> to vector<16xf32>
      %eq3A_3403 = arith.constant 0.000000e+00 : f32
      %eq3A_3404 = vector.broadcast %eq3A_3403 : f32 to vector<16xf32>
      %eq3A_3405 = arith.cmpf oeq, %get3A_3402, %eq3A_3404 : vector<16xf32>
      %jit3A_3406 = arith.constant 1.000000e+02 : f32
      %broadcast_in_dim3A_3407 = vector.broadcast %jit3A_3406 : f32 to vector<16xf32>
      %select_n3A_3408 = arith.select %eq3A_3405, %broadcast_in_dim3A_3407, %get3A_3402 : vector<16xi1>, vector<16xf32>
      %min3A_3409 = arith.minimumf %broadcast_in_dim3A_3, %select_n3A_3408 : vector<16xf32>
      %max3A_3410 = arith.maximumf %broadcast_in_dim3A_5, %get3A_3402 : vector<16xf32>
      %get3A_3411 = arith.constant 1 : i32
      %get3A_3412 = arith.index_cast %get3A_3411 : i32 to index
      %get3A_3413 = arith.constant 128 : index
      %get3A_3414 = tpu.vector_load %arg5[%get3A_3412, %get3A_3413] {strides = array<i32>} : memref<32x148xf32, #tpu.memory_space<vmem>>, vector<1x16xf32>,
      %get3A_3415 = vector.shape_cast %get3A_3414 : vector<1x16xf32> to vector<16xf32>
      %eq3A_3416 = arith.constant 0.000000e+00 : f32
      %eq3A_3417 = vector.broadcast %eq3A_3416 : f32 to vector<16xf32>
      %eq3A_3418 = arith.cmpf oeq, %get3A_3415, %eq3A_3417 : vector<16xf32>
      %jit3A_3419 = arith.constant 1.000000e+02 : f32
      %broadcast_in_dim3A_3420 = vector.broadcast %jit3A_3419 : f32 to vector<16xf32>
      %select_n3A_3421 = arith.select %eq3A_3418, %broadcast_in_dim3A_3420, %get3A_3415 : vector<16xi1>, vector<16xf32>
      %min3A_3422 = arith.minimumf %min3A_3409, %select_n3A_3421 : vector<16xf32>
      %max3A_3423 = arith.maximumf %max3A_3410, %get3A_3415 : vector<16xf32>
      %get3A_3424 = arith.constant 2 : i32
      %get3A_3425 = arith.index_cast %get3A_3424 : i32 to index
      %get3A_3426 = arith.constant 128 : index
      %get3A_3427 = tpu.vector_load %arg5[%get3A_3425, %get3A_3426] {strides = array<i32>} : memref<32x148xf32, #tpu.memory_space<vmem>>, vector<1x16xf32>,
      %get3A_3428 = vector.shape_cast %get3A_3427 : vector<1x16xf32> to vector<16xf32>
      %eq3A_3429 = arith.constant 0.000000e+00 : f32
      %eq3A_3430 = vector.broadcast %eq3A_3429 : f32 to vector<16xf32>
      %eq3A_3431 = arith.cmpf oeq, %get3A_3428, %eq3A_3430 : vector<16xf32>
      %jit3A_3432 = arith.constant 1.000000e+02 : f32
      %broadcast_in_dim3A_3433 = vector.broadcast %jit3A_3432 : f32 to vector<16xf32>
      %select_n3A_3434 = arith.select %eq3A_3431, %broadcast_in_dim3A_3433, %get3A_3428 : vector<16xi1>, vector<16xf32>
      %min3A_3435 = arith.minimumf %min3A_3422, %select_n3A_3434 : vector<16xf32>
      %max3A_3436 = arith.maximumf %max3A_3423, %get3A_3428 : vector<16xf32>
      %get3A_3437 = arith.constant 3 : i32
      %get3A_3438 = arith.index_cast %get3A_3437 : i32 to index
      %get3A_3439 = arith.constant 128 : index
      %get3A_3440 = tpu.vector_load %arg5[%get3A_3438, %get3A_3439] {strides = array<i32>} : memref<32x148xf32, #tpu.memory_space<vmem>>, vector<1x16xf32>,
      %get3A_3441 = vector.shape_cast %get3A_3440 : vector<1x16xf32> to vector<16xf32>
      %eq3A_3442 = arith.constant 0.000000e+00 : f32
      %eq3A_3443 = vector.broadcast %eq3A_3442 : f32 to vector<16xf32>
      %eq3A_3444 = arith.cmpf oeq, %get3A_3441, %eq3A_3443 : vector<16xf32>
      %jit3A_3445 = arith.constant 1.000000e+02 : f32
      %broadcast_in_dim3A_3446 = vector.broadcast %jit3A_3445 : f32 to vector<16xf32>
      %select_n3A_3447 = arith.select %eq3A_3444, %broadcast_in_dim3A_3446, %get3A_3441 : vector<16xi1>, vector<16xf32>
      %min3A_3448 = arith.minimumf %min3A_3435, %select_n3A_3447 : vector<16xf32>
      %max3A_3449 = arith.maximumf %max3A_3436, %get3A_3441 : vector<16xf32>
      %get3A_3450 = arith.constant 4 : i32
      %get3A_3451 = arith.index_cast %get3A_3450 : i32 to index
      %get3A_3452 = arith.constant 128 : index
      %get3A_3453 = tpu.vector_load %arg5[%get3A_3451, %get3A_3452] {strides = array<i32>} : memref<32x148xf32, #tpu.memory_space<vmem>>, vector<1x16xf32>,
      %get3A_3454 = vector.shape_cast %get3A_3453 : vector<1x16xf32> to vector<16xf32>
      %eq3A_3455 = arith.constant 0.000000e+00 : f32
      %eq3A_3456 = vector.broadcast %eq3A_3455 : f32 to vector<16xf32>
      %eq3A_3457 = arith.cmpf oeq, %get3A_3454, %eq3A_3456 : vector<16xf32>
      %jit3A_3458 = arith.constant 1.000000e+02 : f32
      %broadcast_in_dim3A_3459 = vector.broadcast %jit3A_3458 : f32 to vector<16xf32>
      %select_n3A_3460 = arith.select %eq3A_3457, %broadcast_in_dim3A_3459, %get3A_3454 : vector<16xi1>, vector<16xf32>
      %min3A_3461 = arith.minimumf %min3A_3448, %select_n3A_3460 : vector<16xf32>
      %max3A_3462 = arith.maximumf %max3A_3449, %get3A_3454 : vector<16xf32>
      %get3A_3463 = arith.constant 5 : i32
      %get3A_3464 = arith.index_cast %get3A_3463 : i32 to index
      %get3A_3465 = arith.constant 128 : index
      %get3A_3466 = tpu.vector_load %arg5[%get3A_3464, %get3A_3465] {strides = array<i32>} : memref<32x148xf32, #tpu.memory_space<vmem>>, vector<1x16xf32>,
      %get3A_3467 = vector.shape_cast %get3A_3466 : vector<1x16xf32> to vector<16xf32>
      %eq3A_3468 = arith.constant 0.000000e+00 : f32
      %eq3A_3469 = vector.broadcast %eq3A_3468 : f32 to vector<16xf32>
      %eq3A_3470 = arith.cmpf oeq, %get3A_3467, %eq3A_3469 : vector<16xf32>
      %jit3A_3471 = arith.constant 1.000000e+02 : f32
      %broadcast_in_dim3A_3472 = vector.broadcast %jit3A_3471 : f32 to vector<16xf32>
      %select_n3A_3473 = arith.select %eq3A_3470, %broadcast_in_dim3A_3472, %get3A_3467 : vector<16xi1>, vector<16xf32>
      %min3A_3474 = arith.minimumf %min3A_3461, %select_n3A_3473 : vector<16xf32>
      %max3A_3475 = arith.maximumf %max3A_3462, %get3A_3467 : vector<16xf32>
      %get3A_3476 = arith.constant 6 : i32
      %get3A_3477 = arith.index_cast %get3A_3476 : i32 to index
      %get3A_3478 = arith.constant 128 : index
      %get3A_3479 = tpu.vector_load %arg5[%get3A_3477, %get3A_3478] {strides = array<i32>} : memref<32x148xf32, #tpu.memory_space<vmem>>, vector<1x16xf32>,
      %get3A_3480 = vector.shape_cast %get3A_3479 : vector<1x16xf32> to vector<16xf32>
      %eq3A_3481 = arith.constant 0.000000e+00 : f32
      %eq3A_3482 = vector.broadcast %eq3A_3481 : f32 to vector<16xf32>
      %eq3A_3483 = arith.cmpf oeq, %get3A_3480, %eq3A_3482 : vector<16xf32>
      %jit3A_3484 = arith.constant 1.000000e+02 : f32
      %broadcast_in_dim3A_3485 = vector.broadcast %jit3A_3484 : f32 to vector<16xf32>
      %select_n3A_3486 = arith.select %eq3A_3483, %broadcast_in_dim3A_3485, %get3A_3480 : vector<16xi1>, vector<16xf32>
      %min3A_3487 = arith.minimumf %min3A_3474, %select_n3A_3486 : vector<16xf32>
      %max3A_3488 = arith.maximumf %max3A_3475, %get3A_3480 : vector<16xf32>
      %get3A_3489 = arith.constant 7 : i32
      %get3A_3490 = arith.index_cast %get3A_3489 : i32 to index
      %get3A_3491 = arith.constant 128 : index
      %get3A_3492 = tpu.vector_load %arg5[%get3A_3490, %get3A_3491] {strides = array<i32>} : memref<32x148xf32, #tpu.memory_space<vmem>>, vector<1x16xf32>,
      %get3A_3493 = vector.shape_cast %get3A_3492 : vector<1x16xf32> to vector<16xf32>
      %eq3A_3494 = arith.constant 0.000000e+00 : f32
      %eq3A_3495 = vector.broadcast %eq3A_3494 : f32 to vector<16xf32>
      %eq3A_3496 = arith.cmpf oeq, %get3A_3493, %eq3A_3495 : vector<16xf32>
      %jit3A_3497 = arith.constant 1.000000e+02 : f32
      %broadcast_in_dim3A_3498 = vector.broadcast %jit3A_3497 : f32 to vector<16xf32>
      %select_n3A_3499 = arith.select %eq3A_3496, %broadcast_in_dim3A_3498, %get3A_3493 : vector<16xi1>, vector<16xf32>
      %min3A_3500 = arith.minimumf %min3A_3487, %select_n3A_3499 : vector<16xf32>
      %max3A_3501 = arith.maximumf %max3A_3488, %get3A_3493 : vector<16xf32>
      %get3A_3502 = arith.constant 8 : i32
      %get3A_3503 = arith.index_cast %get3A_3502 : i32 to index
      %get3A_3504 = arith.constant 128 : index
      %get3A_3505 = tpu.vector_load %arg5[%get3A_3503, %get3A_3504] {strides = array<i32>} : memref<32x148xf32, #tpu.memory_space<vmem>>, vector<1x16xf32>,
      %get3A_3506 = vector.shape_cast %get3A_3505 : vector<1x16xf32> to vector<16xf32>
      %eq3A_3507 = arith.constant 0.000000e+00 : f32
      %eq3A_3508 = vector.broadcast %eq3A_3507 : f32 to vector<16xf32>
      %eq3A_3509 = arith.cmpf oeq, %get3A_3506, %eq3A_3508 : vector<16xf32>
      %jit3A_3510 = arith.constant 1.000000e+02 : f32
      %broadcast_in_dim3A_3511 = vector.broadcast %jit3A_3510 : f32 to vector<16xf32>
      %select_n3A_3512 = arith.select %eq3A_3509, %broadcast_in_dim3A_3511, %get3A_3506 : vector<16xi1>, vector<16xf32>
      %min3A_3513 = arith.minimumf %min3A_3500, %select_n3A_3512 : vector<16xf32>
      %max3A_3514 = arith.maximumf %max3A_3501, %get3A_3506 : vector<16xf32>
      %get3A_3515 = arith.constant 9 : i32
      %get3A_3516 = arith.index_cast %get3A_3515 : i32 to index
      %get3A_3517 = arith.constant 128 : index
      %get3A_3518 = tpu.vector_load %arg5[%get3A_3516, %get3A_3517] {strides = array<i32>} : memref<32x148xf32, #tpu.memory_space<vmem>>, vector<1x16xf32>,
      %get3A_3519 = vector.shape_cast %get3A_3518 : vector<1x16xf32> to vector<16xf32>
      %eq3A_3520 = arith.constant 0.000000e+00 : f32
      %eq3A_3521 = vector.broadcast %eq3A_3520 : f32 to vector<16xf32>
      %eq3A_3522 = arith.cmpf oeq, %get3A_3519, %eq3A_3521 : vector<16xf32>
      %jit3A_3523 = arith.constant 1.000000e+02 : f32
      %broadcast_in_dim3A_3524 = vector.broadcast %jit3A_3523 : f32 to vector<16xf32>
      %select_n3A_3525 = arith.select %eq3A_3522, %broadcast_in_dim3A_3524, %get3A_3519 : vector<16xi1>, vector<16xf32>
      %min3A_3526 = arith.minimumf %min3A_3513, %select_n3A_3525 : vector<16xf32>
      %max3A_3527 = arith.maximumf %max3A_3514, %get3A_3519 : vector<16xf32>
      %get3A_3528 = arith.constant 10 : i32
      %get3A_3529 = arith.index_cast %get3A_3528 : i32 to index
      %get3A_3530 = arith.constant 128 : index
      %get3A_3531 = tpu.vector_load %arg5[%get3A_3529, %get3A_3530] {strides = array<i32>} : memref<32x148xf32, #tpu.memory_space<vmem>>, vector<1x16xf32>,
      %get3A_3532 = vector.shape_cast %get3A_3531 : vector<1x16xf32> to vector<16xf32>
      %eq3A_3533 = arith.constant 0.000000e+00 : f32
      %eq3A_3534 = vector.broadcast %eq3A_3533 : f32 to vector<16xf32>
      %eq3A_3535 = arith.cmpf oeq, %get3A_3532, %eq3A_3534 : vector<16xf32>
      %jit3A_3536 = arith.constant 1.000000e+02 : f32
      %broadcast_in_dim3A_3537 = vector.broadcast %jit3A_3536 : f32 to vector<16xf32>
      %select_n3A_3538 = arith.select %eq3A_3535, %broadcast_in_dim3A_3537, %get3A_3532 : vector<16xi1>, vector<16xf32>
      %min3A_3539 = arith.minimumf %min3A_3526, %select_n3A_3538 : vector<16xf32>
      %max3A_3540 = arith.maximumf %max3A_3527, %get3A_3532 : vector<16xf32>
      %get3A_3541 = arith.constant 11 : i32
      %get3A_3542 = arith.index_cast %get3A_3541 : i32 to index
      %get3A_3543 = arith.constant 128 : index
      %get3A_3544 = tpu.vector_load %arg5[%get3A_3542, %get3A_3543] {strides = array<i32>} : memref<32x148xf32, #tpu.memory_space<vmem>>, vector<1x16xf32>,
      %get3A_3545 = vector.shape_cast %get3A_3544 : vector<1x16xf32> to vector<16xf32>
      %eq3A_3546 = arith.constant 0.000000e+00 : f32
      %eq3A_3547 = vector.broadcast %eq3A_3546 : f32 to vector<16xf32>
      %eq3A_3548 = arith.cmpf oeq, %get3A_3545, %eq3A_3547 : vector<16xf32>
      %jit3A_3549 = arith.constant 1.000000e+02 : f32
      %broadcast_in_dim3A_3550 = vector.broadcast %jit3A_3549 : f32 to vector<16xf32>
      %select_n3A_3551 = arith.select %eq3A_3548, %broadcast_in_dim3A_3550, %get3A_3545 : vector<16xi1>, vector<16xf32>
      %min3A_3552 = arith.minimumf %min3A_3539, %select_n3A_3551 : vector<16xf32>
      %max3A_3553 = arith.maximumf %max3A_3540, %get3A_3545 : vector<16xf32>
      %get3A_3554 = arith.constant 12 : i32
      %get3A_3555 = arith.index_cast %get3A_3554 : i32 to index
      %get3A_3556 = arith.constant 128 : index
      %get3A_3557 = tpu.vector_load %arg5[%get3A_3555, %get3A_3556] {strides = array<i32>} : memref<32x148xf32, #tpu.memory_space<vmem>>, vector<1x16xf32>,
      %get3A_3558 = vector.shape_cast %get3A_3557 : vector<1x16xf32> to vector<16xf32>
      %eq3A_3559 = arith.constant 0.000000e+00 : f32
      %eq3A_3560 = vector.broadcast %eq3A_3559 : f32 to vector<16xf32>
      %eq3A_3561 = arith.cmpf oeq, %get3A_3558, %eq3A_3560 : vector<16xf32>
      %jit3A_3562 = arith.constant 1.000000e+02 : f32
      %broadcast_in_dim3A_3563 = vector.broadcast %jit3A_3562 : f32 to vector<16xf32>
      %select_n3A_3564 = arith.select %eq3A_3561, %broadcast_in_dim3A_3563, %get3A_3558 : vector<16xi1>, vector<16xf32>
      %min3A_3565 = arith.minimumf %min3A_3552, %select_n3A_3564 : vector<16xf32>
      %max3A_3566 = arith.maximumf %max3A_3553, %get3A_3558 : vector<16xf32>
      %get3A_3567 = arith.constant 13 : i32
      %get3A_3568 = arith.index_cast %get3A_3567 : i32 to index
      %get3A_3569 = arith.constant 128 : index
      %get3A_3570 = tpu.vector_load %arg5[%get3A_3568, %get3A_3569] {strides = array<i32>} : memref<32x148xf32, #tpu.memory_space<vmem>>, vector<1x16xf32>,
      %get3A_3571 = vector.shape_cast %get3A_3570 : vector<1x16xf32> to vector<16xf32>
      %eq3A_3572 = arith.constant 0.000000e+00 : f32
      %eq3A_3573 = vector.broadcast %eq3A_3572 : f32 to vector<16xf32>
      %eq3A_3574 = arith.cmpf oeq, %get3A_3571, %eq3A_3573 : vector<16xf32>
      %jit3A_3575 = arith.constant 1.000000e+02 : f32
      %broadcast_in_dim3A_3576 = vector.broadcast %jit3A_3575 : f32 to vector<16xf32>
      %select_n3A_3577 = arith.select %eq3A_3574, %broadcast_in_dim3A_3576, %get3A_3571 : vector<16xi1>, vector<16xf32>
      %min3A_3578 = arith.minimumf %min3A_3565, %select_n3A_3577 : vector<16xf32>
      %max3A_3579 = arith.maximumf %max3A_3566, %get3A_3571 : vector<16xf32>
      %get3A_3580 = arith.constant 14 : i32
      %get3A_3581 = arith.index_cast %get3A_3580 : i32 to index
      %get3A_3582 = arith.constant 128 : index
      %get3A_3583 = tpu.vector_load %arg5[%get3A_3581, %get3A_3582] {strides = array<i32>} : memref<32x148xf32, #tpu.memory_space<vmem>>, vector<1x16xf32>,
      %get3A_3584 = vector.shape_cast %get3A_3583 : vector<1x16xf32> to vector<16xf32>
      %eq3A_3585 = arith.constant 0.000000e+00 : f32
      %eq3A_3586 = vector.broadcast %eq3A_3585 : f32 to vector<16xf32>
      %eq3A_3587 = arith.cmpf oeq, %get3A_3584, %eq3A_3586 : vector<16xf32>
      %jit3A_3588 = arith.constant 1.000000e+02 : f32
      %broadcast_in_dim3A_3589 = vector.broadcast %jit3A_3588 : f32 to vector<16xf32>
      %select_n3A_3590 = arith.select %eq3A_3587, %broadcast_in_dim3A_3589, %get3A_3584 : vector<16xi1>, vector<16xf32>
      %min3A_3591 = arith.minimumf %min3A_3578, %select_n3A_3590 : vector<16xf32>
      %max3A_3592 = arith.maximumf %max3A_3579, %get3A_3584 : vector<16xf32>
      %get3A_3593 = arith.constant 15 : i32
      %get3A_3594 = arith.index_cast %get3A_3593 : i32 to index
      %get3A_3595 = arith.constant 128 : index
      %get3A_3596 = tpu.vector_load %arg5[%get3A_3594, %get3A_3595] {strides = array<i32>} : memref<32x148xf32, #tpu.memory_space<vmem>>, vector<1x16xf32>,
      %get3A_3597 = vector.shape_cast %get3A_3596 : vector<1x16xf32> to vector<16xf32>
      %eq3A_3598 = arith.constant 0.000000e+00 : f32
      %eq3A_3599 = vector.broadcast %eq3A_3598 : f32 to vector<16xf32>
      %eq3A_3600 = arith.cmpf oeq, %get3A_3597, %eq3A_3599 : vector<16xf32>
      %jit3A_3601 = arith.constant 1.000000e+02 : f32
      %broadcast_in_dim3A_3602 = vector.broadcast %jit3A_3601 : f32 to vector<16xf32>
      %select_n3A_3603 = arith.select %eq3A_3600, %broadcast_in_dim3A_3602, %get3A_3597 : vector<16xi1>, vector<16xf32>
      %min3A_3604 = arith.minimumf %min3A_3591, %select_n3A_3603 : vector<16xf32>
      %max3A_3605 = arith.maximumf %max3A_3592, %get3A_3597 : vector<16xf32>
      %get3A_3606 = arith.constant 16 : i32
      %get3A_3607 = arith.index_cast %get3A_3606 : i32 to index
      %get3A_3608 = arith.constant 128 : index
      %get3A_3609 = tpu.vector_load %arg5[%get3A_3607, %get3A_3608] {strides = array<i32>} : memref<32x148xf32, #tpu.memory_space<vmem>>, vector<1x16xf32>,
      %get3A_3610 = vector.shape_cast %get3A_3609 : vector<1x16xf32> to vector<16xf32>
      %eq3A_3611 = arith.constant 0.000000e+00 : f32
      %eq3A_3612 = vector.broadcast %eq3A_3611 : f32 to vector<16xf32>
      %eq3A_3613 = arith.cmpf oeq, %get3A_3610, %eq3A_3612 : vector<16xf32>
      %jit3A_3614 = arith.constant 1.000000e+02 : f32
      %broadcast_in_dim3A_3615 = vector.broadcast %jit3A_3614 : f32 to vector<16xf32>
      %select_n3A_3616 = arith.select %eq3A_3613, %broadcast_in_dim3A_3615, %get3A_3610 : vector<16xi1>, vector<16xf32>
      %min3A_3617 = arith.minimumf %min3A_3604, %select_n3A_3616 : vector<16xf32>
      %max3A_3618 = arith.maximumf %max3A_3605, %get3A_3610 : vector<16xf32>
      %get3A_3619 = arith.constant 17 : i32
      %get3A_3620 = arith.index_cast %get3A_3619 : i32 to index
      %get3A_3621 = arith.constant 128 : index
      %get3A_3622 = tpu.vector_load %arg5[%get3A_3620, %get3A_3621] {strides = array<i32>} : memref<32x148xf32, #tpu.memory_space<vmem>>, vector<1x16xf32>,
      %get3A_3623 = vector.shape_cast %get3A_3622 : vector<1x16xf32> to vector<16xf32>
      %eq3A_3624 = arith.constant 0.000000e+00 : f32
      %eq3A_3625 = vector.broadcast %eq3A_3624 : f32 to vector<16xf32>
      %eq3A_3626 = arith.cmpf oeq, %get3A_3623, %eq3A_3625 : vector<16xf32>
      %jit3A_3627 = arith.constant 1.000000e+02 : f32
      %broadcast_in_dim3A_3628 = vector.broadcast %jit3A_3627 : f32 to vector<16xf32>
      %select_n3A_3629 = arith.select %eq3A_3626, %broadcast_in_dim3A_3628, %get3A_3623 : vector<16xi1>, vector<16xf32>
      %min3A_3630 = arith.minimumf %min3A_3617, %select_n3A_3629 : vector<16xf32>
      %max3A_3631 = arith.maximumf %max3A_3618, %get3A_3623 : vector<16xf32>
      %get3A_3632 = arith.constant 18 : i32
      %get3A_3633 = arith.index_cast %get3A_3632 : i32 to index
      %get3A_3634 = arith.constant 128 : index
      %get3A_3635 = tpu.vector_load %arg5[%get3A_3633, %get3A_3634] {strides = array<i32>} : memref<32x148xf32, #tpu.memory_space<vmem>>, vector<1x16xf32>,
      %get3A_3636 = vector.shape_cast %get3A_3635 : vector<1x16xf32> to vector<16xf32>
      %eq3A_3637 = arith.constant 0.000000e+00 : f32
      %eq3A_3638 = vector.broadcast %eq3A_3637 : f32 to vector<16xf32>
      %eq3A_3639 = arith.cmpf oeq, %get3A_3636, %eq3A_3638 : vector<16xf32>
      %jit3A_3640 = arith.constant 1.000000e+02 : f32
      %broadcast_in_dim3A_3641 = vector.broadcast %jit3A_3640 : f32 to vector<16xf32>
      %select_n3A_3642 = arith.select %eq3A_3639, %broadcast_in_dim3A_3641, %get3A_3636 : vector<16xi1>, vector<16xf32>
      %min3A_3643 = arith.minimumf %min3A_3630, %select_n3A_3642 : vector<16xf32>
      %max3A_3644 = arith.maximumf %max3A_3631, %get3A_3636 : vector<16xf32>
      %get3A_3645 = arith.constant 19 : i32
      %get3A_3646 = arith.index_cast %get3A_3645 : i32 to index
      %get3A_3647 = arith.constant 128 : index
      %get3A_3648 = tpu.vector_load %arg5[%get3A_3646, %get3A_3647] {strides = array<i32>} : memref<32x148xf32, #tpu.memory_space<vmem>>, vector<1x16xf32>,
      %get3A_3649 = vector.shape_cast %get3A_3648 : vector<1x16xf32> to vector<16xf32>
      %eq3A_3650 = arith.constant 0.000000e+00 : f32
      %eq3A_3651 = vector.broadcast %eq3A_3650 : f32 to vector<16xf32>
      %eq3A_3652 = arith.cmpf oeq, %get3A_3649, %eq3A_3651 : vector<16xf32>
      %jit3A_3653 = arith.constant 1.000000e+02 : f32
      %broadcast_in_dim3A_3654 = vector.broadcast %jit3A_3653 : f32 to vector<16xf32>
      %select_n3A_3655 = arith.select %eq3A_3652, %broadcast_in_dim3A_3654, %get3A_3649 : vector<16xi1>, vector<16xf32>
      %min3A_3656 = arith.minimumf %min3A_3643, %select_n3A_3655 : vector<16xf32>
      %max3A_3657 = arith.maximumf %max3A_3644, %get3A_3649 : vector<16xf32>
      %get3A_3658 = arith.constant 20 : i32
      %get3A_3659 = arith.index_cast %get3A_3658 : i32 to index
      %get3A_3660 = arith.constant 128 : index
      %get3A_3661 = tpu.vector_load %arg5[%get3A_3659, %get3A_3660] {strides = array<i32>} : memref<32x148xf32, #tpu.memory_space<vmem>>, vector<1x16xf32>,
      %get3A_3662 = vector.shape_cast %get3A_3661 : vector<1x16xf32> to vector<16xf32>
      %eq3A_3663 = arith.constant 0.000000e+00 : f32
      %eq3A_3664 = vector.broadcast %eq3A_3663 : f32 to vector<16xf32>
      %eq3A_3665 = arith.cmpf oeq, %get3A_3662, %eq3A_3664 : vector<16xf32>
      %jit3A_3666 = arith.constant 1.000000e+02 : f32
      %broadcast_in_dim3A_3667 = vector.broadcast %jit3A_3666 : f32 to vector<16xf32>
      %select_n3A_3668 = arith.select %eq3A_3665, %broadcast_in_dim3A_3667, %get3A_3662 : vector<16xi1>, vector<16xf32>
      %min3A_3669 = arith.minimumf %min3A_3656, %select_n3A_3668 : vector<16xf32>
      %max3A_3670 = arith.maximumf %max3A_3657, %get3A_3662 : vector<16xf32>
      %get3A_3671 = arith.constant 21 : i32
      %get3A_3672 = arith.index_cast %get3A_3671 : i32 to index
      %get3A_3673 = arith.constant 128 : index
      %get3A_3674 = tpu.vector_load %arg5[%get3A_3672, %get3A_3673] {strides = array<i32>} : memref<32x148xf32, #tpu.memory_space<vmem>>, vector<1x16xf32>,
      %get3A_3675 = vector.shape_cast %get3A_3674 : vector<1x16xf32> to vector<16xf32>
      %eq3A_3676 = arith.constant 0.000000e+00 : f32
      %eq3A_3677 = vector.broadcast %eq3A_3676 : f32 to vector<16xf32>
      %eq3A_3678 = arith.cmpf oeq, %get3A_3675, %eq3A_3677 : vector<16xf32>
      %jit3A_3679 = arith.constant 1.000000e+02 : f32
      %broadcast_in_dim3A_3680 = vector.broadcast %jit3A_3679 : f32 to vector<16xf32>
      %select_n3A_3681 = arith.select %eq3A_3678, %broadcast_in_dim3A_3680, %get3A_3675 : vector<16xi1>, vector<16xf32>
      %min3A_3682 = arith.minimumf %min3A_3669, %select_n3A_3681 : vector<16xf32>
      %max3A_3683 = arith.maximumf %max3A_3670, %get3A_3675 : vector<16xf32>
      %get3A_3684 = arith.constant 22 : i32
      %get3A_3685 = arith.index_cast %get3A_3684 : i32 to index
      %get3A_3686 = arith.constant 128 : index
      %get3A_3687 = tpu.vector_load %arg5[%get3A_3685, %get3A_3686] {strides = array<i32>} : memref<32x148xf32, #tpu.memory_space<vmem>>, vector<1x16xf32>,
      %get3A_3688 = vector.shape_cast %get3A_3687 : vector<1x16xf32> to vector<16xf32>
      %eq3A_3689 = arith.constant 0.000000e+00 : f32
      %eq3A_3690 = vector.broadcast %eq3A_3689 : f32 to vector<16xf32>
      %eq3A_3691 = arith.cmpf oeq, %get3A_3688, %eq3A_3690 : vector<16xf32>
      %jit3A_3692 = arith.constant 1.000000e+02 : f32
      %broadcast_in_dim3A_3693 = vector.broadcast %jit3A_3692 : f32 to vector<16xf32>
      %select_n3A_3694 = arith.select %eq3A_3691, %broadcast_in_dim3A_3693, %get3A_3688 : vector<16xi1>, vector<16xf32>
      %min3A_3695 = arith.minimumf %min3A_3682, %select_n3A_3694 : vector<16xf32>
      %max3A_3696 = arith.maximumf %max3A_3683, %get3A_3688 : vector<16xf32>
      %get3A_3697 = arith.constant 23 : i32
      %get3A_3698 = arith.index_cast %get3A_3697 : i32 to index
      %get3A_3699 = arith.constant 128 : index
      %get3A_3700 = tpu.vector_load %arg5[%get3A_3698, %get3A_3699] {strides = array<i32>} : memref<32x148xf32, #tpu.memory_space<vmem>>, vector<1x16xf32>,
      %get3A_3701 = vector.shape_cast %get3A_3700 : vector<1x16xf32> to vector<16xf32>
      %eq3A_3702 = arith.constant 0.000000e+00 : f32
      %eq3A_3703 = vector.broadcast %eq3A_3702 : f32 to vector<16xf32>
      %eq3A_3704 = arith.cmpf oeq, %get3A_3701, %eq3A_3703 : vector<16xf32>
      %jit3A_3705 = arith.constant 1.000000e+02 : f32
      %broadcast_in_dim3A_3706 = vector.broadcast %jit3A_3705 : f32 to vector<16xf32>
      %select_n3A_3707 = arith.select %eq3A_3704, %broadcast_in_dim3A_3706, %get3A_3701 : vector<16xi1>, vector<16xf32>
      %min3A_3708 = arith.minimumf %min3A_3695, %select_n3A_3707 : vector<16xf32>
      %max3A_3709 = arith.maximumf %max3A_3696, %get3A_3701 : vector<16xf32>
      %get3A_3710 = arith.constant 24 : i32
      %get3A_3711 = arith.index_cast %get3A_3710 : i32 to index
      %get3A_3712 = arith.constant 128 : index
      %get3A_3713 = tpu.vector_load %arg5[%get3A_3711, %get3A_3712] {strides = array<i32>} : memref<32x148xf32, #tpu.memory_space<vmem>>, vector<1x16xf32>,
      %get3A_3714 = vector.shape_cast %get3A_3713 : vector<1x16xf32> to vector<16xf32>
      %eq3A_3715 = arith.constant 0.000000e+00 : f32
      %eq3A_3716 = vector.broadcast %eq3A_3715 : f32 to vector<16xf32>
      %eq3A_3717 = arith.cmpf oeq, %get3A_3714, %eq3A_3716 : vector<16xf32>
      %jit3A_3718 = arith.constant 1.000000e+02 : f32
      %broadcast_in_dim3A_3719 = vector.broadcast %jit3A_3718 : f32 to vector<16xf32>
      %select_n3A_3720 = arith.select %eq3A_3717, %broadcast_in_dim3A_3719, %get3A_3714 : vector<16xi1>, vector<16xf32>
      %min3A_3721 = arith.minimumf %min3A_3708, %select_n3A_3720 : vector<16xf32>
      %max3A_3722 = arith.maximumf %max3A_3709, %get3A_3714 : vector<16xf32>
      %get3A_3723 = arith.constant 25 : i32
      %get3A_3724 = arith.index_cast %get3A_3723 : i32 to index
      %get3A_3725 = arith.constant 128 : index
      %get3A_3726 = tpu.vector_load %arg5[%get3A_3724, %get3A_3725] {strides = array<i32>} : memref<32x148xf32, #tpu.memory_space<vmem>>, vector<1x16xf32>,
      %get3A_3727 = vector.shape_cast %get3A_3726 : vector<1x16xf32> to vector<16xf32>
      %eq3A_3728 = arith.constant 0.000000e+00 : f32
      %eq3A_3729 = vector.broadcast %eq3A_3728 : f32 to vector<16xf32>
      %eq3A_3730 = arith.cmpf oeq, %get3A_3727, %eq3A_3729 : vector<16xf32>
      %jit3A_3731 = arith.constant 1.000000e+02 : f32
      %broadcast_in_dim3A_3732 = vector.broadcast %jit3A_3731 : f32 to vector<16xf32>
      %select_n3A_3733 = arith.select %eq3A_3730, %broadcast_in_dim3A_3732, %get3A_3727 : vector<16xi1>, vector<16xf32>
      %min3A_3734 = arith.minimumf %min3A_3721, %select_n3A_3733 : vector<16xf32>
      %max3A_3735 = arith.maximumf %max3A_3722, %get3A_3727 : vector<16xf32>
      %get3A_3736 = arith.constant 26 : i32
      %get3A_3737 = arith.index_cast %get3A_3736 : i32 to index
      %get3A_3738 = arith.constant 128 : index
      %get3A_3739 = tpu.vector_load %arg5[%get3A_3737, %get3A_3738] {strides = array<i32>} : memref<32x148xf32, #tpu.memory_space<vmem>>, vector<1x16xf32>,
      %get3A_3740 = vector.shape_cast %get3A_3739 : vector<1x16xf32> to vector<16xf32>
      %eq3A_3741 = arith.constant 0.000000e+00 : f32
      %eq3A_3742 = vector.broadcast %eq3A_3741 : f32 to vector<16xf32>
      %eq3A_3743 = arith.cmpf oeq, %get3A_3740, %eq3A_3742 : vector<16xf32>
      %jit3A_3744 = arith.constant 1.000000e+02 : f32
      %broadcast_in_dim3A_3745 = vector.broadcast %jit3A_3744 : f32 to vector<16xf32>
      %select_n3A_3746 = arith.select %eq3A_3743, %broadcast_in_dim3A_3745, %get3A_3740 : vector<16xi1>, vector<16xf32>
      %min3A_3747 = arith.minimumf %min3A_3734, %select_n3A_3746 : vector<16xf32>
      %max3A_3748 = arith.maximumf %max3A_3735, %get3A_3740 : vector<16xf32>
      %get3A_3749 = arith.constant 27 : i32
      %get3A_3750 = arith.index_cast %get3A_3749 : i32 to index
      %get3A_3751 = arith.constant 128 : index
      %get3A_3752 = tpu.vector_load %arg5[%get3A_3750, %get3A_3751] {strides = array<i32>} : memref<32x148xf32, #tpu.memory_space<vmem>>, vector<1x16xf32>,
      %get3A_3753 = vector.shape_cast %get3A_3752 : vector<1x16xf32> to vector<16xf32>
      %eq3A_3754 = arith.constant 0.000000e+00 : f32
      %eq3A_3755 = vector.broadcast %eq3A_3754 : f32 to vector<16xf32>
      %eq3A_3756 = arith.cmpf oeq, %get3A_3753, %eq3A_3755 : vector<16xf32>
      %jit3A_3757 = arith.constant 1.000000e+02 : f32
      %broadcast_in_dim3A_3758 = vector.broadcast %jit3A_3757 : f32 to vector<16xf32>
      %select_n3A_3759 = arith.select %eq3A_3756, %broadcast_in_dim3A_3758, %get3A_3753 : vector<16xi1>, vector<16xf32>
      %min3A_3760 = arith.minimumf %min3A_3747, %select_n3A_3759 : vector<16xf32>
      %max3A_3761 = arith.maximumf %max3A_3748, %get3A_3753 : vector<16xf32>
      %get3A_3762 = arith.constant 28 : i32
      %get3A_3763 = arith.index_cast %get3A_3762 : i32 to index
      %get3A_3764 = arith.constant 128 : index
      %get3A_3765 = tpu.vector_load %arg5[%get3A_3763, %get3A_3764] {strides = array<i32>} : memref<32x148xf32, #tpu.memory_space<vmem>>, vector<1x16xf32>,
      %get3A_3766 = vector.shape_cast %get3A_3765 : vector<1x16xf32> to vector<16xf32>
      %eq3A_3767 = arith.constant 0.000000e+00 : f32
      %eq3A_3768 = vector.broadcast %eq3A_3767 : f32 to vector<16xf32>
      %eq3A_3769 = arith.cmpf oeq, %get3A_3766, %eq3A_3768 : vector<16xf32>
      %jit3A_3770 = arith.constant 1.000000e+02 : f32
      %broadcast_in_dim3A_3771 = vector.broadcast %jit3A_3770 : f32 to vector<16xf32>
      %select_n3A_3772 = arith.select %eq3A_3769, %broadcast_in_dim3A_3771, %get3A_3766 : vector<16xi1>, vector<16xf32>
      %min3A_3773 = arith.minimumf %min3A_3760, %select_n3A_3772 : vector<16xf32>
      %max3A_3774 = arith.maximumf %max3A_3761, %get3A_3766 : vector<16xf32>
      %get3A_3775 = arith.constant 29 : i32
      %get3A_3776 = arith.index_cast %get3A_3775 : i32 to index
      %get3A_3777 = arith.constant 128 : index
      %get3A_3778 = tpu.vector_load %arg5[%get3A_3776, %get3A_3777] {strides = array<i32>} : memref<32x148xf32, #tpu.memory_space<vmem>>, vector<1x16xf32>,
      %get3A_3779 = vector.shape_cast %get3A_3778 : vector<1x16xf32> to vector<16xf32>
      %eq3A_3780 = arith.constant 0.000000e+00 : f32
      %eq3A_3781 = vector.broadcast %eq3A_3780 : f32 to vector<16xf32>
      %eq3A_3782 = arith.cmpf oeq, %get3A_3779, %eq3A_3781 : vector<16xf32>
      %jit3A_3783 = arith.constant 1.000000e+02 : f32
      %broadcast_in_dim3A_3784 = vector.broadcast %jit3A_3783 : f32 to vector<16xf32>
      %select_n3A_3785 = arith.select %eq3A_3782, %broadcast_in_dim3A_3784, %get3A_3779 : vector<16xi1>, vector<16xf32>
      %min3A_3786 = arith.minimumf %min3A_3773, %select_n3A_3785 : vector<16xf32>
      %max3A_3787 = arith.maximumf %max3A_3774, %get3A_3779 : vector<16xf32>
      %get3A_3788 = arith.constant 30 : i32
      %get3A_3789 = arith.index_cast %get3A_3788 : i32 to index
      %get3A_3790 = arith.constant 128 : index
      %get3A_3791 = tpu.vector_load %arg5[%get3A_3789, %get3A_3790] {strides = array<i32>} : memref<32x148xf32, #tpu.memory_space<vmem>>, vector<1x16xf32>,
      %get3A_3792 = vector.shape_cast %get3A_3791 : vector<1x16xf32> to vector<16xf32>
      %eq3A_3793 = arith.constant 0.000000e+00 : f32
      %eq3A_3794 = vector.broadcast %eq3A_3793 : f32 to vector<16xf32>
      %eq3A_3795 = arith.cmpf oeq, %get3A_3792, %eq3A_3794 : vector<16xf32>
      %jit3A_3796 = arith.constant 1.000000e+02 : f32
      %broadcast_in_dim3A_3797 = vector.broadcast %jit3A_3796 : f32 to vector<16xf32>
      %select_n3A_3798 = arith.select %eq3A_3795, %broadcast_in_dim3A_3797, %get3A_3792 : vector<16xi1>, vector<16xf32>
      %min3A_3799 = arith.minimumf %min3A_3786, %select_n3A_3798 : vector<16xf32>
      %max3A_3800 = arith.maximumf %max3A_3787, %get3A_3792 : vector<16xf32>
      %get3A_3801 = arith.constant 31 : i32
      %get3A_3802 = arith.index_cast %get3A_3801 : i32 to index
      %get3A_3803 = arith.constant 128 : index
      %get3A_3804 = tpu.vector_load %arg5[%get3A_3802, %get3A_3803] {strides = array<i32>} : memref<32x148xf32, #tpu.memory_space<vmem>>, vector<1x16xf32>,
      %get3A_3805 = vector.shape_cast %get3A_3804 : vector<1x16xf32> to vector<16xf32>
      %eq3A_3806 = arith.constant 0.000000e+00 : f32
      %eq3A_3807 = vector.broadcast %eq3A_3806 : f32 to vector<16xf32>
      %eq3A_3808 = arith.cmpf oeq, %get3A_3805, %eq3A_3807 : vector<16xf32>
      %jit3A_3809 = arith.constant 1.000000e+02 : f32
      %broadcast_in_dim3A_3810 = vector.broadcast %jit3A_3809 : f32 to vector<16xf32>
      %select_n3A_3811 = arith.select %eq3A_3808, %broadcast_in_dim3A_3810, %get3A_3805 : vector<16xi1>, vector<16xf32>
      %min3A_3812 = arith.minimumf %min3A_3799, %select_n3A_3811 : vector<16xf32>
      %max3A_3813 = arith.maximumf %max3A_3800, %get3A_3805 : vector<16xf32>
      %swap3A_3814 = arith.constant 128 : index
      %swap3A_3815 = tpu.vector_load %arg6[%swap3A_3814] {strides = array<i32>} : memref<148xf32, #tpu.memory_space<vmem>>, vector<16xf32>,
      %swap3A_3816 = vector.shape_cast %swap3A_3815 : vector<16xf32> to vector<16xf32>
      %swap3A_3817 = vector.shape_cast %min3A_3812 : vector<16xf32> to vector<16xf32>
      tpu.vector_store %arg6[%swap3A_3814], %swap3A_3817 {strides = array<i32>} : memref<148xf32, #tpu.memory_space<vmem>>, vector<16xf32>,
      %swap3A_3818 = arith.constant 128 : index
      %swap3A_3819 = tpu.vector_load %arg7[%swap3A_3818] {strides = array<i32>} : memref<148xf32, #tpu.memory_space<vmem>>, vector<16xf32>,
      %swap3A_3820 = vector.shape_cast %swap3A_3819 : vector<16xf32> to vector<16xf32>
      %swap3A_3821 = vector.shape_cast %max3A_3813 : vector<16xf32> to vector<16xf32>
      tpu.vector_store %arg7[%swap3A_3818], %swap3A_3821 {strides = array<i32>} : memref<148xf32, #tpu.memory_space<vmem>>, vector<16xf32>,
      %get3A_3822 = arith.constant 0 : i32
      %get3A_3823 = arith.index_cast %get3A_3822 : i32 to index
      %get3A_3824 = arith.constant 132 : index
      %get3A_3825 = tpu.vector_load %arg5[%get3A_3823, %get3A_3824] {strides = array<i32>} : memref<32x148xf32, #tpu.memory_space<vmem>>, vector<1x16xf32>,
      %get3A_3826 = vector.shape_cast %get3A_3825 : vector<1x16xf32> to vector<16xf32>
      %eq3A_3827 = arith.constant 0.000000e+00 : f32
      %eq3A_3828 = vector.broadcast %eq3A_3827 : f32 to vector<16xf32>
      %eq3A_3829 = arith.cmpf oeq, %get3A_3826, %eq3A_3828 : vector<16xf32>
      %jit3A_3830 = arith.constant 1.000000e+02 : f32
      %broadcast_in_dim3A_3831 = vector.broadcast %jit3A_3830 : f32 to vector<16xf32>
      %select_n3A_3832 = arith.select %eq3A_3829, %broadcast_in_dim3A_3831, %get3A_3826 : vector<16xi1>, vector<16xf32>
      %min3A_3833 = arith.minimumf %broadcast_in_dim3A_3, %select_n3A_3832 : vector<16xf32>
      %max3A_3834 = arith.maximumf %broadcast_in_dim3A_5, %get3A_3826 : vector<16xf32>
      %get3A_3835 = arith.constant 1 : i32
      %get3A_3836 = arith.index_cast %get3A_3835 : i32 to index
      %get3A_3837 = arith.constant 132 : index
      %get3A_3838 = tpu.vector_load %arg5[%get3A_3836, %get3A_3837] {strides = array<i32>} : memref<32x148xf32, #tpu.memory_space<vmem>>, vector<1x16xf32>,
      %get3A_3839 = vector.shape_cast %get3A_3838 : vector<1x16xf32> to vector<16xf32>
      %eq3A_3840 = arith.constant 0.000000e+00 : f32
      %eq3A_3841 = vector.broadcast %eq3A_3840 : f32 to vector<16xf32>
      %eq3A_3842 = arith.cmpf oeq, %get3A_3839, %eq3A_3841 : vector<16xf32>
      %jit3A_3843 = arith.constant 1.000000e+02 : f32
      %broadcast_in_dim3A_3844 = vector.broadcast %jit3A_3843 : f32 to vector<16xf32>
      %select_n3A_3845 = arith.select %eq3A_3842, %broadcast_in_dim3A_3844, %get3A_3839 : vector<16xi1>, vector<16xf32>
      %min3A_3846 = arith.minimumf %min3A_3833, %select_n3A_3845 : vector<16xf32>
      %max3A_3847 = arith.maximumf %max3A_3834, %get3A_3839 : vector<16xf32>
      %get3A_3848 = arith.constant 2 : i32
      %get3A_3849 = arith.index_cast %get3A_3848 : i32 to index
      %get3A_3850 = arith.constant 132 : index
      %get3A_3851 = tpu.vector_load %arg5[%get3A_3849, %get3A_3850] {strides = array<i32>} : memref<32x148xf32, #tpu.memory_space<vmem>>, vector<1x16xf32>,
      %get3A_3852 = vector.shape_cast %get3A_3851 : vector<1x16xf32> to vector<16xf32>
      %eq3A_3853 = arith.constant 0.000000e+00 : f32
      %eq3A_3854 = vector.broadcast %eq3A_3853 : f32 to vector<16xf32>
      %eq3A_3855 = arith.cmpf oeq, %get3A_3852, %eq3A_3854 : vector<16xf32>
      %jit3A_3856 = arith.constant 1.000000e+02 : f32
      %broadcast_in_dim3A_3857 = vector.broadcast %jit3A_3856 : f32 to vector<16xf32>
      %select_n3A_3858 = arith.select %eq3A_3855, %broadcast_in_dim3A_3857, %get3A_3852 : vector<16xi1>, vector<16xf32>
      %min3A_3859 = arith.minimumf %min3A_3846, %select_n3A_3858 : vector<16xf32>
      %max3A_3860 = arith.maximumf %max3A_3847, %get3A_3852 : vector<16xf32>
      %get3A_3861 = arith.constant 3 : i32
      %get3A_3862 = arith.index_cast %get3A_3861 : i32 to index
      %get3A_3863 = arith.constant 132 : index
      %get3A_3864 = tpu.vector_load %arg5[%get3A_3862, %get3A_3863] {strides = array<i32>} : memref<32x148xf32, #tpu.memory_space<vmem>>, vector<1x16xf32>,
      %get3A_3865 = vector.shape_cast %get3A_3864 : vector<1x16xf32> to vector<16xf32>
      %eq3A_3866 = arith.constant 0.000000e+00 : f32
      %eq3A_3867 = vector.broadcast %eq3A_3866 : f32 to vector<16xf32>
      %eq3A_3868 = arith.cmpf oeq, %get3A_3865, %eq3A_3867 : vector<16xf32>
      %jit3A_3869 = arith.constant 1.000000e+02 : f32
      %broadcast_in_dim3A_3870 = vector.broadcast %jit3A_3869 : f32 to vector<16xf32>
      %select_n3A_3871 = arith.select %eq3A_3868, %broadcast_in_dim3A_3870, %get3A_3865 : vector<16xi1>, vector<16xf32>
      %min3A_3872 = arith.minimumf %min3A_3859, %select_n3A_3871 : vector<16xf32>
      %max3A_3873 = arith.maximumf %max3A_3860, %get3A_3865 : vector<16xf32>
      %get3A_3874 = arith.constant 4 : i32
      %get3A_3875 = arith.index_cast %get3A_3874 : i32 to index
      %get3A_3876 = arith.constant 132 : index
      %get3A_3877 = tpu.vector_load %arg5[%get3A_3875, %get3A_3876] {strides = array<i32>} : memref<32x148xf32, #tpu.memory_space<vmem>>, vector<1x16xf32>,
      %get3A_3878 = vector.shape_cast %get3A_3877 : vector<1x16xf32> to vector<16xf32>
      %eq3A_3879 = arith.constant 0.000000e+00 : f32
      %eq3A_3880 = vector.broadcast %eq3A_3879 : f32 to vector<16xf32>
      %eq3A_3881 = arith.cmpf oeq, %get3A_3878, %eq3A_3880 : vector<16xf32>
      %jit3A_3882 = arith.constant 1.000000e+02 : f32
      %broadcast_in_dim3A_3883 = vector.broadcast %jit3A_3882 : f32 to vector<16xf32>
      %select_n3A_3884 = arith.select %eq3A_3881, %broadcast_in_dim3A_3883, %get3A_3878 : vector<16xi1>, vector<16xf32>
      %min3A_3885 = arith.minimumf %min3A_3872, %select_n3A_3884 : vector<16xf32>
      %max3A_3886 = arith.maximumf %max3A_3873, %get3A_3878 : vector<16xf32>
      %get3A_3887 = arith.constant 5 : i32
      %get3A_3888 = arith.index_cast %get3A_3887 : i32 to index
      %get3A_3889 = arith.constant 132 : index
      %get3A_3890 = tpu.vector_load %arg5[%get3A_3888, %get3A_3889] {strides = array<i32>} : memref<32x148xf32, #tpu.memory_space<vmem>>, vector<1x16xf32>,
      %get3A_3891 = vector.shape_cast %get3A_3890 : vector<1x16xf32> to vector<16xf32>
      %eq3A_3892 = arith.constant 0.000000e+00 : f32
      %eq3A_3893 = vector.broadcast %eq3A_3892 : f32 to vector<16xf32>
      %eq3A_3894 = arith.cmpf oeq, %get3A_3891, %eq3A_3893 : vector<16xf32>
      %jit3A_3895 = arith.constant 1.000000e+02 : f32
      %broadcast_in_dim3A_3896 = vector.broadcast %jit3A_3895 : f32 to vector<16xf32>
      %select_n3A_3897 = arith.select %eq3A_3894, %broadcast_in_dim3A_3896, %get3A_3891 : vector<16xi1>, vector<16xf32>
      %min3A_3898 = arith.minimumf %min3A_3885, %select_n3A_3897 : vector<16xf32>
      %max3A_3899 = arith.maximumf %max3A_3886, %get3A_3891 : vector<16xf32>
      %get3A_3900 = arith.constant 6 : i32
      %get3A_3901 = arith.index_cast %get3A_3900 : i32 to index
      %get3A_3902 = arith.constant 132 : index
      %get3A_3903 = tpu.vector_load %arg5[%get3A_3901, %get3A_3902] {strides = array<i32>} : memref<32x148xf32, #tpu.memory_space<vmem>>, vector<1x16xf32>,
      %get3A_3904 = vector.shape_cast %get3A_3903 : vector<1x16xf32> to vector<16xf32>
      %eq3A_3905 = arith.constant 0.000000e+00 : f32
      %eq3A_3906 = vector.broadcast %eq3A_3905 : f32 to vector<16xf32>
      %eq3A_3907 = arith.cmpf oeq, %get3A_3904, %eq3A_3906 : vector<16xf32>
      %jit3A_3908 = arith.constant 1.000000e+02 : f32
      %broadcast_in_dim3A_3909 = vector.broadcast %jit3A_3908 : f32 to vector<16xf32>
      %select_n3A_3910 = arith.select %eq3A_3907, %broadcast_in_dim3A_3909, %get3A_3904 : vector<16xi1>, vector<16xf32>
      %min3A_3911 = arith.minimumf %min3A_3898, %select_n3A_3910 : vector<16xf32>
      %max3A_3912 = arith.maximumf %max3A_3899, %get3A_3904 : vector<16xf32>
      %get3A_3913 = arith.constant 7 : i32
      %get3A_3914 = arith.index_cast %get3A_3913 : i32 to index
      %get3A_3915 = arith.constant 132 : index
      %get3A_3916 = tpu.vector_load %arg5[%get3A_3914, %get3A_3915] {strides = array<i32>} : memref<32x148xf32, #tpu.memory_space<vmem>>, vector<1x16xf32>,
      %get3A_3917 = vector.shape_cast %get3A_3916 : vector<1x16xf32> to vector<16xf32>
      %eq3A_3918 = arith.constant 0.000000e+00 : f32
      %eq3A_3919 = vector.broadcast %eq3A_3918 : f32 to vector<16xf32>
      %eq3A_3920 = arith.cmpf oeq, %get3A_3917, %eq3A_3919 : vector<16xf32>
      %jit3A_3921 = arith.constant 1.000000e+02 : f32
      %broadcast_in_dim3A_3922 = vector.broadcast %jit3A_3921 : f32 to vector<16xf32>
      %select_n3A_3923 = arith.select %eq3A_3920, %broadcast_in_dim3A_3922, %get3A_3917 : vector<16xi1>, vector<16xf32>
      %min3A_3924 = arith.minimumf %min3A_3911, %select_n3A_3923 : vector<16xf32>
      %max3A_3925 = arith.maximumf %max3A_3912, %get3A_3917 : vector<16xf32>
      %get3A_3926 = arith.constant 8 : i32
      %get3A_3927 = arith.index_cast %get3A_3926 : i32 to index
      %get3A_3928 = arith.constant 132 : index
      %get3A_3929 = tpu.vector_load %arg5[%get3A_3927, %get3A_3928] {strides = array<i32>} : memref<32x148xf32, #tpu.memory_space<vmem>>, vector<1x16xf32>,
      %get3A_3930 = vector.shape_cast %get3A_3929 : vector<1x16xf32> to vector<16xf32>
      %eq3A_3931 = arith.constant 0.000000e+00 : f32
      %eq3A_3932 = vector.broadcast %eq3A_3931 : f32 to vector<16xf32>
      %eq3A_3933 = arith.cmpf oeq, %get3A_3930, %eq3A_3932 : vector<16xf32>
      %jit3A_3934 = arith.constant 1.000000e+02 : f32
      %broadcast_in_dim3A_3935 = vector.broadcast %jit3A_3934 : f32 to vector<16xf32>
      %select_n3A_3936 = arith.select %eq3A_3933, %broadcast_in_dim3A_3935, %get3A_3930 : vector<16xi1>, vector<16xf32>
      %min3A_3937 = arith.minimumf %min3A_3924, %select_n3A_3936 : vector<16xf32>
      %max3A_3938 = arith.maximumf %max3A_3925, %get3A_3930 : vector<16xf32>
      %get3A_3939 = arith.constant 9 : i32
      %get3A_3940 = arith.index_cast %get3A_3939 : i32 to index
      %get3A_3941 = arith.constant 132 : index
      %get3A_3942 = tpu.vector_load %arg5[%get3A_3940, %get3A_3941] {strides = array<i32>} : memref<32x148xf32, #tpu.memory_space<vmem>>, vector<1x16xf32>,
      %get3A_3943 = vector.shape_cast %get3A_3942 : vector<1x16xf32> to vector<16xf32>
      %eq3A_3944 = arith.constant 0.000000e+00 : f32
      %eq3A_3945 = vector.broadcast %eq3A_3944 : f32 to vector<16xf32>
      %eq3A_3946 = arith.cmpf oeq, %get3A_3943, %eq3A_3945 : vector<16xf32>
      %jit3A_3947 = arith.constant 1.000000e+02 : f32
      %broadcast_in_dim3A_3948 = vector.broadcast %jit3A_3947 : f32 to vector<16xf32>
      %select_n3A_3949 = arith.select %eq3A_3946, %broadcast_in_dim3A_3948, %get3A_3943 : vector<16xi1>, vector<16xf32>
      %min3A_3950 = arith.minimumf %min3A_3937, %select_n3A_3949 : vector<16xf32>
      %max3A_3951 = arith.maximumf %max3A_3938, %get3A_3943 : vector<16xf32>
      %get3A_3952 = arith.constant 10 : i32
      %get3A_3953 = arith.index_cast %get3A_3952 : i32 to index
      %get3A_3954 = arith.constant 132 : index
      %get3A_3955 = tpu.vector_load %arg5[%get3A_3953, %get3A_3954] {strides = array<i32>} : memref<32x148xf32, #tpu.memory_space<vmem>>, vector<1x16xf32>,
      %get3A_3956 = vector.shape_cast %get3A_3955 : vector<1x16xf32> to vector<16xf32>
      %eq3A_3957 = arith.constant 0.000000e+00 : f32
      %eq3A_3958 = vector.broadcast %eq3A_3957 : f32 to vector<16xf32>
      %eq3A_3959 = arith.cmpf oeq, %get3A_3956, %eq3A_3958 : vector<16xf32>
      %jit3A_3960 = arith.constant 1.000000e+02 : f32
      %broadcast_in_dim3A_3961 = vector.broadcast %jit3A_3960 : f32 to vector<16xf32>
      %select_n3A_3962 = arith.select %eq3A_3959, %broadcast_in_dim3A_3961, %get3A_3956 : vector<16xi1>, vector<16xf32>
      %min3A_3963 = arith.minimumf %min3A_3950, %select_n3A_3962 : vector<16xf32>
      %max3A_3964 = arith.maximumf %max3A_3951, %get3A_3956 : vector<16xf32>
      %get3A_3965 = arith.constant 11 : i32
      %get3A_3966 = arith.index_cast %get3A_3965 : i32 to index
      %get3A_3967 = arith.constant 132 : index
      %get3A_3968 = tpu.vector_load %arg5[%get3A_3966, %get3A_3967] {strides = array<i32>} : memref<32x148xf32, #tpu.memory_space<vmem>>, vector<1x16xf32>,
      %get3A_3969 = vector.shape_cast %get3A_3968 : vector<1x16xf32> to vector<16xf32>
      %eq3A_3970 = arith.constant 0.000000e+00 : f32
      %eq3A_3971 = vector.broadcast %eq3A_3970 : f32 to vector<16xf32>
      %eq3A_3972 = arith.cmpf oeq, %get3A_3969, %eq3A_3971 : vector<16xf32>
      %jit3A_3973 = arith.constant 1.000000e+02 : f32
      %broadcast_in_dim3A_3974 = vector.broadcast %jit3A_3973 : f32 to vector<16xf32>
      %select_n3A_3975 = arith.select %eq3A_3972, %broadcast_in_dim3A_3974, %get3A_3969 : vector<16xi1>, vector<16xf32>
      %min3A_3976 = arith.minimumf %min3A_3963, %select_n3A_3975 : vector<16xf32>
      %max3A_3977 = arith.maximumf %max3A_3964, %get3A_3969 : vector<16xf32>
      %get3A_3978 = arith.constant 12 : i32
      %get3A_3979 = arith.index_cast %get3A_3978 : i32 to index
      %get3A_3980 = arith.constant 132 : index
      %get3A_3981 = tpu.vector_load %arg5[%get3A_3979, %get3A_3980] {strides = array<i32>} : memref<32x148xf32, #tpu.memory_space<vmem>>, vector<1x16xf32>,
      %get3A_3982 = vector.shape_cast %get3A_3981 : vector<1x16xf32> to vector<16xf32>
      %eq3A_3983 = arith.constant 0.000000e+00 : f32
      %eq3A_3984 = vector.broadcast %eq3A_3983 : f32 to vector<16xf32>
      %eq3A_3985 = arith.cmpf oeq, %get3A_3982, %eq3A_3984 : vector<16xf32>
      %jit3A_3986 = arith.constant 1.000000e+02 : f32
      %broadcast_in_dim3A_3987 = vector.broadcast %jit3A_3986 : f32 to vector<16xf32>
      %select_n3A_3988 = arith.select %eq3A_3985, %broadcast_in_dim3A_3987, %get3A_3982 : vector<16xi1>, vector<16xf32>
      %min3A_3989 = arith.minimumf %min3A_3976, %select_n3A_3988 : vector<16xf32>
      %max3A_3990 = arith.maximumf %max3A_3977, %get3A_3982 : vector<16xf32>
      %get3A_3991 = arith.constant 13 : i32
      %get3A_3992 = arith.index_cast %get3A_3991 : i32 to index
      %get3A_3993 = arith.constant 132 : index
      %get3A_3994 = tpu.vector_load %arg5[%get3A_3992, %get3A_3993] {strides = array<i32>} : memref<32x148xf32, #tpu.memory_space<vmem>>, vector<1x16xf32>,
      %get3A_3995 = vector.shape_cast %get3A_3994 : vector<1x16xf32> to vector<16xf32>
      %eq3A_3996 = arith.constant 0.000000e+00 : f32
      %eq3A_3997 = vector.broadcast %eq3A_3996 : f32 to vector<16xf32>
      %eq3A_3998 = arith.cmpf oeq, %get3A_3995, %eq3A_3997 : vector<16xf32>
      %jit3A_3999 = arith.constant 1.000000e+02 : f32
      %broadcast_in_dim3A_4000 = vector.broadcast %jit3A_3999 : f32 to vector<16xf32>
      %select_n3A_4001 = arith.select %eq3A_3998, %broadcast_in_dim3A_4000, %get3A_3995 : vector<16xi1>, vector<16xf32>
      %min3A_4002 = arith.minimumf %min3A_3989, %select_n3A_4001 : vector<16xf32>
      %max3A_4003 = arith.maximumf %max3A_3990, %get3A_3995 : vector<16xf32>
      %get3A_4004 = arith.constant 14 : i32
      %get3A_4005 = arith.index_cast %get3A_4004 : i32 to index
      %get3A_4006 = arith.constant 132 : index
      %get3A_4007 = tpu.vector_load %arg5[%get3A_4005, %get3A_4006] {strides = array<i32>} : memref<32x148xf32, #tpu.memory_space<vmem>>, vector<1x16xf32>,
      %get3A_4008 = vector.shape_cast %get3A_4007 : vector<1x16xf32> to vector<16xf32>
      %eq3A_4009 = arith.constant 0.000000e+00 : f32
      %eq3A_4010 = vector.broadcast %eq3A_4009 : f32 to vector<16xf32>
      %eq3A_4011 = arith.cmpf oeq, %get3A_4008, %eq3A_4010 : vector<16xf32>
      %jit3A_4012 = arith.constant 1.000000e+02 : f32
      %broadcast_in_dim3A_4013 = vector.broadcast %jit3A_4012 : f32 to vector<16xf32>
      %select_n3A_4014 = arith.select %eq3A_4011, %broadcast_in_dim3A_4013, %get3A_4008 : vector<16xi1>, vector<16xf32>
      %min3A_4015 = arith.minimumf %min3A_4002, %select_n3A_4014 : vector<16xf32>
      %max3A_4016 = arith.maximumf %max3A_4003, %get3A_4008 : vector<16xf32>
      %get3A_4017 = arith.constant 15 : i32
      %get3A_4018 = arith.index_cast %get3A_4017 : i32 to index
      %get3A_4019 = arith.constant 132 : index
      %get3A_4020 = tpu.vector_load %arg5[%get3A_4018, %get3A_4019] {strides = array<i32>} : memref<32x148xf32, #tpu.memory_space<vmem>>, vector<1x16xf32>,
      %get3A_4021 = vector.shape_cast %get3A_4020 : vector<1x16xf32> to vector<16xf32>
      %eq3A_4022 = arith.constant 0.000000e+00 : f32
      %eq3A_4023 = vector.broadcast %eq3A_4022 : f32 to vector<16xf32>
      %eq3A_4024 = arith.cmpf oeq, %get3A_4021, %eq3A_4023 : vector<16xf32>
      %jit3A_4025 = arith.constant 1.000000e+02 : f32
      %broadcast_in_dim3A_4026 = vector.broadcast %jit3A_4025 : f32 to vector<16xf32>
      %select_n3A_4027 = arith.select %eq3A_4024, %broadcast_in_dim3A_4026, %get3A_4021 : vector<16xi1>, vector<16xf32>
      %min3A_4028 = arith.minimumf %min3A_4015, %select_n3A_4027 : vector<16xf32>
      %max3A_4029 = arith.maximumf %max3A_4016, %get3A_4021 : vector<16xf32>
      %get3A_4030 = arith.constant 16 : i32
      %get3A_4031 = arith.index_cast %get3A_4030 : i32 to index
      %get3A_4032 = arith.constant 132 : index
      %get3A_4033 = tpu.vector_load %arg5[%get3A_4031, %get3A_4032] {strides = array<i32>} : memref<32x148xf32, #tpu.memory_space<vmem>>, vector<1x16xf32>,
      %get3A_4034 = vector.shape_cast %get3A_4033 : vector<1x16xf32> to vector<16xf32>
      %eq3A_4035 = arith.constant 0.000000e+00 : f32
      %eq3A_4036 = vector.broadcast %eq3A_4035 : f32 to vector<16xf32>
      %eq3A_4037 = arith.cmpf oeq, %get3A_4034, %eq3A_4036 : vector<16xf32>
      %jit3A_4038 = arith.constant 1.000000e+02 : f32
      %broadcast_in_dim3A_4039 = vector.broadcast %jit3A_4038 : f32 to vector<16xf32>
      %select_n3A_4040 = arith.select %eq3A_4037, %broadcast_in_dim3A_4039, %get3A_4034 : vector<16xi1>, vector<16xf32>
      %min3A_4041 = arith.minimumf %min3A_4028, %select_n3A_4040 : vector<16xf32>
      %max3A_4042 = arith.maximumf %max3A_4029, %get3A_4034 : vector<16xf32>
      %get3A_4043 = arith.constant 17 : i32
      %get3A_4044 = arith.index_cast %get3A_4043 : i32 to index
      %get3A_4045 = arith.constant 132 : index
      %get3A_4046 = tpu.vector_load %arg5[%get3A_4044, %get3A_4045] {strides = array<i32>} : memref<32x148xf32, #tpu.memory_space<vmem>>, vector<1x16xf32>,
      %get3A_4047 = vector.shape_cast %get3A_4046 : vector<1x16xf32> to vector<16xf32>
      %eq3A_4048 = arith.constant 0.000000e+00 : f32
      %eq3A_4049 = vector.broadcast %eq3A_4048 : f32 to vector<16xf32>
      %eq3A_4050 = arith.cmpf oeq, %get3A_4047, %eq3A_4049 : vector<16xf32>
      %jit3A_4051 = arith.constant 1.000000e+02 : f32
      %broadcast_in_dim3A_4052 = vector.broadcast %jit3A_4051 : f32 to vector<16xf32>
      %select_n3A_4053 = arith.select %eq3A_4050, %broadcast_in_dim3A_4052, %get3A_4047 : vector<16xi1>, vector<16xf32>
      %min3A_4054 = arith.minimumf %min3A_4041, %select_n3A_4053 : vector<16xf32>
      %max3A_4055 = arith.maximumf %max3A_4042, %get3A_4047 : vector<16xf32>
      %get3A_4056 = arith.constant 18 : i32
      %get3A_4057 = arith.index_cast %get3A_4056 : i32 to index
      %get3A_4058 = arith.constant 132 : index
      %get3A_4059 = tpu.vector_load %arg5[%get3A_4057, %get3A_4058] {strides = array<i32>} : memref<32x148xf32, #tpu.memory_space<vmem>>, vector<1x16xf32>,
      %get3A_4060 = vector.shape_cast %get3A_4059 : vector<1x16xf32> to vector<16xf32>
      %eq3A_4061 = arith.constant 0.000000e+00 : f32
      %eq3A_4062 = vector.broadcast %eq3A_4061 : f32 to vector<16xf32>
      %eq3A_4063 = arith.cmpf oeq, %get3A_4060, %eq3A_4062 : vector<16xf32>
      %jit3A_4064 = arith.constant 1.000000e+02 : f32
      %broadcast_in_dim3A_4065 = vector.broadcast %jit3A_4064 : f32 to vector<16xf32>
      %select_n3A_4066 = arith.select %eq3A_4063, %broadcast_in_dim3A_4065, %get3A_4060 : vector<16xi1>, vector<16xf32>
      %min3A_4067 = arith.minimumf %min3A_4054, %select_n3A_4066 : vector<16xf32>
      %max3A_4068 = arith.maximumf %max3A_4055, %get3A_4060 : vector<16xf32>
      %get3A_4069 = arith.constant 19 : i32
      %get3A_4070 = arith.index_cast %get3A_4069 : i32 to index
      %get3A_4071 = arith.constant 132 : index
      %get3A_4072 = tpu.vector_load %arg5[%get3A_4070, %get3A_4071] {strides = array<i32>} : memref<32x148xf32, #tpu.memory_space<vmem>>, vector<1x16xf32>,
      %get3A_4073 = vector.shape_cast %get3A_4072 : vector<1x16xf32> to vector<16xf32>
      %eq3A_4074 = arith.constant 0.000000e+00 : f32
      %eq3A_4075 = vector.broadcast %eq3A_4074 : f32 to vector<16xf32>
      %eq3A_4076 = arith.cmpf oeq, %get3A_4073, %eq3A_4075 : vector<16xf32>
      %jit3A_4077 = arith.constant 1.000000e+02 : f32
      %broadcast_in_dim3A_4078 = vector.broadcast %jit3A_4077 : f32 to vector<16xf32>
      %select_n3A_4079 = arith.select %eq3A_4076, %broadcast_in_dim3A_4078, %get3A_4073 : vector<16xi1>, vector<16xf32>
      %min3A_4080 = arith.minimumf %min3A_4067, %select_n3A_4079 : vector<16xf32>
      %max3A_4081 = arith.maximumf %max3A_4068, %get3A_4073 : vector<16xf32>
      %get3A_4082 = arith.constant 20 : i32
      %get3A_4083 = arith.index_cast %get3A_4082 : i32 to index
      %get3A_4084 = arith.constant 132 : index
      %get3A_4085 = tpu.vector_load %arg5[%get3A_4083, %get3A_4084] {strides = array<i32>} : memref<32x148xf32, #tpu.memory_space<vmem>>, vector<1x16xf32>,
      %get3A_4086 = vector.shape_cast %get3A_4085 : vector<1x16xf32> to vector<16xf32>
      %eq3A_4087 = arith.constant 0.000000e+00 : f32
      %eq3A_4088 = vector.broadcast %eq3A_4087 : f32 to vector<16xf32>
      %eq3A_4089 = arith.cmpf oeq, %get3A_4086, %eq3A_4088 : vector<16xf32>
      %jit3A_4090 = arith.constant 1.000000e+02 : f32
      %broadcast_in_dim3A_4091 = vector.broadcast %jit3A_4090 : f32 to vector<16xf32>
      %select_n3A_4092 = arith.select %eq3A_4089, %broadcast_in_dim3A_4091, %get3A_4086 : vector<16xi1>, vector<16xf32>
      %min3A_4093 = arith.minimumf %min3A_4080, %select_n3A_4092 : vector<16xf32>
      %max3A_4094 = arith.maximumf %max3A_4081, %get3A_4086 : vector<16xf32>
      %get3A_4095 = arith.constant 21 : i32
      %get3A_4096 = arith.index_cast %get3A_4095 : i32 to index
      %get3A_4097 = arith.constant 132 : index
      %get3A_4098 = tpu.vector_load %arg5[%get3A_4096, %get3A_4097] {strides = array<i32>} : memref<32x148xf32, #tpu.memory_space<vmem>>, vector<1x16xf32>,
      %get3A_4099 = vector.shape_cast %get3A_4098 : vector<1x16xf32> to vector<16xf32>
      %eq3A_4100 = arith.constant 0.000000e+00 : f32
      %eq3A_4101 = vector.broadcast %eq3A_4100 : f32 to vector<16xf32>
      %eq3A_4102 = arith.cmpf oeq, %get3A_4099, %eq3A_4101 : vector<16xf32>
      %jit3A_4103 = arith.constant 1.000000e+02 : f32
      %broadcast_in_dim3A_4104 = vector.broadcast %jit3A_4103 : f32 to vector<16xf32>
      %select_n3A_4105 = arith.select %eq3A_4102, %broadcast_in_dim3A_4104, %get3A_4099 : vector<16xi1>, vector<16xf32>
      %min3A_4106 = arith.minimumf %min3A_4093, %select_n3A_4105 : vector<16xf32>
      %max3A_4107 = arith.maximumf %max3A_4094, %get3A_4099 : vector<16xf32>
      %get3A_4108 = arith.constant 22 : i32
      %get3A_4109 = arith.index_cast %get3A_4108 : i32 to index
      %get3A_4110 = arith.constant 132 : index
      %get3A_4111 = tpu.vector_load %arg5[%get3A_4109, %get3A_4110] {strides = array<i32>} : memref<32x148xf32, #tpu.memory_space<vmem>>, vector<1x16xf32>,
      %get3A_4112 = vector.shape_cast %get3A_4111 : vector<1x16xf32> to vector<16xf32>
      %eq3A_4113 = arith.constant 0.000000e+00 : f32
      %eq3A_4114 = vector.broadcast %eq3A_4113 : f32 to vector<16xf32>
      %eq3A_4115 = arith.cmpf oeq, %get3A_4112, %eq3A_4114 : vector<16xf32>
      %jit3A_4116 = arith.constant 1.000000e+02 : f32
      %broadcast_in_dim3A_4117 = vector.broadcast %jit3A_4116 : f32 to vector<16xf32>
      %select_n3A_4118 = arith.select %eq3A_4115, %broadcast_in_dim3A_4117, %get3A_4112 : vector<16xi1>, vector<16xf32>
      %min3A_4119 = arith.minimumf %min3A_4106, %select_n3A_4118 : vector<16xf32>
      %max3A_4120 = arith.maximumf %max3A_4107, %get3A_4112 : vector<16xf32>
      %get3A_4121 = arith.constant 23 : i32
      %get3A_4122 = arith.index_cast %get3A_4121 : i32 to index
      %get3A_4123 = arith.constant 132 : index
      %get3A_4124 = tpu.vector_load %arg5[%get3A_4122, %get3A_4123] {strides = array<i32>} : memref<32x148xf32, #tpu.memory_space<vmem>>, vector<1x16xf32>,
      %get3A_4125 = vector.shape_cast %get3A_4124 : vector<1x16xf32> to vector<16xf32>
      %eq3A_4126 = arith.constant 0.000000e+00 : f32
      %eq3A_4127 = vector.broadcast %eq3A_4126 : f32 to vector<16xf32>
      %eq3A_4128 = arith.cmpf oeq, %get3A_4125, %eq3A_4127 : vector<16xf32>
      %jit3A_4129 = arith.constant 1.000000e+02 : f32
      %broadcast_in_dim3A_4130 = vector.broadcast %jit3A_4129 : f32 to vector<16xf32>
      %select_n3A_4131 = arith.select %eq3A_4128, %broadcast_in_dim3A_4130, %get3A_4125 : vector<16xi1>, vector<16xf32>
      %min3A_4132 = arith.minimumf %min3A_4119, %select_n3A_4131 : vector<16xf32>
      %max3A_4133 = arith.maximumf %max3A_4120, %get3A_4125 : vector<16xf32>
      %get3A_4134 = arith.constant 24 : i32
      %get3A_4135 = arith.index_cast %get3A_4134 : i32 to index
      %get3A_4136 = arith.constant 132 : index
      %get3A_4137 = tpu.vector_load %arg5[%get3A_4135, %get3A_4136] {strides = array<i32>} : memref<32x148xf32, #tpu.memory_space<vmem>>, vector<1x16xf32>,
      %get3A_4138 = vector.shape_cast %get3A_4137 : vector<1x16xf32> to vector<16xf32>
      %eq3A_4139 = arith.constant 0.000000e+00 : f32
      %eq3A_4140 = vector.broadcast %eq3A_4139 : f32 to vector<16xf32>
      %eq3A_4141 = arith.cmpf oeq, %get3A_4138, %eq3A_4140 : vector<16xf32>
      %jit3A_4142 = arith.constant 1.000000e+02 : f32
      %broadcast_in_dim3A_4143 = vector.broadcast %jit3A_4142 : f32 to vector<16xf32>
      %select_n3A_4144 = arith.select %eq3A_4141, %broadcast_in_dim3A_4143, %get3A_4138 : vector<16xi1>, vector<16xf32>
      %min3A_4145 = arith.minimumf %min3A_4132, %select_n3A_4144 : vector<16xf32>
      %max3A_4146 = arith.maximumf %max3A_4133, %get3A_4138 : vector<16xf32>
      %get3A_4147 = arith.constant 25 : i32
      %get3A_4148 = arith.index_cast %get3A_4147 : i32 to index
      %get3A_4149 = arith.constant 132 : index
      %get3A_4150 = tpu.vector_load %arg5[%get3A_4148, %get3A_4149] {strides = array<i32>} : memref<32x148xf32, #tpu.memory_space<vmem>>, vector<1x16xf32>,
      %get3A_4151 = vector.shape_cast %get3A_4150 : vector<1x16xf32> to vector<16xf32>
      %eq3A_4152 = arith.constant 0.000000e+00 : f32
      %eq3A_4153 = vector.broadcast %eq3A_4152 : f32 to vector<16xf32>
      %eq3A_4154 = arith.cmpf oeq, %get3A_4151, %eq3A_4153 : vector<16xf32>
      %jit3A_4155 = arith.constant 1.000000e+02 : f32
      %broadcast_in_dim3A_4156 = vector.broadcast %jit3A_4155 : f32 to vector<16xf32>
      %select_n3A_4157 = arith.select %eq3A_4154, %broadcast_in_dim3A_4156, %get3A_4151 : vector<16xi1>, vector<16xf32>
      %min3A_4158 = arith.minimumf %min3A_4145, %select_n3A_4157 : vector<16xf32>
      %max3A_4159 = arith.maximumf %max3A_4146, %get3A_4151 : vector<16xf32>
      %get3A_4160 = arith.constant 26 : i32
      %get3A_4161 = arith.index_cast %get3A_4160 : i32 to index
      %get3A_4162 = arith.constant 132 : index
      %get3A_4163 = tpu.vector_load %arg5[%get3A_4161, %get3A_4162] {strides = array<i32>} : memref<32x148xf32, #tpu.memory_space<vmem>>, vector<1x16xf32>,
      %get3A_4164 = vector.shape_cast %get3A_4163 : vector<1x16xf32> to vector<16xf32>
      %eq3A_4165 = arith.constant 0.000000e+00 : f32
      %eq3A_4166 = vector.broadcast %eq3A_4165 : f32 to vector<16xf32>
      %eq3A_4167 = arith.cmpf oeq, %get3A_4164, %eq3A_4166 : vector<16xf32>
      %jit3A_4168 = arith.constant 1.000000e+02 : f32
      %broadcast_in_dim3A_4169 = vector.broadcast %jit3A_4168 : f32 to vector<16xf32>
      %select_n3A_4170 = arith.select %eq3A_4167, %broadcast_in_dim3A_4169, %get3A_4164 : vector<16xi1>, vector<16xf32>
      %min3A_4171 = arith.minimumf %min3A_4158, %select_n3A_4170 : vector<16xf32>
      %max3A_4172 = arith.maximumf %max3A_4159, %get3A_4164 : vector<16xf32>
      %get3A_4173 = arith.constant 27 : i32
      %get3A_4174 = arith.index_cast %get3A_4173 : i32 to index
      %get3A_4175 = arith.constant 132 : index
      %get3A_4176 = tpu.vector_load %arg5[%get3A_4174, %get3A_4175] {strides = array<i32>} : memref<32x148xf32, #tpu.memory_space<vmem>>, vector<1x16xf32>,
      %get3A_4177 = vector.shape_cast %get3A_4176 : vector<1x16xf32> to vector<16xf32>
      %eq3A_4178 = arith.constant 0.000000e+00 : f32
      %eq3A_4179 = vector.broadcast %eq3A_4178 : f32 to vector<16xf32>
      %eq3A_4180 = arith.cmpf oeq, %get3A_4177, %eq3A_4179 : vector<16xf32>
      %jit3A_4181 = arith.constant 1.000000e+02 : f32
      %broadcast_in_dim3A_4182 = vector.broadcast %jit3A_4181 : f32 to vector<16xf32>
      %select_n3A_4183 = arith.select %eq3A_4180, %broadcast_in_dim3A_4182, %get3A_4177 : vector<16xi1>, vector<16xf32>
      %min3A_4184 = arith.minimumf %min3A_4171, %select_n3A_4183 : vector<16xf32>
      %max3A_4185 = arith.maximumf %max3A_4172, %get3A_4177 : vector<16xf32>
      %get3A_4186 = arith.constant 28 : i32
      %get3A_4187 = arith.index_cast %get3A_4186 : i32 to index
      %get3A_4188 = arith.constant 132 : index
      %get3A_4189 = tpu.vector_load %arg5[%get3A_4187, %get3A_4188] {strides = array<i32>} : memref<32x148xf32, #tpu.memory_space<vmem>>, vector<1x16xf32>,
      %get3A_4190 = vector.shape_cast %get3A_4189 : vector<1x16xf32> to vector<16xf32>
      %eq3A_4191 = arith.constant 0.000000e+00 : f32
      %eq3A_4192 = vector.broadcast %eq3A_4191 : f32 to vector<16xf32>
      %eq3A_4193 = arith.cmpf oeq, %get3A_4190, %eq3A_4192 : vector<16xf32>
      %jit3A_4194 = arith.constant 1.000000e+02 : f32
      %broadcast_in_dim3A_4195 = vector.broadcast %jit3A_4194 : f32 to vector<16xf32>
      %select_n3A_4196 = arith.select %eq3A_4193, %broadcast_in_dim3A_4195, %get3A_4190 : vector<16xi1>, vector<16xf32>
      %min3A_4197 = arith.minimumf %min3A_4184, %select_n3A_4196 : vector<16xf32>
      %max3A_4198 = arith.maximumf %max3A_4185, %get3A_4190 : vector<16xf32>
      %get3A_4199 = arith.constant 29 : i32
      %get3A_4200 = arith.index_cast %get3A_4199 : i32 to index
      %get3A_4201 = arith.constant 132 : index
      %get3A_4202 = tpu.vector_load %arg5[%get3A_4200, %get3A_4201] {strides = array<i32>} : memref<32x148xf32, #tpu.memory_space<vmem>>, vector<1x16xf32>,
      %get3A_4203 = vector.shape_cast %get3A_4202 : vector<1x16xf32> to vector<16xf32>
      %eq3A_4204 = arith.constant 0.000000e+00 : f32
      %eq3A_4205 = vector.broadcast %eq3A_4204 : f32 to vector<16xf32>
      %eq3A_4206 = arith.cmpf oeq, %get3A_4203, %eq3A_4205 : vector<16xf32>
      %jit3A_4207 = arith.constant 1.000000e+02 : f32
      %broadcast_in_dim3A_4208 = vector.broadcast %jit3A_4207 : f32 to vector<16xf32>
      %select_n3A_4209 = arith.select %eq3A_4206, %broadcast_in_dim3A_4208, %get3A_4203 : vector<16xi1>, vector<16xf32>
      %min3A_4210 = arith.minimumf %min3A_4197, %select_n3A_4209 : vector<16xf32>
      %max3A_4211 = arith.maximumf %max3A_4198, %get3A_4203 : vector<16xf32>
      %get3A_4212 = arith.constant 30 : i32
      %get3A_4213 = arith.index_cast %get3A_4212 : i32 to index
      %get3A_4214 = arith.constant 132 : index
      %get3A_4215 = tpu.vector_load %arg5[%get3A_4213, %get3A_4214] {strides = array<i32>} : memref<32x148xf32, #tpu.memory_space<vmem>>, vector<1x16xf32>,
      %get3A_4216 = vector.shape_cast %get3A_4215 : vector<1x16xf32> to vector<16xf32>
      %eq3A_4217 = arith.constant 0.000000e+00 : f32
      %eq3A_4218 = vector.broadcast %eq3A_4217 : f32 to vector<16xf32>
      %eq3A_4219 = arith.cmpf oeq, %get3A_4216, %eq3A_4218 : vector<16xf32>
      %jit3A_4220 = arith.constant 1.000000e+02 : f32
      %broadcast_in_dim3A_4221 = vector.broadcast %jit3A_4220 : f32 to vector<16xf32>
      %select_n3A_4222 = arith.select %eq3A_4219, %broadcast_in_dim3A_4221, %get3A_4216 : vector<16xi1>, vector<16xf32>
      %min3A_4223 = arith.minimumf %min3A_4210, %select_n3A_4222 : vector<16xf32>
      %max3A_4224 = arith.maximumf %max3A_4211, %get3A_4216 : vector<16xf32>
      %get3A_4225 = arith.constant 31 : i32
      %get3A_4226 = arith.index_cast %get3A_4225 : i32 to index
      %get3A_4227 = arith.constant 132 : index
      %get3A_4228 = tpu.vector_load %arg5[%get3A_4226, %get3A_4227] {strides = array<i32>} : memref<32x148xf32, #tpu.memory_space<vmem>>, vector<1x16xf32>,
      %get3A_4229 = vector.shape_cast %get3A_4228 : vector<1x16xf32> to vector<16xf32>
      %eq3A_4230 = arith.constant 0.000000e+00 : f32
      %eq3A_4231 = vector.broadcast %eq3A_4230 : f32 to vector<16xf32>
      %eq3A_4232 = arith.cmpf oeq, %get3A_4229, %eq3A_4231 : vector<16xf32>
      %jit3A_4233 = arith.constant 1.000000e+02 : f32
      %broadcast_in_dim3A_4234 = vector.broadcast %jit3A_4233 : f32 to vector<16xf32>
      %select_n3A_4235 = arith.select %eq3A_4232, %broadcast_in_dim3A_4234, %get3A_4229 : vector<16xi1>, vector<16xf32>
      %min3A_4236 = arith.minimumf %min3A_4223, %select_n3A_4235 : vector<16xf32>
      %max3A_4237 = arith.maximumf %max3A_4224, %get3A_4229 : vector<16xf32>
      %swap3A_4238 = arith.constant 132 : index
      %swap3A_4239 = tpu.vector_load %arg6[%swap3A_4238] {strides = array<i32>} : memref<148xf32, #tpu.memory_space<vmem>>, vector<16xf32>,
      %swap3A_4240 = vector.shape_cast %swap3A_4239 : vector<16xf32> to vector<16xf32>
      %swap3A_4241 = vector.shape_cast %min3A_4236 : vector<16xf32> to vector<16xf32>
      tpu.vector_store %arg6[%swap3A_4238], %swap3A_4241 {strides = array<i32>} : memref<148xf32, #tpu.memory_space<vmem>>, vector<16xf32>,
      %swap3A_4242 = arith.constant 132 : index
      %swap3A_4243 = tpu.vector_load %arg7[%swap3A_4242] {strides = array<i32>} : memref<148xf32, #tpu.memory_space<vmem>>, vector<16xf32>,
      %swap3A_4244 = vector.shape_cast %swap3A_4243 : vector<16xf32> to vector<16xf32>
      %swap3A_4245 = vector.shape_cast %max3A_4237 : vector<16xf32> to vector<16xf32>
      tpu.vector_store %arg7[%swap3A_4242], %swap3A_4245 {strides = array<i32>} : memref<148xf32, #tpu.memory_space<vmem>>, vector<16xf32>,
      "tpu.region"() ({
        %run_scoped3A = tpu.sem_alloc : memref<!tpu.dma_semaphore, #tpu.memory_space<semaphore_mem>>
        %dma_start3A = arith.constant 0 : i32
        %dma_start3A_4246 = tpu.memref_slice %arg3[%add3A_12, %dma_start3A] : memref<1024x148xf32, #tpu.memory_space<hbm>> -> memref<1x148xf32, #tpu.memory_space<hbm>>
        %dma_start3A_4247 = tpu.memref_squeeze %dma_start3A_4246 : memref<1x148xf32, #tpu.memory_space<hbm>> -> memref<148xf32, #tpu.memory_space<hbm>>
        %dma_start3A_4248 = arith.constant 0 : i32
        %dma_start3A_4249 = tpu.memref_slice %arg3[%add3A_12, %dma_start3A_4248] : memref<1024x148xf32, #tpu.memory_space<hbm>> -> memref<1x148xf32, #tpu.memory_space<hbm>>
        %dma_start3A_4250 = tpu.memref_squeeze %dma_start3A_4249 : memref<1x148xf32, #tpu.memory_space<hbm>> -> memref<148xf32, #tpu.memory_space<hbm>>
        tpu.enqueue_dma source(%arg6 : memref<148xf32, #tpu.memory_space<vmem>>) target(%dma_start3A_4250 : memref<148xf32, #tpu.memory_space<hbm>>) target_semaphore(%run_scoped3A : memref<!tpu.dma_semaphore, #tpu.memory_space<semaphore_mem>>)
        %dma_wait3A = arith.constant 0 : i32
        %dma_wait3A_4251 = tpu.memref_slice %arg3[%add3A_12, %dma_wait3A] : memref<1024x148xf32, #tpu.memory_space<hbm>> -> memref<1x148xf32, #tpu.memory_space<hbm>>
        %dma_wait3A_4252 = tpu.memref_squeeze %dma_wait3A_4251 : memref<1x148xf32, #tpu.memory_space<hbm>> -> memref<148xf32, #tpu.memory_space<hbm>>
        %dma_wait3A_4253 = arith.constant 0 : i32
        %dma_wait3A_4254 = tpu.memref_slice %arg3[%add3A_12, %dma_wait3A_4253] : memref<1024x148xf32, #tpu.memory_space<hbm>> -> memref<1x148xf32, #tpu.memory_space<hbm>>
        %dma_wait3A_4255 = tpu.memref_squeeze %dma_wait3A_4254 : memref<1x148xf32, #tpu.memory_space<hbm>> -> memref<148xf32, #tpu.memory_space<hbm>>
        tpu.wait_dma2 semaphore(%run_scoped3A : memref<!tpu.dma_semaphore, #tpu.memory_space<semaphore_mem>>) src(%arg6 : memref<148xf32, #tpu.memory_space<vmem>>) dst(%dma_wait3A_4255 : memref<148xf32, #tpu.memory_space<hbm>>)
        tpu.yield
      }) : () -> ()
      "tpu.region"() ({
        %run_scoped3A = tpu.sem_alloc : memref<!tpu.dma_semaphore, #tpu.memory_space<semaphore_mem>>
        %dma_start3A = arith.constant 0 : i32
        %dma_start3A_4246 = tpu.memref_slice %arg4[%add3A_12, %dma_start3A] : memref<1024x148xf32, #tpu.memory_space<hbm>> -> memref<1x148xf32, #tpu.memory_space<hbm>>
        %dma_start3A_4247 = tpu.memref_squeeze %dma_start3A_4246 : memref<1x148xf32, #tpu.memory_space<hbm>> -> memref<148xf32, #tpu.memory_space<hbm>>
        %dma_start3A_4248 = arith.constant 0 : i32
        %dma_start3A_4249 = tpu.memref_slice %arg4[%add3A_12, %dma_start3A_4248] : memref<1024x148xf32, #tpu.memory_space<hbm>> -> memref<1x148xf32, #tpu.memory_space<hbm>>
        %dma_start3A_4250 = tpu.memref_squeeze %dma_start3A_4249 : memref<1x148xf32, #tpu.memory_space<hbm>> -> memref<148xf32, #tpu.memory_space<hbm>>
        tpu.enqueue_dma source(%arg7 : memref<148xf32, #tpu.memory_space<vmem>>) target(%dma_start3A_4250 : memref<148xf32, #tpu.memory_space<hbm>>) target_semaphore(%run_scoped3A : memref<!tpu.dma_semaphore, #tpu.memory_space<semaphore_mem>>)
        %dma_wait3A = arith.constant 0 : i32
        %dma_wait3A_4251 = tpu.memref_slice %arg4[%add3A_12, %dma_wait3A] : memref<1024x148xf32, #tpu.memory_space<hbm>> -> memref<1x148xf32, #tpu.memory_space<hbm>>
        %dma_wait3A_4252 = tpu.memref_squeeze %dma_wait3A_4251 : memref<1x148xf32, #tpu.memory_space<hbm>> -> memref<148xf32, #tpu.memory_space<hbm>>
        %dma_wait3A_4253 = arith.constant 0 : i32
        %dma_wait3A_4254 = tpu.memref_slice %arg4[%add3A_12, %dma_wait3A_4253] : memref<1024x148xf32, #tpu.memory_space<hbm>> -> memref<1x148xf32, #tpu.memory_space<hbm>>
        %dma_wait3A_4255 = tpu.memref_squeeze %dma_wait3A_4254 : memref<1x148xf32, #tpu.memory_space<hbm>> -> memref<148xf32, #tpu.memory_space<hbm>>
        tpu.wait_dma2 semaphore(%run_scoped3A : memref<!tpu.dma_semaphore, #tpu.memory_space<semaphore_mem>>) src(%arg7 : memref<148xf32, #tpu.memory_space<vmem>>) dst(%dma_wait3A_4255 : memref<148xf32, #tpu.memory_space<hbm>>)
        tpu.yield
      }) : () -> ()
    }
    %scan3A_10 = arith.constant 32 : i32
    return
  }
}

module attributes {stable_mosaic.version = 14 : i64} {
  func.func @_pool_kernel(%arg0: i32, %arg1: memref<128x148x64xf32, #tpu.memory_space<vmem>>, %arg2: memref<128x148xf32, #tpu.memory_space<vmem>>, %arg3: memref<128x148xf32, #tpu.memory_space<vmem>>) attributes {dimension_semantics = [#tpu.dimension_semantics<parallel>], iteration_bounds = array<i64: 8>, scalar_prefetch = 0 : i64, scratch_operands = 0 : i64, tpu.core_type = #tpu.core_type<tc>, window_params = [{transform_indices = @transform_0, window_bounds = array<i64: 128, 148, 64>}, {transform_indices = @transform_1, window_bounds = array<i64: 128, 148>}, {transform_indices = @transform_2, window_bounds = array<i64: 128, 148>}]} {
    %get3A = arith.constant 0 : index
    %get3A_0 = arith.constant 0 : index
    %get3A_1 = arith.constant 0 : index
    %get3A_2 = vector.load %arg1[%get3A, %get3A_0, %get3A_1] : memref<128x148x64xf32, #tpu.memory_space<vmem>>, vector<128x148x64xf32>
    %eq3A = arith.constant 0.000000e+00 : f32
    %eq3A_3 = vector.broadcast %eq3A : f32 to vector<128x148x64xf32>
    %eq3A_4 = arith.cmpf oeq, %get3A_2, %eq3A_3 : vector<128x148x64xf32>
    %jit3A = arith.constant 1.000000e+02 : f32
    %broadcast_in_dim3A = vector.broadcast %jit3A : f32 to vector<128x148x64xf32>
    %select_n3A = arith.select %eq3A_4, %broadcast_in_dim3A, %get3A_2 : vector<128x148x64xi1>, vector<128x148x64xf32>
    %reduce_min3A = arith.constant dense<0x7F800000> : vector<128x148xf32>
    %reduce_min3A_5 = vector.multi_reduction <minimumf>, %select_n3A, %reduce_min3A [2] : vector<128x148x64xf32> to vector<128x148xf32>
    %swap3A = arith.constant 0 : index
    %swap3A_6 = arith.constant 0 : index
    %swap3A_7 = vector.load %arg2[%swap3A, %swap3A_6] : memref<128x148xf32, #tpu.memory_space<vmem>>, vector<128x148xf32>
    tpu.vector_store %arg2[%swap3A, %swap3A_6], %reduce_min3A_5 {strides = array<i32>} : memref<128x148xf32, #tpu.memory_space<vmem>>, vector<128x148xf32>,
    %reduce_max3A = arith.constant dense<0xFF800000> : vector<128x148xf32>
    %reduce_max3A_8 = vector.multi_reduction <maximumf>, %get3A_2, %reduce_max3A [2] : vector<128x148x64xf32> to vector<128x148xf32>
    %swap3A_9 = arith.constant 0 : index
    %swap3A_10 = arith.constant 0 : index
    %swap3A_11 = vector.load %arg3[%swap3A_9, %swap3A_10] : memref<128x148xf32, #tpu.memory_space<vmem>>, vector<128x148xf32>
    tpu.vector_store %arg3[%swap3A_9, %swap3A_10], %reduce_max3A_8 {strides = array<i32>} : memref<128x148xf32, #tpu.memory_space<vmem>>, vector<128x148xf32>,
    return
  }
  func.func @transform_0(%arg0: i32) -> (i32, i32, i32) {
    %c0_i32 = arith.constant 0 : i32
    %c0_i32_0 = arith.constant 0 : i32
    %c0_i32_1 = arith.constant 0 : i32
    return %arg0, %c0_i32, %c0_i32_0 : i32, i32, i32
  }
  func.func @transform_1(%arg0: i32) -> (i32, i32) {
    %c0_i32 = arith.constant 0 : i32
    %c0_i32_0 = arith.constant 0 : i32
    return %arg0, %c0_i32 : i32, i32
  }
  func.func @transform_2(%arg0: i32) -> (i32, i32) {
    %c0_i32 = arith.constant 0 : i32
    %c0_i32_0 = arith.constant 0 : i32
    return %arg0, %c0_i32 : i32, i32
  }
}

module attributes {stable_mosaic.version = 14 : i64} {
  func.func @_tc_kernel(%arg0: i32, %arg1: memref<32x148xf32, #tpu.memory_space<vmem>>, %arg2: memref<32x148xf32, #tpu.memory_space<vmem>>, %arg3: memref<32x148xf32, #tpu.memory_space<vmem>>, %arg4: memref<32x148xf32, #tpu.memory_space<vmem>>, %arg5: memref<32x148x148xf32, #tpu.memory_space<vmem>>, %arg6: memref<2x64xf32, #tpu.memory_space<vmem>>, %arg7: memref<1x64xf32, #tpu.memory_space<vmem>>, %arg8: memref<64x64xf32, #tpu.memory_space<vmem>>, %arg9: memref<1x64xf32, #tpu.memory_space<vmem>>, %arg10: memref<64x256xf32, #tpu.memory_space<vmem>>, %arg11: memref<1x256xf32, #tpu.memory_space<vmem>>, %arg12: memref<256x256xf32, #tpu.memory_space<vmem>>, %arg13: memref<1x256xf32, #tpu.memory_space<vmem>>, %arg14: memref<256x2xf32, #tpu.memory_space<vmem>>, %arg15: memref<1x2xf32, #tpu.memory_space<vmem>>, %arg16: memref<32x2xf32, #tpu.memory_space<vmem>>) attributes {dimension_semantics = [#tpu.dimension_semantics<parallel>], iteration_bounds = array<i64: 32>, scalar_prefetch = 0 : i64, scratch_operands = 0 : i64, tpu.core_type = #tpu.core_type<tc>, window_params = [{transform_indices = @transform_0, window_bounds = array<i64: 32, 148>}, {transform_indices = @transform_1, window_bounds = array<i64: 32, 148>}, {transform_indices = @transform_2, window_bounds = array<i64: 32, 148>}, {transform_indices = @transform_3, window_bounds = array<i64: 32, 148>}, {transform_indices = @transform_4, window_bounds = array<i64: 32, 148, 148>}, {pipeline_mode = #tpu.pipeline_mode<synchronous>, transform_indices = @transform_5, window_bounds = array<i64: 2, 64>}, {pipeline_mode = #tpu.pipeline_mode<synchronous>, transform_indices = @transform_6, window_bounds = array<i64: 1, 64>}, {pipeline_mode = #tpu.pipeline_mode<synchronous>, transform_indices = @transform_7, window_bounds = array<i64: 64, 64>}, {pipeline_mode = #tpu.pipeline_mode<synchronous>, transform_indices = @transform_8, window_bounds = array<i64: 1, 64>}, {pipeline_mode = #tpu.pipeline_mode<synchronous>, transform_indices = @transform_9, window_bounds = array<i64: 64, 256>}, {pipeline_mode = #tpu.pipeline_mode<synchronous>, transform_indices = @transform_10, window_bounds = array<i64: 1, 256>}, {pipeline_mode = #tpu.pipeline_mode<synchronous>, transform_indices = @transform_11, window_bounds = array<i64: 256, 256>}, {pipeline_mode = #tpu.pipeline_mode<synchronous>, transform_indices = @transform_12, window_bounds = array<i64: 1, 256>}, {pipeline_mode = #tpu.pipeline_mode<synchronous>, transform_indices = @transform_13, window_bounds = array<i64: 256, 2>}, {pipeline_mode = #tpu.pipeline_mode<synchronous>, transform_indices = @transform_14, window_bounds = array<i64: 1, 2>}, {transform_indices = @transform_15, window_bounds = array<i64: 32, 2>}]} {
    %get3A = arith.constant 0 : index
    %get3A_0 = arith.constant 0 : index
    %get3A_1 = arith.constant 0 : index
    %get3A_2 = vector.load %arg5[%get3A, %get3A_0, %get3A_1] : memref<32x148x148xf32, #tpu.memory_space<vmem>>, vector<32x148x148xf32>
    %get3A_3 = arith.constant 0 : index
    %get3A_4 = arith.constant 0 : index
    %get3A_5 = vector.load %arg1[%get3A_3, %get3A_4] : memref<32x148xf32, #tpu.memory_space<vmem>>, vector<32x148xf32>
    %get3A_6 = arith.constant 0 : index
    %get3A_7 = arith.constant 0 : index
    %get3A_8 = vector.load %arg3[%get3A_6, %get3A_7] : memref<32x148xf32, #tpu.memory_space<vmem>>, vector<32x148xf32>
    %min3A = arith.minimumf %get3A_5, %get3A_8 : vector<32x148xf32>
    %broadcast_in_dim3A = vector.shape_cast %min3A : vector<32x148xf32> to vector<32x148x1xf32>
    %get3A_9 = arith.constant 0 : index
    %get3A_10 = arith.constant 0 : index
    %get3A_11 = vector.load %arg2[%get3A_9, %get3A_10] : memref<32x148xf32, #tpu.memory_space<vmem>>, vector<32x148xf32>
    %get3A_12 = arith.constant 0 : index
    %get3A_13 = arith.constant 0 : index
    %get3A_14 = vector.load %arg4[%get3A_12, %get3A_13] : memref<32x148xf32, #tpu.memory_space<vmem>>, vector<32x148xf32>
    %max3A = arith.maximumf %get3A_11, %get3A_14 : vector<32x148xf32>
    %broadcast_in_dim3A_15 = vector.shape_cast %max3A : vector<32x148xf32> to vector<32x148x1xf32>
    %reduce_sum3A = arith.constant dense<0.000000e+00> : vector<32x148xf32>
    %reduce_sum3A_16 = vector.multi_reduction <add>, %get3A_2, %reduce_sum3A [2] : vector<32x148x148xf32> to vector<32x148xf32>
    %broadcast_in_dim3A_17 = vector.shape_cast %reduce_sum3A_16 : vector<32x148xf32> to vector<32x148x1xf32>
    %add3A = arith.constant 1.000000e+00 : f32
    %add3A_18 = vector.broadcast %add3A : f32 to vector<32x148x1xf32>
    %add3A_19 = arith.addf %broadcast_in_dim3A_17, %add3A_18 : vector<32x148x1xf32>
    %rsqrt3A = math.rsqrt %add3A_19 : vector<32x148x1xf32>
    %concatenate3A = tpu.concatenate %broadcast_in_dim3A, %broadcast_in_dim3A_15 in 2 : vector<32x148x1xf32>, vector<32x148x1xf32> -> vector<32x148x2xf32>
    %mul3A = vector.broadcast %rsqrt3A : vector<32x148x1xf32> to vector<32x148x2xf32>
    %mul3A_20 = arith.mulf %concatenate3A, %mul3A : vector<32x148x2xf32>
    %dot_general3A = arith.constant dense<0.000000e+00> : vector<32x148x2xf32>
    %dot_general3A_21 = tpu.matmul %get3A_2, %mul3A_20, %dot_general3A {dimension_numbers = #tpu.dot_dimension_numbers<[2], [1], [1], [2], [0, 0, 0, 1, 1, 2], [0], [0]>, transpose_lhs_hint = false} : vector<32x148x148xf32>, vector<32x148x2xf32>, vector<32x148x2xf32> -> vector<32x148x2xf32>
    %add3A_22 = arith.addf %dot_general3A_21, %mul3A_20 : vector<32x148x2xf32>
    %slice3A = vector.extract_strided_slice %add3A_22 {offsets = [0, 0, 0], sizes = [32, 148, 1], strides = [1, 1, 1]} : vector<32x148x2xf32> to vector<32x148x1xf32>
    %mul3A_23 = arith.mulf %slice3A, %rsqrt3A : vector<32x148x1xf32>
    %slice3A_24 = vector.extract_strided_slice %add3A_22 {offsets = [0, 0, 1], sizes = [32, 148, 1], strides = [1, 1, 1]} : vector<32x148x2xf32> to vector<32x148x1xf32>
    %mul3A_25 = arith.mulf %slice3A_24, %rsqrt3A : vector<32x148x1xf32>
    %get3A_26 = arith.constant 0 : index
    %get3A_27 = arith.constant 0 : index
    %get3A_28 = vector.load %arg6[%get3A_26, %get3A_27] : memref<2x64xf32, #tpu.memory_space<vmem>>, vector<1x64xf32>
    %get3A_29 = arith.constant 1 : index
    %get3A_30 = arith.constant 0 : index
    %get3A_31 = vector.load %arg6[%get3A_29, %get3A_30] : memref<2x64xf32, #tpu.memory_space<vmem>>, vector<1x64xf32>
    %broadcast_in_dim3A_32 = vector.shape_cast %get3A_28 : vector<1x64xf32> to vector<1x1x64xf32>
    %mul3A_33 = vector.broadcast %mul3A_23 : vector<32x148x1xf32> to vector<32x148x64xf32>
    %mul3A_34 = vector.broadcast %broadcast_in_dim3A_32 : vector<1x1x64xf32> to vector<32x148x64xf32>
    %mul3A_35 = arith.mulf %mul3A_33, %mul3A_34 : vector<32x148x64xf32>
    %broadcast_in_dim3A_36 = vector.shape_cast %get3A_31 : vector<1x64xf32> to vector<1x1x64xf32>
    %mul3A_37 = vector.broadcast %mul3A_25 : vector<32x148x1xf32> to vector<32x148x64xf32>
    %mul3A_38 = vector.broadcast %broadcast_in_dim3A_36 : vector<1x1x64xf32> to vector<32x148x64xf32>
    %mul3A_39 = arith.mulf %mul3A_37, %mul3A_38 : vector<32x148x64xf32>
    %add3A_40 = arith.addf %mul3A_35, %mul3A_39 : vector<32x148x64xf32>
    %get3A_41 = arith.constant 0 : index
    %get3A_42 = arith.constant 0 : index
    %get3A_43 = vector.load %arg7[%get3A_41, %get3A_42] : memref<1x64xf32, #tpu.memory_space<vmem>>, vector<1x64xf32>
    %broadcast_in_dim3A_44 = vector.shape_cast %get3A_43 : vector<1x64xf32> to vector<1x1x64xf32>
    %add3A_45 = vector.broadcast %broadcast_in_dim3A_44 : vector<1x1x64xf32> to vector<32x148x64xf32>
    %add3A_46 = arith.addf %add3A_40, %add3A_45 : vector<32x148x64xf32>
    %gt3A = arith.constant 0.000000e+00 : f32
    %gt3A_47 = vector.broadcast %gt3A : f32 to vector<32x148x64xf32>
    %gt3A_48 = arith.cmpf ogt, %add3A_46, %gt3A_47 : vector<32x148x64xf32>
    %exp3A = math.exp %add3A_46 : vector<32x148x64xf32>
    %sub3A = arith.constant 1.000000e+00 : f32
    %sub3A_49 = vector.broadcast %sub3A : f32 to vector<32x148x64xf32>
    %sub3A_50 = arith.subf %exp3A, %sub3A_49 : vector<32x148x64xf32>
    %select_n3A = arith.select %gt3A_48, %add3A_46, %sub3A_50 : vector<32x148x64xi1>, vector<32x148x64xf32>
    %mul3A_51 = vector.broadcast %rsqrt3A : vector<32x148x1xf32> to vector<32x148x64xf32>
    %mul3A_52 = arith.mulf %select_n3A, %mul3A_51 : vector<32x148x64xf32>
    %dot_general3A_53 = arith.constant dense<0.000000e+00> : vector<32x148x64xf32>
    %dot_general3A_54 = tpu.matmul %get3A_2, %mul3A_52, %dot_general3A_53 {dimension_numbers = #tpu.dot_dimension_numbers<[2], [1], [1], [2], [0, 0, 0, 1, 1, 2], [0], [0]>, transpose_lhs_hint = false} : vector<32x148x148xf32>, vector<32x148x64xf32>, vector<32x148x64xf32> -> vector<32x148x64xf32>
    %add3A_55 = arith.addf %dot_general3A_54, %mul3A_52 : vector<32x148x64xf32>
    %mul3A_56 = vector.broadcast %rsqrt3A : vector<32x148x1xf32> to vector<32x148x64xf32>
    %mul3A_57 = arith.mulf %add3A_55, %mul3A_56 : vector<32x148x64xf32>
    %get3A_58 = arith.constant 0 : index
    %get3A_59 = arith.constant 0 : index
    %get3A_60 = vector.load %arg8[%get3A_58, %get3A_59] : memref<64x64xf32, #tpu.memory_space<vmem>>, vector<64x64xf32>
    %dot_general3A_61 = arith.constant dense<0.000000e+00> : vector<32x148x64xf32>
    %dot_general3A_62 = tpu.matmul %mul3A_57, %get3A_60, %dot_general3A_61 {dimension_numbers = #tpu.dot_dimension_numbers<[2], [0], [0, 1], [1], [0, 0, 0, 1, 1, 1], [], []>, transpose_lhs_hint = false} : vector<32x148x64xf32>, vector<64x64xf32>, vector<32x148x64xf32> -> vector<32x148x64xf32>
    %get3A_63 = arith.constant 0 : index
    %get3A_64 = arith.constant 0 : index
    %get3A_65 = vector.load %arg9[%get3A_63, %get3A_64] : memref<1x64xf32, #tpu.memory_space<vmem>>, vector<1x64xf32>
    %broadcast_in_dim3A_66 = vector.shape_cast %get3A_65 : vector<1x64xf32> to vector<1x1x64xf32>
    %add3A_67 = vector.broadcast %broadcast_in_dim3A_66 : vector<1x1x64xf32> to vector<32x148x64xf32>
    %add3A_68 = arith.addf %dot_general3A_62, %add3A_67 : vector<32x148x64xf32>
    %gt3A_69 = arith.constant 0.000000e+00 : f32
    %gt3A_70 = vector.broadcast %gt3A_69 : f32 to vector<32x148x64xf32>
    %gt3A_71 = arith.cmpf ogt, %add3A_68, %gt3A_70 : vector<32x148x64xf32>
    %exp3A_72 = math.exp %add3A_68 : vector<32x148x64xf32>
    %sub3A_73 = arith.constant 1.000000e+00 : f32
    %sub3A_74 = vector.broadcast %sub3A_73 : f32 to vector<32x148x64xf32>
    %sub3A_75 = arith.subf %exp3A_72, %sub3A_74 : vector<32x148x64xf32>
    %select_n3A_76 = arith.select %gt3A_71, %add3A_68, %sub3A_75 : vector<32x148x64xi1>, vector<32x148x64xf32>
    %reduce_sum3A_77 = arith.constant dense<0.000000e+00> : vector<32x64xf32>
    %reduce_sum3A_78 = vector.multi_reduction <add>, %select_n3A_76, %reduce_sum3A_77 [1] : vector<32x148x64xf32> to vector<32x64xf32>
    %mul3A_79 = arith.constant 0.00675675692 : f32
    %mul3A_80 = vector.broadcast %mul3A_79 : f32 to vector<32x64xf32>
    %mul3A_81 = arith.mulf %reduce_sum3A_78, %mul3A_80 : vector<32x64xf32>
    %get3A_82 = arith.constant 0 : index
    %get3A_83 = arith.constant 0 : index
    %get3A_84 = vector.load %arg10[%get3A_82, %get3A_83] : memref<64x256xf32, #tpu.memory_space<vmem>>, vector<64x256xf32>
    %dot_general3A_85 = arith.constant dense<0.000000e+00> : vector<32x256xf32>
    %dot_general3A_86 = tpu.matmul %mul3A_81, %get3A_84, %dot_general3A_85 {dimension_numbers = #tpu.dot_dimension_numbers<[1], [0], [0], [1], [0, 0, 1, 1], [], []>, transpose_lhs_hint = false} : vector<32x64xf32>, vector<64x256xf32>, vector<32x256xf32> -> vector<32x256xf32>
    %get3A_87 = arith.constant 0 : index
    %get3A_88 = arith.constant 0 : index
    %get3A_89 = vector.load %arg11[%get3A_87, %get3A_88] : memref<1x256xf32, #tpu.memory_space<vmem>>, vector<1x256xf32>
    %add3A_90 = vector.broadcast %get3A_89 : vector<1x256xf32> to vector<32x256xf32>
    %add3A_91 = arith.addf %dot_general3A_86, %add3A_90 : vector<32x256xf32>
    %gt3A_92 = arith.constant 0.000000e+00 : f32
    %gt3A_93 = vector.broadcast %gt3A_92 : f32 to vector<32x256xf32>
    %gt3A_94 = arith.cmpf ogt, %add3A_91, %gt3A_93 : vector<32x256xf32>
    %exp3A_95 = math.exp %add3A_91 : vector<32x256xf32>
    %sub3A_96 = arith.constant 1.000000e+00 : f32
    %sub3A_97 = vector.broadcast %sub3A_96 : f32 to vector<32x256xf32>
    %sub3A_98 = arith.subf %exp3A_95, %sub3A_97 : vector<32x256xf32>
    %select_n3A_99 = arith.select %gt3A_94, %add3A_91, %sub3A_98 : vector<32x256xi1>, vector<32x256xf32>
    %get3A_100 = arith.constant 0 : index
    %get3A_101 = arith.constant 0 : index
    %get3A_102 = vector.load %arg12[%get3A_100, %get3A_101] : memref<256x256xf32, #tpu.memory_space<vmem>>, vector<256x256xf32>
    %dot_general3A_103 = arith.constant dense<0.000000e+00> : vector<32x256xf32>
    %dot_general3A_104 = tpu.matmul %select_n3A_99, %get3A_102, %dot_general3A_103 {dimension_numbers = #tpu.dot_dimension_numbers<[1], [0], [0], [1], [0, 0, 1, 1], [], []>, transpose_lhs_hint = false} : vector<32x256xf32>, vector<256x256xf32>, vector<32x256xf32> -> vector<32x256xf32>
    %get3A_105 = arith.constant 0 : index
    %get3A_106 = arith.constant 0 : index
    %get3A_107 = vector.load %arg13[%get3A_105, %get3A_106] : memref<1x256xf32, #tpu.memory_space<vmem>>, vector<1x256xf32>
    %add3A_108 = vector.broadcast %get3A_107 : vector<1x256xf32> to vector<32x256xf32>
    %add3A_109 = arith.addf %dot_general3A_104, %add3A_108 : vector<32x256xf32>
    %gt3A_110 = arith.constant 0.000000e+00 : f32
    %gt3A_111 = vector.broadcast %gt3A_110 : f32 to vector<32x256xf32>
    %gt3A_112 = arith.cmpf ogt, %add3A_109, %gt3A_111 : vector<32x256xf32>
    %exp3A_113 = math.exp %add3A_109 : vector<32x256xf32>
    %sub3A_114 = arith.constant 1.000000e+00 : f32
    %sub3A_115 = vector.broadcast %sub3A_114 : f32 to vector<32x256xf32>
    %sub3A_116 = arith.subf %exp3A_113, %sub3A_115 : vector<32x256xf32>
    %select_n3A_117 = arith.select %gt3A_112, %add3A_109, %sub3A_116 : vector<32x256xi1>, vector<32x256xf32>
    %get3A_118 = arith.constant 0 : index
    %get3A_119 = arith.constant 0 : index
    %get3A_120 = vector.load %arg14[%get3A_118, %get3A_119] : memref<256x2xf32, #tpu.memory_space<vmem>>, vector<256x2xf32>
    %dot_general3A_121 = arith.constant dense<0.000000e+00> : vector<32x2xf32>
    %dot_general3A_122 = tpu.matmul %select_n3A_117, %get3A_120, %dot_general3A_121 {dimension_numbers = #tpu.dot_dimension_numbers<[1], [0], [0], [1], [0, 0, 1, 1], [], []>, transpose_lhs_hint = false} : vector<32x256xf32>, vector<256x2xf32>, vector<32x2xf32> -> vector<32x2xf32>
    %get3A_123 = arith.constant 0 : index
    %get3A_124 = arith.constant 0 : index
    %get3A_125 = vector.load %arg15[%get3A_123, %get3A_124] : memref<1x2xf32, #tpu.memory_space<vmem>>, vector<1x2xf32>
    %add3A_126 = vector.broadcast %get3A_125 : vector<1x2xf32> to vector<32x2xf32>
    %add3A_127 = arith.addf %dot_general3A_122, %add3A_126 : vector<32x2xf32>
    %swap3A = arith.constant 0 : index
    %swap3A_128 = arith.constant 0 : index
    %swap3A_129 = vector.load %arg16[%swap3A, %swap3A_128] : memref<32x2xf32, #tpu.memory_space<vmem>>, vector<32x2xf32>
    tpu.vector_store %arg16[%swap3A, %swap3A_128], %add3A_127 {strides = array<i32>} : memref<32x2xf32, #tpu.memory_space<vmem>>, vector<32x2xf32>,
    return
  }
  func.func @transform_0(%arg0: i32) -> (i32, i32) {
    %c0_i32 = arith.constant 0 : i32
    %c0_i32_0 = arith.constant 0 : i32
    return %arg0, %c0_i32 : i32, i32
  }
  func.func @transform_1(%arg0: i32) -> (i32, i32) {
    %c0_i32 = arith.constant 0 : i32
    %c0_i32_0 = arith.constant 0 : i32
    return %arg0, %c0_i32 : i32, i32
  }
  func.func @transform_2(%arg0: i32) -> (i32, i32) {
    %c0_i32 = arith.constant 0 : i32
    %c0_i32_0 = arith.constant 0 : i32
    return %arg0, %c0_i32 : i32, i32
  }
  func.func @transform_3(%arg0: i32) -> (i32, i32) {
    %c0_i32 = arith.constant 0 : i32
    %c0_i32_0 = arith.constant 0 : i32
    return %arg0, %c0_i32 : i32, i32
  }
  func.func @transform_4(%arg0: i32) -> (i32, i32, i32) {
    %c0_i32 = arith.constant 0 : i32
    %c0_i32_0 = arith.constant 0 : i32
    %c0_i32_1 = arith.constant 0 : i32
    return %arg0, %c0_i32, %c0_i32_0 : i32, i32, i32
  }
  func.func @transform_5(%arg0: i32) -> (i32, i32) {
    %c0_i32 = arith.constant 0 : i32
    %c0_i32_0 = arith.constant 0 : i32
    %c0_i32_1 = arith.constant 0 : i32
    return %c0_i32, %c0_i32_0 : i32, i32
  }
  func.func @transform_6(%arg0: i32) -> (i32, i32) {
    %c0_i32 = arith.constant 0 : i32
    %c0_i32_0 = arith.constant 0 : i32
    %c0_i32_1 = arith.constant 0 : i32
    return %c0_i32, %c0_i32_0 : i32, i32
  }
  func.func @transform_7(%arg0: i32) -> (i32, i32) {
    %c0_i32 = arith.constant 0 : i32
    %c0_i32_0 = arith.constant 0 : i32
    %c0_i32_1 = arith.constant 0 : i32
    return %c0_i32, %c0_i32_0 : i32, i32
  }
  func.func @transform_8(%arg0: i32) -> (i32, i32) {
    %c0_i32 = arith.constant 0 : i32
    %c0_i32_0 = arith.constant 0 : i32
    %c0_i32_1 = arith.constant 0 : i32
    return %c0_i32, %c0_i32_0 : i32, i32
  }
  func.func @transform_9(%arg0: i32) -> (i32, i32) {
    %c0_i32 = arith.constant 0 : i32
    %c0_i32_0 = arith.constant 0 : i32
    %c0_i32_1 = arith.constant 0 : i32
    return %c0_i32, %c0_i32_0 : i32, i32
  }
  func.func @transform_10(%arg0: i32) -> (i32, i32) {
    %c0_i32 = arith.constant 0 : i32
    %c0_i32_0 = arith.constant 0 : i32
    %c0_i32_1 = arith.constant 0 : i32
    return %c0_i32, %c0_i32_0 : i32, i32
  }
  func.func @transform_11(%arg0: i32) -> (i32, i32) {
    %c0_i32 = arith.constant 0 : i32
    %c0_i32_0 = arith.constant 0 : i32
    %c0_i32_1 = arith.constant 0 : i32
    return %c0_i32, %c0_i32_0 : i32, i32
  }
  func.func @transform_12(%arg0: i32) -> (i32, i32) {
    %c0_i32 = arith.constant 0 : i32
    %c0_i32_0 = arith.constant 0 : i32
    %c0_i32_1 = arith.constant 0 : i32
    return %c0_i32, %c0_i32_0 : i32, i32
  }
  func.func @transform_13(%arg0: i32) -> (i32, i32) {
    %c0_i32 = arith.constant 0 : i32
    %c0_i32_0 = arith.constant 0 : i32
    %c0_i32_1 = arith.constant 0 : i32
    return %c0_i32, %c0_i32_0 : i32, i32
  }
  func.func @transform_14(%arg0: i32) -> (i32, i32) {
    %c0_i32 = arith.constant 0 : i32
    %c0_i32_0 = arith.constant 0 : i32
    %c0_i32_1 = arith.constant 0 : i32
    return %c0_i32, %c0_i32_0 : i32, i32
  }
  func.func @transform_15(%arg0: i32) -> (i32, i32) {
    %c0_i32 = arith.constant 0 : i32
    %c0_i32_0 = arith.constant 0 : i32
    return %arg0, %c0_i32 : i32, i32
  }
}

</mosaic_0001>

<sc_bundles>
// kernel: kernel.5.cloned.1.call-start
scs
__scs_entry_jumppad:
0x0: {  	(pc) =	sbr.rel $0x88, $3  }
0x1: {  	(tag) =	ssettag $0x0;
	lr =	simm.s32 $0x1  }
0x2: {  	[smem:$0x3F94] =	sst lr;
	_ =	strace $0xD0000000  }
0x3: {  	_ = 	snop  }
0x4: {  	_ = 	snop  }
0x5: {  	_ = 	snop  }
0x6: {  	_ = 	snop  }
0x7: {  	_ = 	snop  }
__scs_overlays_trampoline_lowered:
0x8: {  	[smem:$0x3FA3] =	sst s0  }
0x9: {  	[smem:$0x3FA4] =	sst s1  }
0xa: {  	[smem:$0x3FA5] =	sst s2  }
0xb: {  	[smem:$0x3FA6] =	sst s3  }
0xc: {  	[smem:$0x3FA7] =	sst s4  }
0xd: {  	[smem:$0x3FA8] =	sst s5  }
0xe: {  	[smem:$0x3FA9] =	sst s6  }
0xf: {  	[smem:$0x3FAA] =	sst s7  }
0x10: {  	[smem:$0x3FAB] =	sst s8  }
0x11: {  	[smem:$0x3FAC] =	sst s9;
	s0 =	simm.s32 @!p0 $0x0  }
0x12: {  	s1 =	sld [smem:$0x3F92];
	s0 =	simm.s32 @p0 $0x1  }
0x13: {  	[smem:$0x3FAD] =	sst s0;
	s0 =	simm.s32 @!p1 $0x0  }
0x14: {  	s2 =	sld [smem:$0x3F91];
	s0 =	simm.s32 @p1 $0x1  }
0x15: {  	[smem:$0x3FAE] =	sst s0;
	s0 =	simm.s32 @!p2 $0x0  }
0x16: {  	s3 =	sld [smem:$0x3FDB];
	s0 =	simm.s32 @p2 $0x1  }
0x17: {  	s4 =	simm.s32 $0x1BF5;
	[smem:$0x3FB0] =	sst s0  }
0x18: {  	s0 =	sld [smem:$0x3F93];
	_ =	swait.ge [sflag:s4], $0x0  }
0x19: {  	s7 =	sld [smem:$0x3F94]  }
0x1a: {  	s8 =	sadd.s32 $0xFFFFE003, lr  }
0x1b: {  	s9 =	sadd.s32 $0xFFFFFEF7, lr;
	s5 =	simm.s32 $0xFFFFFFFF;
	p2 =	slt.u32 s8, $0xFFFFF086  }
0x1c: {  	p1 =	slt.u32 s9, $0xF7A;
	s5 =	simm.s32 @!p2 $0x0  }
0x1d: {  	s5 =	simm.s32 @p1 $0x1;
	p0 =	seq.s32 s7, s2  }
0x1e: {  	s7 =	smul.u32 @!p0 $0xF7A, s2;
	p2 =	seq.s32 @!p0 s5, $0x0  }
0x1f: {  	s9 =	smul.u32 $0xF7A, s1;
	s8 =	simm.s32 @!p0 $0x1BF5;
	p2 =	por !p2, p0  }
0x20: {  	[sflag:s8] =	ssyncset.s32 @!p0 $0xFFFFF086;
	s6 =	sadd.s32 @!p0 s3, s7;
	s7 =	simm.s32 @!p0 $0x108  }
0x21: {  	s3 =	sadd.s32 s3, s9;
	s6 =	sadd.s32 @!p0 $0x88, s6;
	s7 =	simm.s32 @p2 $0x1082  }
0x22: {  	[simem:s7], [sflag:s8] =	dma.local @!p0 [hbm:s6], $0xF7A  }
0x23: {  	s9 =	sor.u32 $0xD0000000, s2;
	s6 =	simm.s32 $0x108;
	_ =	swait.ge @!p0 [sflag:s8], $0x0  }
0x24: {  	s3 =	sadd.s32 $0x88, s3;
	s6 =	simm.s32 @!p1 $0x1082;
	[sflag:s4] =	ssyncset.s32 $0xFFFFF086  }
0x25: {  	[simem:s6], [sflag:s4] =	dma.local [hbm:s3], $0xF7A  }
0x26: {  	[smem:$0x3F94] =	sst s1;
	(tag) =	ssettag s2;
	_ =	strace s9  }
0x27: {  	s1 =	sld [smem:$0x3FA4]  }
0x28: {  	s2 =	sld [smem:$0x3FA5]  }
0x29: {  	s4 =	sld [smem:$0x3FA7]  }
0x2a: {  	p0 =	seq.s32 s5, $0x0;
	s5 =	sld [smem:$0x3FA8]  }
0x2b: {  	s6 =	sld [smem:$0x3FA9]  }
0x2c: {  	s7 =	sld [smem:$0x3FAA]  }
0x2d: {  	s3 =	simm.s32 $0x108;
	s8 =	sld [smem:$0x3FAB]  }
0x2e: {  	s3 =	simm.s32 @!p0 $0x1082;
	s9 =	sld [smem:$0x3FAC]  }
0x2f: {  	lr =	sadd.s32 s0, s3;
	s0 =	sld [smem:$0x3FA3]  }
0x30: {  	s3 =	sld [smem:$0x3FA6]  }
0x31: {  	[smem:$0x3FAF] =	sst s10  }
0x32: {  	s10 =	sld [smem:$0x3FAD];
	_ =	sdelay $0x3  }
0x33: {  	p0 =	seq.s32 s10, $0x1;
	s10 =	sld [smem:$0x3FAF];
	_ =	sdelay $0x3  }
0x34: {  	[smem:$0x3FAF] =	sst s10  }
0x35: {  	s10 =	sld [smem:$0x3FAE];
	_ =	sdelay $0x3  }
0x36: {  	p1 =	seq.s32 s10, $0x1;
	s10 =	sld [smem:$0x3FAF];
	_ =	sdelay $0x3  }
0x37: {  	[smem:$0x3FAF] =	sst s10  }
0x38: {  	s10 =	sld [smem:$0x3FB0]  }
0x39: {  	_ = 	snop;
	(pc) =	sbr.ind lr, $3  }
0x3a: {  	_ = 	snop  }
0x3b: {  	_ = 	snop  }
0x3c: {  	p2 =	seq.s32 s10, $0x1;
	s10 =	sld [smem:$0x3FAF]  }
0x3d: {  	_ =	shalt  }
0x3e: {  	_ =	shalt  }
0x3f: {  	_ =	shalt  }
0x40: {  	_ =	shalt  }
0x41: {  	_ =	shalt  }
0x42: {  	_ =	shalt  }
0x43: {  	_ =	shalt  }
0x44: {  	_ =	shalt  }
0x45: {  	_ =	shalt  }
0x46: {  	_ =	shalt  }
0x47: {  	_ =	shalt  }
0x48: {  	_ =	shalt  }
0x49: {  	_ =	shalt  }
0x4a: {  	_ =	shalt  }
0x4b: {  	_ =	shalt  }
0x4c: {  	_ =	shalt  }
0x4d: {  	_ =	shalt  }
0x4e: {  	_ =	shalt  }
0x4f: {  	_ =	shalt  }
0x50: {  	_ =	shalt  }
0x51: {  	_ =	shalt  }
0x52: {  	_ =	shalt  }
0x53: {  	_ =	shalt  }
0x54: {  	_ =	shalt  }
0x55: {  	_ =	shalt  }
0x56: {  	_ =	shalt  }
0x57: {  	_ =	shalt  }
0x58: {  	_ =	shalt  }
0x59: {  	_ =	shalt  }
0x5a: {  	_ =	shalt  }
0x5b: {  	_ =	shalt  }
0x5c: {  	_ =	shalt  }
0x5d: {  	_ =	shalt  }
0x5e: {  	_ =	shalt  }
0x5f: {  	_ =	shalt  }
0x60: {  	_ =	shalt  }
0x61: {  	_ =	shalt  }
0x62: {  	_ =	shalt  }
0x63: {  	_ =	shalt  }
0x64: {  	_ =	shalt  }
0x65: {  	_ =	shalt  }
0x66: {  	_ =	shalt  }
0x67: {  	_ =	shalt  }
0x68: {  	_ =	shalt  }
0x69: {  	_ =	shalt  }
0x6a: {  	_ =	shalt  }
0x6b: {  	_ =	shalt  }
0x6c: {  	_ =	shalt  }
0x6d: {  	_ =	shalt  }
0x6e: {  	_ =	shalt  }
0x6f: {  	_ =	shalt  }
0x70: {  	_ =	shalt  }
0x71: {  	_ =	shalt  }
0x72: {  	_ =	shalt  }
0x73: {  	_ =	shalt  }
0x74: {  	_ =	shalt  }
0x75: {  	_ =	shalt  }
0x76: {  	_ =	shalt  }
0x77: {  	_ =	shalt  }
0x78: {  	_ =	shalt  }
0x79: {  	_ =	shalt  }
0x7a: {  	_ =	shalt  }
0x7b: {  	_ =	shalt  }
0x7c: {  	_ =	shalt  }
0x7d: {  	_ =	shalt  }
0x7e: {  	_ =	shalt  }
0x7f: {  	_ =	shalt  }
0x80: {  	_ =	shalt  }
0x81: {  	_ =	shalt  }
0x82: {  	_ =	shalt  }
0x83: {  	_ =	shalt  }
0x84: {  	_ =	shalt  }
0x85: {  	_ =	shalt  }
0x86: {  	_ =	shalt  }
0x87: {  	_ =	shalt  }
.Lfunc_end0:
.L_simem_size_0:
called_computation_lowered:
.L_overlay_start_0:
0x88: {  	s2 =	sld [smem:$0x3FD9]  }
0x89: {  	s3 =	sld [smem:$0x3FFE];
	_ =	sdelay $0x1  }
0x8a: {  	s1 =	srdreg.scid  }
0x8b: {  	s0 =	sand.u32 $0x1, s1  }
0x8c: {  	s16 =	sshll.u32 s0, $0xA;
	s2 =	sadd.s32 s3, s2  }
0x8d: {  	s2 =	sadd.s32 s2, s16  }
0x8e: {  	[smem:$0x3FBB] =	sst s2  }
0x8f: {  	_ = 	snop  }
0x90: {  	(tm) =	ssettm $0x1  }
0x91: {  	s17 =	sld [smem:$0x3FFB];
	_ =	sdelay $0x3  }
0x92: {  	_ =	strace s17  }
0x93: {  	s2 =	sld [smem:$0x3FFC];
	_ =	sdelay $0x3  }
0x94: {  	_ =	strace s2  }
0x95: {  	s2 =	sld [smem:$0x3FFD];
	_ =	sdelay $0x3  }
0x96: {  	_ =	strace s2  }
0x97: {  	_ =	strace $0x8FFFFFFF  }
0x98: {  	s18 =	sld [smem:$0x3FDB];
	_ =	sdelay $0x1  }
0x99: {  	s19 =	simm.s32 $_scs_section_size  }
0x9a: {  	s4 =	simm.s32 $_size__tile_overlayer_lowered;
	s5 =	simm.s32 $_tile_overlayer_lowered  }
0x9b: {  	s22 =	simm.s32 $0x1BFF;
	s21 =	sshll.u32 s5, $0x1;
	s2 =	sadd.s32 s19, s18  }
0x9c: {  	s6 =	simm.s32 $0x0;
	s20 =	sshll.u32 s4, $0x1;
	s4 =	sadd.s32 s21, s2  }
0x9d: {  	[timem:s6], [sflag:s22] =	dma.local [hbm:s4], s20  }
0x9e: {  	_ =	swait.ge [sflag:s22], s20  }
0x9f: {  	s3 =	ssub.s32 $0x0, s20;
	[sflag:s22] =	ssyncset.done $0x0  }
0xa0: {  	[sflag:s22] =	ssyncadd.s32 s3;
	_ =	sdelay $0x1  }
0xa1: {  	s23 =	simm.s32 $0x1B8B  }
0xa2: {  	_ =	swait.ge [sflag:s23], $0x1  }
0xa3: {  	[sflag:s23] =	ssyncset.done $0x0  }
0xa4: {  	s25 =	simm.s32 $0x1B8E;
	s24 =	sld [smem:$0x3FFE];
	[sflag:s23] =	ssyncadd.s32 $0xFFFFFFFF  }
0xa5: {  	s26 =	simm.s32 $execute0_lowered;
	[smem:$0x3FD2] =	sst s25  }
0xa6: {  	s4 =	sshll.u32 s26, $0x1;
	_ =	strace $0x80000046;
	[dreg:$0x1] =	wrdreg $0xFFFFFFFF  }
0xa7: {  	s28 =	simm.s32 $_size_execute0_lowered;
	s2 =	sadd.s32 s2, s4;
	[dreg:$0x0] =	wrdreg $0x0  }
0xa8: {  	s4 =	sshll.u32 s28, $0x1;
	[dreg:$0x2] =	wrdreg s2  }
0xa9: {  	[dreg:$0x3] =	wrdreg s4  }
0xaa: {  	[dreg:$0x4] =	wrdreg $0xC0  }
0xab: {  	_ =	task [dreg:s6], $0x5FFFF  }
0xac: {  	[dreg:$0x1] =	wrdreg $0xFFFFFFFF  }
0xad: {  	[dreg:$0x0] =	wrdreg $0x60  }
0xae: {  	[dreg:$0x2] =	wrdreg s24  }
0xaf: {  	[dreg:$0x3] =	wrdreg $0x9  }
0xb0: {  	_ =	task.clear_ibuf [dreg:s6], $0x4FFFF;
	_ =	strace $0x90000046  }
0xb1: {  	s29 =	simm.s32 $0x9;
	_ =	strace $0x80000048  }
0xb2: {  	_ =	swait.ge [sflag:s29], $0x1  }
0xb3: {  	[sflag:s29] =	ssyncadd.s32 $0xFFFFFFFF  }
0xb4: {  	_ =	strace $0x90000048  }
0xb5: {  	_ =	sfence  }
0xb6: {  	s30 =	sld [smem:$0x0];
	_ =	sdelay $0x2  }
0xb7: {  	s31 =	sshll.u32 s1, $0xD;
	s1 =	sshrl.u32 s1, $0x2  }
0xb8: {  	s3 =	sand.u32 $0x4000, s31;
	s1 =	sadd.s32 s1, s30  }
0xb9: {  	s0 =	sor.u32 s3, s0;
	s1 =	sshll.u32 s1, $0x11  }
0xba: {  	s0 =	sor.u32 s1, s0  }
0xbb: {  	s0 =	sadd.s32 $0x8F2B, s0  }
0xbc: {  	[sflag:s0] =	ssyncadd.remote.s32 $0x1  }
0xbd: {  	_ =	sfence.sel $0xFFFF  }
0xbe: {  	[dreg:$0x0] =	wrdreg $0xFFFFFFFF;
	(pc) =	sbr.abs _section_cstart, $3  }
0xbf: {  	[dreg:$0x1] =	wrdreg $0xFFFFFFFF  }
0xc0: {  	_ =	task.clear_ibuf [dreg:s6], $0x2FFFF;
	_ =	strace $0x9FFFFFFF  }
0xc1: {  	(tm) =	ssettm $0x7FFFFFFF  }
tec
execute0_lowered:
.L_overlay_start_1:
0x0: {  	(tag) =	ssettag $0x1  }
0x1: {  	s4 =	rddreg [dreg:$0x0]  }
0x2: {  	s0 =	rddreg [dreg:$0x1];
	s2 =	simm.s32 $0x0;
	s3 =	srdreg.scid  }
0x3: {  	s1 =	stileid.u32;
	v0 =	vimm.s32 $0x3210FEDC;
	v1 =	vimm.s32 $0xBA987654;
	s10 =	simm.s32 $0x400;
	s11 =	simm.s32 $0x2000  }
0x4: {  	s12 =	simm.s32 $0x2100;
	s13 =	simm.s32 $0x0;
	[smem:$0x7FF] =	sst s2;
	v0 =	vunpack.c.l.s4.s8 v0;
	v1 =	vunpack.c.l.s4.s8 v1  }
0x5: {  	s5 =	sand.u32 $0x1, s3;
	s29 =	sshll.u32 s1, $0x10;
	s3 =	sadd.s32 $0x102200, s4  }
0x6: {  	s31 =	sshll.u32 s1, $0xB;
	_ =	strace $0x80000047;
	s6 =	ssub.s32 $0x2, s5;
	v0 =	vunpack.c.0.s8.s32 v0;
	v1 =	vunpack.c.0.s8.s32 v1  }
0x7: {  	s7 =	sadd.s32 s29, s4;
	s4 =	sadd.s32 $0x10A200, s4;
	s8 =	sshrl.u32 s6, $0x1  }
0x8: {  	s30 =	sshll.u32 s5, $0xF;
	s9 =	sshll.u32 s5, $0xA;
	s6 =	ssub.s32 s6, s8;
	v0 =	vcombine.low v1, v0  }
0x9: {  	s7 =	sadd.s32 s30, s7;
	s8 =	simm.s32 $0x1;
	s5 =	smax.u32 s6, $0x1  }
0xa: {  	vm0 =	vmmov $0xfff;
	s6 =	sadd.s32 $0x2200, s7;
	s7 =	sor.u32 s9, s31;
	s9 =	simm.s32 $0x80;
	v0 =	vand.u32 $0xF, v0  }
.LBB2_1:
0xb: {  	s14 =	smov.u32 s7;
	s15 =	smov.u32 s6;
	s16 =	simm.s32 $0x0  }
.LBB2_2:
0xc: {  	[tilespmem:s2], [sflag:$0x1] =	stream.linear.gather [hbm4b:s15+s2], $0x2000, $0x38;
	[tilespmem:$0x2200] =	vst v63  }
0xd: {  	_ =	swait.ge [sflag:s8], $0x2000  }
0xe: {  	[sflag:s8] =	ssyncset.done $0x0  }
0xf: {  	[sflag:s8] =	ssyncadd.s32 $0xFFFFE000  }
0x10: {  	v1 =	vld [tilespmem:$0x0]  }
0x11: {  	v2 =	vld [tilespmem:$0x80]  }
0x12: {  	v3 =	vld [tilespmem:$0x100]  }
0x13: {  	v4 =	vld [tilespmem:$0x180]  }
0x14: {  	v5 =	vld [tilespmem:$0x200]  }
0x15: {  	v6 =	vld [tilespmem:$0x280]  }
0x16: {  	v9 =	vld [tilespmem:$0x300]  }
0x17: {  	v31 =	vld [tilespmem:$0x380]  }
0x18: {  	v10 =	vld [tilespmem:$0x90]  }
0x19: {  	v32 =	vld [tilespmem:$0x800]  }
0x1a: {  	v22 =	vld [tilespmem:$0x10]  }
0x1b: {  	v33 =	vld [tilespmem:$0x880];
	vm1 =	veq.f32 v1, $0.0e+00;
	vm2 =	veq.f32 v2, $0.0e+00  }
0x1c: {  	v25 =	vld [tilespmem:$0x110];
	v7 =	vsel vm1, $0x42C80000, v1;
	v8 =	vsel vm2, $0x42C80000, v2  }
0x1d: {  	v26 =	vld [tilespmem:$0x190];
	vm1 =	veq.f32 v3, $0.0e+00;
	v1 =	vmax.f32 v1, v2;
	vm2 =	veq.f32 v10, $0.0e+00  }
0x1e: {  	v35 =	vld [tilespmem:$0x980];
	v7 =	vmin.f32 v7, v8;
	v30 =	vsel vm1, $0x42C80000, v3;
	vm1 =	veq.f32 v4, $0.0e+00  }
0x1f: {  	v27 =	vld [tilespmem:$0x210];
	v1 =	vmax.f32 v1, v3;
	v8 =	vmax.f32 v22, v10;
	v2 =	vmin.f32 v7, v30  }
0x20: {  	v38 =	vld [tilespmem:$0xA00];
	v3 =	vsel vm1, $0x42C80000, v4;
	vm1 =	veq.f32 v5, $0.0e+00;
	v1 =	vmax.f32 v1, v4  }
0x21: {  	v28 =	vld [tilespmem:$0x290];
	v7 =	vmax.f32 v8, v25;
	v2 =	vmin.f32 v2, v3;
	v3 =	vsel vm1, $0x42C80000, v5  }
0x22: {  	v39 =	vld [tilespmem:$0xA80];
	vm1 =	veq.f32 v6, $0.0e+00;
	v1 =	vmax.f32 v1, v5;
	v5 =	vmax.f32 v7, v26  }
0x23: {  	v41 =	vld [tilespmem:$0xB00];
	v2 =	vmin.f32 v2, v3;
	v3 =	vsel vm1, $0x42C80000, v6;
	vm1 =	veq.f32 v9, $0.0e+00  }
0x24: {  	v30 =	vld [tilespmem:$0x310];
	v1 =	vmax.f32 v1, v6;
	v5 =	vmax.f32 v5, v27;
	v2 =	vmin.f32 v2, v3  }
0x25: {  	v3 =	vld [tilespmem:$0x900];
	v34 =	vsel vm1, $0x42C80000, v9;
	vm1 =	veq.f32 v31, $0.0e+00;
	v1 =	vmax.f32 v1, v9  }
0x26: {  	v44 =	vld [tilespmem:$0xB80];
	v5 =	vmax.f32 v5, v28;
	v2 =	vmin.f32 v2, v34;
	v36 =	vsel vm1, $0x42C80000, v31  }
0x27: {  	vm1 =	veq.f32 v32, $0.0e+00;
	v1 =	vmax.f32 v1, v31;
	v31 =	vld [tilespmem:$0x390];
	v2 =	vmin.f32 v2, v36  }
0x28: {  	v46 =	vld [tilespmem:$0x1080];
	v37 =	vsel vm1, $0x42C80000, v32;
	vm1 =	veq.f32 v33, $0.0e+00;
	v1 =	vmax.f32 v1, v32  }
0x29: {  	v49 =	vld [tilespmem:$0x1100];
	v5 =	vmax.f32 v5, v30;
	v2 =	vmin.f32 v2, v37;
	v40 =	vsel vm1, $0x42C80000, v33  }
0x2a: {  	v1 =	vmax.f32 v1, v33;
	v33 =	vld [tilespmem:$0x810];
	v2 =	vmin.f32 v2, v40;
	vm1 =	veq.f32 v3, $0.0e+00  }
0x2b: {  	v50 =	vld [tilespmem:$0x1180];
	v1 =	vmax.f32 v1, v3;
	v42 =	vsel vm1, $0x42C80000, v3;
	vm1 =	veq.f32 v35, $0.0e+00  }
0x2c: {  	v36 =	vld [tilespmem:$0x890];
	v1 =	vmax.f32 v1, v35;
	v4 =	vmax.f32 v5, v31;
	v2 =	vmin.f32 v2, v42  }
0x2d: {  	v37 =	vld [tilespmem:$0x910];
	v43 =	vsel vm1, $0x42C80000, v35;
	vm1 =	veq.f32 v38, $0.0e+00;
	v1 =	vmax.f32 v1, v38  }
0x2e: {  	v3 =	vld [tilespmem:$0x1000];
	v2 =	vmin.f32 v2, v43;
	v45 =	vsel vm1, $0x42C80000, v38;
	vm1 =	veq.f32 v39, $0.0e+00  }
0x2f: {  	v52 =	vld [tilespmem:$0x1200];
	v1 =	vmax.f32 v1, v39;
	v4 =	vmax.f32 v4, v33;
	v2 =	vmin.f32 v2, v45  }
0x30: {  	v55 =	vld [tilespmem:$0x1280];
	v47 =	vsel vm1, $0x42C80000, v39;
	vm1 =	veq.f32 v41, $0.0e+00;
	v1 =	vmax.f32 v1, v41  }
0x31: {  	v57 =	vld [tilespmem:$0x1380];
	v4 =	vmax.f32 v4, v36;
	v2 =	vmin.f32 v2, v47;
	v48 =	vsel vm1, $0x42C80000, v41  }
0x32: {  	v60 =	vld [tilespmem:$0x1800];
	vm1 =	veq.f32 v44, $0.0e+00;
	v1 =	vmax.f32 v1, v44;
	v4 =	vmax.f32 v4, v37  }
0x33: {  	v39 =	vld [tilespmem:$0x990];
	v2 =	vmin.f32 v2, v48;
	v51 =	vsel vm1, $0x42C80000, v44;
	vm1 =	veq.f32 v3, $0.0e+00  }
0x34: {  	v61 =	vld [tilespmem:$0x1880];
	v1 =	vmax.f32 v1, v3;
	v2 =	vmin.f32 v2, v51;
	v53 =	vsel vm1, $0x42C80000, v3  }
0x35: {  	v42 =	vld [tilespmem:$0xA10];
	vm1 =	veq.f32 v46, $0.0e+00;
	v1 =	vmax.f32 v1, v46;
	v2 =	vmin.f32 v2, v53  }
0x36: {  	v43 =	vld [tilespmem:$0xA90];
	v54 =	vsel vm1, $0x42C80000, v46;
	vm1 =	veq.f32 v49, $0.0e+00;
	v1 =	vmax.f32 v1, v49  }
0x37: {  	v3 =	vld [tilespmem:$0x1300];
	v2 =	vmin.f32 v2, v54;
	v56 =	vsel vm1, $0x42C80000, v49;
	vm1 =	veq.f32 v50, $0.0e+00  }
0x38: {  	v45 =	vld [tilespmem:$0xB10];
	v1 =	vmax.f32 v1, v50;
	v4 =	vmax.f32 v4, v39;
	v2 =	vmin.f32 v2, v56  }
0x39: {  	v63 =	vld [tilespmem:$0x1900];
	v58 =	vsel vm1, $0x42C80000, v50;
	vm1 =	veq.f32 v52, $0.0e+00;
	v1 =	vmax.f32 v1, v52  }
0x3a: {  	v48 =	vld [tilespmem:$0xB90];
	v4 =	vmax.f32 v4, v42;
	v2 =	vmin.f32 v2, v58;
	v59 =	vsel vm1, $0x42C80000, v52  }
0x3b: {  	v14 =	vld [tilespmem:$0x1980];
	vm1 =	veq.f32 v55, $0.0e+00;
	v1 =	vmax.f32 v1, v55;
	v4 =	vmax.f32 v4, v43  }
0x3c: {  	v49 =	vld [tilespmem:$0x1010];
	v2 =	vmin.f32 v2, v59;
	v62 =	vsel vm1, $0x42C80000, v55;
	vm1 =	veq.f32 v3, $0.0e+00  }
0x3d: {  	v51 =	vld [tilespmem:$0x1090];
	v1 =	vmax.f32 v1, v3;
	v4 =	vmax.f32 v4, v45;
	v2 =	vmin.f32 v2, v62  }
0x3e: {  	v16 =	vld [tilespmem:$0x1A80];
	v12 =	vsel vm1, $0x42C80000, v3;
	vm1 =	veq.f32 v57, $0.0e+00;
	v1 =	vmax.f32 v1, v57  }
0x3f: {  	v54 =	vld [tilespmem:$0x1110];
	v4 =	vmax.f32 v4, v48;
	v2 =	vmin.f32 v2, v12;
	v13 =	vsel vm1, $0x42C80000, v57  }
0x40: {  	v19 =	vld [tilespmem:$0x1B00];
	vm1 =	veq.f32 v60, $0.0e+00;
	v1 =	vmax.f32 v1, v60;
	v12 =	vsel vm2, $0x42C80000, v10  }
0x41: {  	v55 =	vld [tilespmem:$0x1190];
	v4 =	vmax.f32 v4, v49;
	v2 =	vmin.f32 v2, v13;
	v15 =	vsel vm1, $0x42C80000, v60  }
0x42: {  	v3 =	vld [tilespmem:$0x1A00];
	vm1 =	veq.f32 v61, $0.0e+00;
	v1 =	vmax.f32 v1, v61;
	v4 =	vmax.f32 v4, v51  }
0x43: {  	v20 =	vld [tilespmem:$0x1B80];
	v2 =	vmin.f32 v2, v15;
	v17 =	vsel vm1, $0x42C80000, v61;
	vm1 =	veq.f32 v63, $0.0e+00  }
0x44: {  	v57 =	vld [tilespmem:$0x1210];
	v1 =	vmax.f32 v1, v63;
	v4 =	vmax.f32 v4, v54;
	v2 =	vmin.f32 v2, v17  }
0x45: {  	v60 =	vld [tilespmem:$0x1290];
	v18 =	vsel vm1, $0x42C80000, v63;
	vm1 =	veq.f32 v14, $0.0e+00;
	v1 =	vmax.f32 v1, v14  }
0x46: {  	v61 =	vld [tilespmem:$0x1310];
	v4 =	vmax.f32 v4, v55;
	v2 =	vmin.f32 v2, v18;
	v21 =	vsel vm1, $0x42C80000, v14  }
0x47: {  	vm1 =	veq.f32 v3, $0.0e+00;
	v1 =	vmax.f32 v1, v3;
	v2 =	vmin.f32 v2, v21  }
0x48: {  	v63 =	vld [tilespmem:$0x1390];
	v23 =	vsel vm1, $0x42C80000, v3;
	vm1 =	veq.f32 v16, $0.0e+00;
	v1 =	vmax.f32 v1, v16  }
0x49: {  	v4 =	vmax.f32 v4, v57;
	v2 =	vmin.f32 v2, v23;
	v24 =	vsel vm1, $0x42C80000, v16  }
0x4a: {  	v14 =	vld [tilespmem:$0x1810];
	vm1 =	veq.f32 v19, $0.0e+00;
	v4 =	vmax.f32 v4, v60;
	v2 =	vmin.f32 v2, v24  }
0x4b: {  	v15 =	vld [tilespmem:$0x1890];
	v3 =	vsel vm1, $0x42C80000, v19;
	vm1 =	veq.f32 v20, $0.0e+00;
	v4 =	vmax.f32 v4, v61  }
0x4c: {  	v17 =	vld [tilespmem:$0x1910];
	v2 =	vmin.f32 v2, v3;
	v3 =	vmax.f32 v1, v19;
	v1 =	vsel vm1, $0x42C80000, v20  }
0x4d: {  	vm1 =	veq.f32 v22, $0.0e+00;
	v4 =	vmax.f32 v4, v63;
	v1 =	vmin.f32 v2, v1  }
0x4e: {  	v11 =	vsel vm1, $0x42C80000, v22;
	vm1 =	veq.f32 v25, $0.0e+00;
	v2 =	vmax.f32 v3, v20  }
0x4f: {  	v4 =	vmax.f32 v4, v14;
	v3 =	vmin.f32 v11, v12;
	v29 =	vsel vm1, $0x42C80000, v25  }
0x50: {  	v20 =	vld [tilespmem:$0x1990];
	vm1 =	veq.f32 v26, $0.0e+00;
	v4 =	vmax.f32 v4, v15;
	v3 =	vmin.f32 v3, v29  }
0x51: {  	v21 =	vld [tilespmem:$0x1A10];
	v32 =	vsel vm1, $0x42C80000, v26;
	vm1 =	veq.f32 v27, $0.0e+00;
	v4 =	vmax.f32 v4, v17  }
0x52: {  	v23 =	vld [tilespmem:$0x1A90];
	v3 =	vmin.f32 v3, v32;
	v34 =	vsel vm1, $0x42C80000, v27;
	vm1 =	veq.f32 v28, $0.0e+00  }
0x53: {  	v3 =	vmin.f32 v3, v34;
	v35 =	vsel vm1, $0x42C80000, v28;
	vm1 =	veq.f32 v30, $0.0e+00  }
0x54: {  	v3 =	vmin.f32 v3, v35;
	v38 =	vsel vm1, $0x42C80000, v30;
	vm1 =	veq.f32 v31, $0.0e+00  }
0x55: {  	v26 =	vld [tilespmem:$0x1B10];
	v4 =	vmax.f32 v4, v20;
	v3 =	vmin.f32 v3, v38;
	v40 =	vsel vm1, $0x42C80000, v31  }
0x56: {  	v27 =	vld [tilespmem:$0x1B90];
	vm1 =	veq.f32 v33, $0.0e+00;
	v4 =	vmax.f32 v4, v21;
	v3 =	vmin.f32 v3, v40  }
0x57: {  	v31 =	vld [tilespmem:$0xA0];
	v41 =	vsel vm1, $0x42C80000, v33;
	vm1 =	veq.f32 v36, $0.0e+00;
	v4 =	vmax.f32 v4, v23  }
0x58: {  	v29 =	vld [tilespmem:$0x20];
	v3 =	vmin.f32 v3, v41;
	v44 =	vsel vm1, $0x42C80000, v36;
	vm1 =	veq.f32 v37, $0.0e+00  }
0x59: {  	v33 =	vld [tilespmem:$0x120];
	v3 =	vmin.f32 v3, v44;
	v46 =	vsel vm1, $0x42C80000, v37;
	vm1 =	veq.f32 v39, $0.0e+00  }
0x5a: {  	v35 =	vld [tilespmem:$0x1A0];
	v4 =	vmax.f32 v4, v26;
	v3 =	vmin.f32 v3, v46;
	v47 =	vsel vm1, $0x42C80000, v39  }
0x5b: {  	v4 =	vmax.f32 v4, v27;
	vm1 =	veq.f32 v42, $0.0e+00;
	v3 =	vmin.f32 v3, v47  }
0x5c: {  	v37 =	vld [tilespmem:$0x220];
	v50 =	vsel vm1, $0x42C80000, v42;
	vm1 =	veq.f32 v43, $0.0e+00;
	vm2 =	veq.f32 v31, $0.0e+00  }
0x5d: {  	v38 =	vld [tilespmem:$0x2A0];
	v10 =	vmax.f32 v29, v31;
	v3 =	vmin.f32 v3, v50;
	v52 =	vsel vm1, $0x42C80000, v43  }
0x5e: {  	v42 =	vld [tilespmem:$0x320];
	vm1 =	veq.f32 v45, $0.0e+00;
	v8 =	vmax.f32 v10, v33;
	v3 =	vmin.f32 v3, v52  }
0x5f: {  	v53 =	vsel vm1, $0x42C80000, v45;
	vm1 =	veq.f32 v48, $0.0e+00;
	v7 =	vmax.f32 v8, v35  }
0x60: {  	v43 =	vld [tilespmem:$0x3A0];
	v3 =	vmin.f32 v3, v53;
	v56 =	vsel vm1, $0x42C80000, v48;
	vm1 =	veq.f32 v49, $0.0e+00  }
0x61: {  	v45 =	vld [tilespmem:$0x820];
	v7 =	vmax.f32 v7, v37;
	v3 =	vmin.f32 v3, v56;
	v58 =	vsel vm1, $0x42C80000, v49  }
0x62: {  	v48 =	vld [tilespmem:$0x8A0];
	vm1 =	veq.f32 v51, $0.0e+00;
	v6 =	vmax.f32 v7, v38;
	v3 =	vmin.f32 v3, v58  }
0x63: {  	v59 =	vsel vm1, $0x42C80000, v51;
	vm1 =	veq.f32 v54, $0.0e+00;
	v6 =	vmax.f32 v6, v42  }
0x64: {  	v49 =	vld [tilespmem:$0x920];
	v3 =	vmin.f32 v3, v59;
	v62 =	vsel vm1, $0x42C80000, v54;
	vm1 =	veq.f32 v55, $0.0e+00  }
0x65: {  	v51 =	vld [tilespmem:$0x9A0];
	v6 =	vmax.f32 v6, v43;
	v3 =	vmin.f32 v3, v62;
	v12 =	vsel vm1, $0x42C80000, v55  }
0x66: {  	vm1 =	veq.f32 v57, $0.0e+00;
	v6 =	vmax.f32 v6, v45;
	v3 =	vmin.f32 v3, v12  }
0x67: {  	v54 =	vld [tilespmem:$0xA20];
	v13 =	vsel vm1, $0x42C80000, v57;
	vm1 =	veq.f32 v60, $0.0e+00;
	v6 =	vmax.f32 v6, v48  }
0x68: {  	v55 =	vld [tilespmem:$0xAA0];
	v3 =	vmin.f32 v3, v13;
	v16 =	vsel vm1, $0x42C80000, v60;
	vm1 =	veq.f32 v61, $0.0e+00  }
0x69: {  	v57 =	vld [tilespmem:$0xB20];
	v13 =	vsel vm2, $0x42C80000, v31;
	v6 =	vmax.f32 v6, v49;
	v3 =	vmin.f32 v3, v16  }
0x6a: {  	v18 =	vsel vm1, $0x42C80000, v61;
	vm1 =	veq.f32 v63, $0.0e+00;
	v6 =	vmax.f32 v6, v51  }
0x6b: {  	v60 =	vld [tilespmem:$0xBA0];
	v3 =	vmin.f32 v3, v18;
	v19 =	vsel vm1, $0x42C80000, v63;
	vm1 =	veq.f32 v14, $0.0e+00  }
0x6c: {  	v61 =	vld [tilespmem:$0x1020];
	v6 =	vmax.f32 v6, v54;
	v3 =	vmin.f32 v3, v19;
	v22 =	vsel vm1, $0x42C80000, v14  }
0x6d: {  	v63 =	vld [tilespmem:$0x10A0];
	vm1 =	veq.f32 v15, $0.0e+00;
	v6 =	vmax.f32 v6, v55;
	v3 =	vmin.f32 v3, v22  }
0x6e: {  	v24 =	vsel vm1, $0x42C80000, v15;
	vm1 =	veq.f32 v17, $0.0e+00;
	v6 =	vmax.f32 v6, v57  }
0x6f: {  	v3 =	vmin.f32 v3, v24;
	v25 =	vsel vm1, $0x42C80000, v17;
	vm1 =	veq.f32 v20, $0.0e+00  }
0x70: {  	v14 =	vld [tilespmem:$0xB0];
	v6 =	vmax.f32 v6, v60;
	v3 =	vmin.f32 v3, v25;
	v28 =	vsel vm1, $0x42C80000, v20  }
0x71: {  	v17 =	vld [tilespmem:$0x1120];
	vm1 =	veq.f32 v21, $0.0e+00;
	v6 =	vmax.f32 v6, v61;
	v3 =	vmin.f32 v3, v28  }
0x72: {  	v18 =	vld [tilespmem:$0x11A0];
	v30 =	vsel vm1, $0x42C80000, v21;
	vm1 =	veq.f32 v23, $0.0e+00;
	v6 =	vmax.f32 v6, v63  }
0x73: {  	v3 =	vmin.f32 v3, v30;
	v32 =	vsel vm1, $0x42C80000, v23;
	vm1 =	veq.f32 v26, $0.0e+00  }
0x74: {  	v20 =	vld [tilespmem:$0x1220];
	v3 =	vmin.f32 v3, v32;
	v34 =	vsel vm1, $0x42C80000, v26;
	vm1 =	veq.f32 v27, $0.0e+00  }
0x75: {  	v23 =	vld [tilespmem:$0x12A0];
	vm2 =	veq.f32 v14, $0.0e+00;
	v3 =	vmin.f32 v3, v34;
	v36 =	vsel vm1, $0x42C80000, v27  }
0x76: {  	v24 =	vld [tilespmem:$0x1320];
	vm1 =	veq.f32 v29, $0.0e+00;
	v6 =	vmax.f32 v6, v17;
	v3 =	vmin.f32 v3, v36  }
0x77: {  	v39 =	vsel vm1, $0x42C80000, v29;
	vm1 =	veq.f32 v33, $0.0e+00;
	v6 =	vmax.f32 v6, v18  }
0x78: {  	v26 =	vld [tilespmem:$0x13A0];
	v40 =	vmin.f32 v39, v13;
	v41 =	vsel vm1, $0x42C80000, v33;
	vm1 =	veq.f32 v35, $0.0e+00  }
0x79: {  	v29 =	vld [tilespmem:$0x1820];
	v6 =	vmax.f32 v6, v20;
	v5 =	vmin.f32 v40, v41;
	v44 =	vsel vm1, $0x42C80000, v35  }
0x7a: {  	v30 =	vld [tilespmem:$0x18A0];
	vm1 =	veq.f32 v37, $0.0e+00;
	v6 =	vmax.f32 v6, v23;
	v5 =	vmin.f32 v5, v44  }
0x7b: {  	v32 =	vld [tilespmem:$0x1920];
	v46 =	vsel vm1, $0x42C80000, v37;
	vm1 =	veq.f32 v38, $0.0e+00;
	v6 =	vmax.f32 v6, v24  }
0x7c: {  	v35 =	vld [tilespmem:$0x19A0];
	v5 =	vmin.f32 v5, v46;
	v47 =	vsel vm1, $0x42C80000, v38;
	vm1 =	veq.f32 v42, $0.0e+00  }
0x7d: {  	v44 =	vld [tilespmem:$0x30];
	v6 =	vmax.f32 v6, v26;
	v5 =	vmin.f32 v5, v47;
	v50 =	vsel vm1, $0x42C80000, v42  }
0x7e: {  	v36 =	vld [tilespmem:$0x1A20];
	vm1 =	veq.f32 v43, $0.0e+00;
	v6 =	vmax.f32 v6, v29;
	v5 =	vmin.f32 v5, v50  }
0x7f: {  	v38 =	vld [tilespmem:$0x1AA0];
	v52 =	vsel vm1, $0x42C80000, v43;
	vm1 =	veq.f32 v45, $0.0e+00;
	v6 =	vmax.f32 v6, v30  }
0x80: {  	v47 =	vld [tilespmem:$0x130];
	v5 =	vmin.f32 v5, v52;
	v53 =	vsel vm1, $0x42C80000, v45;
	vm1 =	veq.f32 v48, $0.0e+00  }
0x81: {  	v6 =	vmax.f32 v6, v32;
	v5 =	vmin.f32 v5, v53;
	v56 =	vsel vm1, $0x42C80000, v48  }
0x82: {  	v41 =	vld [tilespmem:$0x1B20];
	vm1 =	veq.f32 v49, $0.0e+00;
	v6 =	vmax.f32 v6, v35;
	v12 =	vmax.f32 v44, v14  }
0x83: {  	v42 =	vld [tilespmem:$0x1BA0];
	v5 =	vmin.f32 v5, v56;
	v58 =	vsel vm1, $0x42C80000, v49;
	vm1 =	veq.f32 v51, $0.0e+00  }
0x84: {  	v6 =	vmax.f32 v6, v36;
	v5 =	vmin.f32 v5, v58;
	v59 =	vsel vm1, $0x42C80000, v51  }
0x85: {  	vm1 =	veq.f32 v54, $0.0e+00;
	v6 =	vmax.f32 v6, v38;
	v11 =	vmax.f32 v12, v47  }
0x86: {  	v49 =	vld [tilespmem:$0x1B0];
	v5 =	vmin.f32 v5, v59;
	v62 =	vsel vm1, $0x42C80000, v54;
	vm1 =	veq.f32 v55, $0.0e+00  }
0x87: {  	v51 =	vld [tilespmem:$0x230];
	v6 =	vmax.f32 v6, v41;
	v5 =	vmin.f32 v5, v62;
	v15 =	vsel vm1, $0x42C80000, v55  }
0x88: {  	v52 =	vld [tilespmem:$0x2B0];
	vm1 =	veq.f32 v57, $0.0e+00;
	v6 =	vmax.f32 v6, v42;
	v5 =	vmin.f32 v5, v15  }
0x89: {  	v16 =	vsel vm1, $0x42C80000, v57;
	vm1 =	veq.f32 v60, $0.0e+00;
	v15 =	vsel vm2, $0x42C80000, v14  }
0x8a: {  	v56 =	vld [tilespmem:$0x330];
	v5 =	vmin.f32 v5, v16;
	v19 =	vsel vm1, $0x42C80000, v60;
	vm1 =	veq.f32 v61, $0.0e+00  }
0x8b: {  	v57 =	vld [tilespmem:$0x3B0];
	v9 =	vmax.f32 v11, v49;
	v5 =	vmin.f32 v5, v19;
	v21 =	vsel vm1, $0x42C80000, v61  }
0x8c: {  	v59 =	vld [tilespmem:$0x830];
	vm1 =	veq.f32 v63, $0.0e+00;
	v9 =	vmax.f32 v9, v51;
	v5 =	vmin.f32 v5, v21  }
0x8d: {  	v16 =	vld [tilespmem:$0xC0];
	v22 =	vsel vm1, $0x42C80000, v63;
	vm1 =	veq.f32 v17, $0.0e+00;
	v8 =	vmax.f32 v9, v52  }
0x8e: {  	v62 =	vld [tilespmem:$0x8B0];
	v5 =	vmin.f32 v5, v22;
	v25 =	vsel vm1, $0x42C80000, v17;
	vm1 =	veq.f32 v18, $0.0e+00  }
0x8f: {  	v63 =	vld [tilespmem:$0x930];
	v8 =	vmax.f32 v8, v56;
	v5 =	vmin.f32 v5, v25;
	v27 =	vsel vm1, $0x42C80000, v18  }
0x90: {  	vm1 =	veq.f32 v20, $0.0e+00;
	v8 =	vmax.f32 v8, v57;
	v5 =	vmin.f32 v5, v27  }
0x91: {  	v28 =	vsel vm1, $0x42C80000, v20;
	vm1 =	veq.f32 v23, $0.0e+00;
	v8 =	vmax.f32 v8, v59  }
0x92: {  	v18 =	vld [tilespmem:$0x9B0];
	vm2 =	veq.f32 v16, $0.0e+00;
	v5 =	vmin.f32 v5, v28;
	v31 =	vsel vm1, $0x42C80000, v23  }
0x93: {  	v21 =	vld [tilespmem:$0xA30];
	vm1 =	veq.f32 v24, $0.0e+00;
	v8 =	vmax.f32 v8, v62;
	v5 =	vmin.f32 v5, v31  }
0x94: {  	v22 =	vld [tilespmem:$0xAB0];
	v33 =	vsel vm1, $0x42C80000, v24;
	vm1 =	veq.f32 v26, $0.0e+00;
	v8 =	vmax.f32 v8, v63  }
0x95: {  	v5 =	vmin.f32 v5, v33;
	v34 =	vsel vm1, $0x42C80000, v26;
	vm1 =	veq.f32 v29, $0.0e+00  }
0x96: {  	v24 =	vld [tilespmem:$0xB30];
	v5 =	vmin.f32 v5, v34;
	v37 =	vsel vm1, $0x42C80000, v29;
	vm1 =	veq.f32 v30, $0.0e+00  }
0x97: {  	v27 =	vld [tilespmem:$0xBB0];
	v8 =	vmax.f32 v8, v18;
	v5 =	vmin.f32 v5, v37;
	v39 =	vsel vm1, $0x42C80000, v30  }
0x98: {  	v28 =	vld [tilespmem:$0x1030];
	vm1 =	veq.f32 v32, $0.0e+00;
	v8 =	vmax.f32 v8, v21;
	v5 =	vmin.f32 v5, v39  }
0x99: {  	v40 =	vsel vm1, $0x42C80000, v32;
	vm1 =	veq.f32 v35, $0.0e+00;
	v8 =	vmax.f32 v8, v22  }
0x9a: {  	v30 =	vld [tilespmem:$0x10B0];
	v5 =	vmin.f32 v5, v40;
	v43 =	vsel vm1, $0x42C80000, v35;
	vm1 =	veq.f32 v36, $0.0e+00  }
0x9b: {  	v33 =	vld [tilespmem:$0x1130];
	v8 =	vmax.f32 v8, v24;
	v5 =	vmin.f32 v5, v43;
	v45 =	vsel vm1, $0x42C80000, v36  }
0x9c: {  	v34 =	vld [tilespmem:$0x11B0];
	vm1 =	veq.f32 v38, $0.0e+00;
	v8 =	vmax.f32 v8, v27;
	v5 =	vmin.f32 v5, v45  }
0x9d: {  	v46 =	vsel vm1, $0x42C80000, v38;
	vm1 =	veq.f32 v41, $0.0e+00;
	v8 =	vmax.f32 v8, v28  }
0x9e: {  	v36 =	vld [tilespmem:$0x1230];
	v5 =	vmin.f32 v5, v46;
	v48 =	vsel vm1, $0x42C80000, v41;
	vm1 =	veq.f32 v42, $0.0e+00  }
0x9f: {  	v39 =	vld [tilespmem:$0x12B0];
	v8 =	vmax.f32 v8, v30;
	v5 =	vmin.f32 v5, v48;
	v50 =	vsel vm1, $0x42C80000, v42  }
0xa0: {  	v40 =	vld [tilespmem:$0x1330];
	vm1 =	veq.f32 v44, $0.0e+00;
	v8 =	vmax.f32 v8, v33;
	v5 =	vmin.f32 v5, v50  }
0xa1: {  	v53 =	vsel vm1, $0x42C80000, v44;
	vm1 =	veq.f32 v47, $0.0e+00;
	v8 =	vmax.f32 v8, v34  }
0xa2: {  	v42 =	vld [tilespmem:$0x13B0];
	v54 =	vmin.f32 v53, v15;
	v55 =	vsel vm1, $0x42C80000, v47;
	vm1 =	veq.f32 v49, $0.0e+00  }
0xa3: {  	v45 =	vld [tilespmem:$0x1830];
	v8 =	vmax.f32 v8, v36;
	v7 =	vmin.f32 v54, v55;
	v58 =	vsel vm1, $0x42C80000, v49  }
0xa4: {  	v46 =	vld [tilespmem:$0x18B0];
	vm1 =	veq.f32 v51, $0.0e+00;
	v8 =	vmax.f32 v8, v39;
	v7 =	vmin.f32 v7, v58  }
0xa5: {  	v60 =	vsel vm1, $0x42C80000, v51;
	vm1 =	veq.f32 v52, $0.0e+00;
	v8 =	vmax.f32 v8, v40  }
0xa6: {  	v48 =	vld [tilespmem:$0x1930];
	v7 =	vmin.f32 v7, v60;
	v61 =	vsel vm1, $0x42C80000, v52;
	vm1 =	veq.f32 v56, $0.0e+00  }
0xa7: {  	v51 =	vld [tilespmem:$0x19B0];
	v8 =	vmax.f32 v8, v42;
	v7 =	vmin.f32 v7, v61;
	v17 =	vsel vm1, $0x42C80000, v56  }
0xa8: {  	v52 =	vld [tilespmem:$0x1A30];
	vm1 =	veq.f32 v57, $0.0e+00;
	v8 =	vmax.f32 v8, v45;
	v7 =	vmin.f32 v7, v17  }
0xa9: {  	v60 =	vld [tilespmem:$0x40];
	v19 =	vsel vm1, $0x42C80000, v57;
	vm1 =	veq.f32 v59, $0.0e+00;
	v8 =	vmax.f32 v8, v46  }
0xaa: {  	v54 =	vld [tilespmem:$0x1AB0];
	v17 =	vsel vm2, $0x42C80000, v16;
	v7 =	vmin.f32 v7, v19;
	v20 =	vsel vm1, $0x42C80000, v59  }
0xab: {  	vm1 =	veq.f32 v62, $0.0e+00;
	v8 =	vmax.f32 v8, v48;
	v7 =	vmin.f32 v7, v20  }
0xac: {  	v23 =	vsel vm1, $0x42C80000, v62;
	vm1 =	veq.f32 v63, $0.0e+00;
	v8 =	vmax.f32 v8, v51  }
0xad: {  	v57 =	vld [tilespmem:$0x1B30];
	v7 =	vmin.f32 v7, v23;
	v25 =	vsel vm1, $0x42C80000, v63;
	vm1 =	veq.f32 v18, $0.0e+00  }
0xae: {  	v58 =	vld [tilespmem:$0x1BB0];
	v8 =	vmax.f32 v8, v52;
	v14 =	vmax.f32 v60, v16;
	v7 =	vmin.f32 v7, v25  }
0xaf: {  	v63 =	vld [tilespmem:$0x140];
	v26 =	vsel vm1, $0x42C80000, v18;
	vm1 =	veq.f32 v21, $0.0e+00;
	v8 =	vmax.f32 v8, v54  }
0xb0: {  	v7 =	vmin.f32 v7, v26;
	v29 =	vsel vm1, $0x42C80000, v21;
	vm1 =	veq.f32 v22, $0.0e+00  }
0xb1: {  	v18 =	vld [tilespmem:$0xD0];
	v7 =	vmin.f32 v7, v29;
	v31 =	vsel vm1, $0x42C80000, v22;
	vm1 =	veq.f32 v24, $0.0e+00  }
0xb2: {  	v21 =	vld [tilespmem:$0x1C0];
	v8 =	vmax.f32 v8, v57;
	v7 =	vmin.f32 v7, v31;
	v32 =	vsel vm1, $0x42C80000, v24  }
0xb3: {  	v8 =	vmax.f32 v8, v58;
	vm1 =	veq.f32 v27, $0.0e+00;
	v7 =	vmin.f32 v7, v32  }
0xb4: {  	v35 =	vsel vm1, $0x42C80000, v27;
	vm1 =	veq.f32 v28, $0.0e+00;
	v13 =	vmax.f32 v14, v63  }
0xb5: {  	v23 =	vld [tilespmem:$0x240];
	v7 =	vmin.f32 v7, v35;
	v37 =	vsel vm1, $0x42C80000, v28;
	vm1 =	veq.f32 v30, $0.0e+00  }
0xb6: {  	v24 =	vld [tilespmem:$0x2C0];
	vm2 =	veq.f32 v18, $0.0e+00;
	v7 =	vmin.f32 v7, v37;
	v38 =	vsel vm1, $0x42C80000, v30  }
0xb7: {  	v28 =	vld [tilespmem:$0x340];
	vm1 =	veq.f32 v33, $0.0e+00;
	v11 =	vmax.f32 v13, v21;
	v19 =	vsel vm2, $0x42C80000, v18  }
0xb8: {  	v7 =	vmin.f32 v7, v38;
	v41 =	vsel vm1, $0x42C80000, v33;
	vm1 =	veq.f32 v34, $0.0e+00  }
0xb9: {  	v29 =	vld [tilespmem:$0x3C0];
	v7 =	vmin.f32 v7, v41;
	v43 =	vsel vm1, $0x42C80000, v34;
	vm1 =	veq.f32 v36, $0.0e+00  }
0xba: {  	v31 =	vld [tilespmem:$0x840];
	v11 =	vmax.f32 v11, v23;
	v7 =	vmin.f32 v7, v43;
	v44 =	vsel vm1, $0x42C80000, v36  }
0xbb: {  	v34 =	vld [tilespmem:$0x8C0];
	v10 =	vmax.f32 v11, v24;
	vm1 =	veq.f32 v39, $0.0e+00;
	v7 =	vmin.f32 v7, v44  }
0xbc: {  	v47 =	vsel vm1, $0x42C80000, v39;
	vm1 =	veq.f32 v40, $0.0e+00;
	v10 =	vmax.f32 v10, v28  }
0xbd: {  	v35 =	vld [tilespmem:$0x940];
	v7 =	vmin.f32 v7, v47;
	v49 =	vsel vm1, $0x42C80000, v40;
	vm1 =	veq.f32 v42, $0.0e+00  }
0xbe: {  	v37 =	vld [tilespmem:$0x9C0];
	v10 =	vmax.f32 v10, v29;
	v7 =	vmin.f32 v7, v49;
	v50 =	vsel vm1, $0x42C80000, v42  }
0xbf: {  	v40 =	vld [tilespmem:$0xA40];
	vm1 =	veq.f32 v45, $0.0e+00;
	v10 =	vmax.f32 v10, v31;
	v7 =	vmin.f32 v7, v50  }
0xc0: {  	v53 =	vsel vm1, $0x42C80000, v45;
	vm1 =	veq.f32 v46, $0.0e+00;
	v10 =	vmax.f32 v10, v34  }
0xc1: {  	v41 =	vld [tilespmem:$0xAC0];
	v7 =	vmin.f32 v7, v53;
	v55 =	vsel vm1, $0x42C80000, v46;
	vm1 =	veq.f32 v48, $0.0e+00  }
0xc2: {  	v43 =	vld [tilespmem:$0xB40];
	v10 =	vmax.f32 v10, v35;
	v7 =	vmin.f32 v7, v55;
	v56 =	vsel vm1, $0x42C80000, v48  }
0xc3: {  	v46 =	vld [tilespmem:$0xBC0];
	vm1 =	veq.f32 v51, $0.0e+00;
	v10 =	vmax.f32 v10, v37;
	v7 =	vmin.f32 v7, v56  }
0xc4: {  	v59 =	vsel vm1, $0x42C80000, v51;
	vm1 =	veq.f32 v52, $0.0e+00;
	v10 =	vmax.f32 v10, v40  }
0xc5: {  	v47 =	vld [tilespmem:$0x1040];
	v7 =	vmin.f32 v7, v59;
	v61 =	vsel vm1, $0x42C80000, v52;
	vm1 =	veq.f32 v54, $0.0e+00  }
0xc6: {  	v49 =	vld [tilespmem:$0x10C0];
	v10 =	vmax.f32 v10, v41;
	v7 =	vmin.f32 v7, v61;
	v62 =	vsel vm1, $0x42C80000, v54  }
0xc7: {  	v52 =	vld [tilespmem:$0x1140];
	vm1 =	veq.f32 v57, $0.0e+00;
	v10 =	vmax.f32 v10, v43;
	v7 =	vmin.f32 v7, v62  }
0xc8: {  	v20 =	vsel vm1, $0x42C80000, v57;
	vm1 =	veq.f32 v58, $0.0e+00;
	v10 =	vmax.f32 v10, v46  }
0xc9: {  	v53 =	vld [tilespmem:$0x11C0];
	v7 =	vmin.f32 v7, v20;
	v22 =	vsel vm1, $0x42C80000, v58;
	vm1 =	veq.f32 v60, $0.0e+00  }
0xca: {  	v55 =	vld [tilespmem:$0x1240];
	v10 =	vmax.f32 v10, v47;
	v7 =	vmin.f32 v7, v22;
	v25 =	vsel vm1, $0x42C80000, v60  }
0xcb: {  	v58 =	vld [tilespmem:$0x12C0];
	vm1 =	veq.f32 v63, $0.0e+00;
	v10 =	vmax.f32 v10, v49;
	v26 =	vmin.f32 v25, v17  }
0xcc: {  	v27 =	vsel vm1, $0x42C80000, v63;
	vm1 =	veq.f32 v21, $0.0e+00;
	v10 =	vmax.f32 v10, v52  }
0xcd: {  	v59 =	vld [tilespmem:$0x1340];
	v9 =	vmin.f32 v26, v27;
	v30 =	vsel vm1, $0x42C80000, v21;
	vm1 =	veq.f32 v23, $0.0e+00  }
0xce: {  	v61 =	vld [tilespmem:$0x13C0];
	v10 =	vmax.f32 v10, v53;
	v9 =	vmin.f32 v9, v30;
	v32 =	vsel vm1, $0x42C80000, v23  }
0xcf: {  	v20 =	vld [tilespmem:$0x1840];
	vm1 =	veq.f32 v24, $0.0e+00;
	v10 =	vmax.f32 v10, v55;
	v9 =	vmin.f32 v9, v32  }
0xd0: {  	v33 =	vsel vm1, $0x42C80000, v24;
	vm1 =	veq.f32 v28, $0.0e+00;
	v10 =	vmax.f32 v10, v58  }
0xd1: {  	v21 =	vld [tilespmem:$0x18C0];
	v9 =	vmin.f32 v9, v33;
	v36 =	vsel vm1, $0x42C80000, v28;
	vm1 =	veq.f32 v29, $0.0e+00  }
0xd2: {  	v23 =	vld [tilespmem:$0x1940];
	v10 =	vmax.f32 v10, v59;
	v9 =	vmin.f32 v9, v36;
	v38 =	vsel vm1, $0x42C80000, v29  }
0xd3: {  	v26 =	vld [tilespmem:$0x19C0];
	vm1 =	veq.f32 v31, $0.0e+00;
	v10 =	vmax.f32 v10, v61;
	v9 =	vmin.f32 v9, v38  }
0xd4: {  	v39 =	vsel vm1, $0x42C80000, v31;
	vm1 =	veq.f32 v34, $0.0e+00;
	v10 =	vmax.f32 v10, v20  }
0xd5: {  	v27 =	vld [tilespmem:$0x1A40];
	v9 =	vmin.f32 v9, v39;
	v42 =	vsel vm1, $0x42C80000, v34;
	vm1 =	veq.f32 v35, $0.0e+00  }
0xd6: {  	v29 =	vld [tilespmem:$0x1AC0];
	v10 =	vmax.f32 v10, v21;
	v9 =	vmin.f32 v9, v42;
	v44 =	vsel vm1, $0x42C80000, v35  }
0xd7: {  	v32 =	vld [tilespmem:$0x1B40];
	vm1 =	veq.f32 v37, $0.0e+00;
	v10 =	vmax.f32 v10, v23;
	v9 =	vmin.f32 v9, v44  }
0xd8: {  	v33 =	vld [tilespmem:$0x1BC0];
	v45 =	vsel vm1, $0x42C80000, v37;
	vm1 =	veq.f32 v40, $0.0e+00;
	v10 =	vmax.f32 v10, v26  }
0xd9: {  	v35 =	vld [tilespmem:$0x50];
	v9 =	vmin.f32 v9, v45;
	v48 =	vsel vm1, $0x42C80000, v40;
	vm1 =	veq.f32 v41, $0.0e+00  }
0xda: {  	v38 =	vld [tilespmem:$0x150];
	v10 =	vmax.f32 v10, v27;
	v9 =	vmin.f32 v9, v48;
	v50 =	vsel vm1, $0x42C80000, v41  }
0xdb: {  	vm1 =	veq.f32 v43, $0.0e+00;
	v10 =	vmax.f32 v10, v29;
	v9 =	vmin.f32 v9, v50  }
0xdc: {  	v40 =	vld [tilespmem:$0x1D0];
	v51 =	vsel vm1, $0x42C80000, v43;
	vm1 =	veq.f32 v46, $0.0e+00;
	v10 =	vmax.f32 v10, v32  }
0xdd: {  	v42 =	vld [tilespmem:$0x250];
	v9 =	vmin.f32 v9, v51;
	v54 =	vsel vm1, $0x42C80000, v46;
	vm1 =	veq.f32 v47, $0.0e+00  }
0xde: {  	v43 =	vld [tilespmem:$0x2D0];
	v10 =	vmax.f32 v10, v33;
	v16 =	vmax.f32 v35, v18;
	v9 =	vmin.f32 v9, v54  }
0xdf: {  	v56 =	vsel vm1, $0x42C80000, v47;
	vm1 =	veq.f32 v49, $0.0e+00;
	v15 =	vmax.f32 v16, v38  }
0xe0: {  	v9 =	vmin.f32 v9, v56;
	v57 =	vsel vm1, $0x42C80000, v49;
	vm1 =	veq.f32 v52, $0.0e+00  }
0xe1: {  	v47 =	vld [tilespmem:$0x350];
	v13 =	vmax.f32 v15, v40;
	v9 =	vmin.f32 v9, v57;
	v60 =	vsel vm1, $0x42C80000, v52  }
0xe2: {  	v48 =	vld [tilespmem:$0x3D0];
	vm1 =	veq.f32 v53, $0.0e+00;
	v13 =	vmax.f32 v13, v42;
	v9 =	vmin.f32 v9, v60  }
0xe3: {  	v50 =	vld [tilespmem:$0x850];
	v62 =	vsel vm1, $0x42C80000, v53;
	vm1 =	veq.f32 v55, $0.0e+00;
	v12 =	vmax.f32 v13, v43  }
0xe4: {  	v9 =	vmin.f32 v9, v62;
	v63 =	vsel vm1, $0x42C80000, v55;
	vm1 =	veq.f32 v58, $0.0e+00  }
0xe5: {  	v53 =	vld [tilespmem:$0x8D0];
	v9 =	vmin.f32 v9, v63;
	v22 =	vsel vm1, $0x42C80000, v58;
	vm1 =	veq.f32 v59, $0.0e+00  }
0xe6: {  	v54 =	vld [tilespmem:$0x950];
	v12 =	vmax.f32 v12, v47;
	v9 =	vmin.f32 v9, v22;
	v24 =	vsel vm1, $0x42C80000, v59  }
0xe7: {  	v56 =	vld [tilespmem:$0x9D0];
	vm1 =	veq.f32 v61, $0.0e+00;
	v12 =	vmax.f32 v12, v48;
	v9 =	vmin.f32 v9, v24  }
0xe8: {  	v25 =	vsel vm1, $0x42C80000, v61;
	vm1 =	veq.f32 v20, $0.0e+00;
	v12 =	vmax.f32 v12, v50  }
0xe9: {  	v59 =	vld [tilespmem:$0xA50];
	v9 =	vmin.f32 v9, v25;
	v28 =	vsel vm1, $0x42C80000, v20;
	vm1 =	veq.f32 v21, $0.0e+00  }
0xea: {  	v60 =	vld [tilespmem:$0xAD0];
	v12 =	vmax.f32 v12, v53;
	v9 =	vmin.f32 v9, v28;
	v30 =	vsel vm1, $0x42C80000, v21  }
0xeb: {  	v62 =	vld [tilespmem:$0xB50];
	vm1 =	veq.f32 v23, $0.0e+00;
	v12 =	vmax.f32 v12, v54;
	v9 =	vmin.f32 v9, v30  }
0xec: {  	v31 =	vsel vm1, $0x42C80000, v23;
	vm1 =	veq.f32 v26, $0.0e+00;
	v12 =	vmax.f32 v12, v56  }
0xed: {  	v21 =	vld [tilespmem:$0xBD0];
	v9 =	vmin.f32 v9, v31;
	v34 =	vsel vm1, $0x42C80000, v26;
	vm1 =	veq.f32 v27, $0.0e+00  }
0xee: {  	v22 =	vld [tilespmem:$0x1050];
	v12 =	vmax.f32 v12, v59;
	v9 =	vmin.f32 v9, v34;
	v36 =	vsel vm1, $0x42C80000, v27  }
0xef: {  	v24 =	vld [tilespmem:$0x10D0];
	vm1 =	veq.f32 v29, $0.0e+00;
	v12 =	vmax.f32 v12, v60;
	v9 =	vmin.f32 v9, v36  }
0xf0: {  	v37 =	vsel vm1, $0x42C80000, v29;
	vm1 =	veq.f32 v32, $0.0e+00;
	v12 =	vmax.f32 v12, v62  }
0xf1: {  	v27 =	vld [tilespmem:$0x1150];
	v9 =	vmin.f32 v9, v37;
	v39 =	vsel vm1, $0x42C80000, v32;
	vm1 =	veq.f32 v33, $0.0e+00  }
0xf2: {  	v28 =	vld [tilespmem:$0x11D0];
	v12 =	vmax.f32 v12, v21;
	v9 =	vmin.f32 v9, v39;
	v41 =	vsel vm1, $0x42C80000, v33  }
0xf3: {  	v30 =	vld [tilespmem:$0x1250];
	vm1 =	veq.f32 v35, $0.0e+00;
	v12 =	vmax.f32 v12, v22;
	v9 =	vmin.f32 v9, v41  }
0xf4: {  	v44 =	vsel vm1, $0x42C80000, v35;
	vm1 =	veq.f32 v38, $0.0e+00;
	v12 =	vmax.f32 v12, v24  }
0xf5: {  	v33 =	vld [tilespmem:$0x12D0];
	v45 =	vmin.f32 v44, v19;
	v46 =	vsel vm1, $0x42C80000, v38;
	vm1 =	veq.f32 v40, $0.0e+00  }
0xf6: {  	v34 =	vld [tilespmem:$0x1350];
	v12 =	vmax.f32 v12, v27;
	v11 =	vmin.f32 v45, v46;
	v49 =	vsel vm1, $0x42C80000, v40  }
0xf7: {  	v36 =	vld [tilespmem:$0x13D0];
	vm1 =	veq.f32 v42, $0.0e+00;
	v12 =	vmax.f32 v12, v28;
	v11 =	vmin.f32 v11, v49  }
0xf8: {  	v51 =	vsel vm1, $0x42C80000, v42;
	vm1 =	veq.f32 v43, $0.0e+00;
	v12 =	vmax.f32 v12, v30  }
0xf9: {  	v39 =	vld [tilespmem:$0x1850];
	v11 =	vmin.f32 v11, v51;
	v52 =	vsel vm1, $0x42C80000, v43;
	vm1 =	veq.f32 v47, $0.0e+00  }
0xfa: {  	v40 =	vld [tilespmem:$0x18D0];
	v12 =	vmax.f32 v12, v33;
	v11 =	vmin.f32 v11, v52;
	v55 =	vsel vm1, $0x42C80000, v47  }
0xfb: {  	v42 =	vld [tilespmem:$0x1950];
	vm1 =	veq.f32 v48, $0.0e+00;
	v12 =	vmax.f32 v12, v34;
	v11 =	vmin.f32 v11, v55  }
0xfc: {  	v57 =	vsel vm1, $0x42C80000, v48;
	vm1 =	veq.f32 v50, $0.0e+00;
	v12 =	vmax.f32 v12, v36  }
0xfd: {  	v45 =	vld [tilespmem:$0x19D0];
	v11 =	vmin.f32 v11, v57;
	v58 =	vsel vm1, $0x42C80000, v50;
	vm1 =	veq.f32 v53, $0.0e+00  }
0xfe: {  	v46 =	vld [tilespmem:$0x1A50];
	v12 =	vmax.f32 v12, v39;
	v11 =	vmin.f32 v11, v58;
	v61 =	vsel vm1, $0x42C80000, v53  }
0xff: {  	v48 =	vld [tilespmem:$0x1AD0];
	vm1 =	veq.f32 v54, $0.0e+00;
	v12 =	vmax.f32 v12, v40;
	v11 =	vmin.f32 v11, v61  }
0x100: {  	v63 =	vsel vm1, $0x42C80000, v54;
	vm1 =	veq.f32 v56, $0.0e+00;
	v12 =	vmax.f32 v12, v42  }
0x101: {  	v11 =	vmin.f32 v11, v63;
	v20 =	vsel vm1, $0x42C80000, v56;
	vm1 =	veq.f32 v59, $0.0e+00  }
0x102: {  	v51 =	vld [tilespmem:$0x1B50];
	v12 =	vmax.f32 v12, v45;
	v11 =	vmin.f32 v11, v20;
	v23 =	vsel vm1, $0x42C80000, v59  }
0x103: {  	v52 =	vld [tilespmem:$0x1BD0];
	vm1 =	veq.f32 v60, $0.0e+00;
	v12 =	vmax.f32 v12, v46;
	v11 =	vmin.f32 v11, v23  }
0x104: {  	v20 =	vld [tilespmem:$0xE0];
	v25 =	vsel vm1, $0x42C80000, v60;
	vm1 =	veq.f32 v62, $0.0e+00;
	v12 =	vmax.f32 v12, v48  }
0x105: {  	v54 =	vld [tilespmem:$0x60];
	v11 =	vmin.f32 v11, v25;
	v26 =	vsel vm1, $0x42C80000, v62;
	vm1 =	veq.f32 v21, $0.0e+00  }
0x106: {  	v57 =	vld [tilespmem:$0x160];
	v11 =	vmin.f32 v11, v26;
	v29 =	vsel vm1, $0x42C80000, v21;
	vm1 =	veq.f32 v22, $0.0e+00  }
0x107: {  	v12 =	vmax.f32 v12, v51;
	v11 =	vmin.f32 v11, v29;
	v31 =	vsel vm1, $0x42C80000, v22  }
0x108: {  	v59 =	vld [tilespmem:$0x1E0];
	v12 =	vmax.f32 v12, v52;
	vm1 =	veq.f32 v24, $0.0e+00;
	v11 =	vmin.f32 v11, v31  }
0x109: {  	v61 =	vld [tilespmem:$0x260];
	v32 =	vsel vm1, $0x42C80000, v24;
	vm1 =	veq.f32 v27, $0.0e+00;
	vm2 =	veq.f32 v20, $0.0e+00  }
0x10a: {  	v62 =	vld [tilespmem:$0x2E0];
	v18 =	vmax.f32 v54, v20;
	v11 =	vmin.f32 v11, v32;
	v35 =	vsel vm1, $0x42C80000, v27  }
0x10b: {  	v22 =	vld [tilespmem:$0xF0];
	vm1 =	veq.f32 v28, $0.0e+00;
	v21 =	vsel vm2, $0x42C80000, v20;
	v17 =	vmax.f32 v18, v57  }
0x10c: {  	v26 =	vld [tilespmem:$0x360];
	v11 =	vmin.f32 v11, v35;
	v37 =	vsel vm1, $0x42C80000, v28;
	vm1 =	veq.f32 v30, $0.0e+00  }
0x10d: {  	v15 =	vmax.f32 v17, v59;
	v11 =	vmin.f32 v11, v37;
	v38 =	vsel vm1, $0x42C80000, v30  }
0x10e: {  	v27 =	vld [tilespmem:$0x3E0];
	vm1 =	veq.f32 v33, $0.0e+00;
	v15 =	vmax.f32 v15, v61;
	v11 =	vmin.f32 v11, v38  }
0x10f: {  	v29 =	vld [tilespmem:$0x860];
	v41 =	vsel vm1, $0x42C80000, v33;
	vm1 =	veq.f32 v34, $0.0e+00;
	v14 =	vmax.f32 v15, v62  }
0x110: {  	v32 =	vld [tilespmem:$0x8E0];
	vm2 =	veq.f32 v22, $0.0e+00;
	v11 =	vmin.f32 v11, v41;
	v43 =	vsel vm1, $0x42C80000, v34  }
0x111: {  	vm1 =	veq.f32 v36, $0.0e+00;
	v14 =	vmax.f32 v14, v26;
	v23 =	vsel vm2, $0x42C80000, v22  }
0x112: {  	v33 =	vld [tilespmem:$0x960];
	v11 =	vmin.f32 v11, v43;
	v44 =	vsel vm1, $0x42C80000, v36;
	vm1 =	veq.f32 v39, $0.0e+00  }
0x113: {  	v35 =	vld [tilespmem:$0x9E0];
	v14 =	vmax.f32 v14, v27;
	v11 =	vmin.f32 v11, v44;
	v47 =	vsel vm1, $0x42C80000, v39  }
0x114: {  	v38 =	vld [tilespmem:$0xA60];
	vm1 =	veq.f32 v40, $0.0e+00;
	v14 =	vmax.f32 v14, v29;
	v11 =	vmin.f32 v11, v47  }
0x115: {  	v49 =	vsel vm1, $0x42C80000, v40;
	vm1 =	veq.f32 v42, $0.0e+00;
	v14 =	vmax.f32 v14, v32  }
0x116: {  	v39 =	vld [tilespmem:$0xAE0];
	v11 =	vmin.f32 v11, v49;
	v50 =	vsel vm1, $0x42C80000, v42;
	vm1 =	veq.f32 v45, $0.0e+00  }
0x117: {  	v41 =	vld [tilespmem:$0xB60];
	v14 =	vmax.f32 v14, v33;
	v11 =	vmin.f32 v11, v50;
	v53 =	vsel vm1, $0x42C80000, v45  }
0x118: {  	v44 =	vld [tilespmem:$0xBE0];
	vm1 =	veq.f32 v46, $0.0e+00;
	v14 =	vmax.f32 v14, v35;
	v11 =	vmin.f32 v11, v53  }
0x119: {  	v55 =	vsel vm1, $0x42C80000, v46;
	vm1 =	veq.f32 v48, $0.0e+00;
	v14 =	vmax.f32 v14, v38  }
0x11a: {  	v45 =	vld [tilespmem:$0x1060];
	v11 =	vmin.f32 v11, v55;
	v56 =	vsel vm1, $0x42C80000, v48;
	vm1 =	veq.f32 v51, $0.0e+00  }
0x11b: {  	v47 =	vld [tilespmem:$0x10E0];
	v14 =	vmax.f32 v14, v39;
	v11 =	vmin.f32 v11, v56;
	v58 =	vsel vm1, $0x42C80000, v51  }
0x11c: {  	v50 =	vld [tilespmem:$0x1160];
	vm1 =	veq.f32 v52, $0.0e+00;
	v14 =	vmax.f32 v14, v41;
	v11 =	vmin.f32 v11, v58  }
0x11d: {  	v60 =	vsel vm1, $0x42C80000, v52;
	vm1 =	veq.f32 v54, $0.0e+00;
	v14 =	vmax.f32 v14, v44  }
0x11e: {  	v51 =	vld [tilespmem:$0x11E0];
	v11 =	vmin.f32 v11, v60;
	v63 =	vsel vm1, $0x42C80000, v54;
	vm1 =	veq.f32 v57, $0.0e+00  }
0x11f: {  	v53 =	vld [tilespmem:$0x1260];
	v14 =	vmax.f32 v14, v45;
	v24 =	vmin.f32 v63, v21;
	v25 =	vsel vm1, $0x42C80000, v57  }
0x120: {  	v56 =	vld [tilespmem:$0x12E0];
	vm1 =	veq.f32 v59, $0.0e+00;
	v14 =	vmax.f32 v14, v47;
	v13 =	vmin.f32 v24, v25  }
0x121: {  	v28 =	vsel vm1, $0x42C80000, v59;
	vm1 =	veq.f32 v61, $0.0e+00;
	v14 =	vmax.f32 v14, v50  }
0x122: {  	v13 =	vmin.f32 v13, v28;
	v30 =	vsel vm1, $0x42C80000, v61;
	vm1 =	veq.f32 v62, $0.0e+00  }
0x123: {  	v57 =	vld [tilespmem:$0x1360];
	v14 =	vmax.f32 v14, v51;
	v13 =	vmin.f32 v13, v30;
	v31 =	vsel vm1, $0x42C80000, v62  }
0x124: {  	v59 =	vld [tilespmem:$0x13E0];
	vm1 =	veq.f32 v26, $0.0e+00;
	v14 =	vmax.f32 v14, v53;
	v13 =	vmin.f32 v13, v31  }
0x125: {  	v62 =	vld [tilespmem:$0x1860];
	v34 =	vsel vm1, $0x42C80000, v26;
	vm1 =	veq.f32 v27, $0.0e+00;
	v14 =	vmax.f32 v14, v56  }
0x126: {  	v63 =	vld [tilespmem:$0x18E0];
	v13 =	vmin.f32 v13, v34;
	v36 =	vsel vm1, $0x42C80000, v27;
	vm1 =	veq.f32 v29, $0.0e+00  }
0x127: {  	v25 =	vld [tilespmem:$0x1960];
	v13 =	vmin.f32 v13, v36;
	v37 =	vsel vm1, $0x42C80000, v29;
	vm1 =	veq.f32 v32, $0.0e+00  }
0x128: {  	v28 =	vld [tilespmem:$0x19E0];
	v14 =	vmax.f32 v14, v57;
	v13 =	vmin.f32 v13, v37;
	v40 =	vsel vm1, $0x42C80000, v32  }
0x129: {  	v31 =	vld [tilespmem:$0x1AE0];
	v14 =	vmax.f32 v14, v59;
	vm1 =	veq.f32 v33, $0.0e+00;
	v13 =	vmin.f32 v13, v40  }
0x12a: {  	v29 =	vld [tilespmem:$0x1A60];
	v42 =	vsel vm1, $0x42C80000, v33;
	vm1 =	veq.f32 v35, $0.0e+00;
	v14 =	vmax.f32 v14, v62  }
0x12b: {  	v37 =	vld [tilespmem:$0x70];
	v13 =	vmin.f32 v13, v42;
	v43 =	vsel vm1, $0x42C80000, v35;
	vm1 =	veq.f32 v38, $0.0e+00  }
0x12c: {  	v34 =	vld [tilespmem:$0x1B60];
	v14 =	vmax.f32 v14, v63;
	v13 =	vmin.f32 v13, v43;
	v46 =	vsel vm1, $0x42C80000, v38  }
0x12d: {  	v40 =	vld [tilespmem:$0x170];
	vm1 =	veq.f32 v39, $0.0e+00;
	v14 =	vmax.f32 v14, v25;
	v13 =	vmin.f32 v13, v46  }
0x12e: {  	v42 =	vld [tilespmem:$0x1F0];
	v48 =	vsel vm1, $0x42C80000, v39;
	vm1 =	veq.f32 v41, $0.0e+00;
	v14 =	vmax.f32 v14, v28  }
0x12f: {  	v13 =	vmin.f32 v13, v48;
	v49 =	vsel vm1, $0x42C80000, v41;
	vm1 =	veq.f32 v44, $0.0e+00  }
0x130: {  	v14 =	vmax.f32 v14, v29;
	v20 =	vmax.f32 v37, v22;
	v13 =	vmin.f32 v13, v49  }
0x131: {  	v52 =	vsel vm1, $0x42C80000, v44;
	vm1 =	veq.f32 v45, $0.0e+00;
	v14 =	vmax.f32 v14, v31  }
0x132: {  	v35 =	vld [tilespmem:$0x1BE0];
	v19 =	vmax.f32 v20, v40;
	v13 =	vmin.f32 v13, v52;
	v54 =	vsel vm1, $0x42C80000, v45  }
0x133: {  	v44 =	vld [tilespmem:$0x270];
	vm1 =	veq.f32 v47, $0.0e+00;
	v14 =	vmax.f32 v14, v34;
	v17 =	vmax.f32 v19, v42  }
0x134: {  	v45 =	vld [tilespmem:$0x2F0];
	v13 =	vmin.f32 v13, v54;
	v55 =	vsel vm1, $0x42C80000, v47;
	vm1 =	veq.f32 v50, $0.0e+00  }
0x135: {  	v13 =	vmin.f32 v13, v55;
	v58 =	vsel vm1, $0x42C80000, v50;
	vm1 =	veq.f32 v51, $0.0e+00  }
0x136: {  	v49 =	vld [tilespmem:$0x370];
	v13 =	vmin.f32 v13, v58;
	v60 =	vsel vm1, $0x42C80000, v51;
	vm1 =	veq.f32 v53, $0.0e+00  }
0x137: {  	v14 =	vmax.f32 v14, v35;
	v50 =	vld [tilespmem:$0x3F0];
	v13 =	vmin.f32 v13, v60;
	v61 =	vsel vm1, $0x42C80000, v53  }
0x138: {  	v52 =	vld [tilespmem:$0x870];
	vm1 =	veq.f32 v56, $0.0e+00;
	v17 =	vmax.f32 v17, v44;
	v13 =	vmin.f32 v13, v61  }
0x139: {  	v24 =	vsel vm1, $0x42C80000, v56;
	vm1 =	veq.f32 v57, $0.0e+00;
	v16 =	vmax.f32 v17, v45  }
0x13a: {  	v55 =	vld [tilespmem:$0x8F0];
	v13 =	vmin.f32 v13, v24;
	v26 =	vsel vm1, $0x42C80000, v57;
	vm1 =	veq.f32 v59, $0.0e+00  }
0x13b: {  	v56 =	vld [tilespmem:$0x970];
	v16 =	vmax.f32 v16, v49;
	v13 =	vmin.f32 v13, v26;
	v27 =	vsel vm1, $0x42C80000, v59  }
0x13c: {  	v58 =	vld [tilespmem:$0x9F0];
	vm1 =	veq.f32 v62, $0.0e+00;
	v16 =	vmax.f32 v16, v50;
	v13 =	vmin.f32 v13, v27  }
0x13d: {  	v30 =	vsel vm1, $0x42C80000, v62;
	vm1 =	veq.f32 v63, $0.0e+00;
	v16 =	vmax.f32 v16, v52  }
0x13e: {  	v61 =	vld [tilespmem:$0xA70];
	v13 =	vmin.f32 v13, v30;
	v32 =	vsel vm1, $0x42C80000, v63;
	vm1 =	veq.f32 v25, $0.0e+00  }
0x13f: {  	v62 =	vld [tilespmem:$0xAF0];
	v16 =	vmax.f32 v16, v55;
	v13 =	vmin.f32 v13, v32;
	v33 =	vsel vm1, $0x42C80000, v25  }
0x140: {  	v24 =	vld [tilespmem:$0xB70];
	vm1 =	veq.f32 v28, $0.0e+00;
	v16 =	vmax.f32 v16, v56;
	v13 =	vmin.f32 v13, v33  }
0x141: {  	v36 =	vsel vm1, $0x42C80000, v28;
	vm1 =	veq.f32 v29, $0.0e+00;
	v16 =	vmax.f32 v16, v58  }
0x142: {  	v27 =	vld [tilespmem:$0xBF0];
	v13 =	vmin.f32 v13, v36;
	v38 =	vsel vm1, $0x42C80000, v29;
	vm1 =	veq.f32 v31, $0.0e+00  }
0x143: {  	v28 =	vld [tilespmem:$0x1070];
	v16 =	vmax.f32 v16, v61;
	v13 =	vmin.f32 v13, v38;
	v39 =	vsel vm1, $0x42C80000, v31  }
0x144: {  	v30 =	vld [tilespmem:$0x10F0];
	vm1 =	veq.f32 v34, $0.0e+00;
	v16 =	vmax.f32 v16, v62;
	v13 =	vmin.f32 v13, v39  }
0x145: {  	v41 =	vsel vm1, $0x42C80000, v34;
	vm1 =	veq.f32 v35, $0.0e+00;
	v16 =	vmax.f32 v16, v24  }
0x146: {  	v33 =	vld [tilespmem:$0x1170];
	v13 =	vmin.f32 v13, v41;
	v43 =	vsel vm1, $0x42C80000, v35;
	vm1 =	veq.f32 v37, $0.0e+00  }
0x147: {  	v34 =	vld [tilespmem:$0x11F0];
	v16 =	vmax.f32 v16, v27;
	v13 =	vmin.f32 v13, v43;
	v46 =	vsel vm1, $0x42C80000, v37  }
0x148: {  	v36 =	vld [tilespmem:$0x1270];
	vm1 =	veq.f32 v40, $0.0e+00;
	v16 =	vmax.f32 v16, v28;
	v47 =	vmin.f32 v46, v23  }
0x149: {  	v48 =	vsel vm1, $0x42C80000, v40;
	vm1 =	veq.f32 v42, $0.0e+00;
	v16 =	vmax.f32 v16, v30  }
0x14a: {  	v39 =	vld [tilespmem:$0x12F0];
	v15 =	vmin.f32 v47, v48;
	v51 =	vsel vm1, $0x42C80000, v42;
	vm1 =	veq.f32 v44, $0.0e+00  }
0x14b: {  	v40 =	vld [tilespmem:$0x1370];
	v16 =	vmax.f32 v16, v33;
	v15 =	vmin.f32 v15, v51;
	v53 =	vsel vm1, $0x42C80000, v44  }
0x14c: {  	v42 =	vld [tilespmem:$0x13F0];
	vm1 =	veq.f32 v45, $0.0e+00;
	v16 =	vmax.f32 v16, v34;
	v15 =	vmin.f32 v15, v53  }
0x14d: {  	v54 =	vsel vm1, $0x42C80000, v45;
	vm1 =	veq.f32 v49, $0.0e+00;
	v16 =	vmax.f32 v16, v36  }
0x14e: {  	v15 =	vmin.f32 v15, v54;
	v57 =	vsel vm1, $0x42C80000, v49;
	vm1 =	veq.f32 v50, $0.0e+00  }
0x14f: {  	v45 =	vld [tilespmem:$0x1870];
	v16 =	vmax.f32 v16, v39;
	v15 =	vmin.f32 v15, v57;
	v59 =	vsel vm1, $0x42C80000, v50  }
0x150: {  	v46 =	vld [tilespmem:$0x18F0];
	vm1 =	veq.f32 v52, $0.0e+00;
	v16 =	vmax.f32 v16, v40;
	v15 =	vmin.f32 v15, v59  }
0x151: {  	v48 =	vld [tilespmem:$0x1970];
	v60 =	vsel vm1, $0x42C80000, v52;
	vm1 =	veq.f32 v55, $0.0e+00;
	v16 =	vmax.f32 v16, v42  }
0x152: {  	v15 =	vmin.f32 v15, v60;
	v63 =	vsel vm1, $0x42C80000, v55;
	vm1 =	veq.f32 v56, $0.0e+00  }
0x153: {  	v51 =	vld [tilespmem:$0x19F0];
	v15 =	vmin.f32 v15, v63;
	v25 =	vsel vm1, $0x42C80000, v56;
	vm1 =	veq.f32 v58, $0.0e+00  }
0x154: {  	v52 =	vld [tilespmem:$0x1A70];
	v16 =	vmax.f32 v16, v45;
	v15 =	vmin.f32 v15, v25;
	v26 =	vsel vm1, $0x42C80000, v58  }
0x155: {  	v54 =	vld [tilespmem:$0x1AF0];
	vm1 =	veq.f32 v61, $0.0e+00;
	v16 =	vmax.f32 v16, v46;
	v15 =	vmin.f32 v15, v26  }
0x156: {  	v29 =	vsel vm1, $0x42C80000, v61;
	vm1 =	veq.f32 v62, $0.0e+00;
	v16 =	vmax.f32 v16, v48  }
0x157: {  	v15 =	vmin.f32 v15, v29;
	v31 =	vsel vm1, $0x42C80000, v62;
	vm1 =	veq.f32 v24, $0.0e+00  }
0x158: {  	v57 =	vld [tilespmem:$0x1B70];
	v16 =	vmax.f32 v16, v51;
	v15 =	vmin.f32 v15, v31;
	v32 =	vsel vm1, $0x42C80000, v24  }
0x159: {  	v59 =	vld [tilespmem:$0x400];
	vm1 =	veq.f32 v27, $0.0e+00;
	v16 =	vmax.f32 v16, v52;
	v15 =	vmin.f32 v15, v32  }
0x15a: {  	v24 =	vld [tilespmem:$0x480];
	v35 =	vsel vm1, $0x42C80000, v27;
	vm1 =	veq.f32 v28, $0.0e+00;
	v16 =	vmax.f32 v16, v54  }
0x15b: {  	v15 =	vmin.f32 v15, v35;
	v37 =	vsel vm1, $0x42C80000, v28;
	vm1 =	veq.f32 v30, $0.0e+00  }
0x15c: {  	v62 =	vld [tilespmem:$0x500];
	v15 =	vmin.f32 v15, v37;
	v38 =	vsel vm1, $0x42C80000, v30;
	vm1 =	veq.f32 v33, $0.0e+00  }
0x15d: {  	v63 =	vld [tilespmem:$0x580];
	v15 =	vmin.f32 v15, v38;
	v41 =	vsel vm1, $0x42C80000, v33;
	vm1 =	veq.f32 v34, $0.0e+00  }
0x15e: {  	v18 =	vmax.f32 v16, v57;
	v15 =	vmin.f32 v15, v41;
	v43 =	vsel vm1, $0x42C80000, v34  }
0x15f: {  	v29 =	vld [tilespmem:$0x600];
	vm1 =	veq.f32 v36, $0.0e+00;
	vm2 =	veq.f32 v24, $0.0e+00;
	v22 =	vmax.f32 v59, v24  }
0x160: {  	v30 =	vld [tilespmem:$0x680];
	v15 =	vmin.f32 v15, v43;
	v44 =	vsel vm1, $0x42C80000, v36;
	vm1 =	veq.f32 v39, $0.0e+00  }
0x161: {  	v26 =	vld [tilespmem:$0x700];
	v25 =	vsel vm2, $0x42C80000, v24;
	v21 =	vmax.f32 v22, v62;
	v15 =	vmin.f32 v15, v44  }
0x162: {  	v47 =	vsel vm1, $0x42C80000, v39;
	vm1 =	veq.f32 v40, $0.0e+00;
	v19 =	vmax.f32 v21, v63  }
0x163: {  	v34 =	vld [tilespmem:$0x780];
	v15 =	vmin.f32 v15, v47;
	v49 =	vsel vm1, $0x42C80000, v40;
	vm1 =	veq.f32 v42, $0.0e+00  }
0x164: {  	v36 =	vld [tilespmem:$0xC00];
	v19 =	vmax.f32 v19, v29;
	v15 =	vmin.f32 v15, v49;
	v50 =	vsel vm1, $0x42C80000, v42  }
0x165: {  	v38 =	vld [tilespmem:$0xC80];
	vm1 =	veq.f32 v45, $0.0e+00;
	v16 =	vmax.f32 v19, v30;
	v15 =	vmin.f32 v15, v50  }
0x166: {  	v17 =	vld [tilespmem:$0x1BF0];
	v53 =	vsel vm1, $0x42C80000, v45;
	vm1 =	veq.f32 v46, $0.0e+00;
	v16 =	vmax.f32 v16, v26  }
0x167: {  	v42 =	vld [tilespmem:$0xD00];
	v15 =	vmin.f32 v15, v53;
	v55 =	vsel vm1, $0x42C80000, v46;
	vm1 =	veq.f32 v48, $0.0e+00  }
0x168: {  	v44 =	vld [tilespmem:$0xD80];
	v16 =	vmax.f32 v16, v34;
	v15 =	vmin.f32 v15, v55;
	v56 =	vsel vm1, $0x42C80000, v48  }
0x169: {  	v46 =	vld [tilespmem:$0xE00];
	vm1 =	veq.f32 v51, $0.0e+00;
	v16 =	vmax.f32 v16, v36;
	v15 =	vmin.f32 v15, v56  }
0x16a: {  	v58 =	vsel vm1, $0x42C80000, v51;
	vm1 =	veq.f32 v52, $0.0e+00;
	v16 =	vmax.f32 v16, v38  }
0x16b: {  	v49 =	vld [tilespmem:$0xE80];
	v15 =	vmin.f32 v15, v58;
	v60 =	vsel vm1, $0x42C80000, v52;
	vm1 =	veq.f32 v54, $0.0e+00  }
0x16c: {  	v50 =	vld [tilespmem:$0xF00];
	v16 =	vmax.f32 v16, v42;
	v15 =	vmin.f32 v15, v60;
	v61 =	vsel vm1, $0x42C80000, v54  }
0x16d: {  	vm1 =	veq.f32 v57, $0.0e+00;
	v16 =	vmax.f32 v16, v44;
	v15 =	vmin.f32 v15, v61  }
0x16e: {  	v52 =	vld [tilespmem:$0xF80];
	v27 =	vsel vm1, $0x42C80000, v57;
	vm1 =	veq.f32 v17, $0.0e+00;
	v16 =	vmax.f32 v16, v46  }
0x16f: {  	v55 =	vld [tilespmem:$0x1400];
	v15 =	vmin.f32 v15, v27;
	v28 =	vsel vm1, $0x42C80000, v17;
	vm1 =	veq.f32 v59, $0.0e+00  }
0x170: {  	v56 =	vld [tilespmem:$0x1480];
	v16 =	vmax.f32 v16, v49;
	v17 =	vmax.f32 v18, v17;
	v15 =	vmin.f32 v15, v28  }
0x171: {  	v31 =	vsel vm1, $0x42C80000, v59;
	vm1 =	veq.f32 v62, $0.0e+00;
	v16 =	vmax.f32 v16, v50  }
0x172: {  	v58 =	vld [tilespmem:$0x1500];
	v23 =	vmin.f32 v31, v25;
	v32 =	vsel vm1, $0x42C80000, v62;
	vm1 =	veq.f32 v63, $0.0e+00  }
0x173: {  	v61 =	vld [tilespmem:$0x1580];
	v16 =	vmax.f32 v16, v52;
	v23 =	vmin.f32 v23, v32;
	v33 =	vsel vm1, $0x42C80000, v63  }
0x174: {  	v62 =	vld [tilespmem:$0x1600];
	vm1 =	veq.f32 v29, $0.0e+00;
	v16 =	vmax.f32 v16, v55;
	v35 =	vmin.f32 v23, v33  }
0x175: {  	v37 =	vsel vm1, $0x42C80000, v29;
	vm1 =	veq.f32 v30, $0.0e+00;
	v16 =	vmax.f32 v16, v56  }
0x176: {  	v28 =	vld [tilespmem:$0x1680];
	v21 =	vmin.f32 v35, v37;
	v39 =	vsel vm1, $0x42C80000, v30;
	vm1 =	veq.f32 v26, $0.0e+00  }
0x177: {  	v31 =	vld [tilespmem:$0x1700];
	v16 =	vmax.f32 v16, v58;
	v40 =	vmin.f32 v21, v39;
	v41 =	vsel vm1, $0x42C80000, v26  }
0x178: {  	v32 =	vld [tilespmem:$0x1780];
	vm1 =	veq.f32 v34, $0.0e+00;
	v16 =	vmax.f32 v16, v61;
	v43 =	vmin.f32 v40, v41  }
0x179: {  	v45 =	vsel vm1, $0x42C80000, v34;
	vm1 =	veq.f32 v36, $0.0e+00;
	v16 =	vmax.f32 v16, v62  }
0x17a: {  	v19 =	vmin.f32 v43, v45;
	v47 =	vsel vm1, $0x42C80000, v36;
	vm1 =	veq.f32 v38, $0.0e+00  }
0x17b: {  	v34 =	vld [tilespmem:$0x1C00];
	v16 =	vmax.f32 v16, v28;
	v19 =	vmin.f32 v19, v47;
	v48 =	vsel vm1, $0x42C80000, v38  }
0x17c: {  	v37 =	vld [tilespmem:$0x1C80];
	vm1 =	veq.f32 v42, $0.0e+00;
	v16 =	vmax.f32 v16, v31;
	v19 =	vmin.f32 v19, v48  }
0x17d: {  	v38 =	vld [tilespmem:$0x1D00];
	v51 =	vsel vm1, $0x42C80000, v42;
	vm1 =	veq.f32 v44, $0.0e+00;
	v16 =	vmax.f32 v16, v32  }
0x17e: {  	v19 =	vmin.f32 v19, v51;
	v53 =	vsel vm1, $0x42C80000, v44;
	vm1 =	veq.f32 v46, $0.0e+00  }
0x17f: {  	v40 =	vld [tilespmem:$0x1D80];
	v19 =	vmin.f32 v19, v53;
	v54 =	vsel vm1, $0x42C80000, v46;
	vm1 =	veq.f32 v49, $0.0e+00  }
0x180: {  	v43 =	vld [tilespmem:$0x1E00];
	v45 =	vmax.f32 v16, v34;
	v19 =	vmin.f32 v19, v54;
	v57 =	vsel vm1, $0x42C80000, v49  }
0x181: {  	v44 =	vld [tilespmem:$0x1E80];
	vm1 =	veq.f32 v50, $0.0e+00;
	v22 =	vmax.f32 v45, v37;
	v19 =	vmin.f32 v19, v57  }
0x182: {  	v47 =	vld [tilespmem:$0x1F00];
	v59 =	vsel vm1, $0x42C80000, v50;
	vm1 =	veq.f32 v52, $0.0e+00;
	v21 =	vmax.f32 v22, v38  }
0x183: {  	v49 =	vld [tilespmem:$0x400];
	v19 =	vmin.f32 v19, v59;
	v60 =	vsel vm1, $0x42C80000, v52;
	vm1 =	veq.f32 v55, $0.0e+00  }
0x184: {  	v21 =	vmax.f32 v21, v40;
	v19 =	vmin.f32 v19, v60;
	v63 =	vsel vm1, $0x42C80000, v55  }
0x185: {  	vm1 =	veq.f32 v56, $0.0e+00;
	v21 =	vmax.f32 v21, v43;
	v19 =	vmin.f32 v19, v63  }
0x186: {  	v29 =	vsel vm1, $0x42C80000, v56;
	vm1 =	veq.f32 v58, $0.0e+00;
	v55 =	vmax.f32 v21, v44  }
0x187: {  	v52 =	vld [tilespmem:$0x480];
	v19 =	vmin.f32 v19, v29;
	v30 =	vsel vm1, $0x42C80000, v58;
	vm1 =	veq.f32 v61, $0.0e+00  }
0x188: {  	v56 =	vld [tilespmem:$0x500];
	v18 =	vmax.f32 v55, v47;
	vm2 =	veq.f32 v49, $0.0e+00;
	v19 =	vmin.f32 v19, v30  }
0x189: {  	v60 =	vld [tilespmem:$0x580];
	v33 =	vsel vm1, $0x42C80000, v61;
	vm1 =	veq.f32 v62, $0.0e+00;
	v59 =	vsel vm2, $0x42C80000, v49  }
0x18a: {  	v19 =	vmin.f32 v19, v33;
	v35 =	vsel vm1, $0x42C80000, v62;
	vm1 =	veq.f32 v28, $0.0e+00  }
0x18b: {  	v50 =	vld.msk [tilespmem:$0x410], $0xf;
	v19 =	vmin.f32 v19, v35;
	v36 =	vsel vm1, $0x42C80000, v28;
	vm1 =	veq.f32 v31, $0.0e+00  }
0x18c: {  	v63 =	vld [tilespmem:$0x600];
	v25 =	vmax.f32 v49, v52;
	v19 =	vmin.f32 v19, v36;
	v39 =	vsel vm1, $0x42C80000, v31  }
0x18d: {  	v28 =	vld.msk [tilespmem:$0x490], $0xf;
	vm1 =	veq.f32 v32, $0.0e+00;
	v20 =	vmax.f32 v25, v56;
	v19 =	vmin.f32 v19, v39  }
0x18e: {  	v41 =	vsel vm1, $0x42C80000, v32;
	vm1 =	veq.f32 v34, $0.0e+00;
	v20 =	vmax.f32 v20, v60  }
0x18f: {  	v57 =	vld.msk [tilespmem:$0x510], $0xf;
	v19 =	vmin.f32 v19, v41;
	v42 =	vsel vm1, $0x42C80000, v34;
	vm1 =	veq.f32 v37, $0.0e+00  }
0x190: {  	v19 =	vmin.f32 v19, v42;
	v46 =	vsel vm1, $0x42C80000, v37;
	vm1 =	veq.f32 v38, $0.0e+00  }
0x191: {  	v30 =	vld.msk [tilespmem:$0x590], $0xf;
	v20 =	vmax.f32 v20, v63;
	v19 =	vmin.f32 v19, v46;
	v27 =	vsel vm1, $0x42C80000, v38  }
0x192: {  	vm1 =	veq.f32 v40, $0.0e+00;
	vm2 =	veq.f32 v28, $0.0e+00;
	v22 =	vmax.f32 v50, v28  }
0x193: {  	v36 =	vld.msk [tilespmem:$0x610], $0xf;
	v19 =	vmin.f32 v19, v27;
	v48 =	vsel vm1, $0x42C80000, v40;
	vm1 =	veq.f32 v43, $0.0e+00  }
0x194: {  	v16 =	vld [tilespmem:$0x1F80];
	v31 =	vsel vm2, $0x42C80000, v28;
	vm2 =	veq.f32 v57, $0.0e+00;
	v21 =	vmax.f32 v22, v57  }
0x195: {  	v32 =	vld.msk [tilespmem:$0x690], $0xf;
	v19 =	vmin.f32 v19, v48;
	v51 =	vsel vm1, $0x42C80000, v43;
	vm1 =	veq.f32 v44, $0.0e+00  }
0x196: {  	v37 =	vsel vm2, $0x42C80000, v57;
	vm2 =	veq.f32 v30, $0.0e+00;
	v21 =	vmax.f32 v21, v30  }
0x197: {  	v38 =	vld [tilespmem:$0x680];
	v19 =	vmin.f32 v19, v51;
	v53 =	vsel vm1, $0x42C80000, v44;
	vm1 =	veq.f32 v47, $0.0e+00  }
0x198: {  	v40 =	vsel vm2, $0x42C80000, v30;
	vm2 =	veq.f32 v36, $0.0e+00;
	v21 =	vmax.f32 v21, v36  }
0x199: {  	v43 =	vld [tilespmem:$0x700];
	v19 =	vmin.f32 v19, v53;
	v54 =	vsel vm1, $0x42C80000, v47;
	vm1 =	veq.f32 v16, $0.0e+00  }
0x19a: {  	v46 =	vsel vm2, $0x42C80000, v36;
	vm2 =	veq.f32 v32, $0.0e+00;
	v21 =	vmax.f32 v21, v32  }
0x19b: {  	v44 =	vld.msk [tilespmem:$0x710], $0xf;
	v19 =	vmin.f32 v19, v54;
	v58 =	vsel vm1, $0x42C80000, v16;
	vm1 =	veq.f32 v50, $0.0e+00  }
0x19c: {  	v20 =	vmax.f32 v20, v38;
	v29 =	vsel vm1, $0x42C80000, v50;
	vm1 =	veq.f32 v52, $0.0e+00  }
0x19d: {  	v49 =	vld.msk [tilespmem:$0x790], $0xf;
	v19 =	vmin.f32 v19, v58;
	v50 =	vsel vm2, $0x42C80000, v32;
	v61 =	vsel vm1, $0x42C80000, v52  }
0x19e: {  	v47 =	vld [tilespmem:$0x780];
	v62 =	vmin.f32 v29, v31;
	vm1 =	veq.f32 v56, $0.0e+00;
	v20 =	vmax.f32 v20, v43  }
0x19f: {  	v51 =	vld [tilespmem:$0xC00];
	v23 =	vmin.f32 v59, v61;
	v35 =	vsel vm1, $0x42C80000, v56;
	v24 =	vmin.f32 v62, v37  }
0x1a0: {  	v54 =	vld.msk [tilespmem:$0xC10], $0xf;
	vm1 =	veq.f32 v60, $0.0e+00;
	vm2 =	veq.f32 v44, $0.0e+00;
	v21 =	vmax.f32 v21, v44  }
0x1a1: {  	v23 =	vmin.f32 v23, v35;
	v39 =	vsel vm1, $0x42C80000, v60;
	v42 =	vmin.f32 v24, v40  }
0x1a2: {  	vm1 =	veq.f32 v63, $0.0e+00;
	v53 =	vsel vm2, $0x42C80000, v44;
	vm2 =	veq.f32 v49, $0.0e+00  }
0x1a3: {  	v55 =	vld [tilespmem:$0xC80];
	v20 =	vmax.f32 v20, v47;
	v21 =	vmax.f32 v21, v49;
	v41 =	vmin.f32 v23, v39  }
0x1a4: {  	v45 =	vsel vm1, $0x42C80000, v63;
	v23 =	vmin.f32 v42, v46;
	vm1 =	veq.f32 v38, $0.0e+00  }
0x1a5: {  	v56 =	vld.msk [tilespmem:$0xC90], $0xf;
	v58 =	vsel vm2, $0x42C80000, v49;
	vm2 =	veq.f32 v54, $0.0e+00;
	v20 =	vmax.f32 v20, v51  }
0x1a6: {  	v59 =	vld [tilespmem:$0xD00];
	v21 =	vmax.f32 v21, v54;
	v22 =	vmin.f32 v41, v45;
	v48 =	vsel vm1, $0x42C80000, v38  }
0x1a7: {  	v23 =	vmin.f32 v23, v50;
	vm1 =	veq.f32 v43, $0.0e+00;
	v62 =	vsel vm2, $0x42C80000, v54  }
0x1a8: {  	v61 =	vld.msk [tilespmem:$0xD10], $0xf;
	v20 =	vmax.f32 v20, v55;
	v22 =	vmin.f32 v22, v48;
	v52 =	vsel vm1, $0x42C80000, v43  }
0x1a9: {  	v23 =	vmin.f32 v23, v53;
	vm1 =	veq.f32 v47, $0.0e+00;
	v22 =	vmin.f32 v22, v52  }
0x1aa: {  	v57 =	vsel vm1, $0x42C80000, v47;
	v23 =	vmin.f32 v23, v58;
	vm1 =	veq.f32 v51, $0.0e+00  }
0x1ab: {  	v63 =	vld [tilespmem:$0xD80];
	vm2 =	veq.f32 v56, $0.0e+00;
	v21 =	vmax.f32 v21, v56;
	v20 =	vmax.f32 v20, v59  }
0x1ac: {  	v38 =	vld.msk [tilespmem:$0xD90], $0xf;
	v22 =	vmin.f32 v22, v57;
	v60 =	vsel vm1, $0x42C80000, v51;
	v23 =	vmin.f32 v23, v62  }
0x1ad: {  	v39 =	vld [tilespmem:$0xE00];
	vm1 =	veq.f32 v55, $0.0e+00;
	v37 =	vsel vm2, $0x42C80000, v56;
	vm2 =	veq.f32 v61, $0.0e+00  }
0x1ae: {  	v40 =	vld.msk [tilespmem:$0xE10], $0xf;
	v21 =	vmax.f32 v21, v61;
	v22 =	vmin.f32 v22, v60;
	v36 =	vsel vm1, $0x42C80000, v55  }
0x1af: {  	v43 =	vld [tilespmem:$0xE80];
	v23 =	vmin.f32 v23, v37;
	vm1 =	veq.f32 v59, $0.0e+00;
	v42 =	vsel vm2, $0x42C80000, v61  }
0x1b0: {  	v20 =	vmax.f32 v20, v63;
	v22 =	vmin.f32 v22, v36;
	v41 =	vsel vm1, $0x42C80000, v59  }
0x1b1: {  	v45 =	vld.msk [tilespmem:$0xE90], $0xf;
	v23 =	vmin.f32 v23, v42;
	vm1 =	veq.f32 v63, $0.0e+00;
	vm2 =	veq.f32 v38, $0.0e+00  }
0x1b2: {  	v47 =	vld [tilespmem:$0xF00];
	v21 =	vmax.f32 v21, v38;
	v20 =	vmax.f32 v20, v39;
	v22 =	vmin.f32 v22, v41  }
0x1b3: {  	v44 =	vsel vm1, $0x42C80000, v63;
	v46 =	vsel vm2, $0x42C80000, v38;
	vm1 =	veq.f32 v39, $0.0e+00  }
0x1b4: {  	v50 =	vld.msk [tilespmem:$0xF10], $0xf;
	vm2 =	veq.f32 v40, $0.0e+00;
	v21 =	vmax.f32 v21, v40;
	v20 =	vmax.f32 v20, v43  }
0x1b5: {  	v51 =	vld [tilespmem:$0xF80];
	v22 =	vmin.f32 v22, v44;
	v23 =	vmin.f32 v23, v46;
	v48 =	vsel vm1, $0x42C80000, v39  }
0x1b6: {  	v52 =	vld.msk [tilespmem:$0xF90], $0xf;
	v49 =	vsel vm2, $0x42C80000, v40;
	vm1 =	veq.f32 v43, $0.0e+00;
	vm2 =	veq.f32 v45, $0.0e+00  }
0x1b7: {  	v55 =	vld [tilespmem:$0x1400];
	v21 =	vmax.f32 v21, v45;
	v20 =	vmax.f32 v20, v47;
	v22 =	vmin.f32 v22, v48  }
0x1b8: {  	v23 =	vmin.f32 v23, v49;
	v53 =	vsel vm1, $0x42C80000, v43;
	v54 =	vsel vm2, $0x42C80000, v45  }
0x1b9: {  	v57 =	vld.msk [tilespmem:$0x1410], $0xf;
	vm1 =	veq.f32 v47, $0.0e+00;
	vm2 =	veq.f32 v50, $0.0e+00;
	v21 =	vmax.f32 v21, v50  }
0x1ba: {  	v59 =	vld [tilespmem:$0x1480];
	v20 =	vmax.f32 v20, v51;
	v22 =	vmin.f32 v22, v53;
	v23 =	vmin.f32 v23, v54  }
0x1bb: {  	v56 =	vsel vm1, $0x42C80000, v47;
	v58 =	vsel vm2, $0x42C80000, v50;
	vm1 =	veq.f32 v51, $0.0e+00  }
0x1bc: {  	v62 =	vld.msk [tilespmem:$0x1490], $0xf;
	vm2 =	veq.f32 v52, $0.0e+00;
	v21 =	vmax.f32 v21, v52;
	v20 =	vmax.f32 v20, v55  }
0x1bd: {  	v63 =	vld [tilespmem:$0x1500];
	v22 =	vmin.f32 v22, v56;
	v23 =	vmin.f32 v23, v58;
	v60 =	vsel vm1, $0x42C80000, v51  }
0x1be: {  	v33 =	vld.msk [tilespmem:$0x1510], $0xf;
	v61 =	vsel vm2, $0x42C80000, v52;
	vm1 =	veq.f32 v55, $0.0e+00;
	vm2 =	veq.f32 v57, $0.0e+00  }
0x1bf: {  	v36 =	vld [tilespmem:$0x1580];
	v21 =	vmax.f32 v21, v57;
	v20 =	vmax.f32 v20, v59;
	v22 =	vmin.f32 v22, v60  }
0x1c0: {  	v23 =	vmin.f32 v23, v61;
	v34 =	vsel vm1, $0x42C80000, v55;
	v35 =	vsel vm2, $0x42C80000, v57  }
0x1c1: {  	v38 =	vld.msk [tilespmem:$0x1590], $0xf;
	vm1 =	veq.f32 v59, $0.0e+00;
	vm2 =	veq.f32 v62, $0.0e+00;
	v21 =	vmax.f32 v21, v62  }
0x1c2: {  	v40 =	vld [tilespmem:$0x1600];
	v20 =	vmax.f32 v20, v63;
	v22 =	vmin.f32 v22, v34;
	v23 =	vmin.f32 v23, v35  }
0x1c3: {  	v37 =	vsel vm1, $0x42C80000, v59;
	v39 =	vsel vm2, $0x42C80000, v62;
	vm1 =	veq.f32 v63, $0.0e+00  }
0x1c4: {  	v43 =	vld.msk [tilespmem:$0x1610], $0xf;
	vm2 =	veq.f32 v33, $0.0e+00;
	v21 =	vmax.f32 v21, v33;
	v20 =	vmax.f32 v20, v36  }
0x1c5: {  	v44 =	vld [tilespmem:$0x1680];
	v22 =	vmin.f32 v22, v37;
	v23 =	vmin.f32 v23, v39;
	v41 =	vsel vm1, $0x42C80000, v63  }
0x1c6: {  	v45 =	vld.msk [tilespmem:$0x1690], $0xf;
	v42 =	vsel vm2, $0x42C80000, v33;
	vm1 =	veq.f32 v36, $0.0e+00;
	vm2 =	veq.f32 v38, $0.0e+00  }
0x1c7: {  	v48 =	vld [tilespmem:$0x1700];
	v21 =	vmax.f32 v21, v38;
	v20 =	vmax.f32 v20, v40;
	v22 =	vmin.f32 v22, v41  }
0x1c8: {  	v23 =	vmin.f32 v23, v42;
	v46 =	vsel vm1, $0x42C80000, v36;
	v47 =	vsel vm2, $0x42C80000, v38  }
0x1c9: {  	v50 =	vld.msk [tilespmem:$0x1710], $0xf;
	vm1 =	veq.f32 v40, $0.0e+00;
	vm2 =	veq.f32 v43, $0.0e+00;
	v21 =	vmax.f32 v21, v43  }
0x1ca: {  	v52 =	vld [tilespmem:$0x1780];
	v20 =	vmax.f32 v20, v44;
	v22 =	vmin.f32 v22, v46;
	v23 =	vmin.f32 v23, v47  }
0x1cb: {  	v49 =	vsel vm1, $0x42C80000, v40;
	v51 =	vsel vm2, $0x42C80000, v43;
	vm1 =	veq.f32 v44, $0.0e+00  }
0x1cc: {  	v55 =	vld.msk [tilespmem:$0x1790], $0xf;
	vm2 =	veq.f32 v45, $0.0e+00;
	v21 =	vmax.f32 v21, v45;
	v20 =	vmax.f32 v20, v48  }
0x1cd: {  	v56 =	vld [tilespmem:$0x1C00];
	v22 =	vmin.f32 v22, v49;
	v23 =	vmin.f32 v23, v51;
	v53 =	vsel vm1, $0x42C80000, v44  }
0x1ce: {  	v57 =	vld.msk [tilespmem:$0x1C10], $0xf;
	v54 =	vsel vm2, $0x42C80000, v45;
	vm1 =	veq.f32 v48, $0.0e+00;
	vm2 =	veq.f32 v50, $0.0e+00  }
0x1cf: {  	v60 =	vld [tilespmem:$0x1C80];
	v21 =	vmax.f32 v21, v50;
	v20 =	vmax.f32 v20, v52;
	v22 =	vmin.f32 v22, v53  }
0x1d0: {  	v23 =	vmin.f32 v23, v54;
	v58 =	vsel vm1, $0x42C80000, v48;
	v59 =	vsel vm2, $0x42C80000, v50  }
0x1d1: {  	v62 =	vld.msk [tilespmem:$0x1C90], $0xf;
	vm1 =	veq.f32 v52, $0.0e+00;
	vm2 =	veq.f32 v55, $0.0e+00;
	v21 =	vmax.f32 v21, v55  }
0x1d2: {  	v33 =	vld [tilespmem:$0x1D00];
	v20 =	vmax.f32 v20, v56;
	v22 =	vmin.f32 v22, v58;
	v23 =	vmin.f32 v23, v59  }
0x1d3: {  	v61 =	vsel vm1, $0x42C80000, v52;
	v63 =	vsel vm2, $0x42C80000, v55;
	vm1 =	veq.f32 v56, $0.0e+00  }
0x1d4: {  	v36 =	vld.msk [tilespmem:$0x1D10], $0xf;
	vm2 =	veq.f32 v57, $0.0e+00;
	v21 =	vmax.f32 v21, v57;
	v20 =	vmax.f32 v20, v60  }
0x1d5: {  	v37 =	vld [tilespmem:$0x1D80];
	v22 =	vmin.f32 v22, v61;
	v23 =	vmin.f32 v23, v63;
	v34 =	vsel vm1, $0x42C80000, v56  }
0x1d6: {  	[tilespmem:$0x2000] =	vst v1;
	v38 =	vld.msk [tilespmem:$0x1D90], $0xf;
	v35 =	vsel vm2, $0x42C80000, v57;
	vm1 =	veq.f32 v60, $0.0e+00;
	vm2 =	veq.f32 v62, $0.0e+00  }
0x1d7: {  	[tilespmem:$0x2010] =	vst v3;
	v41 =	vld [tilespmem:$0x1E00];
	v1 =	vmax.f32 v21, v62;
	v3 =	vmax.f32 v20, v33;
	v22 =	vmin.f32 v22, v34  }
0x1d8: {  	v23 =	vmin.f32 v23, v35;
	v39 =	vsel vm1, $0x42C80000, v60;
	v40 =	vsel vm2, $0x42C80000, v62  }
0x1d9: {  	v43 =	vld.msk [tilespmem:$0x1E10], $0xf;
	vm1 =	veq.f32 v33, $0.0e+00;
	vm2 =	veq.f32 v36, $0.0e+00;
	v1 =	vmax.f32 v1, v36  }
0x1da: {  	v46 =	vld [tilespmem:$0x1E80];
	v3 =	vmax.f32 v3, v37;
	v22 =	vmin.f32 v22, v39;
	v23 =	vmin.f32 v23, v40  }
0x1db: {  	v42 =	vsel vm1, $0x42C80000, v33;
	v45 =	vsel vm2, $0x42C80000, v36;
	vm1 =	veq.f32 v37, $0.0e+00  }
0x1dc: {  	[tilespmem:$0x2100] =	vst v2;
	v49 =	vld.msk [tilespmem:$0x1E90], $0xf;
	vm2 =	veq.f32 v38, $0.0e+00;
	v1 =	vmax.f32 v1, v38;
	v3 =	vmax.f32 v3, v41  }
0x1dd: {  	[tilespmem:$0x2110] =	vst v4;
	v51 =	vld [tilespmem:$0x1F00];
	v44 =	vmin.f32 v22, v42;
	v2 =	vmin.f32 v23, v45;
	v47 =	vsel vm1, $0x42C80000, v37  }
0x1de: {  	[tilespmem:$0x2120] =	vst v6;
	v52 =	vld.msk [tilespmem:$0x1F10], $0xf;
	v48 =	vsel vm2, $0x42C80000, v38;
	vm1 =	veq.f32 v41, $0.0e+00;
	vm2 =	veq.f32 v43, $0.0e+00  }
0x1df: {  	[tilespmem:$0x2020] =	vst v5;
	v55 =	vld [tilespmem:$0x1F80];
	v1 =	vmax.f32 v1, v43;
	v3 =	vmax.f32 v3, v46;
	v50 =	vmin.f32 v44, v47  }
0x1e0: {  	[tilespmem:$0x2130] =	vst v8;
	v2 =	vmin.f32 v2, v48;
	v53 =	vsel vm1, $0x42C80000, v41;
	v54 =	vsel vm2, $0x42C80000, v43  }
0x1e1: {  	[tilespmem:$0x2030] =	vst v7;
	v57 =	vld.msk [tilespmem:$0x1F90], $0xf;
	vm1 =	veq.f32 v46, $0.0e+00;
	vm2 =	veq.f32 v49, $0.0e+00;
	v1 =	vmax.f32 v1, v49  }
0x1e2: {  	[tilespmem:$0x2140] =	vst v10;
	v3 =	vmax.f32 v3, v51;
	v4 =	vmin.f32 v50, v53;
	v2 =	vmin.f32 v2, v54  }
0x1e3: {  	[tilespmem:$0x2040] =	vst v9;
	v56 =	vsel vm1, $0x42C80000, v46;
	v58 =	vsel vm2, $0x42C80000, v49;
	vm1 =	veq.f32 v51, $0.0e+00  }
0x1e4: {  	[tilespmem:$0x2150] =	vst v12;
	vm2 =	veq.f32 v52, $0.0e+00;
	v1 =	vmax.f32 v1, v52;
	v3 =	vmax.f32 v3, v55  }
0x1e5: {  	[tilespmem:$0x2050] =	vst v11;
	v4 =	vmin.f32 v4, v56;
	v2 =	vmin.f32 v2, v58;
	v59 =	vsel vm1, $0x42C80000, v51  }
0x1e6: {  	[tilespmem:$0x2160] =	vst v14;
	v60 =	vsel vm2, $0x42C80000, v52;
	vm1 =	veq.f32 v55, $0.0e+00;
	vm2 =	veq.f32 v57, $0.0e+00  }
0x1e7: {  	[tilespmem:$0x2060] =	vst v13;
	v1 =	vmax.f32 v1, v57;
	v3 =	vperm.xlane v3, v0;
	v4 =	vmin.f32 v4, v59  }
0x1e8: {  	[tilespmem:$0x2170] =	vst v17;
	v2 =	vmin.f32 v2, v60;
	v61 =	vsel vm1, $0x42C80000, v55;
	v62 =	vsel vm2, $0x42C80000, v57  }
0x1e9: {  	[tilespmem:$0x2070] =	vst v15;
	v1 =	vperm.xlane v1, v0;
	v4 =	vmin.f32 v4, v61;
	v2 =	vmin.f32 v2, v62  }
0x1ea: {  	[tilespmem:$0x2080] =	vst v19;
	v63 =	vmax.f32 v18, v16;
	v4 =	vperm.xlane v4, v0;
	v2 =	vperm.xlane v2, v0  }
0x1eb: {  	s17 =	sand.u32 $0x7F00, s14;
	s18 =	sand.u32 $0x70, s16;
	[tilespmem:$0x2180] =	vst v63;
	v1 =	vsel vm0, v3, v1  }
0x1ec: {  	s17 =	sor.u32 s18, s17;
	[tilespmem:$0x2184] =	vst v1;
	v2 =	vsel vm0, v4, v2  }
0x1ed: {  	s18 =	sadd.s32 s3, s17;
	[tilespmem:$0x2084] =	vst v2  }
0x1ee: {  	[hbm4b:s18+s9] =	stream.strided.scatter [tilespmem:s11], [sflag:$0x1], $0x100, s10, s9, $0x38;
	[tilespmem:$0x2200] =	vst v63  }
0x1ef: {  	_ =	swait.ge [sflag:s8], $0x100  }
0x1f0: {  	p0 =	sne.s32 s16, $0x1F0;
	[sflag:s8] =	ssyncset.done $0x0  }
.Ltmp0:
0x1f1: {  	s17 =	sadd.s32 s4, s17;
	[sflag:s8] =	ssyncadd.s32 $0xFFFFFF00;
	(pc) =	sbr.rel @p0 .LBB2_2-.Ltmp0, $4  }
0x1f2: {  	[hbm4b:s17+s9] =	stream.strided.scatter [tilespmem:s12], [sflag:$0x1], $0x100, s10, s9, $0x38;
	[tilespmem:$0x2200] =	vst v63  }
0x1f3: {  	_ =	swait.ge [sflag:s8], $0x100  }
0x1f4: {  	s15 =	sadd.s32 $0x400, s15;
	[sflag:s8] =	ssyncset.done $0x0  }
0x1f5: {  	s14 =	sadd.s32 $0x20, s14;
	s16 =	sadd.s32 $0x10, s16;
	[sflag:s8] =	ssyncadd.s32 $0xFFFFFF00  }
0x1f6: {  	s13 =	sadd.s32 $0x1, s13  }
0x1f7: {  	p0 =	sne.s32 s13, s5  }
.Ltmp1:
0x1f8: {  	_ = 	snop;
	(pc) =	sbr.rel @p0 .LBB2_1-.Ltmp1, $1  }
0x1f9: {  	_ =	sdelay $0x3  }
0x1fa: {  	_ =	sfence.sel $0x180000  }
0x1fb: {  	[bflag:$0x0] =	sbarrier.arrive $0xFFFF  }
0x1fc: {  	p0 =	sne.s32 s1, $0x0;
	_ =	strace $0x90000047  }
0x1fd: {  	s0 =	sadd.s32 @!p0 $0x100000, s0;
	[bflag:$0x2] =	sbarrier.arrive $0xFFFF  }
0x1fe: {  	[sflag:s0] =	ssyncadd.tile.s32 @!p0 $0x1;
	_ =	shalt  }
.Lfunc_end2:
_tile_overlayer_lowered:
.L_overlay_start_2:
0x1ff: {  	(tag) =	ssettag $0x2  }
0x200: {  	s0 =	rddreg [dreg:$0x0];
	s2 =	stileid.u32  }
0x201: {  	s1 =	rddreg [dreg:$0x1];
	p0 =	sne.s32 s2, $0x0  }
0x202: {  	s3 =	rddreg [dreg:$0x2];
	[bflag:$0x3] =	sbarrier.arrive $0xFFFF;
	s2 =	simm.s32 @!p0 $0x1C01  }
0x203: {  	[timem:s3], [sflag:s2] =	dma.local @!p0 [hbm:s0], s1  }
0x204: {  	s0 =	simm.s32 @!p0 $0x1  }
0x205: {  	_ =	swait.ge @!p0 [sflag:s0], s1  }
0x206: {  	s1 =	ssub.s32 @!p0 $0x0, s1;
	[sflag:s0] =	ssyncset.done @!p0 $0x0  }
0x207: {  	[sflag:s0] =	ssyncadd.s32 @!p0 s1  }
0x208: {  	[bflag:$0x3] =	sbarrier.arrive $0xFFFF  }
0x209: {  	_ =	shalt  }

</sc_bundles>
